<compile_context>
chip_gen: v7x
topology: tpu7x:2x2x1
jax: 0.10.2.dev20260603
libtpu: 0.0.44.dev20260713+nightly
codegen_flags: <defaults>
</compile_context>

<pallas_src>
import functools

import jax
import jax.numpy as jnp
from jax import lax
from jax.experimental import pallas as pl
from jax.experimental.pallas import tpu as pltpu
from jax.experimental.pallas import tpu_sc as plsc

_N = 10000
_E = 320000
_D = 128
_G = 256
_NP = 10112
_CH = 128
_NW = 32
_EP = 327680
_EPW = _EP // _NW
_NITER = _EPW // _CH

_ROWS_Z = _NP // 16

_mesh = plsc.VectorSubcoreMesh(core_axis_name="c", subcore_axis_name="s")


@functools.partial(
    pl.kernel,
    out_type=jax.ShapeDtypeStruct((2, _NP, _D), jnp.float32),
    mesh=_mesh,
    scratch_types=[
        pltpu.VMEM((_NITER // 2, _CH), jnp.int32),
        pltpu.VMEM((_NITER // 2, _CH), jnp.int32),
        pltpu.VMEM((_CH, _D), jnp.float32),
        pltpu.VMEM((_CH, _D), jnp.float32),
        pltpu.VMEM((_CH,), jnp.int32),
        pltpu.VMEM_SHARED((_NP, _D), jnp.float32),
        pltpu.SemaphoreType.DMA,
        pltpu.SemaphoreType.DMA,
    ],
)
def _sc_scatter(p_hbm, src_hbm, dst_hbm, zeros_hbm, out_hbm,
                sidx, didx, rows_a, rows_b, dbuf, acc, sem_a, sem_b):
    c = lax.axis_index("c")
    s = lax.axis_index("s")
    wid = s * 2 + c
    pltpu.sync_copy(zeros_hbm.at[pl.ds(s * _ROWS_Z, _ROWS_Z)],
                    acc.at[pl.ds(s * _ROWS_Z, _ROWS_Z)])
    plsc.subcore_barrier()

    hh = _NITER // 2
    for half in range(2):
        base = wid * _NITER + half * hh
        pltpu.sync_copy(src_hbm.at[pl.ds(base, hh)], sidx)
        pltpu.sync_copy(dst_hbm.at[pl.ds(base, hh)], didx)
        pltpu.async_copy(p_hbm.at[sidx.at[0]], rows_a, sem_a)

        def scat(rows, i):
            for k in range(_CH // 16):
                dbuf[pl.ds(16 * k, 16)] = didx[i, pl.ds(16 * k, 16)]
            pltpu.sync_copy(rows, acc.at[dbuf], add=True)

        def body(j, carry):
            i0 = 2 * j
            pltpu.async_copy(p_hbm.at[sidx.at[i0 + 1]], rows_b, sem_b)
            pltpu.make_async_copy(p_hbm.at[sidx.at[i0]], rows_a, sem_a).wait()
            scat(rows_a, i0)
            pltpu.async_copy(p_hbm.at[sidx.at[i0 + 2]], rows_a, sem_a)
            pltpu.make_async_copy(p_hbm.at[sidx.at[i0 + 1]], rows_b,
                                  sem_b).wait()
            scat(rows_b, i0 + 1)
            return carry

        lax.fori_loop(0, hh // 2 - 1, body, 0)
        pltpu.async_copy(p_hbm.at[sidx.at[hh - 1]], rows_b, sem_b)
        pltpu.make_async_copy(p_hbm.at[sidx.at[hh - 2]], rows_a, sem_a).wait()
        scat(rows_a, hh - 2)
        pltpu.make_async_copy(p_hbm.at[sidx.at[hh - 1]], rows_b, sem_b).wait()
        scat(rows_b, hh - 1)

    plsc.subcore_barrier()
    pltpu.sync_copy(acc.at[pl.ds(s * _ROWS_Z, _ROWS_Z)],
                    out_hbm.at[c].at[pl.ds(s * _ROWS_Z, _ROWS_Z)])


@functools.partial(
    pl.kernel,
    out_type=jax.ShapeDtypeStruct((2, _NP, _D), jnp.float32),
    mesh=_mesh,
    scratch_types=[
        pltpu.VMEM((_NITER, _CH), jnp.int32),
        pltpu.VMEM((_CH,), jnp.int32),
        pltpu.VMEM((_CH, _D), jnp.float32),
        pltpu.VMEM_SHARED((_NP, _D), jnp.float32),
    ],
)
def _sc_degree(dst_hbm, ones_hbm, zeros_hbm, out_hbm, didx, dbuf, ones_v, acc):
    c = lax.axis_index("c")
    s = lax.axis_index("s")
    wid = s * 2 + c
    pltpu.sync_copy(dst_hbm.at[pl.ds(wid * _NITER, _NITER)], didx)
    pltpu.sync_copy(ones_hbm, ones_v)
    pltpu.sync_copy(zeros_hbm.at[pl.ds(s * _ROWS_Z, _ROWS_Z)],
                    acc.at[pl.ds(s * _ROWS_Z, _ROWS_Z)])
    plsc.subcore_barrier()

    def body(i, carry):
        for k in range(_CH // 16):
            dbuf[pl.ds(16 * k, 16)] = didx[i, pl.ds(16 * k, 16)]
        pltpu.sync_copy(ones_v, acc.at[dbuf], add=True)
        return carry

    lax.fori_loop(0, _NITER, body, 0)
    plsc.subcore_barrier()
    pltpu.sync_copy(acc.at[pl.ds(s * _ROWS_Z, _ROWS_Z)],
                    out_hbm.at[c].at[pl.ds(s * _ROWS_Z, _ROWS_Z)])


_BLK = 1000
_NBLK = _N // _BLK


def _mm1_body(x_ref, w_ref, d0_ref, d1_ref, o_ref):
    dinv = lax.rsqrt(d0_ref[...] + d1_ref[...] + 1.0)
    o_ref[...] = jnp.dot(x_ref[...], w_ref[...],
                         preferred_element_type=jnp.float32) * dinv


def _mm1(x, w, d0, d1):
    return pl.pallas_call(
        _mm1_body,
        grid=(_NBLK,),
        in_specs=[
            pl.BlockSpec((_BLK, _D), lambda i: (i, 0)),
            pl.BlockSpec((_D, _D), lambda i: (0, 0)),
            pl.BlockSpec((_BLK, 1), lambda i: (i, 0)),
            pl.BlockSpec((_BLK, 1), lambda i: (i, 0)),
        ],
        out_specs=pl.BlockSpec((_BLK, _D), lambda i: (i, 0)),
        out_shape=jax.ShapeDtypeStruct((_N, _D), jnp.float32),
    )(x, w, d0, d1)


def _mm2_body(s0_ref, s1_ref, p_ref, d0_ref, d1_ref, w_ref, b_ref, o_ref):
    dinv = lax.rsqrt(d0_ref[...] + d1_ref[...] + 1.0)
    h = dinv * (s0_ref[...] + s1_ref[...] + p_ref[...]) + b_ref[...]
    h = jnp.maximum(h, 0.0)
    o_ref[...] = jnp.dot(h, w_ref[...],
                         preferred_element_type=jnp.float32) * dinv


def _mm2(s0, s1, p, d0, d1, w, b):
    return pl.pallas_call(
        _mm2_body,
        grid=(_NBLK,),
        in_specs=[
            pl.BlockSpec((_BLK, _D), lambda i: (i, 0)),
            pl.BlockSpec((_BLK, _D), lambda i: (i, 0)),
            pl.BlockSpec((_BLK, _D), lambda i: (i, 0)),
            pl.BlockSpec((_BLK, 1), lambda i: (i, 0)),
            pl.BlockSpec((_BLK, 1), lambda i: (i, 0)),
            pl.BlockSpec((_D, _D), lambda i: (0, 0)),
            pl.BlockSpec((1, _D), lambda i: (0, 0)),
        ],
        out_specs=pl.BlockSpec((_BLK, _D), lambda i: (i, 0)),
        out_shape=jax.ShapeDtypeStruct((_N, _D), jnp.float32),
    )(s0, s1, p, d0, d1, w, b)


_T = 12


def _head_body(s0_ref, s1_ref, p_ref, d0_ref, d1_ref, b2_ref, bat_ref,
               na_ref, w3a_ref, w3b_ref, b3_ref, w4_ref, b4_ref, o_ref,
               sums_ref, cnts_ref):
    i = pl.program_id(0)

    @pl.when(i == 0)
    def _():
        sums_ref[...] = jnp.zeros_like(sums_ref)
        cnts_ref[...] = jnp.zeros_like(cnts_ref)

    dinv = lax.rsqrt(d0_ref[...] + d1_ref[...] + 1.0)
    h = dinv * (s0_ref[...] + s1_ref[...] + p_ref[...]) + b2_ref[...]
    h = jnp.maximum(h, 0.0)

    seg = lax.broadcasted_iota(jnp.int32, (_BLK, _G), 1)
    oh = (bat_ref[...] == seg).astype(jnp.float32)
    sums_ref[...] += lax.dot_general(
        oh, h, (((0,), (0,)), ((), ())), preferred_element_type=jnp.float32)
    cnt = jnp.sum(oh, axis=0)
    cnts_ref[...] += jnp.broadcast_to(cnt[:, None], (_G, _D))

    @pl.when(i == _NBLK - 1)
    def _():
        mean = sums_ref[...] / jnp.maximum(cnts_ref[:, :1], 1.0)
        z = (jnp.dot(mean, w3a_ref[...], preferred_element_type=jnp.float32)
             + na_ref[...] * w3b_ref[...] + b3_ref[...])
        z = jnp.maximum(z, 0.0)
        o_ref[...] = jnp.dot(z, w4_ref[...],
                             preferred_element_type=jnp.float32) + b4_ref[...]


def _head(s0, s1, p, d0, d1, b2, bat, na, w3a, w3b, b3, w4, b4):
    return pl.pallas_call(
        _head_body,
        grid=(_NBLK,),
        in_specs=[
            pl.BlockSpec((_BLK, _D), lambda i: (i, 0)),
            pl.BlockSpec((_BLK, _D), lambda i: (i, 0)),
            pl.BlockSpec((_BLK, _D), lambda i: (i, 0)),
            pl.BlockSpec((_BLK, 1), lambda i: (i, 0)),
            pl.BlockSpec((_BLK, 1), lambda i: (i, 0)),
            pl.BlockSpec((1, _D), lambda i: (0, 0)),
            pl.BlockSpec((_BLK, 1), lambda i: (i, 0)),
            pl.BlockSpec((_G, 1), lambda i: (0, 0)),
            pl.BlockSpec((_D, 32), lambda i: (0, 0)),
            pl.BlockSpec((1, 32), lambda i: (0, 0)),
            pl.BlockSpec((1, 32), lambda i: (0, 0)),
            pl.BlockSpec((32, _T), lambda i: (0, 0)),
            pl.BlockSpec((1, _T), lambda i: (0, 0)),
        ],
        out_specs=pl.BlockSpec((_G, _T), lambda i: (0, 0)),
        out_shape=jax.ShapeDtypeStruct((_G, _T), jnp.float32),
        scratch_shapes=[
            pltpu.VMEM((_G, _D), jnp.float32),
            pltpu.VMEM((_G, _D), jnp.float32),
        ],
    )(s0, s1, p, d0, d1, b2, bat, na, w3a, w3b, b3, w4, b4)


def kernel(x, edge_index, batch, num_atoms, W1, b1, W2, b2, W3, b3, W4, b4):
    src = edge_index[0]
    dst = edge_index[1]
    pad = _EP - _E
    srcp = jnp.concatenate([src, jnp.zeros((pad,), jnp.int32)])
    junk = _N + jnp.arange(pad, dtype=jnp.int32) % (_NP - _N)
    dstp = jnp.concatenate([dst, junk])
    srcp = srcp.reshape(_NW * _NITER, _CH)
    dstp = dstp.reshape(_NW * _NITER, _CH)

    zeros_big = jnp.zeros((_NP, _D), jnp.float32)
    ones_big = jnp.ones((_CH, _D), jnp.float32)

    degp = _sc_degree(dstp, ones_big, zeros_big)
    d0 = degp[0, :_N, :1]
    d1 = degp[1, :_N, :1]

    p1 = _mm1(x, W1, d0, d1)
    S1 = _sc_scatter(p1, srcp, dstp, zeros_big)
    p2 = _mm2(S1[0, :_N], S1[1, :_N], p1, d0, d1, W2, b1.reshape(1, -1))
    S2 = _sc_scatter(p2, srcp, dstp, zeros_big)

    return _head(S2[0, :_N], S2[1, :_N], p2, d0, d1, b2.reshape(1, -1),
                 batch.reshape(-1, 1), num_atoms,
                 W3[:_D], W3[_D:], b3.reshape(1, -1), W4, b4.reshape(1, -1))

# --- scband reference (transcript-rebuilt; emitter-appended) ---
"""Pipeline reference for scband-gnnmodel-76656576299278 (READ-ONLY COPY).

The authoritative reference and input builder live on the scoring server;
editing this copy changes nothing except your own understanding.
"""

import jax, jax.numpy as jnp
import numpy as np

N = 10000
E = 320000
D = 128
H = 128
G = 256
T = 12


def setup_inputs(seed: int = 0) -> dict:
    key = jax.random.key(seed)
    ks = jax.random.split(key, 12)
    x = jax.random.normal(ks[0], (N, D), dtype=jnp.float32)
    edge_index = jax.random.randint(ks[1], (2, E), 0, N, dtype=jnp.int32)
    batch = jnp.sort(jax.random.randint(ks[2], (N,), 0, G, dtype=jnp.int32))
    num_atoms = jax.random.uniform(ks[3], (G, 1), dtype=jnp.float32)
    W1 = jax.random.normal(ks[4], (D, H), dtype=jnp.float32) * 0.05
    b1 = jnp.zeros((H,), jnp.float32)
    W2 = jax.random.normal(ks[5], (H, H), dtype=jnp.float32) * 0.05
    b2 = jnp.zeros((H,), jnp.float32)
    W3 = jax.random.normal(ks[6], (H + 1, 32), dtype=jnp.float32) * 0.05
    b3 = jnp.zeros((32,), jnp.float32)
    W4 = jax.random.normal(ks[7], (32, T), dtype=jnp.float32) * 0.05
    b4 = jnp.zeros((T,), jnp.float32)
    return {"x": x, "edge_index": edge_index, "batch": batch, "num_atoms": num_atoms,
            "W1": W1, "b1": b1, "W2": W2, "b2": b2, "W3": W3, "b3": b3, "W4": W4, "b4": b4}


def _gcn_conv(x, edge_index, W, b):
    # PyG GCNConv: add self-loops, symmetric D^{-1/2}(A+I)D^{-1/2} normalization, then linear.
    n = x.shape[0]
    loop = jnp.arange(n, dtype=edge_index.dtype)
    src = jnp.concatenate([edge_index[0], loop])
    dst = jnp.concatenate([edge_index[1], loop])
    deg = jnp.zeros((n,), x.dtype).at[dst].add(1.0)
    dinv = jnp.where(deg > 0, deg ** -0.5, 0.0)
    norm = dinv[src] * dinv[dst]
    h = x @ W
    msg = h[src] * norm[:, None]
    out = jnp.zeros((n, W.shape[1]), x.dtype).at[dst].add(msg)
    return out + b


def reference(x, edge_index, batch, num_atoms, W1, b1, W2, b2, W3, b3, W4, b4):
    h = jax.nn.relu(_gcn_conv(x, edge_index, W1, b1))
    # dropout is identity in eval mode
    h = jax.nn.relu(_gcn_conv(h, edge_index, W2, b2))
    # global_mean_pool over graph segments
    sums = jax.ops.segment_sum(h, batch, num_segments=G)
    cnts = jax.ops.segment_sum(jnp.ones((h.shape[0], 1), h.dtype), batch, num_segments=G)
    pooled = sums / jnp.maximum(cnts, 1.0)
    z = jnp.concatenate([pooled, num_atoms], axis=1)
    z = jax.nn.relu(z @ W3 + b3)
    return z @ W4 + b4

if __name__ == "__main__":
    import jax
    _d = setup_inputs()
    print(jax.jit(kernel)(*tuple(_d.values())))

</pallas_src>

<mosaic_0001>
#map = affine_map<(d0, d1) -> (0, 0)>
#map1 = affine_map<(d0, d1) -> (0, 0, 0)>
module attributes {stable_mosaic.version = 14 : i64} {
  func.func @_sc_scatter(%arg0: i32, %arg1: i32, %arg2: memref<10000x128xf32, #tpu.memory_space<hbm>>, %arg3: memref<2560x128xi32, #tpu.memory_space<hbm>>, %arg4: memref<2560x128xi32, #tpu.memory_space<hbm>>, %arg5: memref<10112x128xf32, #tpu.memory_space<hbm>>, %arg6: memref<2x10112x128xf32, #tpu.memory_space<hbm>>, %arg7: memref<40x128xi32, #tpu.memory_space<vmem>>, %arg8: memref<40x128xi32, #tpu.memory_space<vmem>>, %arg9: memref<128x128xf32, #tpu.memory_space<vmem>>, %arg10: memref<128x128xf32, #tpu.memory_space<vmem>>, %arg11: memref<128xi32, #tpu.memory_space<vmem>>, %arg12: memref<10112x128xf32, #tpu.memory_space<vmem_shared>>, %arg13: memref<!tpu.dma_semaphore, #tpu.memory_space<semaphore_mem>>, %arg14: memref<!tpu.dma_semaphore, #tpu.memory_space<semaphore_mem>>) attributes {dimension_semantics = [#tpu.dimension_semantics<core_parallel>, #tpu.dimension_semantics<subcore_parallel>], iteration_bounds = array<i64: 2, 16>, scalar_prefetch = 0 : i64, scratch_operands = 8 : i64, tpu.core_type = #tpu.core_type<sc_vector_subcore>, window_params = [{transform_indices = #map}, {transform_indices = #map}, {transform_indices = #map}, {transform_indices = #map}, {transform_indices = #map1}]} {
    %mul3A = arith.constant 2 : i32
    %mul3A_0 = arith.muli %arg1, %mul3A : i32
    %add3A = arith.addi %mul3A_0, %arg0 : i32
    %mul3A_1 = arith.constant 632 : i32
    %mul3A_2 = arith.muli %arg1, %mul3A_1 : i32
    %mul3A_3 = arith.constant 632 : i32
    %mul3A_4 = arith.muli %arg1, %mul3A_3 : i32
    "tpu.region"() ({
      %run_scoped3A = tpu.sem_alloc : memref<!tpu.dma_semaphore, #tpu.memory_space<semaphore_mem>>
      %dma_start3A_369 = arith.constant 0 : i32
      %dma_start3A_370 = tpu.memref_slice %arg12[%mul3A_4, %dma_start3A_369] : memref<10112x128xf32, #tpu.memory_space<vmem_shared>> -> memref<632x128xf32, #tpu.memory_space<vmem_shared>>
      %dma_start3A_371 = arith.constant 0 : i32
      %dma_start3A_372 = tpu.memref_slice %arg5[%mul3A_2, %dma_start3A_371] : memref<10112x128xf32, #tpu.memory_space<hbm>> -> memref<632x128xf32, #tpu.memory_space<hbm>>
      tpu.enqueue_dma source(%dma_start3A_372 : memref<632x128xf32, #tpu.memory_space<hbm>>) target(%dma_start3A_370 : memref<632x128xf32, #tpu.memory_space<vmem_shared>>) target_semaphore(%run_scoped3A : memref<!tpu.dma_semaphore, #tpu.memory_space<semaphore_mem>>)
      %dma_wait3A_373 = arith.constant 0 : i32
      %dma_wait3A_374 = tpu.memref_slice %arg12[%mul3A_4, %dma_wait3A_373] : memref<10112x128xf32, #tpu.memory_space<vmem_shared>> -> memref<632x128xf32, #tpu.memory_space<vmem_shared>>
      %dma_wait3A_375 = arith.constant 0 : i32
      %dma_wait3A_376 = tpu.memref_slice %arg5[%mul3A_2, %dma_wait3A_375] : memref<10112x128xf32, #tpu.memory_space<hbm>> -> memref<632x128xf32, #tpu.memory_space<hbm>>
      tpu.wait_dma2 semaphore(%run_scoped3A : memref<!tpu.dma_semaphore, #tpu.memory_space<semaphore_mem>>) src(%dma_wait3A_376 : memref<632x128xf32, #tpu.memory_space<hbm>>) dst(%dma_wait3A_374 : memref<632x128xf32, #tpu.memory_space<vmem_shared>>)
      tpu.yield
    }) : () -> ()
    %barrier3A = arith.constant 0 : index
    tpu.barrier barrier_id(%barrier3A)
    %mul3A_5 = arith.constant 80 : i32
    %mul3A_6 = arith.muli %add3A, %mul3A_5 : i32
    %add3A_7 = arith.constant 0 : i32
    %add3A_8 = arith.addi %mul3A_6, %add3A_7 : i32
    "tpu.region"() ({
      %run_scoped3A = tpu.sem_alloc : memref<!tpu.dma_semaphore, #tpu.memory_space<semaphore_mem>>
      %dma_start3A_369 = arith.constant 0 : i32
      %dma_start3A_370 = tpu.memref_slice %arg3[%add3A_8, %dma_start3A_369] : memref<2560x128xi32, #tpu.memory_space<hbm>> -> memref<40x128xi32, #tpu.memory_space<hbm>>
      %dma_start3A_371 = arith.constant 0 : i32
      %dma_start3A_372 = tpu.memref_slice %arg3[%add3A_8, %dma_start3A_371] : memref<2560x128xi32, #tpu.memory_space<hbm>> -> memref<40x128xi32, #tpu.memory_space<hbm>>
      tpu.enqueue_dma source(%dma_start3A_372 : memref<40x128xi32, #tpu.memory_space<hbm>>) target(%arg7 : memref<40x128xi32, #tpu.memory_space<vmem>>) target_semaphore(%run_scoped3A : memref<!tpu.dma_semaphore, #tpu.memory_space<semaphore_mem>>)
      %dma_wait3A_373 = arith.constant 0 : i32
      %dma_wait3A_374 = tpu.memref_slice %arg3[%add3A_8, %dma_wait3A_373] : memref<2560x128xi32, #tpu.memory_space<hbm>> -> memref<40x128xi32, #tpu.memory_space<hbm>>
      %dma_wait3A_375 = arith.constant 0 : i32
      %dma_wait3A_376 = tpu.memref_slice %arg3[%add3A_8, %dma_wait3A_375] : memref<2560x128xi32, #tpu.memory_space<hbm>> -> memref<40x128xi32, #tpu.memory_space<hbm>>
      tpu.wait_dma2 semaphore(%run_scoped3A : memref<!tpu.dma_semaphore, #tpu.memory_space<semaphore_mem>>) src(%dma_wait3A_376 : memref<40x128xi32, #tpu.memory_space<hbm>>) dst(%arg7 : memref<40x128xi32, #tpu.memory_space<vmem>>)
      tpu.yield
    }) : () -> ()
    "tpu.region"() ({
      %run_scoped3A = tpu.sem_alloc : memref<!tpu.dma_semaphore, #tpu.memory_space<semaphore_mem>>
      %dma_start3A_369 = arith.constant 0 : i32
      %dma_start3A_370 = tpu.memref_slice %arg4[%add3A_8, %dma_start3A_369] : memref<2560x128xi32, #tpu.memory_space<hbm>> -> memref<40x128xi32, #tpu.memory_space<hbm>>
      %dma_start3A_371 = arith.constant 0 : i32
      %dma_start3A_372 = tpu.memref_slice %arg4[%add3A_8, %dma_start3A_371] : memref<2560x128xi32, #tpu.memory_space<hbm>> -> memref<40x128xi32, #tpu.memory_space<hbm>>
      tpu.enqueue_dma source(%dma_start3A_372 : memref<40x128xi32, #tpu.memory_space<hbm>>) target(%arg8 : memref<40x128xi32, #tpu.memory_space<vmem>>) target_semaphore(%run_scoped3A : memref<!tpu.dma_semaphore, #tpu.memory_space<semaphore_mem>>)
      %dma_wait3A_373 = arith.constant 0 : i32
      %dma_wait3A_374 = tpu.memref_slice %arg4[%add3A_8, %dma_wait3A_373] : memref<2560x128xi32, #tpu.memory_space<hbm>> -> memref<40x128xi32, #tpu.memory_space<hbm>>
      %dma_wait3A_375 = arith.constant 0 : i32
      %dma_wait3A_376 = tpu.memref_slice %arg4[%add3A_8, %dma_wait3A_375] : memref<2560x128xi32, #tpu.memory_space<hbm>> -> memref<40x128xi32, #tpu.memory_space<hbm>>
      tpu.wait_dma2 semaphore(%run_scoped3A : memref<!tpu.dma_semaphore, #tpu.memory_space<semaphore_mem>>) src(%dma_wait3A_376 : memref<40x128xi32, #tpu.memory_space<hbm>>) dst(%arg8 : memref<40x128xi32, #tpu.memory_space<vmem>>)
      tpu.yield
    }) : () -> ()
    %dma_start3A = arith.constant 0 : i32
    %dma_start3A_9 = arith.constant 0 : i32
    %dma_start3A_10 = tpu.memref_slice %arg7[%dma_start3A, %dma_start3A_9] : memref<40x128xi32, #tpu.memory_space<vmem>> -> memref<1x128xi32, #tpu.memory_space<vmem>>
    %dma_start3A_11 = tpu.memref_squeeze %dma_start3A_10 : memref<1x128xi32, #tpu.memory_space<vmem>> -> memref<128xi32, #tpu.memory_space<vmem>>
    %dma_start3A_12 = arith.constant 0 : i32
    %dma_start3A_13 = arith.constant 0 : i32
    %dma_start3A_14 = tpu.memref_slice %arg2[%dma_start3A_12, %dma_start3A_13] : memref<10000x128xf32, #tpu.memory_space<hbm>> -> memref<10000x128xf32, #tpu.memory_space<hbm>>
    tpu.enqueue_indirect_dma source(%dma_start3A_14 : memref<10000x128xf32, #tpu.memory_space<hbm>>) target(%arg9 : memref<128x128xf32, #tpu.memory_space<vmem>>) offsets(%dma_start3A_11 : memref<128xi32, #tpu.memory_space<vmem>>) semaphore(%arg13 : memref<!tpu.dma_semaphore, #tpu.memory_space<semaphore_mem>>)
    %scan3A = arith.constant 0 : i32
    %scan3A_15 = arith.constant 0 : i32
    %scan3A_16 = arith.constant 19 : i32
    %scan3A_17 = arith.addi %scan3A_15, %scan3A_16 : i32
    %scan3A_18 = arith.constant 1 : i32
    scf.for %scan3A_369 = %scan3A_15 to %scan3A_17 step %scan3A_18  : i32 {
      %mul3A_370 = arith.constant 2 : i32
      %mul3A_371 = arith.muli %mul3A_370, %scan3A_369 : i32
      %add3A_372 = arith.constant 1 : i32
      %add3A_373 = arith.addi %mul3A_371, %add3A_372 : i32
      %dma_start3A_374 = arith.constant 0 : i32
      %dma_start3A_375 = tpu.memref_slice %arg7[%add3A_373, %dma_start3A_374] : memref<40x128xi32, #tpu.memory_space<vmem>> -> memref<1x128xi32, #tpu.memory_space<vmem>>
      %dma_start3A_376 = tpu.memref_squeeze %dma_start3A_375 : memref<1x128xi32, #tpu.memory_space<vmem>> -> memref<128xi32, #tpu.memory_space<vmem>>
      %dma_start3A_377 = arith.constant 0 : i32
      %dma_start3A_378 = arith.constant 0 : i32
      %dma_start3A_379 = tpu.memref_slice %arg2[%dma_start3A_377, %dma_start3A_378] : memref<10000x128xf32, #tpu.memory_space<hbm>> -> memref<10000x128xf32, #tpu.memory_space<hbm>>
      tpu.enqueue_indirect_dma source(%dma_start3A_379 : memref<10000x128xf32, #tpu.memory_space<hbm>>) target(%arg10 : memref<128x128xf32, #tpu.memory_space<vmem>>) offsets(%dma_start3A_376 : memref<128xi32, #tpu.memory_space<vmem>>) semaphore(%arg14 : memref<!tpu.dma_semaphore, #tpu.memory_space<semaphore_mem>>)
      %dma_wait3A_380 = arith.constant 0 : i32
      %dma_wait3A_381 = tpu.memref_slice %arg7[%mul3A_371, %dma_wait3A_380] : memref<40x128xi32, #tpu.memory_space<vmem>> -> memref<1x128xi32, #tpu.memory_space<vmem>>
      %dma_wait3A_382 = tpu.memref_squeeze %dma_wait3A_381 : memref<1x128xi32, #tpu.memory_space<vmem>> -> memref<128xi32, #tpu.memory_space<vmem>>
      %dma_wait3A_383 = arith.constant 0 : i32
      %dma_wait3A_384 = arith.constant 0 : i32
      %dma_wait3A_385 = tpu.memref_slice %arg2[%dma_wait3A_383, %dma_wait3A_384] : memref<10000x128xf32, #tpu.memory_space<hbm>> -> memref<10000x128xf32, #tpu.memory_space<hbm>>
      tpu.wait_indirect_dma semaphore(%arg13 : memref<!tpu.dma_semaphore, #tpu.memory_space<semaphore_mem>>) src(%dma_wait3A_385 : memref<10000x128xf32, #tpu.memory_space<hbm>>) dst(%arg9 : memref<128x128xf32, #tpu.memory_space<vmem>>)
      %get3A_386 = arith.index_cast %mul3A_371 : i32 to index
      %get3A_387 = arith.constant 0 : index
      %get3A_388 = tpu.vector_load %arg8[%get3A_386, %get3A_387] {strides = array<i32>} : memref<40x128xi32, #tpu.memory_space<vmem>>, vector<1x16xi32>,
      %get3A_389 = vector.shape_cast %get3A_388 : vector<1x16xi32> to vector<16xi32>
      %swap3A_390 = arith.constant 0 : index
      %swap3A_391 = tpu.vector_load %arg11[%swap3A_390] {strides = array<i32>} : memref<128xi32, #tpu.memory_space<vmem>>, vector<16xi32>,
      %swap3A_392 = vector.shape_cast %swap3A_391 : vector<16xi32> to vector<16xi32>
      %swap3A_393 = vector.shape_cast %get3A_389 : vector<16xi32> to vector<16xi32>
      tpu.vector_store %arg11[%swap3A_390], %swap3A_393 {strides = array<i32>} : memref<128xi32, #tpu.memory_space<vmem>>, vector<16xi32>,
      %get3A_394 = arith.index_cast %mul3A_371 : i32 to index
      %get3A_395 = arith.constant 16 : index
      %get3A_396 = tpu.vector_load %arg8[%get3A_394, %get3A_395] {strides = array<i32>} : memref<40x128xi32, #tpu.memory_space<vmem>>, vector<1x16xi32>,
      %get3A_397 = vector.shape_cast %get3A_396 : vector<1x16xi32> to vector<16xi32>
      %swap3A_398 = arith.constant 16 : index
      %swap3A_399 = tpu.vector_load %arg11[%swap3A_398] {strides = array<i32>} : memref<128xi32, #tpu.memory_space<vmem>>, vector<16xi32>,
      %swap3A_400 = vector.shape_cast %swap3A_399 : vector<16xi32> to vector<16xi32>
      %swap3A_401 = vector.shape_cast %get3A_397 : vector<16xi32> to vector<16xi32>
      tpu.vector_store %arg11[%swap3A_398], %swap3A_401 {strides = array<i32>} : memref<128xi32, #tpu.memory_space<vmem>>, vector<16xi32>,
      %get3A_402 = arith.index_cast %mul3A_371 : i32 to index
      %get3A_403 = arith.constant 32 : index
      %get3A_404 = tpu.vector_load %arg8[%get3A_402, %get3A_403] {strides = array<i32>} : memref<40x128xi32, #tpu.memory_space<vmem>>, vector<1x16xi32>,
      %get3A_405 = vector.shape_cast %get3A_404 : vector<1x16xi32> to vector<16xi32>
      %swap3A_406 = arith.constant 32 : index
      %swap3A_407 = tpu.vector_load %arg11[%swap3A_406] {strides = array<i32>} : memref<128xi32, #tpu.memory_space<vmem>>, vector<16xi32>,
      %swap3A_408 = vector.shape_cast %swap3A_407 : vector<16xi32> to vector<16xi32>
      %swap3A_409 = vector.shape_cast %get3A_405 : vector<16xi32> to vector<16xi32>
      tpu.vector_store %arg11[%swap3A_406], %swap3A_409 {strides = array<i32>} : memref<128xi32, #tpu.memory_space<vmem>>, vector<16xi32>,
      %get3A_410 = arith.index_cast %mul3A_371 : i32 to index
      %get3A_411 = arith.constant 48 : index
      %get3A_412 = tpu.vector_load %arg8[%get3A_410, %get3A_411] {strides = array<i32>} : memref<40x128xi32, #tpu.memory_space<vmem>>, vector<1x16xi32>,
      %get3A_413 = vector.shape_cast %get3A_412 : vector<1x16xi32> to vector<16xi32>
      %swap3A_414 = arith.constant 48 : index
      %swap3A_415 = tpu.vector_load %arg11[%swap3A_414] {strides = array<i32>} : memref<128xi32, #tpu.memory_space<vmem>>, vector<16xi32>,
      %swap3A_416 = vector.shape_cast %swap3A_415 : vector<16xi32> to vector<16xi32>
      %swap3A_417 = vector.shape_cast %get3A_413 : vector<16xi32> to vector<16xi32>
      tpu.vector_store %arg11[%swap3A_414], %swap3A_417 {strides = array<i32>} : memref<128xi32, #tpu.memory_space<vmem>>, vector<16xi32>,
      %get3A_418 = arith.index_cast %mul3A_371 : i32 to index
      %get3A_419 = arith.constant 64 : index
      %get3A_420 = tpu.vector_load %arg8[%get3A_418, %get3A_419] {strides = array<i32>} : memref<40x128xi32, #tpu.memory_space<vmem>>, vector<1x16xi32>,
      %get3A_421 = vector.shape_cast %get3A_420 : vector<1x16xi32> to vector<16xi32>
      %swap3A_422 = arith.constant 64 : index
      %swap3A_423 = tpu.vector_load %arg11[%swap3A_422] {strides = array<i32>} : memref<128xi32, #tpu.memory_space<vmem>>, vector<16xi32>,
      %swap3A_424 = vector.shape_cast %swap3A_423 : vector<16xi32> to vector<16xi32>
      %swap3A_425 = vector.shape_cast %get3A_421 : vector<16xi32> to vector<16xi32>
      tpu.vector_store %arg11[%swap3A_422], %swap3A_425 {strides = array<i32>} : memref<128xi32, #tpu.memory_space<vmem>>, vector<16xi32>,
      %get3A_426 = arith.index_cast %mul3A_371 : i32 to index
      %get3A_427 = arith.constant 80 : index
      %get3A_428 = tpu.vector_load %arg8[%get3A_426, %get3A_427] {strides = array<i32>} : memref<40x128xi32, #tpu.memory_space<vmem>>, vector<1x16xi32>,
      %get3A_429 = vector.shape_cast %get3A_428 : vector<1x16xi32> to vector<16xi32>
      %swap3A_430 = arith.constant 80 : index
      %swap3A_431 = tpu.vector_load %arg11[%swap3A_430] {strides = array<i32>} : memref<128xi32, #tpu.memory_space<vmem>>, vector<16xi32>,
      %swap3A_432 = vector.shape_cast %swap3A_431 : vector<16xi32> to vector<16xi32>
      %swap3A_433 = vector.shape_cast %get3A_429 : vector<16xi32> to vector<16xi32>
      tpu.vector_store %arg11[%swap3A_430], %swap3A_433 {strides = array<i32>} : memref<128xi32, #tpu.memory_space<vmem>>, vector<16xi32>,
      %get3A_434 = arith.index_cast %mul3A_371 : i32 to index
      %get3A_435 = arith.constant 96 : index
      %get3A_436 = tpu.vector_load %arg8[%get3A_434, %get3A_435] {strides = array<i32>} : memref<40x128xi32, #tpu.memory_space<vmem>>, vector<1x16xi32>,
      %get3A_437 = vector.shape_cast %get3A_436 : vector<1x16xi32> to vector<16xi32>
      %swap3A_438 = arith.constant 96 : index
      %swap3A_439 = tpu.vector_load %arg11[%swap3A_438] {strides = array<i32>} : memref<128xi32, #tpu.memory_space<vmem>>, vector<16xi32>,
      %swap3A_440 = vector.shape_cast %swap3A_439 : vector<16xi32> to vector<16xi32>
      %swap3A_441 = vector.shape_cast %get3A_437 : vector<16xi32> to vector<16xi32>
      tpu.vector_store %arg11[%swap3A_438], %swap3A_441 {strides = array<i32>} : memref<128xi32, #tpu.memory_space<vmem>>, vector<16xi32>,
      %get3A_442 = arith.index_cast %mul3A_371 : i32 to index
      %get3A_443 = arith.constant 112 : index
      %get3A_444 = tpu.vector_load %arg8[%get3A_442, %get3A_443] {strides = array<i32>} : memref<40x128xi32, #tpu.memory_space<vmem>>, vector<1x16xi32>,
      %get3A_445 = vector.shape_cast %get3A_444 : vector<1x16xi32> to vector<16xi32>
      %swap3A_446 = arith.constant 112 : index
      %swap3A_447 = tpu.vector_load %arg11[%swap3A_446] {strides = array<i32>} : memref<128xi32, #tpu.memory_space<vmem>>, vector<16xi32>,
      %swap3A_448 = vector.shape_cast %swap3A_447 : vector<16xi32> to vector<16xi32>
      %swap3A_449 = vector.shape_cast %get3A_445 : vector<16xi32> to vector<16xi32>
      tpu.vector_store %arg11[%swap3A_446], %swap3A_449 {strides = array<i32>} : memref<128xi32, #tpu.memory_space<vmem>>, vector<16xi32>,
      "tpu.region"() ({
        %run_scoped3A = tpu.sem_alloc : memref<!tpu.dma_semaphore, #tpu.memory_space<semaphore_mem>>
        %dma_start3A_532 = arith.constant 0 : i32
        %dma_start3A_533 = arith.constant 0 : i32
        %dma_start3A_534 = tpu.memref_slice %arg12[%dma_start3A_532, %dma_start3A_533] : memref<10112x128xf32, #tpu.memory_space<vmem_shared>> -> memref<10112x128xf32, #tpu.memory_space<vmem_shared>>
        tpu.enqueue_indirect_dma source(%arg9 : memref<128x128xf32, #tpu.memory_space<vmem>>) target(%dma_start3A_534 : memref<10112x128xf32, #tpu.memory_space<vmem_shared>>) offsets(%arg11 : memref<128xi32, #tpu.memory_space<vmem>>) semaphore(%run_scoped3A : memref<!tpu.dma_semaphore, #tpu.memory_space<semaphore_mem>>) {add = true}
        %dma_wait3A_535 = arith.constant 0 : i32
        %dma_wait3A_536 = arith.constant 0 : i32
        %dma_wait3A_537 = tpu.memref_slice %arg12[%dma_wait3A_535, %dma_wait3A_536] : memref<10112x128xf32, #tpu.memory_space<vmem_shared>> -> memref<10112x128xf32, #tpu.memory_space<vmem_shared>>
        tpu.wait_indirect_dma semaphore(%run_scoped3A : memref<!tpu.dma_semaphore, #tpu.memory_space<semaphore_mem>>) src(%arg9 : memref<128x128xf32, #tpu.memory_space<vmem>>) dst(%dma_wait3A_537 : memref<10112x128xf32, #tpu.memory_space<vmem_shared>>)
        tpu.yield
      }) : () -> ()
      %add3A_450 = arith.constant 2 : i32
      %add3A_451 = arith.addi %mul3A_371, %add3A_450 : i32
      %dma_start3A_452 = arith.constant 0 : i32
      %dma_start3A_453 = tpu.memref_slice %arg7[%add3A_451, %dma_start3A_452] : memref<40x128xi32, #tpu.memory_space<vmem>> -> memref<1x128xi32, #tpu.memory_space<vmem>>
      %dma_start3A_454 = tpu.memref_squeeze %dma_start3A_453 : memref<1x128xi32, #tpu.memory_space<vmem>> -> memref<128xi32, #tpu.memory_space<vmem>>
      %dma_start3A_455 = arith.constant 0 : i32
      %dma_start3A_456 = arith.constant 0 : i32
      %dma_start3A_457 = tpu.memref_slice %arg2[%dma_start3A_455, %dma_start3A_456] : memref<10000x128xf32, #tpu.memory_space<hbm>> -> memref<10000x128xf32, #tpu.memory_space<hbm>>
      tpu.enqueue_indirect_dma source(%dma_start3A_457 : memref<10000x128xf32, #tpu.memory_space<hbm>>) target(%arg9 : memref<128x128xf32, #tpu.memory_space<vmem>>) offsets(%dma_start3A_454 : memref<128xi32, #tpu.memory_space<vmem>>) semaphore(%arg13 : memref<!tpu.dma_semaphore, #tpu.memory_space<semaphore_mem>>)
      %add3A_458 = arith.constant 1 : i32
      %add3A_459 = arith.addi %mul3A_371, %add3A_458 : i32
      %dma_wait3A_460 = arith.constant 0 : i32
      %dma_wait3A_461 = tpu.memref_slice %arg7[%add3A_459, %dma_wait3A_460] : memref<40x128xi32, #tpu.memory_space<vmem>> -> memref<1x128xi32, #tpu.memory_space<vmem>>
      %dma_wait3A_462 = tpu.memref_squeeze %dma_wait3A_461 : memref<1x128xi32, #tpu.memory_space<vmem>> -> memref<128xi32, #tpu.memory_space<vmem>>
      %dma_wait3A_463 = arith.constant 0 : i32
      %dma_wait3A_464 = arith.constant 0 : i32
      %dma_wait3A_465 = tpu.memref_slice %arg2[%dma_wait3A_463, %dma_wait3A_464] : memref<10000x128xf32, #tpu.memory_space<hbm>> -> memref<10000x128xf32, #tpu.memory_space<hbm>>
      tpu.wait_indirect_dma semaphore(%arg14 : memref<!tpu.dma_semaphore, #tpu.memory_space<semaphore_mem>>) src(%dma_wait3A_465 : memref<10000x128xf32, #tpu.memory_space<hbm>>) dst(%arg10 : memref<128x128xf32, #tpu.memory_space<vmem>>)
      %add3A_466 = arith.constant 1 : i32
      %add3A_467 = arith.addi %mul3A_371, %add3A_466 : i32
      %get3A_468 = arith.index_cast %add3A_467 : i32 to index
      %get3A_469 = arith.constant 0 : index
      %get3A_470 = tpu.vector_load %arg8[%get3A_468, %get3A_469] {strides = array<i32>} : memref<40x128xi32, #tpu.memory_space<vmem>>, vector<1x16xi32>,
      %get3A_471 = vector.shape_cast %get3A_470 : vector<1x16xi32> to vector<16xi32>
      %swap3A_472 = arith.constant 0 : index
      %swap3A_473 = tpu.vector_load %arg11[%swap3A_472] {strides = array<i32>} : memref<128xi32, #tpu.memory_space<vmem>>, vector<16xi32>,
      %swap3A_474 = vector.shape_cast %swap3A_473 : vector<16xi32> to vector<16xi32>
      %swap3A_475 = vector.shape_cast %get3A_471 : vector<16xi32> to vector<16xi32>
      tpu.vector_store %arg11[%swap3A_472], %swap3A_475 {strides = array<i32>} : memref<128xi32, #tpu.memory_space<vmem>>, vector<16xi32>,
      %get3A_476 = arith.index_cast %add3A_467 : i32 to index
      %get3A_477 = arith.constant 16 : index
      %get3A_478 = tpu.vector_load %arg8[%get3A_476, %get3A_477] {strides = array<i32>} : memref<40x128xi32, #tpu.memory_space<vmem>>, vector<1x16xi32>,
      %get3A_479 = vector.shape_cast %get3A_478 : vector<1x16xi32> to vector<16xi32>
      %swap3A_480 = arith.constant 16 : index
      %swap3A_481 = tpu.vector_load %arg11[%swap3A_480] {strides = array<i32>} : memref<128xi32, #tpu.memory_space<vmem>>, vector<16xi32>,
      %swap3A_482 = vector.shape_cast %swap3A_481 : vector<16xi32> to vector<16xi32>
      %swap3A_483 = vector.shape_cast %get3A_479 : vector<16xi32> to vector<16xi32>
      tpu.vector_store %arg11[%swap3A_480], %swap3A_483 {strides = array<i32>} : memref<128xi32, #tpu.memory_space<vmem>>, vector<16xi32>,
      %get3A_484 = arith.index_cast %add3A_467 : i32 to index
      %get3A_485 = arith.constant 32 : index
      %get3A_486 = tpu.vector_load %arg8[%get3A_484, %get3A_485] {strides = array<i32>} : memref<40x128xi32, #tpu.memory_space<vmem>>, vector<1x16xi32>,
      %get3A_487 = vector.shape_cast %get3A_486 : vector<1x16xi32> to vector<16xi32>
      %swap3A_488 = arith.constant 32 : index
      %swap3A_489 = tpu.vector_load %arg11[%swap3A_488] {strides = array<i32>} : memref<128xi32, #tpu.memory_space<vmem>>, vector<16xi32>,
      %swap3A_490 = vector.shape_cast %swap3A_489 : vector<16xi32> to vector<16xi32>
      %swap3A_491 = vector.shape_cast %get3A_487 : vector<16xi32> to vector<16xi32>
      tpu.vector_store %arg11[%swap3A_488], %swap3A_491 {strides = array<i32>} : memref<128xi32, #tpu.memory_space<vmem>>, vector<16xi32>,
      %get3A_492 = arith.index_cast %add3A_467 : i32 to index
      %get3A_493 = arith.constant 48 : index
      %get3A_494 = tpu.vector_load %arg8[%get3A_492, %get3A_493] {strides = array<i32>} : memref<40x128xi32, #tpu.memory_space<vmem>>, vector<1x16xi32>,
      %get3A_495 = vector.shape_cast %get3A_494 : vector<1x16xi32> to vector<16xi32>
      %swap3A_496 = arith.constant 48 : index
      %swap3A_497 = tpu.vector_load %arg11[%swap3A_496] {strides = array<i32>} : memref<128xi32, #tpu.memory_space<vmem>>, vector<16xi32>,
      %swap3A_498 = vector.shape_cast %swap3A_497 : vector<16xi32> to vector<16xi32>
      %swap3A_499 = vector.shape_cast %get3A_495 : vector<16xi32> to vector<16xi32>
      tpu.vector_store %arg11[%swap3A_496], %swap3A_499 {strides = array<i32>} : memref<128xi32, #tpu.memory_space<vmem>>, vector<16xi32>,
      %get3A_500 = arith.index_cast %add3A_467 : i32 to index
      %get3A_501 = arith.constant 64 : index
      %get3A_502 = tpu.vector_load %arg8[%get3A_500, %get3A_501] {strides = array<i32>} : memref<40x128xi32, #tpu.memory_space<vmem>>, vector<1x16xi32>,
      %get3A_503 = vector.shape_cast %get3A_502 : vector<1x16xi32> to vector<16xi32>
      %swap3A_504 = arith.constant 64 : index
      %swap3A_505 = tpu.vector_load %arg11[%swap3A_504] {strides = array<i32>} : memref<128xi32, #tpu.memory_space<vmem>>, vector<16xi32>,
      %swap3A_506 = vector.shape_cast %swap3A_505 : vector<16xi32> to vector<16xi32>
      %swap3A_507 = vector.shape_cast %get3A_503 : vector<16xi32> to vector<16xi32>
      tpu.vector_store %arg11[%swap3A_504], %swap3A_507 {strides = array<i32>} : memref<128xi32, #tpu.memory_space<vmem>>, vector<16xi32>,
      %get3A_508 = arith.index_cast %add3A_467 : i32 to index
      %get3A_509 = arith.constant 80 : index
      %get3A_510 = tpu.vector_load %arg8[%get3A_508, %get3A_509] {strides = array<i32>} : memref<40x128xi32, #tpu.memory_space<vmem>>, vector<1x16xi32>,
      %get3A_511 = vector.shape_cast %get3A_510 : vector<1x16xi32> to vector<16xi32>
      %swap3A_512 = arith.constant 80 : index
      %swap3A_513 = tpu.vector_load %arg11[%swap3A_512] {strides = array<i32>} : memref<128xi32, #tpu.memory_space<vmem>>, vector<16xi32>,
      %swap3A_514 = vector.shape_cast %swap3A_513 : vector<16xi32> to vector<16xi32>
      %swap3A_515 = vector.shape_cast %get3A_511 : vector<16xi32> to vector<16xi32>
      tpu.vector_store %arg11[%swap3A_512], %swap3A_515 {strides = array<i32>} : memref<128xi32, #tpu.memory_space<vmem>>, vector<16xi32>,
      %get3A_516 = arith.index_cast %add3A_467 : i32 to index
      %get3A_517 = arith.constant 96 : index
      %get3A_518 = tpu.vector_load %arg8[%get3A_516, %get3A_517] {strides = array<i32>} : memref<40x128xi32, #tpu.memory_space<vmem>>, vector<1x16xi32>,
      %get3A_519 = vector.shape_cast %get3A_518 : vector<1x16xi32> to vector<16xi32>
      %swap3A_520 = arith.constant 96 : index
      %swap3A_521 = tpu.vector_load %arg11[%swap3A_520] {strides = array<i32>} : memref<128xi32, #tpu.memory_space<vmem>>, vector<16xi32>,
      %swap3A_522 = vector.shape_cast %swap3A_521 : vector<16xi32> to vector<16xi32>
      %swap3A_523 = vector.shape_cast %get3A_519 : vector<16xi32> to vector<16xi32>
      tpu.vector_store %arg11[%swap3A_520], %swap3A_523 {strides = array<i32>} : memref<128xi32, #tpu.memory_space<vmem>>, vector<16xi32>,
      %get3A_524 = arith.index_cast %add3A_467 : i32 to index
      %get3A_525 = arith.constant 112 : index
      %get3A_526 = tpu.vector_load %arg8[%get3A_524, %get3A_525] {strides = array<i32>} : memref<40x128xi32, #tpu.memory_space<vmem>>, vector<1x16xi32>,
      %get3A_527 = vector.shape_cast %get3A_526 : vector<1x16xi32> to vector<16xi32>
      %swap3A_528 = arith.constant 112 : index
      %swap3A_529 = tpu.vector_load %arg11[%swap3A_528] {strides = array<i32>} : memref<128xi32, #tpu.memory_space<vmem>>, vector<16xi32>,
      %swap3A_530 = vector.shape_cast %swap3A_529 : vector<16xi32> to vector<16xi32>
      %swap3A_531 = vector.shape_cast %get3A_527 : vector<16xi32> to vector<16xi32>
      tpu.vector_store %arg11[%swap3A_528], %swap3A_531 {strides = array<i32>} : memref<128xi32, #tpu.memory_space<vmem>>, vector<16xi32>,
      "tpu.region"() ({
        %run_scoped3A = tpu.sem_alloc : memref<!tpu.dma_semaphore, #tpu.memory_space<semaphore_mem>>
        %dma_start3A_532 = arith.constant 0 : i32
        %dma_start3A_533 = arith.constant 0 : i32
        %dma_start3A_534 = tpu.memref_slice %arg12[%dma_start3A_532, %dma_start3A_533] : memref<10112x128xf32, #tpu.memory_space<vmem_shared>> -> memref<10112x128xf32, #tpu.memory_space<vmem_shared>>
        tpu.enqueue_indirect_dma source(%arg10 : memref<128x128xf32, #tpu.memory_space<vmem>>) target(%dma_start3A_534 : memref<10112x128xf32, #tpu.memory_space<vmem_shared>>) offsets(%arg11 : memref<128xi32, #tpu.memory_space<vmem>>) semaphore(%run_scoped3A : memref<!tpu.dma_semaphore, #tpu.memory_space<semaphore_mem>>) {add = true}
        %dma_wait3A_535 = arith.constant 0 : i32
        %dma_wait3A_536 = arith.constant 0 : i32
        %dma_wait3A_537 = tpu.memref_slice %arg12[%dma_wait3A_535, %dma_wait3A_536] : memref<10112x128xf32, #tpu.memory_space<vmem_shared>> -> memref<10112x128xf32, #tpu.memory_space<vmem_shared>>
        tpu.wait_indirect_dma semaphore(%run_scoped3A : memref<!tpu.dma_semaphore, #tpu.memory_space<semaphore_mem>>) src(%arg10 : memref<128x128xf32, #tpu.memory_space<vmem>>) dst(%dma_wait3A_537 : memref<10112x128xf32, #tpu.memory_space<vmem_shared>>)
        tpu.yield
      }) : () -> ()
    }
    %scan3A_19 = arith.constant 19 : i32
    %dma_start3A_20 = arith.constant 39 : i32
    %dma_start3A_21 = arith.constant 0 : i32
    %dma_start3A_22 = tpu.memref_slice %arg7[%dma_start3A_20, %dma_start3A_21] : memref<40x128xi32, #tpu.memory_space<vmem>> -> memref<1x128xi32, #tpu.memory_space<vmem>>
    %dma_start3A_23 = tpu.memref_squeeze %dma_start3A_22 : memref<1x128xi32, #tpu.memory_space<vmem>> -> memref<128xi32, #tpu.memory_space<vmem>>
    %dma_start3A_24 = arith.constant 0 : i32
    %dma_start3A_25 = arith.constant 0 : i32
    %dma_start3A_26 = tpu.memref_slice %arg2[%dma_start3A_24, %dma_start3A_25] : memref<10000x128xf32, #tpu.memory_space<hbm>> -> memref<10000x128xf32, #tpu.memory_space<hbm>>
    tpu.enqueue_indirect_dma source(%dma_start3A_26 : memref<10000x128xf32, #tpu.memory_space<hbm>>) target(%arg10 : memref<128x128xf32, #tpu.memory_space<vmem>>) offsets(%dma_start3A_23 : memref<128xi32, #tpu.memory_space<vmem>>) semaphore(%arg14 : memref<!tpu.dma_semaphore, #tpu.memory_space<semaphore_mem>>)
    %dma_wait3A = arith.constant 38 : i32
    %dma_wait3A_27 = arith.constant 0 : i32
    %dma_wait3A_28 = tpu.memref_slice %arg7[%dma_wait3A, %dma_wait3A_27] : memref<40x128xi32, #tpu.memory_space<vmem>> -> memref<1x128xi32, #tpu.memory_space<vmem>>
    %dma_wait3A_29 = tpu.memref_squeeze %dma_wait3A_28 : memref<1x128xi32, #tpu.memory_space<vmem>> -> memref<128xi32, #tpu.memory_space<vmem>>
    %dma_wait3A_30 = arith.constant 0 : i32
    %dma_wait3A_31 = arith.constant 0 : i32
    %dma_wait3A_32 = tpu.memref_slice %arg2[%dma_wait3A_30, %dma_wait3A_31] : memref<10000x128xf32, #tpu.memory_space<hbm>> -> memref<10000x128xf32, #tpu.memory_space<hbm>>
    tpu.wait_indirect_dma semaphore(%arg13 : memref<!tpu.dma_semaphore, #tpu.memory_space<semaphore_mem>>) src(%dma_wait3A_32 : memref<10000x128xf32, #tpu.memory_space<hbm>>) dst(%arg9 : memref<128x128xf32, #tpu.memory_space<vmem>>)
    %get3A = arith.constant 38 : i32
    %get3A_33 = arith.index_cast %get3A : i32 to index
    %get3A_34 = arith.constant 0 : index
    %get3A_35 = tpu.vector_load %arg8[%get3A_33, %get3A_34] {strides = array<i32>} : memref<40x128xi32, #tpu.memory_space<vmem>>, vector<1x16xi32>,
    %get3A_36 = vector.shape_cast %get3A_35 : vector<1x16xi32> to vector<16xi32>
    %swap3A = arith.constant 0 : index
    %swap3A_37 = tpu.vector_load %arg11[%swap3A] {strides = array<i32>} : memref<128xi32, #tpu.memory_space<vmem>>, vector<16xi32>,
    %swap3A_38 = vector.shape_cast %swap3A_37 : vector<16xi32> to vector<16xi32>
    %swap3A_39 = vector.shape_cast %get3A_36 : vector<16xi32> to vector<16xi32>
    tpu.vector_store %arg11[%swap3A], %swap3A_39 {strides = array<i32>} : memref<128xi32, #tpu.memory_space<vmem>>, vector<16xi32>,
    %get3A_40 = arith.constant 38 : i32
    %get3A_41 = arith.index_cast %get3A_40 : i32 to index
    %get3A_42 = arith.constant 16 : index
    %get3A_43 = tpu.vector_load %arg8[%get3A_41, %get3A_42] {strides = array<i32>} : memref<40x128xi32, #tpu.memory_space<vmem>>, vector<1x16xi32>,
    %get3A_44 = vector.shape_cast %get3A_43 : vector<1x16xi32> to vector<16xi32>
    %swap3A_45 = arith.constant 16 : index
    %swap3A_46 = tpu.vector_load %arg11[%swap3A_45] {strides = array<i32>} : memref<128xi32, #tpu.memory_space<vmem>>, vector<16xi32>,
    %swap3A_47 = vector.shape_cast %swap3A_46 : vector<16xi32> to vector<16xi32>
    %swap3A_48 = vector.shape_cast %get3A_44 : vector<16xi32> to vector<16xi32>
    tpu.vector_store %arg11[%swap3A_45], %swap3A_48 {strides = array<i32>} : memref<128xi32, #tpu.memory_space<vmem>>, vector<16xi32>,
    %get3A_49 = arith.constant 38 : i32
    %get3A_50 = arith.index_cast %get3A_49 : i32 to index
    %get3A_51 = arith.constant 32 : index
    %get3A_52 = tpu.vector_load %arg8[%get3A_50, %get3A_51] {strides = array<i32>} : memref<40x128xi32, #tpu.memory_space<vmem>>, vector<1x16xi32>,
    %get3A_53 = vector.shape_cast %get3A_52 : vector<1x16xi32> to vector<16xi32>
    %swap3A_54 = arith.constant 32 : index
    %swap3A_55 = tpu.vector_load %arg11[%swap3A_54] {strides = array<i32>} : memref<128xi32, #tpu.memory_space<vmem>>, vector<16xi32>,
    %swap3A_56 = vector.shape_cast %swap3A_55 : vector<16xi32> to vector<16xi32>
    %swap3A_57 = vector.shape_cast %get3A_53 : vector<16xi32> to vector<16xi32>
    tpu.vector_store %arg11[%swap3A_54], %swap3A_57 {strides = array<i32>} : memref<128xi32, #tpu.memory_space<vmem>>, vector<16xi32>,
    %get3A_58 = arith.constant 38 : i32
    %get3A_59 = arith.index_cast %get3A_58 : i32 to index
    %get3A_60 = arith.constant 48 : index
    %get3A_61 = tpu.vector_load %arg8[%get3A_59, %get3A_60] {strides = array<i32>} : memref<40x128xi32, #tpu.memory_space<vmem>>, vector<1x16xi32>,
    %get3A_62 = vector.shape_cast %get3A_61 : vector<1x16xi32> to vector<16xi32>
    %swap3A_63 = arith.constant 48 : index
    %swap3A_64 = tpu.vector_load %arg11[%swap3A_63] {strides = array<i32>} : memref<128xi32, #tpu.memory_space<vmem>>, vector<16xi32>,
    %swap3A_65 = vector.shape_cast %swap3A_64 : vector<16xi32> to vector<16xi32>
    %swap3A_66 = vector.shape_cast %get3A_62 : vector<16xi32> to vector<16xi32>
    tpu.vector_store %arg11[%swap3A_63], %swap3A_66 {strides = array<i32>} : memref<128xi32, #tpu.memory_space<vmem>>, vector<16xi32>,
    %get3A_67 = arith.constant 38 : i32
    %get3A_68 = arith.index_cast %get3A_67 : i32 to index
    %get3A_69 = arith.constant 64 : index
    %get3A_70 = tpu.vector_load %arg8[%get3A_68, %get3A_69] {strides = array<i32>} : memref<40x128xi32, #tpu.memory_space<vmem>>, vector<1x16xi32>,
    %get3A_71 = vector.shape_cast %get3A_70 : vector<1x16xi32> to vector<16xi32>
    %swap3A_72 = arith.constant 64 : index
    %swap3A_73 = tpu.vector_load %arg11[%swap3A_72] {strides = array<i32>} : memref<128xi32, #tpu.memory_space<vmem>>, vector<16xi32>,
    %swap3A_74 = vector.shape_cast %swap3A_73 : vector<16xi32> to vector<16xi32>
    %swap3A_75 = vector.shape_cast %get3A_71 : vector<16xi32> to vector<16xi32>
    tpu.vector_store %arg11[%swap3A_72], %swap3A_75 {strides = array<i32>} : memref<128xi32, #tpu.memory_space<vmem>>, vector<16xi32>,
    %get3A_76 = arith.constant 38 : i32
    %get3A_77 = arith.index_cast %get3A_76 : i32 to index
    %get3A_78 = arith.constant 80 : index
    %get3A_79 = tpu.vector_load %arg8[%get3A_77, %get3A_78] {strides = array<i32>} : memref<40x128xi32, #tpu.memory_space<vmem>>, vector<1x16xi32>,
    %get3A_80 = vector.shape_cast %get3A_79 : vector<1x16xi32> to vector<16xi32>
    %swap3A_81 = arith.constant 80 : index
    %swap3A_82 = tpu.vector_load %arg11[%swap3A_81] {strides = array<i32>} : memref<128xi32, #tpu.memory_space<vmem>>, vector<16xi32>,
    %swap3A_83 = vector.shape_cast %swap3A_82 : vector<16xi32> to vector<16xi32>
    %swap3A_84 = vector.shape_cast %get3A_80 : vector<16xi32> to vector<16xi32>
    tpu.vector_store %arg11[%swap3A_81], %swap3A_84 {strides = array<i32>} : memref<128xi32, #tpu.memory_space<vmem>>, vector<16xi32>,
    %get3A_85 = arith.constant 38 : i32
    %get3A_86 = arith.index_cast %get3A_85 : i32 to index
    %get3A_87 = arith.constant 96 : index
    %get3A_88 = tpu.vector_load %arg8[%get3A_86, %get3A_87] {strides = array<i32>} : memref<40x128xi32, #tpu.memory_space<vmem>>, vector<1x16xi32>,
    %get3A_89 = vector.shape_cast %get3A_88 : vector<1x16xi32> to vector<16xi32>
    %swap3A_90 = arith.constant 96 : index
    %swap3A_91 = tpu.vector_load %arg11[%swap3A_90] {strides = array<i32>} : memref<128xi32, #tpu.memory_space<vmem>>, vector<16xi32>,
    %swap3A_92 = vector.shape_cast %swap3A_91 : vector<16xi32> to vector<16xi32>
    %swap3A_93 = vector.shape_cast %get3A_89 : vector<16xi32> to vector<16xi32>
    tpu.vector_store %arg11[%swap3A_90], %swap3A_93 {strides = array<i32>} : memref<128xi32, #tpu.memory_space<vmem>>, vector<16xi32>,
    %get3A_94 = arith.constant 38 : i32
    %get3A_95 = arith.index_cast %get3A_94 : i32 to index
    %get3A_96 = arith.constant 112 : index
    %get3A_97 = tpu.vector_load %arg8[%get3A_95, %get3A_96] {strides = array<i32>} : memref<40x128xi32, #tpu.memory_space<vmem>>, vector<1x16xi32>,
    %get3A_98 = vector.shape_cast %get3A_97 : vector<1x16xi32> to vector<16xi32>
    %swap3A_99 = arith.constant 112 : index
    %swap3A_100 = tpu.vector_load %arg11[%swap3A_99] {strides = array<i32>} : memref<128xi32, #tpu.memory_space<vmem>>, vector<16xi32>,
    %swap3A_101 = vector.shape_cast %swap3A_100 : vector<16xi32> to vector<16xi32>
    %swap3A_102 = vector.shape_cast %get3A_98 : vector<16xi32> to vector<16xi32>
    tpu.vector_store %arg11[%swap3A_99], %swap3A_102 {strides = array<i32>} : memref<128xi32, #tpu.memory_space<vmem>>, vector<16xi32>,
    "tpu.region"() ({
      %run_scoped3A = tpu.sem_alloc : memref<!tpu.dma_semaphore, #tpu.memory_space<semaphore_mem>>
      %dma_start3A_369 = arith.constant 0 : i32
      %dma_start3A_370 = arith.constant 0 : i32
      %dma_start3A_371 = tpu.memref_slice %arg12[%dma_start3A_369, %dma_start3A_370] : memref<10112x128xf32, #tpu.memory_space<vmem_shared>> -> memref<10112x128xf32, #tpu.memory_space<vmem_shared>>
      tpu.enqueue_indirect_dma source(%arg9 : memref<128x128xf32, #tpu.memory_space<vmem>>) target(%dma_start3A_371 : memref<10112x128xf32, #tpu.memory_space<vmem_shared>>) offsets(%arg11 : memref<128xi32, #tpu.memory_space<vmem>>) semaphore(%run_scoped3A : memref<!tpu.dma_semaphore, #tpu.memory_space<semaphore_mem>>) {add = true}
      %dma_wait3A_372 = arith.constant 0 : i32
      %dma_wait3A_373 = arith.constant 0 : i32
      %dma_wait3A_374 = tpu.memref_slice %arg12[%dma_wait3A_372, %dma_wait3A_373] : memref<10112x128xf32, #tpu.memory_space<vmem_shared>> -> memref<10112x128xf32, #tpu.memory_space<vmem_shared>>
      tpu.wait_indirect_dma semaphore(%run_scoped3A : memref<!tpu.dma_semaphore, #tpu.memory_space<semaphore_mem>>) src(%arg9 : memref<128x128xf32, #tpu.memory_space<vmem>>) dst(%dma_wait3A_374 : memref<10112x128xf32, #tpu.memory_space<vmem_shared>>)
      tpu.yield
    }) : () -> ()
    %dma_wait3A_103 = arith.constant 39 : i32
    %dma_wait3A_104 = arith.constant 0 : i32
    %dma_wait3A_105 = tpu.memref_slice %arg7[%dma_wait3A_103, %dma_wait3A_104] : memref<40x128xi32, #tpu.memory_space<vmem>> -> memref<1x128xi32, #tpu.memory_space<vmem>>
    %dma_wait3A_106 = tpu.memref_squeeze %dma_wait3A_105 : memref<1x128xi32, #tpu.memory_space<vmem>> -> memref<128xi32, #tpu.memory_space<vmem>>
    %dma_wait3A_107 = arith.constant 0 : i32
    %dma_wait3A_108 = arith.constant 0 : i32
    %dma_wait3A_109 = tpu.memref_slice %arg2[%dma_wait3A_107, %dma_wait3A_108] : memref<10000x128xf32, #tpu.memory_space<hbm>> -> memref<10000x128xf32, #tpu.memory_space<hbm>>
    tpu.wait_indirect_dma semaphore(%arg14 : memref<!tpu.dma_semaphore, #tpu.memory_space<semaphore_mem>>) src(%dma_wait3A_109 : memref<10000x128xf32, #tpu.memory_space<hbm>>) dst(%arg10 : memref<128x128xf32, #tpu.memory_space<vmem>>)
    %get3A_110 = arith.constant 39 : i32
    %get3A_111 = arith.index_cast %get3A_110 : i32 to index
    %get3A_112 = arith.constant 0 : index
    %get3A_113 = tpu.vector_load %arg8[%get3A_111, %get3A_112] {strides = array<i32>} : memref<40x128xi32, #tpu.memory_space<vmem>>, vector<1x16xi32>,
    %get3A_114 = vector.shape_cast %get3A_113 : vector<1x16xi32> to vector<16xi32>
    %swap3A_115 = arith.constant 0 : index
    %swap3A_116 = tpu.vector_load %arg11[%swap3A_115] {strides = array<i32>} : memref<128xi32, #tpu.memory_space<vmem>>, vector<16xi32>,
    %swap3A_117 = vector.shape_cast %swap3A_116 : vector<16xi32> to vector<16xi32>
    %swap3A_118 = vector.shape_cast %get3A_114 : vector<16xi32> to vector<16xi32>
    tpu.vector_store %arg11[%swap3A_115], %swap3A_118 {strides = array<i32>} : memref<128xi32, #tpu.memory_space<vmem>>, vector<16xi32>,
    %get3A_119 = arith.constant 39 : i32
    %get3A_120 = arith.index_cast %get3A_119 : i32 to index
    %get3A_121 = arith.constant 16 : index
    %get3A_122 = tpu.vector_load %arg8[%get3A_120, %get3A_121] {strides = array<i32>} : memref<40x128xi32, #tpu.memory_space<vmem>>, vector<1x16xi32>,
    %get3A_123 = vector.shape_cast %get3A_122 : vector<1x16xi32> to vector<16xi32>
    %swap3A_124 = arith.constant 16 : index
    %swap3A_125 = tpu.vector_load %arg11[%swap3A_124] {strides = array<i32>} : memref<128xi32, #tpu.memory_space<vmem>>, vector<16xi32>,
    %swap3A_126 = vector.shape_cast %swap3A_125 : vector<16xi32> to vector<16xi32>
    %swap3A_127 = vector.shape_cast %get3A_123 : vector<16xi32> to vector<16xi32>
    tpu.vector_store %arg11[%swap3A_124], %swap3A_127 {strides = array<i32>} : memref<128xi32, #tpu.memory_space<vmem>>, vector<16xi32>,
    %get3A_128 = arith.constant 39 : i32
    %get3A_129 = arith.index_cast %get3A_128 : i32 to index
    %get3A_130 = arith.constant 32 : index
    %get3A_131 = tpu.vector_load %arg8[%get3A_129, %get3A_130] {strides = array<i32>} : memref<40x128xi32, #tpu.memory_space<vmem>>, vector<1x16xi32>,
    %get3A_132 = vector.shape_cast %get3A_131 : vector<1x16xi32> to vector<16xi32>
    %swap3A_133 = arith.constant 32 : index
    %swap3A_134 = tpu.vector_load %arg11[%swap3A_133] {strides = array<i32>} : memref<128xi32, #tpu.memory_space<vmem>>, vector<16xi32>,
    %swap3A_135 = vector.shape_cast %swap3A_134 : vector<16xi32> to vector<16xi32>
    %swap3A_136 = vector.shape_cast %get3A_132 : vector<16xi32> to vector<16xi32>
    tpu.vector_store %arg11[%swap3A_133], %swap3A_136 {strides = array<i32>} : memref<128xi32, #tpu.memory_space<vmem>>, vector<16xi32>,
    %get3A_137 = arith.constant 39 : i32
    %get3A_138 = arith.index_cast %get3A_137 : i32 to index
    %get3A_139 = arith.constant 48 : index
    %get3A_140 = tpu.vector_load %arg8[%get3A_138, %get3A_139] {strides = array<i32>} : memref<40x128xi32, #tpu.memory_space<vmem>>, vector<1x16xi32>,
    %get3A_141 = vector.shape_cast %get3A_140 : vector<1x16xi32> to vector<16xi32>
    %swap3A_142 = arith.constant 48 : index
    %swap3A_143 = tpu.vector_load %arg11[%swap3A_142] {strides = array<i32>} : memref<128xi32, #tpu.memory_space<vmem>>, vector<16xi32>,
    %swap3A_144 = vector.shape_cast %swap3A_143 : vector<16xi32> to vector<16xi32>
    %swap3A_145 = vector.shape_cast %get3A_141 : vector<16xi32> to vector<16xi32>
    tpu.vector_store %arg11[%swap3A_142], %swap3A_145 {strides = array<i32>} : memref<128xi32, #tpu.memory_space<vmem>>, vector<16xi32>,
    %get3A_146 = arith.constant 39 : i32
    %get3A_147 = arith.index_cast %get3A_146 : i32 to index
    %get3A_148 = arith.constant 64 : index
    %get3A_149 = tpu.vector_load %arg8[%get3A_147, %get3A_148] {strides = array<i32>} : memref<40x128xi32, #tpu.memory_space<vmem>>, vector<1x16xi32>,
    %get3A_150 = vector.shape_cast %get3A_149 : vector<1x16xi32> to vector<16xi32>
    %swap3A_151 = arith.constant 64 : index
    %swap3A_152 = tpu.vector_load %arg11[%swap3A_151] {strides = array<i32>} : memref<128xi32, #tpu.memory_space<vmem>>, vector<16xi32>,
    %swap3A_153 = vector.shape_cast %swap3A_152 : vector<16xi32> to vector<16xi32>
    %swap3A_154 = vector.shape_cast %get3A_150 : vector<16xi32> to vector<16xi32>
    tpu.vector_store %arg11[%swap3A_151], %swap3A_154 {strides = array<i32>} : memref<128xi32, #tpu.memory_space<vmem>>, vector<16xi32>,
    %get3A_155 = arith.constant 39 : i32
    %get3A_156 = arith.index_cast %get3A_155 : i32 to index
    %get3A_157 = arith.constant 80 : index
    %get3A_158 = tpu.vector_load %arg8[%get3A_156, %get3A_157] {strides = array<i32>} : memref<40x128xi32, #tpu.memory_space<vmem>>, vector<1x16xi32>,
    %get3A_159 = vector.shape_cast %get3A_158 : vector<1x16xi32> to vector<16xi32>
    %swap3A_160 = arith.constant 80 : index
    %swap3A_161 = tpu.vector_load %arg11[%swap3A_160] {strides = array<i32>} : memref<128xi32, #tpu.memory_space<vmem>>, vector<16xi32>,
    %swap3A_162 = vector.shape_cast %swap3A_161 : vector<16xi32> to vector<16xi32>
    %swap3A_163 = vector.shape_cast %get3A_159 : vector<16xi32> to vector<16xi32>
    tpu.vector_store %arg11[%swap3A_160], %swap3A_163 {strides = array<i32>} : memref<128xi32, #tpu.memory_space<vmem>>, vector<16xi32>,
    %get3A_164 = arith.constant 39 : i32
    %get3A_165 = arith.index_cast %get3A_164 : i32 to index
    %get3A_166 = arith.constant 96 : index
    %get3A_167 = tpu.vector_load %arg8[%get3A_165, %get3A_166] {strides = array<i32>} : memref<40x128xi32, #tpu.memory_space<vmem>>, vector<1x16xi32>,
    %get3A_168 = vector.shape_cast %get3A_167 : vector<1x16xi32> to vector<16xi32>
    %swap3A_169 = arith.constant 96 : index
    %swap3A_170 = tpu.vector_load %arg11[%swap3A_169] {strides = array<i32>} : memref<128xi32, #tpu.memory_space<vmem>>, vector<16xi32>,
    %swap3A_171 = vector.shape_cast %swap3A_170 : vector<16xi32> to vector<16xi32>
    %swap3A_172 = vector.shape_cast %get3A_168 : vector<16xi32> to vector<16xi32>
    tpu.vector_store %arg11[%swap3A_169], %swap3A_172 {strides = array<i32>} : memref<128xi32, #tpu.memory_space<vmem>>, vector<16xi32>,
    %get3A_173 = arith.constant 39 : i32
    %get3A_174 = arith.index_cast %get3A_173 : i32 to index
    %get3A_175 = arith.constant 112 : index
    %get3A_176 = tpu.vector_load %arg8[%get3A_174, %get3A_175] {strides = array<i32>} : memref<40x128xi32, #tpu.memory_space<vmem>>, vector<1x16xi32>,
    %get3A_177 = vector.shape_cast %get3A_176 : vector<1x16xi32> to vector<16xi32>
    %swap3A_178 = arith.constant 112 : index
    %swap3A_179 = tpu.vector_load %arg11[%swap3A_178] {strides = array<i32>} : memref<128xi32, #tpu.memory_space<vmem>>, vector<16xi32>,
    %swap3A_180 = vector.shape_cast %swap3A_179 : vector<16xi32> to vector<16xi32>
    %swap3A_181 = vector.shape_cast %get3A_177 : vector<16xi32> to vector<16xi32>
    tpu.vector_store %arg11[%swap3A_178], %swap3A_181 {strides = array<i32>} : memref<128xi32, #tpu.memory_space<vmem>>, vector<16xi32>,
    "tpu.region"() ({
      %run_scoped3A = tpu.sem_alloc : memref<!tpu.dma_semaphore, #tpu.memory_space<semaphore_mem>>
      %dma_start3A_369 = arith.constant 0 : i32
      %dma_start3A_370 = arith.constant 0 : i32
      %dma_start3A_371 = tpu.memref_slice %arg12[%dma_start3A_369, %dma_start3A_370] : memref<10112x128xf32, #tpu.memory_space<vmem_shared>> -> memref<10112x128xf32, #tpu.memory_space<vmem_shared>>
      tpu.enqueue_indirect_dma source(%arg10 : memref<128x128xf32, #tpu.memory_space<vmem>>) target(%dma_start3A_371 : memref<10112x128xf32, #tpu.memory_space<vmem_shared>>) offsets(%arg11 : memref<128xi32, #tpu.memory_space<vmem>>) semaphore(%run_scoped3A : memref<!tpu.dma_semaphore, #tpu.memory_space<semaphore_mem>>) {add = true}
      %dma_wait3A_372 = arith.constant 0 : i32
      %dma_wait3A_373 = arith.constant 0 : i32
      %dma_wait3A_374 = tpu.memref_slice %arg12[%dma_wait3A_372, %dma_wait3A_373] : memref<10112x128xf32, #tpu.memory_space<vmem_shared>> -> memref<10112x128xf32, #tpu.memory_space<vmem_shared>>
      tpu.wait_indirect_dma semaphore(%run_scoped3A : memref<!tpu.dma_semaphore, #tpu.memory_space<semaphore_mem>>) src(%arg10 : memref<128x128xf32, #tpu.memory_space<vmem>>) dst(%dma_wait3A_374 : memref<10112x128xf32, #tpu.memory_space<vmem_shared>>)
      tpu.yield
    }) : () -> ()
    %mul3A_182 = arith.constant 80 : i32
    %mul3A_183 = arith.muli %add3A, %mul3A_182 : i32
    %add3A_184 = arith.constant 40 : i32
    %add3A_185 = arith.addi %mul3A_183, %add3A_184 : i32
    "tpu.region"() ({
      %run_scoped3A = tpu.sem_alloc : memref<!tpu.dma_semaphore, #tpu.memory_space<semaphore_mem>>
      %dma_start3A_369 = arith.constant 0 : i32
      %dma_start3A_370 = tpu.memref_slice %arg3[%add3A_185, %dma_start3A_369] : memref<2560x128xi32, #tpu.memory_space<hbm>> -> memref<40x128xi32, #tpu.memory_space<hbm>>
      %dma_start3A_371 = arith.constant 0 : i32
      %dma_start3A_372 = tpu.memref_slice %arg3[%add3A_185, %dma_start3A_371] : memref<2560x128xi32, #tpu.memory_space<hbm>> -> memref<40x128xi32, #tpu.memory_space<hbm>>
      tpu.enqueue_dma source(%dma_start3A_372 : memref<40x128xi32, #tpu.memory_space<hbm>>) target(%arg7 : memref<40x128xi32, #tpu.memory_space<vmem>>) target_semaphore(%run_scoped3A : memref<!tpu.dma_semaphore, #tpu.memory_space<semaphore_mem>>)
      %dma_wait3A_373 = arith.constant 0 : i32
      %dma_wait3A_374 = tpu.memref_slice %arg3[%add3A_185, %dma_wait3A_373] : memref<2560x128xi32, #tpu.memory_space<hbm>> -> memref<40x128xi32, #tpu.memory_space<hbm>>
      %dma_wait3A_375 = arith.constant 0 : i32
      %dma_wait3A_376 = tpu.memref_slice %arg3[%add3A_185, %dma_wait3A_375] : memref<2560x128xi32, #tpu.memory_space<hbm>> -> memref<40x128xi32, #tpu.memory_space<hbm>>
      tpu.wait_dma2 semaphore(%run_scoped3A : memref<!tpu.dma_semaphore, #tpu.memory_space<semaphore_mem>>) src(%dma_wait3A_376 : memref<40x128xi32, #tpu.memory_space<hbm>>) dst(%arg7 : memref<40x128xi32, #tpu.memory_space<vmem>>)
      tpu.yield
    }) : () -> ()
    "tpu.region"() ({
      %run_scoped3A = tpu.sem_alloc : memref<!tpu.dma_semaphore, #tpu.memory_space<semaphore_mem>>
      %dma_start3A_369 = arith.constant 0 : i32
      %dma_start3A_370 = tpu.memref_slice %arg4[%add3A_185, %dma_start3A_369] : memref<2560x128xi32, #tpu.memory_space<hbm>> -> memref<40x128xi32, #tpu.memory_space<hbm>>
      %dma_start3A_371 = arith.constant 0 : i32
      %dma_start3A_372 = tpu.memref_slice %arg4[%add3A_185, %dma_start3A_371] : memref<2560x128xi32, #tpu.memory_space<hbm>> -> memref<40x128xi32, #tpu.memory_space<hbm>>
      tpu.enqueue_dma source(%dma_start3A_372 : memref<40x128xi32, #tpu.memory_space<hbm>>) target(%arg8 : memref<40x128xi32, #tpu.memory_space<vmem>>) target_semaphore(%run_scoped3A : memref<!tpu.dma_semaphore, #tpu.memory_space<semaphore_mem>>)
      %dma_wait3A_373 = arith.constant 0 : i32
      %dma_wait3A_374 = tpu.memref_slice %arg4[%add3A_185, %dma_wait3A_373] : memref<2560x128xi32, #tpu.memory_space<hbm>> -> memref<40x128xi32, #tpu.memory_space<hbm>>
      %dma_wait3A_375 = arith.constant 0 : i32
      %dma_wait3A_376 = tpu.memref_slice %arg4[%add3A_185, %dma_wait3A_375] : memref<2560x128xi32, #tpu.memory_space<hbm>> -> memref<40x128xi32, #tpu.memory_space<hbm>>
      tpu.wait_dma2 semaphore(%run_scoped3A : memref<!tpu.dma_semaphore, #tpu.memory_space<semaphore_mem>>) src(%dma_wait3A_376 : memref<40x128xi32, #tpu.memory_space<hbm>>) dst(%arg8 : memref<40x128xi32, #tpu.memory_space<vmem>>)
      tpu.yield
    }) : () -> ()
    %dma_start3A_186 = arith.constant 0 : i32
    %dma_start3A_187 = arith.constant 0 : i32
    %dma_start3A_188 = tpu.memref_slice %arg7[%dma_start3A_186, %dma_start3A_187] : memref<40x128xi32, #tpu.memory_space<vmem>> -> memref<1x128xi32, #tpu.memory_space<vmem>>
    %dma_start3A_189 = tpu.memref_squeeze %dma_start3A_188 : memref<1x128xi32, #tpu.memory_space<vmem>> -> memref<128xi32, #tpu.memory_space<vmem>>
    %dma_start3A_190 = arith.constant 0 : i32
    %dma_start3A_191 = arith.constant 0 : i32
    %dma_start3A_192 = tpu.memref_slice %arg2[%dma_start3A_190, %dma_start3A_191] : memref<10000x128xf32, #tpu.memory_space<hbm>> -> memref<10000x128xf32, #tpu.memory_space<hbm>>
    tpu.enqueue_indirect_dma source(%dma_start3A_192 : memref<10000x128xf32, #tpu.memory_space<hbm>>) target(%arg9 : memref<128x128xf32, #tpu.memory_space<vmem>>) offsets(%dma_start3A_189 : memref<128xi32, #tpu.memory_space<vmem>>) semaphore(%arg13 : memref<!tpu.dma_semaphore, #tpu.memory_space<semaphore_mem>>)
    %scan3A_193 = arith.constant 0 : i32
    %scan3A_194 = arith.constant 0 : i32
    %scan3A_195 = arith.constant 19 : i32
    %scan3A_196 = arith.addi %scan3A_194, %scan3A_195 : i32
    %scan3A_197 = arith.constant 1 : i32
    scf.for %scan3A_369 = %scan3A_194 to %scan3A_196 step %scan3A_197  : i32 {
      %mul3A_370 = arith.constant 2 : i32
      %mul3A_371 = arith.muli %mul3A_370, %scan3A_369 : i32
      %add3A_372 = arith.constant 1 : i32
      %add3A_373 = arith.addi %mul3A_371, %add3A_372 : i32
      %dma_start3A_374 = arith.constant 0 : i32
      %dma_start3A_375 = tpu.memref_slice %arg7[%add3A_373, %dma_start3A_374] : memref<40x128xi32, #tpu.memory_space<vmem>> -> memref<1x128xi32, #tpu.memory_space<vmem>>
      %dma_start3A_376 = tpu.memref_squeeze %dma_start3A_375 : memref<1x128xi32, #tpu.memory_space<vmem>> -> memref<128xi32, #tpu.memory_space<vmem>>
      %dma_start3A_377 = arith.constant 0 : i32
      %dma_start3A_378 = arith.constant 0 : i32
      %dma_start3A_379 = tpu.memref_slice %arg2[%dma_start3A_377, %dma_start3A_378] : memref<10000x128xf32, #tpu.memory_space<hbm>> -> memref<10000x128xf32, #tpu.memory_space<hbm>>
      tpu.enqueue_indirect_dma source(%dma_start3A_379 : memref<10000x128xf32, #tpu.memory_space<hbm>>) target(%arg10 : memref<128x128xf32, #tpu.memory_space<vmem>>) offsets(%dma_start3A_376 : memref<128xi32, #tpu.memory_space<vmem>>) semaphore(%arg14 : memref<!tpu.dma_semaphore, #tpu.memory_space<semaphore_mem>>)
      %dma_wait3A_380 = arith.constant 0 : i32
      %dma_wait3A_381 = tpu.memref_slice %arg7[%mul3A_371, %dma_wait3A_380] : memref<40x128xi32, #tpu.memory_space<vmem>> -> memref<1x128xi32, #tpu.memory_space<vmem>>
      %dma_wait3A_382 = tpu.memref_squeeze %dma_wait3A_381 : memref<1x128xi32, #tpu.memory_space<vmem>> -> memref<128xi32, #tpu.memory_space<vmem>>
      %dma_wait3A_383 = arith.constant 0 : i32
      %dma_wait3A_384 = arith.constant 0 : i32
      %dma_wait3A_385 = tpu.memref_slice %arg2[%dma_wait3A_383, %dma_wait3A_384] : memref<10000x128xf32, #tpu.memory_space<hbm>> -> memref<10000x128xf32, #tpu.memory_space<hbm>>
      tpu.wait_indirect_dma semaphore(%arg13 : memref<!tpu.dma_semaphore, #tpu.memory_space<semaphore_mem>>) src(%dma_wait3A_385 : memref<10000x128xf32, #tpu.memory_space<hbm>>) dst(%arg9 : memref<128x128xf32, #tpu.memory_space<vmem>>)
      %get3A_386 = arith.index_cast %mul3A_371 : i32 to index
      %get3A_387 = arith.constant 0 : index
      %get3A_388 = tpu.vector_load %arg8[%get3A_386, %get3A_387] {strides = array<i32>} : memref<40x128xi32, #tpu.memory_space<vmem>>, vector<1x16xi32>,
      %get3A_389 = vector.shape_cast %get3A_388 : vector<1x16xi32> to vector<16xi32>
      %swap3A_390 = arith.constant 0 : index
      %swap3A_391 = tpu.vector_load %arg11[%swap3A_390] {strides = array<i32>} : memref<128xi32, #tpu.memory_space<vmem>>, vector<16xi32>,
      %swap3A_392 = vector.shape_cast %swap3A_391 : vector<16xi32> to vector<16xi32>
      %swap3A_393 = vector.shape_cast %get3A_389 : vector<16xi32> to vector<16xi32>
      tpu.vector_store %arg11[%swap3A_390], %swap3A_393 {strides = array<i32>} : memref<128xi32, #tpu.memory_space<vmem>>, vector<16xi32>,
      %get3A_394 = arith.index_cast %mul3A_371 : i32 to index
      %get3A_395 = arith.constant 16 : index
      %get3A_396 = tpu.vector_load %arg8[%get3A_394, %get3A_395] {strides = array<i32>} : memref<40x128xi32, #tpu.memory_space<vmem>>, vector<1x16xi32>,
      %get3A_397 = vector.shape_cast %get3A_396 : vector<1x16xi32> to vector<16xi32>
      %swap3A_398 = arith.constant 16 : index
      %swap3A_399 = tpu.vector_load %arg11[%swap3A_398] {strides = array<i32>} : memref<128xi32, #tpu.memory_space<vmem>>, vector<16xi32>,
      %swap3A_400 = vector.shape_cast %swap3A_399 : vector<16xi32> to vector<16xi32>
      %swap3A_401 = vector.shape_cast %get3A_397 : vector<16xi32> to vector<16xi32>
      tpu.vector_store %arg11[%swap3A_398], %swap3A_401 {strides = array<i32>} : memref<128xi32, #tpu.memory_space<vmem>>, vector<16xi32>,
      %get3A_402 = arith.index_cast %mul3A_371 : i32 to index
      %get3A_403 = arith.constant 32 : index
      %get3A_404 = tpu.vector_load %arg8[%get3A_402, %get3A_403] {strides = array<i32>} : memref<40x128xi32, #tpu.memory_space<vmem>>, vector<1x16xi32>,
      %get3A_405 = vector.shape_cast %get3A_404 : vector<1x16xi32> to vector<16xi32>
      %swap3A_406 = arith.constant 32 : index
      %swap3A_407 = tpu.vector_load %arg11[%swap3A_406] {strides = array<i32>} : memref<128xi32, #tpu.memory_space<vmem>>, vector<16xi32>,
      %swap3A_408 = vector.shape_cast %swap3A_407 : vector<16xi32> to vector<16xi32>
      %swap3A_409 = vector.shape_cast %get3A_405 : vector<16xi32> to vector<16xi32>
      tpu.vector_store %arg11[%swap3A_406], %swap3A_409 {strides = array<i32>} : memref<128xi32, #tpu.memory_space<vmem>>, vector<16xi32>,
      %get3A_410 = arith.index_cast %mul3A_371 : i32 to index
      %get3A_411 = arith.constant 48 : index
      %get3A_412 = tpu.vector_load %arg8[%get3A_410, %get3A_411] {strides = array<i32>} : memref<40x128xi32, #tpu.memory_space<vmem>>, vector<1x16xi32>,
      %get3A_413 = vector.shape_cast %get3A_412 : vector<1x16xi32> to vector<16xi32>
      %swap3A_414 = arith.constant 48 : index
      %swap3A_415 = tpu.vector_load %arg11[%swap3A_414] {strides = array<i32>} : memref<128xi32, #tpu.memory_space<vmem>>, vector<16xi32>,
      %swap3A_416 = vector.shape_cast %swap3A_415 : vector<16xi32> to vector<16xi32>
      %swap3A_417 = vector.shape_cast %get3A_413 : vector<16xi32> to vector<16xi32>
      tpu.vector_store %arg11[%swap3A_414], %swap3A_417 {strides = array<i32>} : memref<128xi32, #tpu.memory_space<vmem>>, vector<16xi32>,
      %get3A_418 = arith.index_cast %mul3A_371 : i32 to index
      %get3A_419 = arith.constant 64 : index
      %get3A_420 = tpu.vector_load %arg8[%get3A_418, %get3A_419] {strides = array<i32>} : memref<40x128xi32, #tpu.memory_space<vmem>>, vector<1x16xi32>,
      %get3A_421 = vector.shape_cast %get3A_420 : vector<1x16xi32> to vector<16xi32>
      %swap3A_422 = arith.constant 64 : index
      %swap3A_423 = tpu.vector_load %arg11[%swap3A_422] {strides = array<i32>} : memref<128xi32, #tpu.memory_space<vmem>>, vector<16xi32>,
      %swap3A_424 = vector.shape_cast %swap3A_423 : vector<16xi32> to vector<16xi32>
      %swap3A_425 = vector.shape_cast %get3A_421 : vector<16xi32> to vector<16xi32>
      tpu.vector_store %arg11[%swap3A_422], %swap3A_425 {strides = array<i32>} : memref<128xi32, #tpu.memory_space<vmem>>, vector<16xi32>,
      %get3A_426 = arith.index_cast %mul3A_371 : i32 to index
      %get3A_427 = arith.constant 80 : index
      %get3A_428 = tpu.vector_load %arg8[%get3A_426, %get3A_427] {strides = array<i32>} : memref<40x128xi32, #tpu.memory_space<vmem>>, vector<1x16xi32>,
      %get3A_429 = vector.shape_cast %get3A_428 : vector<1x16xi32> to vector<16xi32>
      %swap3A_430 = arith.constant 80 : index
      %swap3A_431 = tpu.vector_load %arg11[%swap3A_430] {strides = array<i32>} : memref<128xi32, #tpu.memory_space<vmem>>, vector<16xi32>,
      %swap3A_432 = vector.shape_cast %swap3A_431 : vector<16xi32> to vector<16xi32>
      %swap3A_433 = vector.shape_cast %get3A_429 : vector<16xi32> to vector<16xi32>
      tpu.vector_store %arg11[%swap3A_430], %swap3A_433 {strides = array<i32>} : memref<128xi32, #tpu.memory_space<vmem>>, vector<16xi32>,
      %get3A_434 = arith.index_cast %mul3A_371 : i32 to index
      %get3A_435 = arith.constant 96 : index
      %get3A_436 = tpu.vector_load %arg8[%get3A_434, %get3A_435] {strides = array<i32>} : memref<40x128xi32, #tpu.memory_space<vmem>>, vector<1x16xi32>,
      %get3A_437 = vector.shape_cast %get3A_436 : vector<1x16xi32> to vector<16xi32>
      %swap3A_438 = arith.constant 96 : index
      %swap3A_439 = tpu.vector_load %arg11[%swap3A_438] {strides = array<i32>} : memref<128xi32, #tpu.memory_space<vmem>>, vector<16xi32>,
      %swap3A_440 = vector.shape_cast %swap3A_439 : vector<16xi32> to vector<16xi32>
      %swap3A_441 = vector.shape_cast %get3A_437 : vector<16xi32> to vector<16xi32>
      tpu.vector_store %arg11[%swap3A_438], %swap3A_441 {strides = array<i32>} : memref<128xi32, #tpu.memory_space<vmem>>, vector<16xi32>,
      %get3A_442 = arith.index_cast %mul3A_371 : i32 to index
      %get3A_443 = arith.constant 112 : index
      %get3A_444 = tpu.vector_load %arg8[%get3A_442, %get3A_443] {strides = array<i32>} : memref<40x128xi32, #tpu.memory_space<vmem>>, vector<1x16xi32>,
      %get3A_445 = vector.shape_cast %get3A_444 : vector<1x16xi32> to vector<16xi32>
      %swap3A_446 = arith.constant 112 : index
      %swap3A_447 = tpu.vector_load %arg11[%swap3A_446] {strides = array<i32>} : memref<128xi32, #tpu.memory_space<vmem>>, vector<16xi32>,
      %swap3A_448 = vector.shape_cast %swap3A_447 : vector<16xi32> to vector<16xi32>
      %swap3A_449 = vector.shape_cast %get3A_445 : vector<16xi32> to vector<16xi32>
      tpu.vector_store %arg11[%swap3A_446], %swap3A_449 {strides = array<i32>} : memref<128xi32, #tpu.memory_space<vmem>>, vector<16xi32>,
      "tpu.region"() ({
        %run_scoped3A = tpu.sem_alloc : memref<!tpu.dma_semaphore, #tpu.memory_space<semaphore_mem>>
        %dma_start3A_532 = arith.constant 0 : i32
        %dma_start3A_533 = arith.constant 0 : i32
        %dma_start3A_534 = tpu.memref_slice %arg12[%dma_start3A_532, %dma_start3A_533] : memref<10112x128xf32, #tpu.memory_space<vmem_shared>> -> memref<10112x128xf32, #tpu.memory_space<vmem_shared>>
        tpu.enqueue_indirect_dma source(%arg9 : memref<128x128xf32, #tpu.memory_space<vmem>>) target(%dma_start3A_534 : memref<10112x128xf32, #tpu.memory_space<vmem_shared>>) offsets(%arg11 : memref<128xi32, #tpu.memory_space<vmem>>) semaphore(%run_scoped3A : memref<!tpu.dma_semaphore, #tpu.memory_space<semaphore_mem>>) {add = true}
        %dma_wait3A_535 = arith.constant 0 : i32
        %dma_wait3A_536 = arith.constant 0 : i32
        %dma_wait3A_537 = tpu.memref_slice %arg12[%dma_wait3A_535, %dma_wait3A_536] : memref<10112x128xf32, #tpu.memory_space<vmem_shared>> -> memref<10112x128xf32, #tpu.memory_space<vmem_shared>>
        tpu.wait_indirect_dma semaphore(%run_scoped3A : memref<!tpu.dma_semaphore, #tpu.memory_space<semaphore_mem>>) src(%arg9 : memref<128x128xf32, #tpu.memory_space<vmem>>) dst(%dma_wait3A_537 : memref<10112x128xf32, #tpu.memory_space<vmem_shared>>)
        tpu.yield
      }) : () -> ()
      %add3A_450 = arith.constant 2 : i32
      %add3A_451 = arith.addi %mul3A_371, %add3A_450 : i32
      %dma_start3A_452 = arith.constant 0 : i32
      %dma_start3A_453 = tpu.memref_slice %arg7[%add3A_451, %dma_start3A_452] : memref<40x128xi32, #tpu.memory_space<vmem>> -> memref<1x128xi32, #tpu.memory_space<vmem>>
      %dma_start3A_454 = tpu.memref_squeeze %dma_start3A_453 : memref<1x128xi32, #tpu.memory_space<vmem>> -> memref<128xi32, #tpu.memory_space<vmem>>
      %dma_start3A_455 = arith.constant 0 : i32
      %dma_start3A_456 = arith.constant 0 : i32
      %dma_start3A_457 = tpu.memref_slice %arg2[%dma_start3A_455, %dma_start3A_456] : memref<10000x128xf32, #tpu.memory_space<hbm>> -> memref<10000x128xf32, #tpu.memory_space<hbm>>
      tpu.enqueue_indirect_dma source(%dma_start3A_457 : memref<10000x128xf32, #tpu.memory_space<hbm>>) target(%arg9 : memref<128x128xf32, #tpu.memory_space<vmem>>) offsets(%dma_start3A_454 : memref<128xi32, #tpu.memory_space<vmem>>) semaphore(%arg13 : memref<!tpu.dma_semaphore, #tpu.memory_space<semaphore_mem>>)
      %add3A_458 = arith.constant 1 : i32
      %add3A_459 = arith.addi %mul3A_371, %add3A_458 : i32
      %dma_wait3A_460 = arith.constant 0 : i32
      %dma_wait3A_461 = tpu.memref_slice %arg7[%add3A_459, %dma_wait3A_460] : memref<40x128xi32, #tpu.memory_space<vmem>> -> memref<1x128xi32, #tpu.memory_space<vmem>>
      %dma_wait3A_462 = tpu.memref_squeeze %dma_wait3A_461 : memref<1x128xi32, #tpu.memory_space<vmem>> -> memref<128xi32, #tpu.memory_space<vmem>>
      %dma_wait3A_463 = arith.constant 0 : i32
      %dma_wait3A_464 = arith.constant 0 : i32
      %dma_wait3A_465 = tpu.memref_slice %arg2[%dma_wait3A_463, %dma_wait3A_464] : memref<10000x128xf32, #tpu.memory_space<hbm>> -> memref<10000x128xf32, #tpu.memory_space<hbm>>
      tpu.wait_indirect_dma semaphore(%arg14 : memref<!tpu.dma_semaphore, #tpu.memory_space<semaphore_mem>>) src(%dma_wait3A_465 : memref<10000x128xf32, #tpu.memory_space<hbm>>) dst(%arg10 : memref<128x128xf32, #tpu.memory_space<vmem>>)
      %add3A_466 = arith.constant 1 : i32
      %add3A_467 = arith.addi %mul3A_371, %add3A_466 : i32
      %get3A_468 = arith.index_cast %add3A_467 : i32 to index
      %get3A_469 = arith.constant 0 : index
      %get3A_470 = tpu.vector_load %arg8[%get3A_468, %get3A_469] {strides = array<i32>} : memref<40x128xi32, #tpu.memory_space<vmem>>, vector<1x16xi32>,
      %get3A_471 = vector.shape_cast %get3A_470 : vector<1x16xi32> to vector<16xi32>
      %swap3A_472 = arith.constant 0 : index
      %swap3A_473 = tpu.vector_load %arg11[%swap3A_472] {strides = array<i32>} : memref<128xi32, #tpu.memory_space<vmem>>, vector<16xi32>,
      %swap3A_474 = vector.shape_cast %swap3A_473 : vector<16xi32> to vector<16xi32>
      %swap3A_475 = vector.shape_cast %get3A_471 : vector<16xi32> to vector<16xi32>
      tpu.vector_store %arg11[%swap3A_472], %swap3A_475 {strides = array<i32>} : memref<128xi32, #tpu.memory_space<vmem>>, vector<16xi32>,
      %get3A_476 = arith.index_cast %add3A_467 : i32 to index
      %get3A_477 = arith.constant 16 : index
      %get3A_478 = tpu.vector_load %arg8[%get3A_476, %get3A_477] {strides = array<i32>} : memref<40x128xi32, #tpu.memory_space<vmem>>, vector<1x16xi32>,
      %get3A_479 = vector.shape_cast %get3A_478 : vector<1x16xi32> to vector<16xi32>
      %swap3A_480 = arith.constant 16 : index
      %swap3A_481 = tpu.vector_load %arg11[%swap3A_480] {strides = array<i32>} : memref<128xi32, #tpu.memory_space<vmem>>, vector<16xi32>,
      %swap3A_482 = vector.shape_cast %swap3A_481 : vector<16xi32> to vector<16xi32>
      %swap3A_483 = vector.shape_cast %get3A_479 : vector<16xi32> to vector<16xi32>
      tpu.vector_store %arg11[%swap3A_480], %swap3A_483 {strides = array<i32>} : memref<128xi32, #tpu.memory_space<vmem>>, vector<16xi32>,
      %get3A_484 = arith.index_cast %add3A_467 : i32 to index
      %get3A_485 = arith.constant 32 : index
      %get3A_486 = tpu.vector_load %arg8[%get3A_484, %get3A_485] {strides = array<i32>} : memref<40x128xi32, #tpu.memory_space<vmem>>, vector<1x16xi32>,
      %get3A_487 = vector.shape_cast %get3A_486 : vector<1x16xi32> to vector<16xi32>
      %swap3A_488 = arith.constant 32 : index
      %swap3A_489 = tpu.vector_load %arg11[%swap3A_488] {strides = array<i32>} : memref<128xi32, #tpu.memory_space<vmem>>, vector<16xi32>,
      %swap3A_490 = vector.shape_cast %swap3A_489 : vector<16xi32> to vector<16xi32>
      %swap3A_491 = vector.shape_cast %get3A_487 : vector<16xi32> to vector<16xi32>
      tpu.vector_store %arg11[%swap3A_488], %swap3A_491 {strides = array<i32>} : memref<128xi32, #tpu.memory_space<vmem>>, vector<16xi32>,
      %get3A_492 = arith.index_cast %add3A_467 : i32 to index
      %get3A_493 = arith.constant 48 : index
      %get3A_494 = tpu.vector_load %arg8[%get3A_492, %get3A_493] {strides = array<i32>} : memref<40x128xi32, #tpu.memory_space<vmem>>, vector<1x16xi32>,
      %get3A_495 = vector.shape_cast %get3A_494 : vector<1x16xi32> to vector<16xi32>
      %swap3A_496 = arith.constant 48 : index
      %swap3A_497 = tpu.vector_load %arg11[%swap3A_496] {strides = array<i32>} : memref<128xi32, #tpu.memory_space<vmem>>, vector<16xi32>,
      %swap3A_498 = vector.shape_cast %swap3A_497 : vector<16xi32> to vector<16xi32>
      %swap3A_499 = vector.shape_cast %get3A_495 : vector<16xi32> to vector<16xi32>
      tpu.vector_store %arg11[%swap3A_496], %swap3A_499 {strides = array<i32>} : memref<128xi32, #tpu.memory_space<vmem>>, vector<16xi32>,
      %get3A_500 = arith.index_cast %add3A_467 : i32 to index
      %get3A_501 = arith.constant 64 : index
      %get3A_502 = tpu.vector_load %arg8[%get3A_500, %get3A_501] {strides = array<i32>} : memref<40x128xi32, #tpu.memory_space<vmem>>, vector<1x16xi32>,
      %get3A_503 = vector.shape_cast %get3A_502 : vector<1x16xi32> to vector<16xi32>
      %swap3A_504 = arith.constant 64 : index
      %swap3A_505 = tpu.vector_load %arg11[%swap3A_504] {strides = array<i32>} : memref<128xi32, #tpu.memory_space<vmem>>, vector<16xi32>,
      %swap3A_506 = vector.shape_cast %swap3A_505 : vector<16xi32> to vector<16xi32>
      %swap3A_507 = vector.shape_cast %get3A_503 : vector<16xi32> to vector<16xi32>
      tpu.vector_store %arg11[%swap3A_504], %swap3A_507 {strides = array<i32>} : memref<128xi32, #tpu.memory_space<vmem>>, vector<16xi32>,
      %get3A_508 = arith.index_cast %add3A_467 : i32 to index
      %get3A_509 = arith.constant 80 : index
      %get3A_510 = tpu.vector_load %arg8[%get3A_508, %get3A_509] {strides = array<i32>} : memref<40x128xi32, #tpu.memory_space<vmem>>, vector<1x16xi32>,
      %get3A_511 = vector.shape_cast %get3A_510 : vector<1x16xi32> to vector<16xi32>
      %swap3A_512 = arith.constant 80 : index
      %swap3A_513 = tpu.vector_load %arg11[%swap3A_512] {strides = array<i32>} : memref<128xi32, #tpu.memory_space<vmem>>, vector<16xi32>,
      %swap3A_514 = vector.shape_cast %swap3A_513 : vector<16xi32> to vector<16xi32>
      %swap3A_515 = vector.shape_cast %get3A_511 : vector<16xi32> to vector<16xi32>
      tpu.vector_store %arg11[%swap3A_512], %swap3A_515 {strides = array<i32>} : memref<128xi32, #tpu.memory_space<vmem>>, vector<16xi32>,
      %get3A_516 = arith.index_cast %add3A_467 : i32 to index
      %get3A_517 = arith.constant 96 : index
      %get3A_518 = tpu.vector_load %arg8[%get3A_516, %get3A_517] {strides = array<i32>} : memref<40x128xi32, #tpu.memory_space<vmem>>, vector<1x16xi32>,
      %get3A_519 = vector.shape_cast %get3A_518 : vector<1x16xi32> to vector<16xi32>
      %swap3A_520 = arith.constant 96 : index
      %swap3A_521 = tpu.vector_load %arg11[%swap3A_520] {strides = array<i32>} : memref<128xi32, #tpu.memory_space<vmem>>, vector<16xi32>,
      %swap3A_522 = vector.shape_cast %swap3A_521 : vector<16xi32> to vector<16xi32>
      %swap3A_523 = vector.shape_cast %get3A_519 : vector<16xi32> to vector<16xi32>
      tpu.vector_store %arg11[%swap3A_520], %swap3A_523 {strides = array<i32>} : memref<128xi32, #tpu.memory_space<vmem>>, vector<16xi32>,
      %get3A_524 = arith.index_cast %add3A_467 : i32 to index
      %get3A_525 = arith.constant 112 : index
      %get3A_526 = tpu.vector_load %arg8[%get3A_524, %get3A_525] {strides = array<i32>} : memref<40x128xi32, #tpu.memory_space<vmem>>, vector<1x16xi32>,
      %get3A_527 = vector.shape_cast %get3A_526 : vector<1x16xi32> to vector<16xi32>
      %swap3A_528 = arith.constant 112 : index
      %swap3A_529 = tpu.vector_load %arg11[%swap3A_528] {strides = array<i32>} : memref<128xi32, #tpu.memory_space<vmem>>, vector<16xi32>,
      %swap3A_530 = vector.shape_cast %swap3A_529 : vector<16xi32> to vector<16xi32>
      %swap3A_531 = vector.shape_cast %get3A_527 : vector<16xi32> to vector<16xi32>
      tpu.vector_store %arg11[%swap3A_528], %swap3A_531 {strides = array<i32>} : memref<128xi32, #tpu.memory_space<vmem>>, vector<16xi32>,
      "tpu.region"() ({
        %run_scoped3A = tpu.sem_alloc : memref<!tpu.dma_semaphore, #tpu.memory_space<semaphore_mem>>
        %dma_start3A_532 = arith.constant 0 : i32
        %dma_start3A_533 = arith.constant 0 : i32
        %dma_start3A_534 = tpu.memref_slice %arg12[%dma_start3A_532, %dma_start3A_533] : memref<10112x128xf32, #tpu.memory_space<vmem_shared>> -> memref<10112x128xf32, #tpu.memory_space<vmem_shared>>
        tpu.enqueue_indirect_dma source(%arg10 : memref<128x128xf32, #tpu.memory_space<vmem>>) target(%dma_start3A_534 : memref<10112x128xf32, #tpu.memory_space<vmem_shared>>) offsets(%arg11 : memref<128xi32, #tpu.memory_space<vmem>>) semaphore(%run_scoped3A : memref<!tpu.dma_semaphore, #tpu.memory_space<semaphore_mem>>) {add = true}
        %dma_wait3A_535 = arith.constant 0 : i32
        %dma_wait3A_536 = arith.constant 0 : i32
        %dma_wait3A_537 = tpu.memref_slice %arg12[%dma_wait3A_535, %dma_wait3A_536] : memref<10112x128xf32, #tpu.memory_space<vmem_shared>> -> memref<10112x128xf32, #tpu.memory_space<vmem_shared>>
        tpu.wait_indirect_dma semaphore(%run_scoped3A : memref<!tpu.dma_semaphore, #tpu.memory_space<semaphore_mem>>) src(%arg10 : memref<128x128xf32, #tpu.memory_space<vmem>>) dst(%dma_wait3A_537 : memref<10112x128xf32, #tpu.memory_space<vmem_shared>>)
        tpu.yield
      }) : () -> ()
    }
    %scan3A_198 = arith.constant 19 : i32
    %dma_start3A_199 = arith.constant 39 : i32
    %dma_start3A_200 = arith.constant 0 : i32
    %dma_start3A_201 = tpu.memref_slice %arg7[%dma_start3A_199, %dma_start3A_200] : memref<40x128xi32, #tpu.memory_space<vmem>> -> memref<1x128xi32, #tpu.memory_space<vmem>>
    %dma_start3A_202 = tpu.memref_squeeze %dma_start3A_201 : memref<1x128xi32, #tpu.memory_space<vmem>> -> memref<128xi32, #tpu.memory_space<vmem>>
    %dma_start3A_203 = arith.constant 0 : i32
    %dma_start3A_204 = arith.constant 0 : i32
    %dma_start3A_205 = tpu.memref_slice %arg2[%dma_start3A_203, %dma_start3A_204] : memref<10000x128xf32, #tpu.memory_space<hbm>> -> memref<10000x128xf32, #tpu.memory_space<hbm>>
    tpu.enqueue_indirect_dma source(%dma_start3A_205 : memref<10000x128xf32, #tpu.memory_space<hbm>>) target(%arg10 : memref<128x128xf32, #tpu.memory_space<vmem>>) offsets(%dma_start3A_202 : memref<128xi32, #tpu.memory_space<vmem>>) semaphore(%arg14 : memref<!tpu.dma_semaphore, #tpu.memory_space<semaphore_mem>>)
    %dma_wait3A_206 = arith.constant 38 : i32
    %dma_wait3A_207 = arith.constant 0 : i32
    %dma_wait3A_208 = tpu.memref_slice %arg7[%dma_wait3A_206, %dma_wait3A_207] : memref<40x128xi32, #tpu.memory_space<vmem>> -> memref<1x128xi32, #tpu.memory_space<vmem>>
    %dma_wait3A_209 = tpu.memref_squeeze %dma_wait3A_208 : memref<1x128xi32, #tpu.memory_space<vmem>> -> memref<128xi32, #tpu.memory_space<vmem>>
    %dma_wait3A_210 = arith.constant 0 : i32
    %dma_wait3A_211 = arith.constant 0 : i32
    %dma_wait3A_212 = tpu.memref_slice %arg2[%dma_wait3A_210, %dma_wait3A_211] : memref<10000x128xf32, #tpu.memory_space<hbm>> -> memref<10000x128xf32, #tpu.memory_space<hbm>>
    tpu.wait_indirect_dma semaphore(%arg13 : memref<!tpu.dma_semaphore, #tpu.memory_space<semaphore_mem>>) src(%dma_wait3A_212 : memref<10000x128xf32, #tpu.memory_space<hbm>>) dst(%arg9 : memref<128x128xf32, #tpu.memory_space<vmem>>)
    %get3A_213 = arith.constant 38 : i32
    %get3A_214 = arith.index_cast %get3A_213 : i32 to index
    %get3A_215 = arith.constant 0 : index
    %get3A_216 = tpu.vector_load %arg8[%get3A_214, %get3A_215] {strides = array<i32>} : memref<40x128xi32, #tpu.memory_space<vmem>>, vector<1x16xi32>,
    %get3A_217 = vector.shape_cast %get3A_216 : vector<1x16xi32> to vector<16xi32>
    %swap3A_218 = arith.constant 0 : index
    %swap3A_219 = tpu.vector_load %arg11[%swap3A_218] {strides = array<i32>} : memref<128xi32, #tpu.memory_space<vmem>>, vector<16xi32>,
    %swap3A_220 = vector.shape_cast %swap3A_219 : vector<16xi32> to vector<16xi32>
    %swap3A_221 = vector.shape_cast %get3A_217 : vector<16xi32> to vector<16xi32>
    tpu.vector_store %arg11[%swap3A_218], %swap3A_221 {strides = array<i32>} : memref<128xi32, #tpu.memory_space<vmem>>, vector<16xi32>,
    %get3A_222 = arith.constant 38 : i32
    %get3A_223 = arith.index_cast %get3A_222 : i32 to index
    %get3A_224 = arith.constant 16 : index
    %get3A_225 = tpu.vector_load %arg8[%get3A_223, %get3A_224] {strides = array<i32>} : memref<40x128xi32, #tpu.memory_space<vmem>>, vector<1x16xi32>,
    %get3A_226 = vector.shape_cast %get3A_225 : vector<1x16xi32> to vector<16xi32>
    %swap3A_227 = arith.constant 16 : index
    %swap3A_228 = tpu.vector_load %arg11[%swap3A_227] {strides = array<i32>} : memref<128xi32, #tpu.memory_space<vmem>>, vector<16xi32>,
    %swap3A_229 = vector.shape_cast %swap3A_228 : vector<16xi32> to vector<16xi32>
    %swap3A_230 = vector.shape_cast %get3A_226 : vector<16xi32> to vector<16xi32>
    tpu.vector_store %arg11[%swap3A_227], %swap3A_230 {strides = array<i32>} : memref<128xi32, #tpu.memory_space<vmem>>, vector<16xi32>,
    %get3A_231 = arith.constant 38 : i32
    %get3A_232 = arith.index_cast %get3A_231 : i32 to index
    %get3A_233 = arith.constant 32 : index
    %get3A_234 = tpu.vector_load %arg8[%get3A_232, %get3A_233] {strides = array<i32>} : memref<40x128xi32, #tpu.memory_space<vmem>>, vector<1x16xi32>,
    %get3A_235 = vector.shape_cast %get3A_234 : vector<1x16xi32> to vector<16xi32>
    %swap3A_236 = arith.constant 32 : index
    %swap3A_237 = tpu.vector_load %arg11[%swap3A_236] {strides = array<i32>} : memref<128xi32, #tpu.memory_space<vmem>>, vector<16xi32>,
    %swap3A_238 = vector.shape_cast %swap3A_237 : vector<16xi32> to vector<16xi32>
    %swap3A_239 = vector.shape_cast %get3A_235 : vector<16xi32> to vector<16xi32>
    tpu.vector_store %arg11[%swap3A_236], %swap3A_239 {strides = array<i32>} : memref<128xi32, #tpu.memory_space<vmem>>, vector<16xi32>,
    %get3A_240 = arith.constant 38 : i32
    %get3A_241 = arith.index_cast %get3A_240 : i32 to index
    %get3A_242 = arith.constant 48 : index
    %get3A_243 = tpu.vector_load %arg8[%get3A_241, %get3A_242] {strides = array<i32>} : memref<40x128xi32, #tpu.memory_space<vmem>>, vector<1x16xi32>,
    %get3A_244 = vector.shape_cast %get3A_243 : vector<1x16xi32> to vector<16xi32>
    %swap3A_245 = arith.constant 48 : index
    %swap3A_246 = tpu.vector_load %arg11[%swap3A_245] {strides = array<i32>} : memref<128xi32, #tpu.memory_space<vmem>>, vector<16xi32>,
    %swap3A_247 = vector.shape_cast %swap3A_246 : vector<16xi32> to vector<16xi32>
    %swap3A_248 = vector.shape_cast %get3A_244 : vector<16xi32> to vector<16xi32>
    tpu.vector_store %arg11[%swap3A_245], %swap3A_248 {strides = array<i32>} : memref<128xi32, #tpu.memory_space<vmem>>, vector<16xi32>,
    %get3A_249 = arith.constant 38 : i32
    %get3A_250 = arith.index_cast %get3A_249 : i32 to index
    %get3A_251 = arith.constant 64 : index
    %get3A_252 = tpu.vector_load %arg8[%get3A_250, %get3A_251] {strides = array<i32>} : memref<40x128xi32, #tpu.memory_space<vmem>>, vector<1x16xi32>,
    %get3A_253 = vector.shape_cast %get3A_252 : vector<1x16xi32> to vector<16xi32>
    %swap3A_254 = arith.constant 64 : index
    %swap3A_255 = tpu.vector_load %arg11[%swap3A_254] {strides = array<i32>} : memref<128xi32, #tpu.memory_space<vmem>>, vector<16xi32>,
    %swap3A_256 = vector.shape_cast %swap3A_255 : vector<16xi32> to vector<16xi32>
    %swap3A_257 = vector.shape_cast %get3A_253 : vector<16xi32> to vector<16xi32>
    tpu.vector_store %arg11[%swap3A_254], %swap3A_257 {strides = array<i32>} : memref<128xi32, #tpu.memory_space<vmem>>, vector<16xi32>,
    %get3A_258 = arith.constant 38 : i32
    %get3A_259 = arith.index_cast %get3A_258 : i32 to index
    %get3A_260 = arith.constant 80 : index
    %get3A_261 = tpu.vector_load %arg8[%get3A_259, %get3A_260] {strides = array<i32>} : memref<40x128xi32, #tpu.memory_space<vmem>>, vector<1x16xi32>,
    %get3A_262 = vector.shape_cast %get3A_261 : vector<1x16xi32> to vector<16xi32>
    %swap3A_263 = arith.constant 80 : index
    %swap3A_264 = tpu.vector_load %arg11[%swap3A_263] {strides = array<i32>} : memref<128xi32, #tpu.memory_space<vmem>>, vector<16xi32>,
    %swap3A_265 = vector.shape_cast %swap3A_264 : vector<16xi32> to vector<16xi32>
    %swap3A_266 = vector.shape_cast %get3A_262 : vector<16xi32> to vector<16xi32>
    tpu.vector_store %arg11[%swap3A_263], %swap3A_266 {strides = array<i32>} : memref<128xi32, #tpu.memory_space<vmem>>, vector<16xi32>,
    %get3A_267 = arith.constant 38 : i32
    %get3A_268 = arith.index_cast %get3A_267 : i32 to index
    %get3A_269 = arith.constant 96 : index
    %get3A_270 = tpu.vector_load %arg8[%get3A_268, %get3A_269] {strides = array<i32>} : memref<40x128xi32, #tpu.memory_space<vmem>>, vector<1x16xi32>,
    %get3A_271 = vector.shape_cast %get3A_270 : vector<1x16xi32> to vector<16xi32>
    %swap3A_272 = arith.constant 96 : index
    %swap3A_273 = tpu.vector_load %arg11[%swap3A_272] {strides = array<i32>} : memref<128xi32, #tpu.memory_space<vmem>>, vector<16xi32>,
    %swap3A_274 = vector.shape_cast %swap3A_273 : vector<16xi32> to vector<16xi32>
    %swap3A_275 = vector.shape_cast %get3A_271 : vector<16xi32> to vector<16xi32>
    tpu.vector_store %arg11[%swap3A_272], %swap3A_275 {strides = array<i32>} : memref<128xi32, #tpu.memory_space<vmem>>, vector<16xi32>,
    %get3A_276 = arith.constant 38 : i32
    %get3A_277 = arith.index_cast %get3A_276 : i32 to index
    %get3A_278 = arith.constant 112 : index
    %get3A_279 = tpu.vector_load %arg8[%get3A_277, %get3A_278] {strides = array<i32>} : memref<40x128xi32, #tpu.memory_space<vmem>>, vector<1x16xi32>,
    %get3A_280 = vector.shape_cast %get3A_279 : vector<1x16xi32> to vector<16xi32>
    %swap3A_281 = arith.constant 112 : index
    %swap3A_282 = tpu.vector_load %arg11[%swap3A_281] {strides = array<i32>} : memref<128xi32, #tpu.memory_space<vmem>>, vector<16xi32>,
    %swap3A_283 = vector.shape_cast %swap3A_282 : vector<16xi32> to vector<16xi32>
    %swap3A_284 = vector.shape_cast %get3A_280 : vector<16xi32> to vector<16xi32>
    tpu.vector_store %arg11[%swap3A_281], %swap3A_284 {strides = array<i32>} : memref<128xi32, #tpu.memory_space<vmem>>, vector<16xi32>,
    "tpu.region"() ({
      %run_scoped3A = tpu.sem_alloc : memref<!tpu.dma_semaphore, #tpu.memory_space<semaphore_mem>>
      %dma_start3A_369 = arith.constant 0 : i32
      %dma_start3A_370 = arith.constant 0 : i32
      %dma_start3A_371 = tpu.memref_slice %arg12[%dma_start3A_369, %dma_start3A_370] : memref<10112x128xf32, #tpu.memory_space<vmem_shared>> -> memref<10112x128xf32, #tpu.memory_space<vmem_shared>>
      tpu.enqueue_indirect_dma source(%arg9 : memref<128x128xf32, #tpu.memory_space<vmem>>) target(%dma_start3A_371 : memref<10112x128xf32, #tpu.memory_space<vmem_shared>>) offsets(%arg11 : memref<128xi32, #tpu.memory_space<vmem>>) semaphore(%run_scoped3A : memref<!tpu.dma_semaphore, #tpu.memory_space<semaphore_mem>>) {add = true}
      %dma_wait3A_372 = arith.constant 0 : i32
      %dma_wait3A_373 = arith.constant 0 : i32
      %dma_wait3A_374 = tpu.memref_slice %arg12[%dma_wait3A_372, %dma_wait3A_373] : memref<10112x128xf32, #tpu.memory_space<vmem_shared>> -> memref<10112x128xf32, #tpu.memory_space<vmem_shared>>
      tpu.wait_indirect_dma semaphore(%run_scoped3A : memref<!tpu.dma_semaphore, #tpu.memory_space<semaphore_mem>>) src(%arg9 : memref<128x128xf32, #tpu.memory_space<vmem>>) dst(%dma_wait3A_374 : memref<10112x128xf32, #tpu.memory_space<vmem_shared>>)
      tpu.yield
    }) : () -> ()
    %dma_wait3A_285 = arith.constant 39 : i32
    %dma_wait3A_286 = arith.constant 0 : i32
    %dma_wait3A_287 = tpu.memref_slice %arg7[%dma_wait3A_285, %dma_wait3A_286] : memref<40x128xi32, #tpu.memory_space<vmem>> -> memref<1x128xi32, #tpu.memory_space<vmem>>
    %dma_wait3A_288 = tpu.memref_squeeze %dma_wait3A_287 : memref<1x128xi32, #tpu.memory_space<vmem>> -> memref<128xi32, #tpu.memory_space<vmem>>
    %dma_wait3A_289 = arith.constant 0 : i32
    %dma_wait3A_290 = arith.constant 0 : i32
    %dma_wait3A_291 = tpu.memref_slice %arg2[%dma_wait3A_289, %dma_wait3A_290] : memref<10000x128xf32, #tpu.memory_space<hbm>> -> memref<10000x128xf32, #tpu.memory_space<hbm>>
    tpu.wait_indirect_dma semaphore(%arg14 : memref<!tpu.dma_semaphore, #tpu.memory_space<semaphore_mem>>) src(%dma_wait3A_291 : memref<10000x128xf32, #tpu.memory_space<hbm>>) dst(%arg10 : memref<128x128xf32, #tpu.memory_space<vmem>>)
    %get3A_292 = arith.constant 39 : i32
    %get3A_293 = arith.index_cast %get3A_292 : i32 to index
    %get3A_294 = arith.constant 0 : index
    %get3A_295 = tpu.vector_load %arg8[%get3A_293, %get3A_294] {strides = array<i32>} : memref<40x128xi32, #tpu.memory_space<vmem>>, vector<1x16xi32>,
    %get3A_296 = vector.shape_cast %get3A_295 : vector<1x16xi32> to vector<16xi32>
    %swap3A_297 = arith.constant 0 : index
    %swap3A_298 = tpu.vector_load %arg11[%swap3A_297] {strides = array<i32>} : memref<128xi32, #tpu.memory_space<vmem>>, vector<16xi32>,
    %swap3A_299 = vector.shape_cast %swap3A_298 : vector<16xi32> to vector<16xi32>
    %swap3A_300 = vector.shape_cast %get3A_296 : vector<16xi32> to vector<16xi32>
    tpu.vector_store %arg11[%swap3A_297], %swap3A_300 {strides = array<i32>} : memref<128xi32, #tpu.memory_space<vmem>>, vector<16xi32>,
    %get3A_301 = arith.constant 39 : i32
    %get3A_302 = arith.index_cast %get3A_301 : i32 to index
    %get3A_303 = arith.constant 16 : index
    %get3A_304 = tpu.vector_load %arg8[%get3A_302, %get3A_303] {strides = array<i32>} : memref<40x128xi32, #tpu.memory_space<vmem>>, vector<1x16xi32>,
    %get3A_305 = vector.shape_cast %get3A_304 : vector<1x16xi32> to vector<16xi32>
    %swap3A_306 = arith.constant 16 : index
    %swap3A_307 = tpu.vector_load %arg11[%swap3A_306] {strides = array<i32>} : memref<128xi32, #tpu.memory_space<vmem>>, vector<16xi32>,
    %swap3A_308 = vector.shape_cast %swap3A_307 : vector<16xi32> to vector<16xi32>
    %swap3A_309 = vector.shape_cast %get3A_305 : vector<16xi32> to vector<16xi32>
    tpu.vector_store %arg11[%swap3A_306], %swap3A_309 {strides = array<i32>} : memref<128xi32, #tpu.memory_space<vmem>>, vector<16xi32>,
    %get3A_310 = arith.constant 39 : i32
    %get3A_311 = arith.index_cast %get3A_310 : i32 to index
    %get3A_312 = arith.constant 32 : index
    %get3A_313 = tpu.vector_load %arg8[%get3A_311, %get3A_312] {strides = array<i32>} : memref<40x128xi32, #tpu.memory_space<vmem>>, vector<1x16xi32>,
    %get3A_314 = vector.shape_cast %get3A_313 : vector<1x16xi32> to vector<16xi32>
    %swap3A_315 = arith.constant 32 : index
    %swap3A_316 = tpu.vector_load %arg11[%swap3A_315] {strides = array<i32>} : memref<128xi32, #tpu.memory_space<vmem>>, vector<16xi32>,
    %swap3A_317 = vector.shape_cast %swap3A_316 : vector<16xi32> to vector<16xi32>
    %swap3A_318 = vector.shape_cast %get3A_314 : vector<16xi32> to vector<16xi32>
    tpu.vector_store %arg11[%swap3A_315], %swap3A_318 {strides = array<i32>} : memref<128xi32, #tpu.memory_space<vmem>>, vector<16xi32>,
    %get3A_319 = arith.constant 39 : i32
    %get3A_320 = arith.index_cast %get3A_319 : i32 to index
    %get3A_321 = arith.constant 48 : index
    %get3A_322 = tpu.vector_load %arg8[%get3A_320, %get3A_321] {strides = array<i32>} : memref<40x128xi32, #tpu.memory_space<vmem>>, vector<1x16xi32>,
    %get3A_323 = vector.shape_cast %get3A_322 : vector<1x16xi32> to vector<16xi32>
    %swap3A_324 = arith.constant 48 : index
    %swap3A_325 = tpu.vector_load %arg11[%swap3A_324] {strides = array<i32>} : memref<128xi32, #tpu.memory_space<vmem>>, vector<16xi32>,
    %swap3A_326 = vector.shape_cast %swap3A_325 : vector<16xi32> to vector<16xi32>
    %swap3A_327 = vector.shape_cast %get3A_323 : vector<16xi32> to vector<16xi32>
    tpu.vector_store %arg11[%swap3A_324], %swap3A_327 {strides = array<i32>} : memref<128xi32, #tpu.memory_space<vmem>>, vector<16xi32>,
    %get3A_328 = arith.constant 39 : i32
    %get3A_329 = arith.index_cast %get3A_328 : i32 to index
    %get3A_330 = arith.constant 64 : index
    %get3A_331 = tpu.vector_load %arg8[%get3A_329, %get3A_330] {strides = array<i32>} : memref<40x128xi32, #tpu.memory_space<vmem>>, vector<1x16xi32>,
    %get3A_332 = vector.shape_cast %get3A_331 : vector<1x16xi32> to vector<16xi32>
    %swap3A_333 = arith.constant 64 : index
    %swap3A_334 = tpu.vector_load %arg11[%swap3A_333] {strides = array<i32>} : memref<128xi32, #tpu.memory_space<vmem>>, vector<16xi32>,
    %swap3A_335 = vector.shape_cast %swap3A_334 : vector<16xi32> to vector<16xi32>
    %swap3A_336 = vector.shape_cast %get3A_332 : vector<16xi32> to vector<16xi32>
    tpu.vector_store %arg11[%swap3A_333], %swap3A_336 {strides = array<i32>} : memref<128xi32, #tpu.memory_space<vmem>>, vector<16xi32>,
    %get3A_337 = arith.constant 39 : i32
    %get3A_338 = arith.index_cast %get3A_337 : i32 to index
    %get3A_339 = arith.constant 80 : index
    %get3A_340 = tpu.vector_load %arg8[%get3A_338, %get3A_339] {strides = array<i32>} : memref<40x128xi32, #tpu.memory_space<vmem>>, vector<1x16xi32>,
    %get3A_341 = vector.shape_cast %get3A_340 : vector<1x16xi32> to vector<16xi32>
    %swap3A_342 = arith.constant 80 : index
    %swap3A_343 = tpu.vector_load %arg11[%swap3A_342] {strides = array<i32>} : memref<128xi32, #tpu.memory_space<vmem>>, vector<16xi32>,
    %swap3A_344 = vector.shape_cast %swap3A_343 : vector<16xi32> to vector<16xi32>
    %swap3A_345 = vector.shape_cast %get3A_341 : vector<16xi32> to vector<16xi32>
    tpu.vector_store %arg11[%swap3A_342], %swap3A_345 {strides = array<i32>} : memref<128xi32, #tpu.memory_space<vmem>>, vector<16xi32>,
    %get3A_346 = arith.constant 39 : i32
    %get3A_347 = arith.index_cast %get3A_346 : i32 to index
    %get3A_348 = arith.constant 96 : index
    %get3A_349 = tpu.vector_load %arg8[%get3A_347, %get3A_348] {strides = array<i32>} : memref<40x128xi32, #tpu.memory_space<vmem>>, vector<1x16xi32>,
    %get3A_350 = vector.shape_cast %get3A_349 : vector<1x16xi32> to vector<16xi32>
    %swap3A_351 = arith.constant 96 : index
    %swap3A_352 = tpu.vector_load %arg11[%swap3A_351] {strides = array<i32>} : memref<128xi32, #tpu.memory_space<vmem>>, vector<16xi32>,
    %swap3A_353 = vector.shape_cast %swap3A_352 : vector<16xi32> to vector<16xi32>
    %swap3A_354 = vector.shape_cast %get3A_350 : vector<16xi32> to vector<16xi32>
    tpu.vector_store %arg11[%swap3A_351], %swap3A_354 {strides = array<i32>} : memref<128xi32, #tpu.memory_space<vmem>>, vector<16xi32>,
    %get3A_355 = arith.constant 39 : i32
    %get3A_356 = arith.index_cast %get3A_355 : i32 to index
    %get3A_357 = arith.constant 112 : index
    %get3A_358 = tpu.vector_load %arg8[%get3A_356, %get3A_357] {strides = array<i32>} : memref<40x128xi32, #tpu.memory_space<vmem>>, vector<1x16xi32>,
    %get3A_359 = vector.shape_cast %get3A_358 : vector<1x16xi32> to vector<16xi32>
    %swap3A_360 = arith.constant 112 : index
    %swap3A_361 = tpu.vector_load %arg11[%swap3A_360] {strides = array<i32>} : memref<128xi32, #tpu.memory_space<vmem>>, vector<16xi32>,
    %swap3A_362 = vector.shape_cast %swap3A_361 : vector<16xi32> to vector<16xi32>
    %swap3A_363 = vector.shape_cast %get3A_359 : vector<16xi32> to vector<16xi32>
    tpu.vector_store %arg11[%swap3A_360], %swap3A_363 {strides = array<i32>} : memref<128xi32, #tpu.memory_space<vmem>>, vector<16xi32>,
    "tpu.region"() ({
      %run_scoped3A = tpu.sem_alloc : memref<!tpu.dma_semaphore, #tpu.memory_space<semaphore_mem>>
      %dma_start3A_369 = arith.constant 0 : i32
      %dma_start3A_370 = arith.constant 0 : i32
      %dma_start3A_371 = tpu.memref_slice %arg12[%dma_start3A_369, %dma_start3A_370] : memref<10112x128xf32, #tpu.memory_space<vmem_shared>> -> memref<10112x128xf32, #tpu.memory_space<vmem_shared>>
      tpu.enqueue_indirect_dma source(%arg10 : memref<128x128xf32, #tpu.memory_space<vmem>>) target(%dma_start3A_371 : memref<10112x128xf32, #tpu.memory_space<vmem_shared>>) offsets(%arg11 : memref<128xi32, #tpu.memory_space<vmem>>) semaphore(%run_scoped3A : memref<!tpu.dma_semaphore, #tpu.memory_space<semaphore_mem>>) {add = true}
      %dma_wait3A_372 = arith.constant 0 : i32
      %dma_wait3A_373 = arith.constant 0 : i32
      %dma_wait3A_374 = tpu.memref_slice %arg12[%dma_wait3A_372, %dma_wait3A_373] : memref<10112x128xf32, #tpu.memory_space<vmem_shared>> -> memref<10112x128xf32, #tpu.memory_space<vmem_shared>>
      tpu.wait_indirect_dma semaphore(%run_scoped3A : memref<!tpu.dma_semaphore, #tpu.memory_space<semaphore_mem>>) src(%arg10 : memref<128x128xf32, #tpu.memory_space<vmem>>) dst(%dma_wait3A_374 : memref<10112x128xf32, #tpu.memory_space<vmem_shared>>)
      tpu.yield
    }) : () -> ()
    %barrier3A_364 = arith.constant 0 : index
    tpu.barrier barrier_id(%barrier3A_364)
    %mul3A_365 = arith.constant 632 : i32
    %mul3A_366 = arith.muli %arg1, %mul3A_365 : i32
    %mul3A_367 = arith.constant 632 : i32
    %mul3A_368 = arith.muli %arg1, %mul3A_367 : i32
    "tpu.region"() ({
      %run_scoped3A = tpu.sem_alloc : memref<!tpu.dma_semaphore, #tpu.memory_space<semaphore_mem>>
      %dma_start3A_369 = arith.constant 0 : i32
      %dma_start3A_370 = arith.constant 0 : i32
      %dma_start3A_371 = tpu.memref_slice %arg6[%arg0, %dma_start3A_369, %dma_start3A_370] : memref<2x10112x128xf32, #tpu.memory_space<hbm>> -> memref<1x10112x128xf32, #tpu.memory_space<hbm>>
      %dma_start3A_372 = tpu.memref_squeeze %dma_start3A_371 : memref<1x10112x128xf32, #tpu.memory_space<hbm>> -> memref<10112x128xf32, #tpu.memory_space<hbm>>
      %dma_start3A_373 = arith.constant 0 : i32
      %dma_start3A_374 = tpu.memref_slice %dma_start3A_372[%mul3A_368, %dma_start3A_373] : memref<10112x128xf32, #tpu.memory_space<hbm>> -> memref<632x128xf32, #tpu.memory_space<hbm>>
      %dma_start3A_375 = arith.constant 0 : i32
      %dma_start3A_376 = tpu.memref_slice %arg12[%mul3A_366, %dma_start3A_375] : memref<10112x128xf32, #tpu.memory_space<vmem_shared>> -> memref<632x128xf32, #tpu.memory_space<vmem_shared>>
      tpu.enqueue_dma source(%dma_start3A_376 : memref<632x128xf32, #tpu.memory_space<vmem_shared>>) target(%dma_start3A_374 : memref<632x128xf32, #tpu.memory_space<hbm>>) target_semaphore(%run_scoped3A : memref<!tpu.dma_semaphore, #tpu.memory_space<semaphore_mem>>)
      %dma_wait3A_377 = arith.constant 0 : i32
      %dma_wait3A_378 = arith.constant 0 : i32
      %dma_wait3A_379 = tpu.memref_slice %arg6[%arg0, %dma_wait3A_377, %dma_wait3A_378] : memref<2x10112x128xf32, #tpu.memory_space<hbm>> -> memref<1x10112x128xf32, #tpu.memory_space<hbm>>
      %dma_wait3A_380 = tpu.memref_squeeze %dma_wait3A_379 : memref<1x10112x128xf32, #tpu.memory_space<hbm>> -> memref<10112x128xf32, #tpu.memory_space<hbm>>
      %dma_wait3A_381 = arith.constant 0 : i32
      %dma_wait3A_382 = tpu.memref_slice %dma_wait3A_380[%mul3A_368, %dma_wait3A_381] : memref<10112x128xf32, #tpu.memory_space<hbm>> -> memref<632x128xf32, #tpu.memory_space<hbm>>
      %dma_wait3A_383 = arith.constant 0 : i32
      %dma_wait3A_384 = tpu.memref_slice %arg12[%mul3A_366, %dma_wait3A_383] : memref<10112x128xf32, #tpu.memory_space<vmem_shared>> -> memref<632x128xf32, #tpu.memory_space<vmem_shared>>
      tpu.wait_dma2 semaphore(%run_scoped3A : memref<!tpu.dma_semaphore, #tpu.memory_space<semaphore_mem>>) src(%dma_wait3A_384 : memref<632x128xf32, #tpu.memory_space<vmem_shared>>) dst(%dma_wait3A_382 : memref<632x128xf32, #tpu.memory_space<hbm>>)
      tpu.yield
    }) : () -> ()
    return
  }
}

#map = affine_map<(d0, d1) -> (0, 0)>
#map1 = affine_map<(d0, d1) -> (0, 0, 0)>
module attributes {stable_mosaic.version = 14 : i64} {
  func.func @_sc_degree(%arg0: i32, %arg1: i32, %arg2: memref<2560x128xi32, #tpu.memory_space<hbm>>, %arg3: memref<128x128xf32, #tpu.memory_space<hbm>>, %arg4: memref<10112x128xf32, #tpu.memory_space<hbm>>, %arg5: memref<2x10112x128xf32, #tpu.memory_space<hbm>>, %arg6: memref<80x128xi32, #tpu.memory_space<vmem>>, %arg7: memref<128xi32, #tpu.memory_space<vmem>>, %arg8: memref<128x128xf32, #tpu.memory_space<vmem>>, %arg9: memref<10112x128xf32, #tpu.memory_space<vmem_shared>>) attributes {dimension_semantics = [#tpu.dimension_semantics<core_parallel>, #tpu.dimension_semantics<subcore_parallel>], iteration_bounds = array<i64: 2, 16>, scalar_prefetch = 0 : i64, scratch_operands = 4 : i64, tpu.core_type = #tpu.core_type<sc_vector_subcore>, window_params = [{transform_indices = #map}, {transform_indices = #map}, {transform_indices = #map}, {transform_indices = #map1}]} {
    %mul3A = arith.constant 2 : i32
    %mul3A_0 = arith.muli %arg1, %mul3A : i32
    %add3A = arith.addi %mul3A_0, %arg0 : i32
    %mul3A_1 = arith.constant 80 : i32
    %mul3A_2 = arith.muli %add3A, %mul3A_1 : i32
    "tpu.region"() ({
      %run_scoped3A = tpu.sem_alloc : memref<!tpu.dma_semaphore, #tpu.memory_space<semaphore_mem>>
      %dma_start3A = arith.constant 0 : i32
      %dma_start3A_17 = tpu.memref_slice %arg2[%mul3A_2, %dma_start3A] : memref<2560x128xi32, #tpu.memory_space<hbm>> -> memref<80x128xi32, #tpu.memory_space<hbm>>
      %dma_start3A_18 = arith.constant 0 : i32
      %dma_start3A_19 = tpu.memref_slice %arg2[%mul3A_2, %dma_start3A_18] : memref<2560x128xi32, #tpu.memory_space<hbm>> -> memref<80x128xi32, #tpu.memory_space<hbm>>
      tpu.enqueue_dma source(%dma_start3A_19 : memref<80x128xi32, #tpu.memory_space<hbm>>) target(%arg6 : memref<80x128xi32, #tpu.memory_space<vmem>>) target_semaphore(%run_scoped3A : memref<!tpu.dma_semaphore, #tpu.memory_space<semaphore_mem>>)
      %dma_wait3A = arith.constant 0 : i32
      %dma_wait3A_20 = tpu.memref_slice %arg2[%mul3A_2, %dma_wait3A] : memref<2560x128xi32, #tpu.memory_space<hbm>> -> memref<80x128xi32, #tpu.memory_space<hbm>>
      %dma_wait3A_21 = arith.constant 0 : i32
      %dma_wait3A_22 = tpu.memref_slice %arg2[%mul3A_2, %dma_wait3A_21] : memref<2560x128xi32, #tpu.memory_space<hbm>> -> memref<80x128xi32, #tpu.memory_space<hbm>>
      tpu.wait_dma2 semaphore(%run_scoped3A : memref<!tpu.dma_semaphore, #tpu.memory_space<semaphore_mem>>) src(%dma_wait3A_22 : memref<80x128xi32, #tpu.memory_space<hbm>>) dst(%arg6 : memref<80x128xi32, #tpu.memory_space<vmem>>)
      tpu.yield
    }) : () -> ()
    "tpu.region"() ({
      %run_scoped3A = tpu.sem_alloc : memref<!tpu.dma_semaphore, #tpu.memory_space<semaphore_mem>>
      tpu.enqueue_dma source(%arg3 : memref<128x128xf32, #tpu.memory_space<hbm>>) target(%arg8 : memref<128x128xf32, #tpu.memory_space<vmem>>) target_semaphore(%run_scoped3A : memref<!tpu.dma_semaphore, #tpu.memory_space<semaphore_mem>>)
      tpu.wait_dma2 semaphore(%run_scoped3A : memref<!tpu.dma_semaphore, #tpu.memory_space<semaphore_mem>>) src(%arg3 : memref<128x128xf32, #tpu.memory_space<hbm>>) dst(%arg8 : memref<128x128xf32, #tpu.memory_space<vmem>>)
      tpu.yield
    }) : () -> ()
    %mul3A_3 = arith.constant 632 : i32
    %mul3A_4 = arith.muli %arg1, %mul3A_3 : i32
    %mul3A_5 = arith.constant 632 : i32
    %mul3A_6 = arith.muli %arg1, %mul3A_5 : i32
    "tpu.region"() ({
      %run_scoped3A = tpu.sem_alloc : memref<!tpu.dma_semaphore, #tpu.memory_space<semaphore_mem>>
      %dma_start3A = arith.constant 0 : i32
      %dma_start3A_17 = tpu.memref_slice %arg9[%mul3A_6, %dma_start3A] : memref<10112x128xf32, #tpu.memory_space<vmem_shared>> -> memref<632x128xf32, #tpu.memory_space<vmem_shared>>
      %dma_start3A_18 = arith.constant 0 : i32
      %dma_start3A_19 = tpu.memref_slice %arg4[%mul3A_4, %dma_start3A_18] : memref<10112x128xf32, #tpu.memory_space<hbm>> -> memref<632x128xf32, #tpu.memory_space<hbm>>
      tpu.enqueue_dma source(%dma_start3A_19 : memref<632x128xf32, #tpu.memory_space<hbm>>) target(%dma_start3A_17 : memref<632x128xf32, #tpu.memory_space<vmem_shared>>) target_semaphore(%run_scoped3A : memref<!tpu.dma_semaphore, #tpu.memory_space<semaphore_mem>>)
      %dma_wait3A = arith.constant 0 : i32
      %dma_wait3A_20 = tpu.memref_slice %arg9[%mul3A_6, %dma_wait3A] : memref<10112x128xf32, #tpu.memory_space<vmem_shared>> -> memref<632x128xf32, #tpu.memory_space<vmem_shared>>
      %dma_wait3A_21 = arith.constant 0 : i32
      %dma_wait3A_22 = tpu.memref_slice %arg4[%mul3A_4, %dma_wait3A_21] : memref<10112x128xf32, #tpu.memory_space<hbm>> -> memref<632x128xf32, #tpu.memory_space<hbm>>
      tpu.wait_dma2 semaphore(%run_scoped3A : memref<!tpu.dma_semaphore, #tpu.memory_space<semaphore_mem>>) src(%dma_wait3A_22 : memref<632x128xf32, #tpu.memory_space<hbm>>) dst(%dma_wait3A_20 : memref<632x128xf32, #tpu.memory_space<vmem_shared>>)
      tpu.yield
    }) : () -> ()
    %barrier3A = arith.constant 0 : index
    tpu.barrier barrier_id(%barrier3A)
    %scan3A = arith.constant 0 : i32
    %scan3A_7 = arith.constant 0 : i32
    %scan3A_8 = arith.constant 80 : i32
    %scan3A_9 = arith.addi %scan3A_7, %scan3A_8 : i32
    %scan3A_10 = arith.constant 1 : i32
    scf.for %scan3A_17 = %scan3A_7 to %scan3A_9 step %scan3A_10  : i32 {
      %get3A = arith.index_cast %scan3A_17 : i32 to index
      %get3A_18 = arith.constant 0 : index
      %get3A_19 = tpu.vector_load %arg6[%get3A, %get3A_18] {strides = array<i32>} : memref<80x128xi32, #tpu.memory_space<vmem>>, vector<1x16xi32>,
      %get3A_20 = vector.shape_cast %get3A_19 : vector<1x16xi32> to vector<16xi32>
      %swap3A = arith.constant 0 : index
      %swap3A_21 = tpu.vector_load %arg7[%swap3A] {strides = array<i32>} : memref<128xi32, #tpu.memory_space<vmem>>, vector<16xi32>,
      %swap3A_22 = vector.shape_cast %swap3A_21 : vector<16xi32> to vector<16xi32>
      %swap3A_23 = vector.shape_cast %get3A_20 : vector<16xi32> to vector<16xi32>
      tpu.vector_store %arg7[%swap3A], %swap3A_23 {strides = array<i32>} : memref<128xi32, #tpu.memory_space<vmem>>, vector<16xi32>,
      %get3A_24 = arith.index_cast %scan3A_17 : i32 to index
      %get3A_25 = arith.constant 16 : index
      %get3A_26 = tpu.vector_load %arg6[%get3A_24, %get3A_25] {strides = array<i32>} : memref<80x128xi32, #tpu.memory_space<vmem>>, vector<1x16xi32>,
      %get3A_27 = vector.shape_cast %get3A_26 : vector<1x16xi32> to vector<16xi32>
      %swap3A_28 = arith.constant 16 : index
      %swap3A_29 = tpu.vector_load %arg7[%swap3A_28] {strides = array<i32>} : memref<128xi32, #tpu.memory_space<vmem>>, vector<16xi32>,
      %swap3A_30 = vector.shape_cast %swap3A_29 : vector<16xi32> to vector<16xi32>
      %swap3A_31 = vector.shape_cast %get3A_27 : vector<16xi32> to vector<16xi32>
      tpu.vector_store %arg7[%swap3A_28], %swap3A_31 {strides = array<i32>} : memref<128xi32, #tpu.memory_space<vmem>>, vector<16xi32>,
      %get3A_32 = arith.index_cast %scan3A_17 : i32 to index
      %get3A_33 = arith.constant 32 : index
      %get3A_34 = tpu.vector_load %arg6[%get3A_32, %get3A_33] {strides = array<i32>} : memref<80x128xi32, #tpu.memory_space<vmem>>, vector<1x16xi32>,
      %get3A_35 = vector.shape_cast %get3A_34 : vector<1x16xi32> to vector<16xi32>
      %swap3A_36 = arith.constant 32 : index
      %swap3A_37 = tpu.vector_load %arg7[%swap3A_36] {strides = array<i32>} : memref<128xi32, #tpu.memory_space<vmem>>, vector<16xi32>,
      %swap3A_38 = vector.shape_cast %swap3A_37 : vector<16xi32> to vector<16xi32>
      %swap3A_39 = vector.shape_cast %get3A_35 : vector<16xi32> to vector<16xi32>
      tpu.vector_store %arg7[%swap3A_36], %swap3A_39 {strides = array<i32>} : memref<128xi32, #tpu.memory_space<vmem>>, vector<16xi32>,
      %get3A_40 = arith.index_cast %scan3A_17 : i32 to index
      %get3A_41 = arith.constant 48 : index
      %get3A_42 = tpu.vector_load %arg6[%get3A_40, %get3A_41] {strides = array<i32>} : memref<80x128xi32, #tpu.memory_space<vmem>>, vector<1x16xi32>,
      %get3A_43 = vector.shape_cast %get3A_42 : vector<1x16xi32> to vector<16xi32>
      %swap3A_44 = arith.constant 48 : index
      %swap3A_45 = tpu.vector_load %arg7[%swap3A_44] {strides = array<i32>} : memref<128xi32, #tpu.memory_space<vmem>>, vector<16xi32>,
      %swap3A_46 = vector.shape_cast %swap3A_45 : vector<16xi32> to vector<16xi32>
      %swap3A_47 = vector.shape_cast %get3A_43 : vector<16xi32> to vector<16xi32>
      tpu.vector_store %arg7[%swap3A_44], %swap3A_47 {strides = array<i32>} : memref<128xi32, #tpu.memory_space<vmem>>, vector<16xi32>,
      %get3A_48 = arith.index_cast %scan3A_17 : i32 to index
      %get3A_49 = arith.constant 64 : index
      %get3A_50 = tpu.vector_load %arg6[%get3A_48, %get3A_49] {strides = array<i32>} : memref<80x128xi32, #tpu.memory_space<vmem>>, vector<1x16xi32>,
      %get3A_51 = vector.shape_cast %get3A_50 : vector<1x16xi32> to vector<16xi32>
      %swap3A_52 = arith.constant 64 : index
      %swap3A_53 = tpu.vector_load %arg7[%swap3A_52] {strides = array<i32>} : memref<128xi32, #tpu.memory_space<vmem>>, vector<16xi32>,
      %swap3A_54 = vector.shape_cast %swap3A_53 : vector<16xi32> to vector<16xi32>
      %swap3A_55 = vector.shape_cast %get3A_51 : vector<16xi32> to vector<16xi32>
      tpu.vector_store %arg7[%swap3A_52], %swap3A_55 {strides = array<i32>} : memref<128xi32, #tpu.memory_space<vmem>>, vector<16xi32>,
      %get3A_56 = arith.index_cast %scan3A_17 : i32 to index
      %get3A_57 = arith.constant 80 : index
      %get3A_58 = tpu.vector_load %arg6[%get3A_56, %get3A_57] {strides = array<i32>} : memref<80x128xi32, #tpu.memory_space<vmem>>, vector<1x16xi32>,
      %get3A_59 = vector.shape_cast %get3A_58 : vector<1x16xi32> to vector<16xi32>
      %swap3A_60 = arith.constant 80 : index
      %swap3A_61 = tpu.vector_load %arg7[%swap3A_60] {strides = array<i32>} : memref<128xi32, #tpu.memory_space<vmem>>, vector<16xi32>,
      %swap3A_62 = vector.shape_cast %swap3A_61 : vector<16xi32> to vector<16xi32>
      %swap3A_63 = vector.shape_cast %get3A_59 : vector<16xi32> to vector<16xi32>
      tpu.vector_store %arg7[%swap3A_60], %swap3A_63 {strides = array<i32>} : memref<128xi32, #tpu.memory_space<vmem>>, vector<16xi32>,
      %get3A_64 = arith.index_cast %scan3A_17 : i32 to index
      %get3A_65 = arith.constant 96 : index
      %get3A_66 = tpu.vector_load %arg6[%get3A_64, %get3A_65] {strides = array<i32>} : memref<80x128xi32, #tpu.memory_space<vmem>>, vector<1x16xi32>,
      %get3A_67 = vector.shape_cast %get3A_66 : vector<1x16xi32> to vector<16xi32>
      %swap3A_68 = arith.constant 96 : index
      %swap3A_69 = tpu.vector_load %arg7[%swap3A_68] {strides = array<i32>} : memref<128xi32, #tpu.memory_space<vmem>>, vector<16xi32>,
      %swap3A_70 = vector.shape_cast %swap3A_69 : vector<16xi32> to vector<16xi32>
      %swap3A_71 = vector.shape_cast %get3A_67 : vector<16xi32> to vector<16xi32>
      tpu.vector_store %arg7[%swap3A_68], %swap3A_71 {strides = array<i32>} : memref<128xi32, #tpu.memory_space<vmem>>, vector<16xi32>,
      %get3A_72 = arith.index_cast %scan3A_17 : i32 to index
      %get3A_73 = arith.constant 112 : index
      %get3A_74 = tpu.vector_load %arg6[%get3A_72, %get3A_73] {strides = array<i32>} : memref<80x128xi32, #tpu.memory_space<vmem>>, vector<1x16xi32>,
      %get3A_75 = vector.shape_cast %get3A_74 : vector<1x16xi32> to vector<16xi32>
      %swap3A_76 = arith.constant 112 : index
      %swap3A_77 = tpu.vector_load %arg7[%swap3A_76] {strides = array<i32>} : memref<128xi32, #tpu.memory_space<vmem>>, vector<16xi32>,
      %swap3A_78 = vector.shape_cast %swap3A_77 : vector<16xi32> to vector<16xi32>
      %swap3A_79 = vector.shape_cast %get3A_75 : vector<16xi32> to vector<16xi32>
      tpu.vector_store %arg7[%swap3A_76], %swap3A_79 {strides = array<i32>} : memref<128xi32, #tpu.memory_space<vmem>>, vector<16xi32>,
      "tpu.region"() ({
        %run_scoped3A = tpu.sem_alloc : memref<!tpu.dma_semaphore, #tpu.memory_space<semaphore_mem>>
        %dma_start3A = arith.constant 0 : i32
        %dma_start3A_80 = arith.constant 0 : i32
        %dma_start3A_81 = tpu.memref_slice %arg9[%dma_start3A, %dma_start3A_80] : memref<10112x128xf32, #tpu.memory_space<vmem_shared>> -> memref<10112x128xf32, #tpu.memory_space<vmem_shared>>
        tpu.enqueue_indirect_dma source(%arg8 : memref<128x128xf32, #tpu.memory_space<vmem>>) target(%dma_start3A_81 : memref<10112x128xf32, #tpu.memory_space<vmem_shared>>) offsets(%arg7 : memref<128xi32, #tpu.memory_space<vmem>>) semaphore(%run_scoped3A : memref<!tpu.dma_semaphore, #tpu.memory_space<semaphore_mem>>) {add = true}
        %dma_wait3A = arith.constant 0 : i32
        %dma_wait3A_82 = arith.constant 0 : i32
        %dma_wait3A_83 = tpu.memref_slice %arg9[%dma_wait3A, %dma_wait3A_82] : memref<10112x128xf32, #tpu.memory_space<vmem_shared>> -> memref<10112x128xf32, #tpu.memory_space<vmem_shared>>
        tpu.wait_indirect_dma semaphore(%run_scoped3A : memref<!tpu.dma_semaphore, #tpu.memory_space<semaphore_mem>>) src(%arg8 : memref<128x128xf32, #tpu.memory_space<vmem>>) dst(%dma_wait3A_83 : memref<10112x128xf32, #tpu.memory_space<vmem_shared>>)
        tpu.yield
      }) : () -> ()
    }
    %scan3A_11 = arith.constant 80 : i32
    %barrier3A_12 = arith.constant 0 : index
    tpu.barrier barrier_id(%barrier3A_12)
    %mul3A_13 = arith.constant 632 : i32
    %mul3A_14 = arith.muli %arg1, %mul3A_13 : i32
    %mul3A_15 = arith.constant 632 : i32
    %mul3A_16 = arith.muli %arg1, %mul3A_15 : i32
    "tpu.region"() ({
      %run_scoped3A = tpu.sem_alloc : memref<!tpu.dma_semaphore, #tpu.memory_space<semaphore_mem>>
      %dma_start3A = arith.constant 0 : i32
      %dma_start3A_17 = arith.constant 0 : i32
      %dma_start3A_18 = tpu.memref_slice %arg5[%arg0, %dma_start3A, %dma_start3A_17] : memref<2x10112x128xf32, #tpu.memory_space<hbm>> -> memref<1x10112x128xf32, #tpu.memory_space<hbm>>
      %dma_start3A_19 = tpu.memref_squeeze %dma_start3A_18 : memref<1x10112x128xf32, #tpu.memory_space<hbm>> -> memref<10112x128xf32, #tpu.memory_space<hbm>>
      %dma_start3A_20 = arith.constant 0 : i32
      %dma_start3A_21 = tpu.memref_slice %dma_start3A_19[%mul3A_16, %dma_start3A_20] : memref<10112x128xf32, #tpu.memory_space<hbm>> -> memref<632x128xf32, #tpu.memory_space<hbm>>
      %dma_start3A_22 = arith.constant 0 : i32
      %dma_start3A_23 = tpu.memref_slice %arg9[%mul3A_14, %dma_start3A_22] : memref<10112x128xf32, #tpu.memory_space<vmem_shared>> -> memref<632x128xf32, #tpu.memory_space<vmem_shared>>
      tpu.enqueue_dma source(%dma_start3A_23 : memref<632x128xf32, #tpu.memory_space<vmem_shared>>) target(%dma_start3A_21 : memref<632x128xf32, #tpu.memory_space<hbm>>) target_semaphore(%run_scoped3A : memref<!tpu.dma_semaphore, #tpu.memory_space<semaphore_mem>>)
      %dma_wait3A = arith.constant 0 : i32
      %dma_wait3A_24 = arith.constant 0 : i32
      %dma_wait3A_25 = tpu.memref_slice %arg5[%arg0, %dma_wait3A, %dma_wait3A_24] : memref<2x10112x128xf32, #tpu.memory_space<hbm>> -> memref<1x10112x128xf32, #tpu.memory_space<hbm>>
      %dma_wait3A_26 = tpu.memref_squeeze %dma_wait3A_25 : memref<1x10112x128xf32, #tpu.memory_space<hbm>> -> memref<10112x128xf32, #tpu.memory_space<hbm>>
      %dma_wait3A_27 = arith.constant 0 : i32
      %dma_wait3A_28 = tpu.memref_slice %dma_wait3A_26[%mul3A_16, %dma_wait3A_27] : memref<10112x128xf32, #tpu.memory_space<hbm>> -> memref<632x128xf32, #tpu.memory_space<hbm>>
      %dma_wait3A_29 = arith.constant 0 : i32
      %dma_wait3A_30 = tpu.memref_slice %arg9[%mul3A_14, %dma_wait3A_29] : memref<10112x128xf32, #tpu.memory_space<vmem_shared>> -> memref<632x128xf32, #tpu.memory_space<vmem_shared>>
      tpu.wait_dma2 semaphore(%run_scoped3A : memref<!tpu.dma_semaphore, #tpu.memory_space<semaphore_mem>>) src(%dma_wait3A_30 : memref<632x128xf32, #tpu.memory_space<vmem_shared>>) dst(%dma_wait3A_28 : memref<632x128xf32, #tpu.memory_space<hbm>>)
      tpu.yield
    }) : () -> ()
    return
  }
}

#map = affine_map<(d0, d1) -> (0, 0)>
#map1 = affine_map<(d0, d1) -> (0, 0, 0)>
module attributes {stable_mosaic.version = 14 : i64} {
  func.func @_sc_scatter(%arg0: i32, %arg1: i32, %arg2: memref<10000x128xf32, #tpu.memory_space<hbm>>, %arg3: memref<2560x128xi32, #tpu.memory_space<hbm>>, %arg4: memref<2560x128xi32, #tpu.memory_space<hbm>>, %arg5: memref<10112x128xf32, #tpu.memory_space<hbm>>, %arg6: memref<2x10112x128xf32, #tpu.memory_space<hbm>>, %arg7: memref<40x128xi32, #tpu.memory_space<vmem>>, %arg8: memref<40x128xi32, #tpu.memory_space<vmem>>, %arg9: memref<128x128xf32, #tpu.memory_space<vmem>>, %arg10: memref<128x128xf32, #tpu.memory_space<vmem>>, %arg11: memref<128xi32, #tpu.memory_space<vmem>>, %arg12: memref<10112x128xf32, #tpu.memory_space<vmem_shared>>, %arg13: memref<!tpu.dma_semaphore, #tpu.memory_space<semaphore_mem>>, %arg14: memref<!tpu.dma_semaphore, #tpu.memory_space<semaphore_mem>>) attributes {dimension_semantics = [#tpu.dimension_semantics<core_parallel>, #tpu.dimension_semantics<subcore_parallel>], iteration_bounds = array<i64: 2, 16>, scalar_prefetch = 0 : i64, scratch_operands = 8 : i64, tpu.core_type = #tpu.core_type<sc_vector_subcore>, window_params = [{transform_indices = #map}, {transform_indices = #map}, {transform_indices = #map}, {transform_indices = #map}, {transform_indices = #map1}]} {
    %mul3A = arith.constant 2 : i32
    %mul3A_0 = arith.muli %arg1, %mul3A : i32
    %add3A = arith.addi %mul3A_0, %arg0 : i32
    %mul3A_1 = arith.constant 632 : i32
    %mul3A_2 = arith.muli %arg1, %mul3A_1 : i32
    %mul3A_3 = arith.constant 632 : i32
    %mul3A_4 = arith.muli %arg1, %mul3A_3 : i32
    "tpu.region"() ({
      %run_scoped3A = tpu.sem_alloc : memref<!tpu.dma_semaphore, #tpu.memory_space<semaphore_mem>>
      %dma_start3A_369 = arith.constant 0 : i32
      %dma_start3A_370 = tpu.memref_slice %arg12[%mul3A_4, %dma_start3A_369] : memref<10112x128xf32, #tpu.memory_space<vmem_shared>> -> memref<632x128xf32, #tpu.memory_space<vmem_shared>>
      %dma_start3A_371 = arith.constant 0 : i32
      %dma_start3A_372 = tpu.memref_slice %arg5[%mul3A_2, %dma_start3A_371] : memref<10112x128xf32, #tpu.memory_space<hbm>> -> memref<632x128xf32, #tpu.memory_space<hbm>>
      tpu.enqueue_dma source(%dma_start3A_372 : memref<632x128xf32, #tpu.memory_space<hbm>>) target(%dma_start3A_370 : memref<632x128xf32, #tpu.memory_space<vmem_shared>>) target_semaphore(%run_scoped3A : memref<!tpu.dma_semaphore, #tpu.memory_space<semaphore_mem>>)
      %dma_wait3A_373 = arith.constant 0 : i32
      %dma_wait3A_374 = tpu.memref_slice %arg12[%mul3A_4, %dma_wait3A_373] : memref<10112x128xf32, #tpu.memory_space<vmem_shared>> -> memref<632x128xf32, #tpu.memory_space<vmem_shared>>
      %dma_wait3A_375 = arith.constant 0 : i32
      %dma_wait3A_376 = tpu.memref_slice %arg5[%mul3A_2, %dma_wait3A_375] : memref<10112x128xf32, #tpu.memory_space<hbm>> -> memref<632x128xf32, #tpu.memory_space<hbm>>
      tpu.wait_dma2 semaphore(%run_scoped3A : memref<!tpu.dma_semaphore, #tpu.memory_space<semaphore_mem>>) src(%dma_wait3A_376 : memref<632x128xf32, #tpu.memory_space<hbm>>) dst(%dma_wait3A_374 : memref<632x128xf32, #tpu.memory_space<vmem_shared>>)
      tpu.yield
    }) : () -> ()
    %barrier3A = arith.constant 0 : index
    tpu.barrier barrier_id(%barrier3A)
    %mul3A_5 = arith.constant 80 : i32
    %mul3A_6 = arith.muli %add3A, %mul3A_5 : i32
    %add3A_7 = arith.constant 0 : i32
    %add3A_8 = arith.addi %mul3A_6, %add3A_7 : i32
    "tpu.region"() ({
      %run_scoped3A = tpu.sem_alloc : memref<!tpu.dma_semaphore, #tpu.memory_space<semaphore_mem>>
      %dma_start3A_369 = arith.constant 0 : i32
      %dma_start3A_370 = tpu.memref_slice %arg3[%add3A_8, %dma_start3A_369] : memref<2560x128xi32, #tpu.memory_space<hbm>> -> memref<40x128xi32, #tpu.memory_space<hbm>>
      %dma_start3A_371 = arith.constant 0 : i32
      %dma_start3A_372 = tpu.memref_slice %arg3[%add3A_8, %dma_start3A_371] : memref<2560x128xi32, #tpu.memory_space<hbm>> -> memref<40x128xi32, #tpu.memory_space<hbm>>
      tpu.enqueue_dma source(%dma_start3A_372 : memref<40x128xi32, #tpu.memory_space<hbm>>) target(%arg7 : memref<40x128xi32, #tpu.memory_space<vmem>>) target_semaphore(%run_scoped3A : memref<!tpu.dma_semaphore, #tpu.memory_space<semaphore_mem>>)
      %dma_wait3A_373 = arith.constant 0 : i32
      %dma_wait3A_374 = tpu.memref_slice %arg3[%add3A_8, %dma_wait3A_373] : memref<2560x128xi32, #tpu.memory_space<hbm>> -> memref<40x128xi32, #tpu.memory_space<hbm>>
      %dma_wait3A_375 = arith.constant 0 : i32
      %dma_wait3A_376 = tpu.memref_slice %arg3[%add3A_8, %dma_wait3A_375] : memref<2560x128xi32, #tpu.memory_space<hbm>> -> memref<40x128xi32, #tpu.memory_space<hbm>>
      tpu.wait_dma2 semaphore(%run_scoped3A : memref<!tpu.dma_semaphore, #tpu.memory_space<semaphore_mem>>) src(%dma_wait3A_376 : memref<40x128xi32, #tpu.memory_space<hbm>>) dst(%arg7 : memref<40x128xi32, #tpu.memory_space<vmem>>)
      tpu.yield
    }) : () -> ()
    "tpu.region"() ({
      %run_scoped3A = tpu.sem_alloc : memref<!tpu.dma_semaphore, #tpu.memory_space<semaphore_mem>>
      %dma_start3A_369 = arith.constant 0 : i32
      %dma_start3A_370 = tpu.memref_slice %arg4[%add3A_8, %dma_start3A_369] : memref<2560x128xi32, #tpu.memory_space<hbm>> -> memref<40x128xi32, #tpu.memory_space<hbm>>
      %dma_start3A_371 = arith.constant 0 : i32
      %dma_start3A_372 = tpu.memref_slice %arg4[%add3A_8, %dma_start3A_371] : memref<2560x128xi32, #tpu.memory_space<hbm>> -> memref<40x128xi32, #tpu.memory_space<hbm>>
      tpu.enqueue_dma source(%dma_start3A_372 : memref<40x128xi32, #tpu.memory_space<hbm>>) target(%arg8 : memref<40x128xi32, #tpu.memory_space<vmem>>) target_semaphore(%run_scoped3A : memref<!tpu.dma_semaphore, #tpu.memory_space<semaphore_mem>>)
      %dma_wait3A_373 = arith.constant 0 : i32
      %dma_wait3A_374 = tpu.memref_slice %arg4[%add3A_8, %dma_wait3A_373] : memref<2560x128xi32, #tpu.memory_space<hbm>> -> memref<40x128xi32, #tpu.memory_space<hbm>>
      %dma_wait3A_375 = arith.constant 0 : i32
      %dma_wait3A_376 = tpu.memref_slice %arg4[%add3A_8, %dma_wait3A_375] : memref<2560x128xi32, #tpu.memory_space<hbm>> -> memref<40x128xi32, #tpu.memory_space<hbm>>
      tpu.wait_dma2 semaphore(%run_scoped3A : memref<!tpu.dma_semaphore, #tpu.memory_space<semaphore_mem>>) src(%dma_wait3A_376 : memref<40x128xi32, #tpu.memory_space<hbm>>) dst(%arg8 : memref<40x128xi32, #tpu.memory_space<vmem>>)
      tpu.yield
    }) : () -> ()
    %dma_start3A = arith.constant 0 : i32
    %dma_start3A_9 = arith.constant 0 : i32
    %dma_start3A_10 = tpu.memref_slice %arg7[%dma_start3A, %dma_start3A_9] : memref<40x128xi32, #tpu.memory_space<vmem>> -> memref<1x128xi32, #tpu.memory_space<vmem>>
    %dma_start3A_11 = tpu.memref_squeeze %dma_start3A_10 : memref<1x128xi32, #tpu.memory_space<vmem>> -> memref<128xi32, #tpu.memory_space<vmem>>
    %dma_start3A_12 = arith.constant 0 : i32
    %dma_start3A_13 = arith.constant 0 : i32
    %dma_start3A_14 = tpu.memref_slice %arg2[%dma_start3A_12, %dma_start3A_13] : memref<10000x128xf32, #tpu.memory_space<hbm>> -> memref<10000x128xf32, #tpu.memory_space<hbm>>
    tpu.enqueue_indirect_dma source(%dma_start3A_14 : memref<10000x128xf32, #tpu.memory_space<hbm>>) target(%arg9 : memref<128x128xf32, #tpu.memory_space<vmem>>) offsets(%dma_start3A_11 : memref<128xi32, #tpu.memory_space<vmem>>) semaphore(%arg13 : memref<!tpu.dma_semaphore, #tpu.memory_space<semaphore_mem>>)
    %scan3A = arith.constant 0 : i32
    %scan3A_15 = arith.constant 0 : i32
    %scan3A_16 = arith.constant 19 : i32
    %scan3A_17 = arith.addi %scan3A_15, %scan3A_16 : i32
    %scan3A_18 = arith.constant 1 : i32
    scf.for %scan3A_369 = %scan3A_15 to %scan3A_17 step %scan3A_18  : i32 {
      %mul3A_370 = arith.constant 2 : i32
      %mul3A_371 = arith.muli %mul3A_370, %scan3A_369 : i32
      %add3A_372 = arith.constant 1 : i32
      %add3A_373 = arith.addi %mul3A_371, %add3A_372 : i32
      %dma_start3A_374 = arith.constant 0 : i32
      %dma_start3A_375 = tpu.memref_slice %arg7[%add3A_373, %dma_start3A_374] : memref<40x128xi32, #tpu.memory_space<vmem>> -> memref<1x128xi32, #tpu.memory_space<vmem>>
      %dma_start3A_376 = tpu.memref_squeeze %dma_start3A_375 : memref<1x128xi32, #tpu.memory_space<vmem>> -> memref<128xi32, #tpu.memory_space<vmem>>
      %dma_start3A_377 = arith.constant 0 : i32
      %dma_start3A_378 = arith.constant 0 : i32
      %dma_start3A_379 = tpu.memref_slice %arg2[%dma_start3A_377, %dma_start3A_378] : memref<10000x128xf32, #tpu.memory_space<hbm>> -> memref<10000x128xf32, #tpu.memory_space<hbm>>
      tpu.enqueue_indirect_dma source(%dma_start3A_379 : memref<10000x128xf32, #tpu.memory_space<hbm>>) target(%arg10 : memref<128x128xf32, #tpu.memory_space<vmem>>) offsets(%dma_start3A_376 : memref<128xi32, #tpu.memory_space<vmem>>) semaphore(%arg14 : memref<!tpu.dma_semaphore, #tpu.memory_space<semaphore_mem>>)
      %dma_wait3A_380 = arith.constant 0 : i32
      %dma_wait3A_381 = tpu.memref_slice %arg7[%mul3A_371, %dma_wait3A_380] : memref<40x128xi32, #tpu.memory_space<vmem>> -> memref<1x128xi32, #tpu.memory_space<vmem>>
      %dma_wait3A_382 = tpu.memref_squeeze %dma_wait3A_381 : memref<1x128xi32, #tpu.memory_space<vmem>> -> memref<128xi32, #tpu.memory_space<vmem>>
      %dma_wait3A_383 = arith.constant 0 : i32
      %dma_wait3A_384 = arith.constant 0 : i32
      %dma_wait3A_385 = tpu.memref_slice %arg2[%dma_wait3A_383, %dma_wait3A_384] : memref<10000x128xf32, #tpu.memory_space<hbm>> -> memref<10000x128xf32, #tpu.memory_space<hbm>>
      tpu.wait_indirect_dma semaphore(%arg13 : memref<!tpu.dma_semaphore, #tpu.memory_space<semaphore_mem>>) src(%dma_wait3A_385 : memref<10000x128xf32, #tpu.memory_space<hbm>>) dst(%arg9 : memref<128x128xf32, #tpu.memory_space<vmem>>)
      %get3A_386 = arith.index_cast %mul3A_371 : i32 to index
      %get3A_387 = arith.constant 0 : index
      %get3A_388 = tpu.vector_load %arg8[%get3A_386, %get3A_387] {strides = array<i32>} : memref<40x128xi32, #tpu.memory_space<vmem>>, vector<1x16xi32>,
      %get3A_389 = vector.shape_cast %get3A_388 : vector<1x16xi32> to vector<16xi32>
      %swap3A_390 = arith.constant 0 : index
      %swap3A_391 = tpu.vector_load %arg11[%swap3A_390] {strides = array<i32>} : memref<128xi32, #tpu.memory_space<vmem>>, vector<16xi32>,
      %swap3A_392 = vector.shape_cast %swap3A_391 : vector<16xi32> to vector<16xi32>
      %swap3A_393 = vector.shape_cast %get3A_389 : vector<16xi32> to vector<16xi32>
      tpu.vector_store %arg11[%swap3A_390], %swap3A_393 {strides = array<i32>} : memref<128xi32, #tpu.memory_space<vmem>>, vector<16xi32>,
      %get3A_394 = arith.index_cast %mul3A_371 : i32 to index
      %get3A_395 = arith.constant 16 : index
      %get3A_396 = tpu.vector_load %arg8[%get3A_394, %get3A_395] {strides = array<i32>} : memref<40x128xi32, #tpu.memory_space<vmem>>, vector<1x16xi32>,
      %get3A_397 = vector.shape_cast %get3A_396 : vector<1x16xi32> to vector<16xi32>
      %swap3A_398 = arith.constant 16 : index
      %swap3A_399 = tpu.vector_load %arg11[%swap3A_398] {strides = array<i32>} : memref<128xi32, #tpu.memory_space<vmem>>, vector<16xi32>,
      %swap3A_400 = vector.shape_cast %swap3A_399 : vector<16xi32> to vector<16xi32>
      %swap3A_401 = vector.shape_cast %get3A_397 : vector<16xi32> to vector<16xi32>
      tpu.vector_store %arg11[%swap3A_398], %swap3A_401 {strides = array<i32>} : memref<128xi32, #tpu.memory_space<vmem>>, vector<16xi32>,
      %get3A_402 = arith.index_cast %mul3A_371 : i32 to index
      %get3A_403 = arith.constant 32 : index
      %get3A_404 = tpu.vector_load %arg8[%get3A_402, %get3A_403] {strides = array<i32>} : memref<40x128xi32, #tpu.memory_space<vmem>>, vector<1x16xi32>,
      %get3A_405 = vector.shape_cast %get3A_404 : vector<1x16xi32> to vector<16xi32>
      %swap3A_406 = arith.constant 32 : index
      %swap3A_407 = tpu.vector_load %arg11[%swap3A_406] {strides = array<i32>} : memref<128xi32, #tpu.memory_space<vmem>>, vector<16xi32>,
      %swap3A_408 = vector.shape_cast %swap3A_407 : vector<16xi32> to vector<16xi32>
      %swap3A_409 = vector.shape_cast %get3A_405 : vector<16xi32> to vector<16xi32>
      tpu.vector_store %arg11[%swap3A_406], %swap3A_409 {strides = array<i32>} : memref<128xi32, #tpu.memory_space<vmem>>, vector<16xi32>,
      %get3A_410 = arith.index_cast %mul3A_371 : i32 to index
      %get3A_411 = arith.constant 48 : index
      %get3A_412 = tpu.vector_load %arg8[%get3A_410, %get3A_411] {strides = array<i32>} : memref<40x128xi32, #tpu.memory_space<vmem>>, vector<1x16xi32>,
      %get3A_413 = vector.shape_cast %get3A_412 : vector<1x16xi32> to vector<16xi32>
      %swap3A_414 = arith.constant 48 : index
      %swap3A_415 = tpu.vector_load %arg11[%swap3A_414] {strides = array<i32>} : memref<128xi32, #tpu.memory_space<vmem>>, vector<16xi32>,
      %swap3A_416 = vector.shape_cast %swap3A_415 : vector<16xi32> to vector<16xi32>
      %swap3A_417 = vector.shape_cast %get3A_413 : vector<16xi32> to vector<16xi32>
      tpu.vector_store %arg11[%swap3A_414], %swap3A_417 {strides = array<i32>} : memref<128xi32, #tpu.memory_space<vmem>>, vector<16xi32>,
      %get3A_418 = arith.index_cast %mul3A_371 : i32 to index
      %get3A_419 = arith.constant 64 : index
      %get3A_420 = tpu.vector_load %arg8[%get3A_418, %get3A_419] {strides = array<i32>} : memref<40x128xi32, #tpu.memory_space<vmem>>, vector<1x16xi32>,
      %get3A_421 = vector.shape_cast %get3A_420 : vector<1x16xi32> to vector<16xi32>
      %swap3A_422 = arith.constant 64 : index
      %swap3A_423 = tpu.vector_load %arg11[%swap3A_422] {strides = array<i32>} : memref<128xi32, #tpu.memory_space<vmem>>, vector<16xi32>,
      %swap3A_424 = vector.shape_cast %swap3A_423 : vector<16xi32> to vector<16xi32>
      %swap3A_425 = vector.shape_cast %get3A_421 : vector<16xi32> to vector<16xi32>
      tpu.vector_store %arg11[%swap3A_422], %swap3A_425 {strides = array<i32>} : memref<128xi32, #tpu.memory_space<vmem>>, vector<16xi32>,
      %get3A_426 = arith.index_cast %mul3A_371 : i32 to index
      %get3A_427 = arith.constant 80 : index
      %get3A_428 = tpu.vector_load %arg8[%get3A_426, %get3A_427] {strides = array<i32>} : memref<40x128xi32, #tpu.memory_space<vmem>>, vector<1x16xi32>,
      %get3A_429 = vector.shape_cast %get3A_428 : vector<1x16xi32> to vector<16xi32>
      %swap3A_430 = arith.constant 80 : index
      %swap3A_431 = tpu.vector_load %arg11[%swap3A_430] {strides = array<i32>} : memref<128xi32, #tpu.memory_space<vmem>>, vector<16xi32>,
      %swap3A_432 = vector.shape_cast %swap3A_431 : vector<16xi32> to vector<16xi32>
      %swap3A_433 = vector.shape_cast %get3A_429 : vector<16xi32> to vector<16xi32>
      tpu.vector_store %arg11[%swap3A_430], %swap3A_433 {strides = array<i32>} : memref<128xi32, #tpu.memory_space<vmem>>, vector<16xi32>,
      %get3A_434 = arith.index_cast %mul3A_371 : i32 to index
      %get3A_435 = arith.constant 96 : index
      %get3A_436 = tpu.vector_load %arg8[%get3A_434, %get3A_435] {strides = array<i32>} : memref<40x128xi32, #tpu.memory_space<vmem>>, vector<1x16xi32>,
      %get3A_437 = vector.shape_cast %get3A_436 : vector<1x16xi32> to vector<16xi32>
      %swap3A_438 = arith.constant 96 : index
      %swap3A_439 = tpu.vector_load %arg11[%swap3A_438] {strides = array<i32>} : memref<128xi32, #tpu.memory_space<vmem>>, vector<16xi32>,
      %swap3A_440 = vector.shape_cast %swap3A_439 : vector<16xi32> to vector<16xi32>
      %swap3A_441 = vector.shape_cast %get3A_437 : vector<16xi32> to vector<16xi32>
      tpu.vector_store %arg11[%swap3A_438], %swap3A_441 {strides = array<i32>} : memref<128xi32, #tpu.memory_space<vmem>>, vector<16xi32>,
      %get3A_442 = arith.index_cast %mul3A_371 : i32 to index
      %get3A_443 = arith.constant 112 : index
      %get3A_444 = tpu.vector_load %arg8[%get3A_442, %get3A_443] {strides = array<i32>} : memref<40x128xi32, #tpu.memory_space<vmem>>, vector<1x16xi32>,
      %get3A_445 = vector.shape_cast %get3A_444 : vector<1x16xi32> to vector<16xi32>
      %swap3A_446 = arith.constant 112 : index
      %swap3A_447 = tpu.vector_load %arg11[%swap3A_446] {strides = array<i32>} : memref<128xi32, #tpu.memory_space<vmem>>, vector<16xi32>,
      %swap3A_448 = vector.shape_cast %swap3A_447 : vector<16xi32> to vector<16xi32>
      %swap3A_449 = vector.shape_cast %get3A_445 : vector<16xi32> to vector<16xi32>
      tpu.vector_store %arg11[%swap3A_446], %swap3A_449 {strides = array<i32>} : memref<128xi32, #tpu.memory_space<vmem>>, vector<16xi32>,
      "tpu.region"() ({
        %run_scoped3A = tpu.sem_alloc : memref<!tpu.dma_semaphore, #tpu.memory_space<semaphore_mem>>
        %dma_start3A_532 = arith.constant 0 : i32
        %dma_start3A_533 = arith.constant 0 : i32
        %dma_start3A_534 = tpu.memref_slice %arg12[%dma_start3A_532, %dma_start3A_533] : memref<10112x128xf32, #tpu.memory_space<vmem_shared>> -> memref<10112x128xf32, #tpu.memory_space<vmem_shared>>
        tpu.enqueue_indirect_dma source(%arg9 : memref<128x128xf32, #tpu.memory_space<vmem>>) target(%dma_start3A_534 : memref<10112x128xf32, #tpu.memory_space<vmem_shared>>) offsets(%arg11 : memref<128xi32, #tpu.memory_space<vmem>>) semaphore(%run_scoped3A : memref<!tpu.dma_semaphore, #tpu.memory_space<semaphore_mem>>) {add = true}
        %dma_wait3A_535 = arith.constant 0 : i32
        %dma_wait3A_536 = arith.constant 0 : i32
        %dma_wait3A_537 = tpu.memref_slice %arg12[%dma_wait3A_535, %dma_wait3A_536] : memref<10112x128xf32, #tpu.memory_space<vmem_shared>> -> memref<10112x128xf32, #tpu.memory_space<vmem_shared>>
        tpu.wait_indirect_dma semaphore(%run_scoped3A : memref<!tpu.dma_semaphore, #tpu.memory_space<semaphore_mem>>) src(%arg9 : memref<128x128xf32, #tpu.memory_space<vmem>>) dst(%dma_wait3A_537 : memref<10112x128xf32, #tpu.memory_space<vmem_shared>>)
        tpu.yield
      }) : () -> ()
      %add3A_450 = arith.constant 2 : i32
      %add3A_451 = arith.addi %mul3A_371, %add3A_450 : i32
      %dma_start3A_452 = arith.constant 0 : i32
      %dma_start3A_453 = tpu.memref_slice %arg7[%add3A_451, %dma_start3A_452] : memref<40x128xi32, #tpu.memory_space<vmem>> -> memref<1x128xi32, #tpu.memory_space<vmem>>
      %dma_start3A_454 = tpu.memref_squeeze %dma_start3A_453 : memref<1x128xi32, #tpu.memory_space<vmem>> -> memref<128xi32, #tpu.memory_space<vmem>>
      %dma_start3A_455 = arith.constant 0 : i32
      %dma_start3A_456 = arith.constant 0 : i32
      %dma_start3A_457 = tpu.memref_slice %arg2[%dma_start3A_455, %dma_start3A_456] : memref<10000x128xf32, #tpu.memory_space<hbm>> -> memref<10000x128xf32, #tpu.memory_space<hbm>>
      tpu.enqueue_indirect_dma source(%dma_start3A_457 : memref<10000x128xf32, #tpu.memory_space<hbm>>) target(%arg9 : memref<128x128xf32, #tpu.memory_space<vmem>>) offsets(%dma_start3A_454 : memref<128xi32, #tpu.memory_space<vmem>>) semaphore(%arg13 : memref<!tpu.dma_semaphore, #tpu.memory_space<semaphore_mem>>)
      %add3A_458 = arith.constant 1 : i32
      %add3A_459 = arith.addi %mul3A_371, %add3A_458 : i32
      %dma_wait3A_460 = arith.constant 0 : i32
      %dma_wait3A_461 = tpu.memref_slice %arg7[%add3A_459, %dma_wait3A_460] : memref<40x128xi32, #tpu.memory_space<vmem>> -> memref<1x128xi32, #tpu.memory_space<vmem>>
      %dma_wait3A_462 = tpu.memref_squeeze %dma_wait3A_461 : memref<1x128xi32, #tpu.memory_space<vmem>> -> memref<128xi32, #tpu.memory_space<vmem>>
      %dma_wait3A_463 = arith.constant 0 : i32
      %dma_wait3A_464 = arith.constant 0 : i32
      %dma_wait3A_465 = tpu.memref_slice %arg2[%dma_wait3A_463, %dma_wait3A_464] : memref<10000x128xf32, #tpu.memory_space<hbm>> -> memref<10000x128xf32, #tpu.memory_space<hbm>>
      tpu.wait_indirect_dma semaphore(%arg14 : memref<!tpu.dma_semaphore, #tpu.memory_space<semaphore_mem>>) src(%dma_wait3A_465 : memref<10000x128xf32, #tpu.memory_space<hbm>>) dst(%arg10 : memref<128x128xf32, #tpu.memory_space<vmem>>)
      %add3A_466 = arith.constant 1 : i32
      %add3A_467 = arith.addi %mul3A_371, %add3A_466 : i32
      %get3A_468 = arith.index_cast %add3A_467 : i32 to index
      %get3A_469 = arith.constant 0 : index
      %get3A_470 = tpu.vector_load %arg8[%get3A_468, %get3A_469] {strides = array<i32>} : memref<40x128xi32, #tpu.memory_space<vmem>>, vector<1x16xi32>,
      %get3A_471 = vector.shape_cast %get3A_470 : vector<1x16xi32> to vector<16xi32>
      %swap3A_472 = arith.constant 0 : index
      %swap3A_473 = tpu.vector_load %arg11[%swap3A_472] {strides = array<i32>} : memref<128xi32, #tpu.memory_space<vmem>>, vector<16xi32>,
      %swap3A_474 = vector.shape_cast %swap3A_473 : vector<16xi32> to vector<16xi32>
      %swap3A_475 = vector.shape_cast %get3A_471 : vector<16xi32> to vector<16xi32>
      tpu.vector_store %arg11[%swap3A_472], %swap3A_475 {strides = array<i32>} : memref<128xi32, #tpu.memory_space<vmem>>, vector<16xi32>,
      %get3A_476 = arith.index_cast %add3A_467 : i32 to index
      %get3A_477 = arith.constant 16 : index
      %get3A_478 = tpu.vector_load %arg8[%get3A_476, %get3A_477] {strides = array<i32>} : memref<40x128xi32, #tpu.memory_space<vmem>>, vector<1x16xi32>,
      %get3A_479 = vector.shape_cast %get3A_478 : vector<1x16xi32> to vector<16xi32>
      %swap3A_480 = arith.constant 16 : index
      %swap3A_481 = tpu.vector_load %arg11[%swap3A_480] {strides = array<i32>} : memref<128xi32, #tpu.memory_space<vmem>>, vector<16xi32>,
      %swap3A_482 = vector.shape_cast %swap3A_481 : vector<16xi32> to vector<16xi32>
      %swap3A_483 = vector.shape_cast %get3A_479 : vector<16xi32> to vector<16xi32>
      tpu.vector_store %arg11[%swap3A_480], %swap3A_483 {strides = array<i32>} : memref<128xi32, #tpu.memory_space<vmem>>, vector<16xi32>,
      %get3A_484 = arith.index_cast %add3A_467 : i32 to index
      %get3A_485 = arith.constant 32 : index
      %get3A_486 = tpu.vector_load %arg8[%get3A_484, %get3A_485] {strides = array<i32>} : memref<40x128xi32, #tpu.memory_space<vmem>>, vector<1x16xi32>,
      %get3A_487 = vector.shape_cast %get3A_486 : vector<1x16xi32> to vector<16xi32>
      %swap3A_488 = arith.constant 32 : index
      %swap3A_489 = tpu.vector_load %arg11[%swap3A_488] {strides = array<i32>} : memref<128xi32, #tpu.memory_space<vmem>>, vector<16xi32>,
      %swap3A_490 = vector.shape_cast %swap3A_489 : vector<16xi32> to vector<16xi32>
      %swap3A_491 = vector.shape_cast %get3A_487 : vector<16xi32> to vector<16xi32>
      tpu.vector_store %arg11[%swap3A_488], %swap3A_491 {strides = array<i32>} : memref<128xi32, #tpu.memory_space<vmem>>, vector<16xi32>,
      %get3A_492 = arith.index_cast %add3A_467 : i32 to index
      %get3A_493 = arith.constant 48 : index
      %get3A_494 = tpu.vector_load %arg8[%get3A_492, %get3A_493] {strides = array<i32>} : memref<40x128xi32, #tpu.memory_space<vmem>>, vector<1x16xi32>,
      %get3A_495 = vector.shape_cast %get3A_494 : vector<1x16xi32> to vector<16xi32>
      %swap3A_496 = arith.constant 48 : index
      %swap3A_497 = tpu.vector_load %arg11[%swap3A_496] {strides = array<i32>} : memref<128xi32, #tpu.memory_space<vmem>>, vector<16xi32>,
      %swap3A_498 = vector.shape_cast %swap3A_497 : vector<16xi32> to vector<16xi32>
      %swap3A_499 = vector.shape_cast %get3A_495 : vector<16xi32> to vector<16xi32>
      tpu.vector_store %arg11[%swap3A_496], %swap3A_499 {strides = array<i32>} : memref<128xi32, #tpu.memory_space<vmem>>, vector<16xi32>,
      %get3A_500 = arith.index_cast %add3A_467 : i32 to index
      %get3A_501 = arith.constant 64 : index
      %get3A_502 = tpu.vector_load %arg8[%get3A_500, %get3A_501] {strides = array<i32>} : memref<40x128xi32, #tpu.memory_space<vmem>>, vector<1x16xi32>,
      %get3A_503 = vector.shape_cast %get3A_502 : vector<1x16xi32> to vector<16xi32>
      %swap3A_504 = arith.constant 64 : index
      %swap3A_505 = tpu.vector_load %arg11[%swap3A_504] {strides = array<i32>} : memref<128xi32, #tpu.memory_space<vmem>>, vector<16xi32>,
      %swap3A_506 = vector.shape_cast %swap3A_505 : vector<16xi32> to vector<16xi32>
      %swap3A_507 = vector.shape_cast %get3A_503 : vector<16xi32> to vector<16xi32>
      tpu.vector_store %arg11[%swap3A_504], %swap3A_507 {strides = array<i32>} : memref<128xi32, #tpu.memory_space<vmem>>, vector<16xi32>,
      %get3A_508 = arith.index_cast %add3A_467 : i32 to index
      %get3A_509 = arith.constant 80 : index
      %get3A_510 = tpu.vector_load %arg8[%get3A_508, %get3A_509] {strides = array<i32>} : memref<40x128xi32, #tpu.memory_space<vmem>>, vector<1x16xi32>,
      %get3A_511 = vector.shape_cast %get3A_510 : vector<1x16xi32> to vector<16xi32>
      %swap3A_512 = arith.constant 80 : index
      %swap3A_513 = tpu.vector_load %arg11[%swap3A_512] {strides = array<i32>} : memref<128xi32, #tpu.memory_space<vmem>>, vector<16xi32>,
      %swap3A_514 = vector.shape_cast %swap3A_513 : vector<16xi32> to vector<16xi32>
      %swap3A_515 = vector.shape_cast %get3A_511 : vector<16xi32> to vector<16xi32>
      tpu.vector_store %arg11[%swap3A_512], %swap3A_515 {strides = array<i32>} : memref<128xi32, #tpu.memory_space<vmem>>, vector<16xi32>,
      %get3A_516 = arith.index_cast %add3A_467 : i32 to index
      %get3A_517 = arith.constant 96 : index
      %get3A_518 = tpu.vector_load %arg8[%get3A_516, %get3A_517] {strides = array<i32>} : memref<40x128xi32, #tpu.memory_space<vmem>>, vector<1x16xi32>,
      %get3A_519 = vector.shape_cast %get3A_518 : vector<1x16xi32> to vector<16xi32>
      %swap3A_520 = arith.constant 96 : index
      %swap3A_521 = tpu.vector_load %arg11[%swap3A_520] {strides = array<i32>} : memref<128xi32, #tpu.memory_space<vmem>>, vector<16xi32>,
      %swap3A_522 = vector.shape_cast %swap3A_521 : vector<16xi32> to vector<16xi32>
      %swap3A_523 = vector.shape_cast %get3A_519 : vector<16xi32> to vector<16xi32>
      tpu.vector_store %arg11[%swap3A_520], %swap3A_523 {strides = array<i32>} : memref<128xi32, #tpu.memory_space<vmem>>, vector<16xi32>,
      %get3A_524 = arith.index_cast %add3A_467 : i32 to index
      %get3A_525 = arith.constant 112 : index
      %get3A_526 = tpu.vector_load %arg8[%get3A_524, %get3A_525] {strides = array<i32>} : memref<40x128xi32, #tpu.memory_space<vmem>>, vector<1x16xi32>,
      %get3A_527 = vector.shape_cast %get3A_526 : vector<1x16xi32> to vector<16xi32>
      %swap3A_528 = arith.constant 112 : index
      %swap3A_529 = tpu.vector_load %arg11[%swap3A_528] {strides = array<i32>} : memref<128xi32, #tpu.memory_space<vmem>>, vector<16xi32>,
      %swap3A_530 = vector.shape_cast %swap3A_529 : vector<16xi32> to vector<16xi32>
      %swap3A_531 = vector.shape_cast %get3A_527 : vector<16xi32> to vector<16xi32>
      tpu.vector_store %arg11[%swap3A_528], %swap3A_531 {strides = array<i32>} : memref<128xi32, #tpu.memory_space<vmem>>, vector<16xi32>,
      "tpu.region"() ({
        %run_scoped3A = tpu.sem_alloc : memref<!tpu.dma_semaphore, #tpu.memory_space<semaphore_mem>>
        %dma_start3A_532 = arith.constant 0 : i32
        %dma_start3A_533 = arith.constant 0 : i32
        %dma_start3A_534 = tpu.memref_slice %arg12[%dma_start3A_532, %dma_start3A_533] : memref<10112x128xf32, #tpu.memory_space<vmem_shared>> -> memref<10112x128xf32, #tpu.memory_space<vmem_shared>>
        tpu.enqueue_indirect_dma source(%arg10 : memref<128x128xf32, #tpu.memory_space<vmem>>) target(%dma_start3A_534 : memref<10112x128xf32, #tpu.memory_space<vmem_shared>>) offsets(%arg11 : memref<128xi32, #tpu.memory_space<vmem>>) semaphore(%run_scoped3A : memref<!tpu.dma_semaphore, #tpu.memory_space<semaphore_mem>>) {add = true}
        %dma_wait3A_535 = arith.constant 0 : i32
        %dma_wait3A_536 = arith.constant 0 : i32
        %dma_wait3A_537 = tpu.memref_slice %arg12[%dma_wait3A_535, %dma_wait3A_536] : memref<10112x128xf32, #tpu.memory_space<vmem_shared>> -> memref<10112x128xf32, #tpu.memory_space<vmem_shared>>
        tpu.wait_indirect_dma semaphore(%run_scoped3A : memref<!tpu.dma_semaphore, #tpu.memory_space<semaphore_mem>>) src(%arg10 : memref<128x128xf32, #tpu.memory_space<vmem>>) dst(%dma_wait3A_537 : memref<10112x128xf32, #tpu.memory_space<vmem_shared>>)
        tpu.yield
      }) : () -> ()
    }
    %scan3A_19 = arith.constant 19 : i32
    %dma_start3A_20 = arith.constant 39 : i32
    %dma_start3A_21 = arith.constant 0 : i32
    %dma_start3A_22 = tpu.memref_slice %arg7[%dma_start3A_20, %dma_start3A_21] : memref<40x128xi32, #tpu.memory_space<vmem>> -> memref<1x128xi32, #tpu.memory_space<vmem>>
    %dma_start3A_23 = tpu.memref_squeeze %dma_start3A_22 : memref<1x128xi32, #tpu.memory_space<vmem>> -> memref<128xi32, #tpu.memory_space<vmem>>
    %dma_start3A_24 = arith.constant 0 : i32
    %dma_start3A_25 = arith.constant 0 : i32
    %dma_start3A_26 = tpu.memref_slice %arg2[%dma_start3A_24, %dma_start3A_25] : memref<10000x128xf32, #tpu.memory_space<hbm>> -> memref<10000x128xf32, #tpu.memory_space<hbm>>
    tpu.enqueue_indirect_dma source(%dma_start3A_26 : memref<10000x128xf32, #tpu.memory_space<hbm>>) target(%arg10 : memref<128x128xf32, #tpu.memory_space<vmem>>) offsets(%dma_start3A_23 : memref<128xi32, #tpu.memory_space<vmem>>) semaphore(%arg14 : memref<!tpu.dma_semaphore, #tpu.memory_space<semaphore_mem>>)
    %dma_wait3A = arith.constant 38 : i32
    %dma_wait3A_27 = arith.constant 0 : i32
    %dma_wait3A_28 = tpu.memref_slice %arg7[%dma_wait3A, %dma_wait3A_27] : memref<40x128xi32, #tpu.memory_space<vmem>> -> memref<1x128xi32, #tpu.memory_space<vmem>>
    %dma_wait3A_29 = tpu.memref_squeeze %dma_wait3A_28 : memref<1x128xi32, #tpu.memory_space<vmem>> -> memref<128xi32, #tpu.memory_space<vmem>>
    %dma_wait3A_30 = arith.constant 0 : i32
    %dma_wait3A_31 = arith.constant 0 : i32
    %dma_wait3A_32 = tpu.memref_slice %arg2[%dma_wait3A_30, %dma_wait3A_31] : memref<10000x128xf32, #tpu.memory_space<hbm>> -> memref<10000x128xf32, #tpu.memory_space<hbm>>
    tpu.wait_indirect_dma semaphore(%arg13 : memref<!tpu.dma_semaphore, #tpu.memory_space<semaphore_mem>>) src(%dma_wait3A_32 : memref<10000x128xf32, #tpu.memory_space<hbm>>) dst(%arg9 : memref<128x128xf32, #tpu.memory_space<vmem>>)
    %get3A = arith.constant 38 : i32
    %get3A_33 = arith.index_cast %get3A : i32 to index
    %get3A_34 = arith.constant 0 : index
    %get3A_35 = tpu.vector_load %arg8[%get3A_33, %get3A_34] {strides = array<i32>} : memref<40x128xi32, #tpu.memory_space<vmem>>, vector<1x16xi32>,
    %get3A_36 = vector.shape_cast %get3A_35 : vector<1x16xi32> to vector<16xi32>
    %swap3A = arith.constant 0 : index
    %swap3A_37 = tpu.vector_load %arg11[%swap3A] {strides = array<i32>} : memref<128xi32, #tpu.memory_space<vmem>>, vector<16xi32>,
    %swap3A_38 = vector.shape_cast %swap3A_37 : vector<16xi32> to vector<16xi32>
    %swap3A_39 = vector.shape_cast %get3A_36 : vector<16xi32> to vector<16xi32>
    tpu.vector_store %arg11[%swap3A], %swap3A_39 {strides = array<i32>} : memref<128xi32, #tpu.memory_space<vmem>>, vector<16xi32>,
    %get3A_40 = arith.constant 38 : i32
    %get3A_41 = arith.index_cast %get3A_40 : i32 to index
    %get3A_42 = arith.constant 16 : index
    %get3A_43 = tpu.vector_load %arg8[%get3A_41, %get3A_42] {strides = array<i32>} : memref<40x128xi32, #tpu.memory_space<vmem>>, vector<1x16xi32>,
    %get3A_44 = vector.shape_cast %get3A_43 : vector<1x16xi32> to vector<16xi32>
    %swap3A_45 = arith.constant 16 : index
    %swap3A_46 = tpu.vector_load %arg11[%swap3A_45] {strides = array<i32>} : memref<128xi32, #tpu.memory_space<vmem>>, vector<16xi32>,
    %swap3A_47 = vector.shape_cast %swap3A_46 : vector<16xi32> to vector<16xi32>
    %swap3A_48 = vector.shape_cast %get3A_44 : vector<16xi32> to vector<16xi32>
    tpu.vector_store %arg11[%swap3A_45], %swap3A_48 {strides = array<i32>} : memref<128xi32, #tpu.memory_space<vmem>>, vector<16xi32>,
    %get3A_49 = arith.constant 38 : i32
    %get3A_50 = arith.index_cast %get3A_49 : i32 to index
    %get3A_51 = arith.constant 32 : index
    %get3A_52 = tpu.vector_load %arg8[%get3A_50, %get3A_51] {strides = array<i32>} : memref<40x128xi32, #tpu.memory_space<vmem>>, vector<1x16xi32>,
    %get3A_53 = vector.shape_cast %get3A_52 : vector<1x16xi32> to vector<16xi32>
    %swap3A_54 = arith.constant 32 : index
    %swap3A_55 = tpu.vector_load %arg11[%swap3A_54] {strides = array<i32>} : memref<128xi32, #tpu.memory_space<vmem>>, vector<16xi32>,
    %swap3A_56 = vector.shape_cast %swap3A_55 : vector<16xi32> to vector<16xi32>
    %swap3A_57 = vector.shape_cast %get3A_53 : vector<16xi32> to vector<16xi32>
    tpu.vector_store %arg11[%swap3A_54], %swap3A_57 {strides = array<i32>} : memref<128xi32, #tpu.memory_space<vmem>>, vector<16xi32>,
    %get3A_58 = arith.constant 38 : i32
    %get3A_59 = arith.index_cast %get3A_58 : i32 to index
    %get3A_60 = arith.constant 48 : index
    %get3A_61 = tpu.vector_load %arg8[%get3A_59, %get3A_60] {strides = array<i32>} : memref<40x128xi32, #tpu.memory_space<vmem>>, vector<1x16xi32>,
    %get3A_62 = vector.shape_cast %get3A_61 : vector<1x16xi32> to vector<16xi32>
    %swap3A_63 = arith.constant 48 : index
    %swap3A_64 = tpu.vector_load %arg11[%swap3A_63] {strides = array<i32>} : memref<128xi32, #tpu.memory_space<vmem>>, vector<16xi32>,
    %swap3A_65 = vector.shape_cast %swap3A_64 : vector<16xi32> to vector<16xi32>
    %swap3A_66 = vector.shape_cast %get3A_62 : vector<16xi32> to vector<16xi32>
    tpu.vector_store %arg11[%swap3A_63], %swap3A_66 {strides = array<i32>} : memref<128xi32, #tpu.memory_space<vmem>>, vector<16xi32>,
    %get3A_67 = arith.constant 38 : i32
    %get3A_68 = arith.index_cast %get3A_67 : i32 to index
    %get3A_69 = arith.constant 64 : index
    %get3A_70 = tpu.vector_load %arg8[%get3A_68, %get3A_69] {strides = array<i32>} : memref<40x128xi32, #tpu.memory_space<vmem>>, vector<1x16xi32>,
    %get3A_71 = vector.shape_cast %get3A_70 : vector<1x16xi32> to vector<16xi32>
    %swap3A_72 = arith.constant 64 : index
    %swap3A_73 = tpu.vector_load %arg11[%swap3A_72] {strides = array<i32>} : memref<128xi32, #tpu.memory_space<vmem>>, vector<16xi32>,
    %swap3A_74 = vector.shape_cast %swap3A_73 : vector<16xi32> to vector<16xi32>
    %swap3A_75 = vector.shape_cast %get3A_71 : vector<16xi32> to vector<16xi32>
    tpu.vector_store %arg11[%swap3A_72], %swap3A_75 {strides = array<i32>} : memref<128xi32, #tpu.memory_space<vmem>>, vector<16xi32>,
    %get3A_76 = arith.constant 38 : i32
    %get3A_77 = arith.index_cast %get3A_76 : i32 to index
    %get3A_78 = arith.constant 80 : index
    %get3A_79 = tpu.vector_load %arg8[%get3A_77, %get3A_78] {strides = array<i32>} : memref<40x128xi32, #tpu.memory_space<vmem>>, vector<1x16xi32>,
    %get3A_80 = vector.shape_cast %get3A_79 : vector<1x16xi32> to vector<16xi32>
    %swap3A_81 = arith.constant 80 : index
    %swap3A_82 = tpu.vector_load %arg11[%swap3A_81] {strides = array<i32>} : memref<128xi32, #tpu.memory_space<vmem>>, vector<16xi32>,
    %swap3A_83 = vector.shape_cast %swap3A_82 : vector<16xi32> to vector<16xi32>
    %swap3A_84 = vector.shape_cast %get3A_80 : vector<16xi32> to vector<16xi32>
    tpu.vector_store %arg11[%swap3A_81], %swap3A_84 {strides = array<i32>} : memref<128xi32, #tpu.memory_space<vmem>>, vector<16xi32>,
    %get3A_85 = arith.constant 38 : i32
    %get3A_86 = arith.index_cast %get3A_85 : i32 to index
    %get3A_87 = arith.constant 96 : index
    %get3A_88 = tpu.vector_load %arg8[%get3A_86, %get3A_87] {strides = array<i32>} : memref<40x128xi32, #tpu.memory_space<vmem>>, vector<1x16xi32>,
    %get3A_89 = vector.shape_cast %get3A_88 : vector<1x16xi32> to vector<16xi32>
    %swap3A_90 = arith.constant 96 : index
    %swap3A_91 = tpu.vector_load %arg11[%swap3A_90] {strides = array<i32>} : memref<128xi32, #tpu.memory_space<vmem>>, vector<16xi32>,
    %swap3A_92 = vector.shape_cast %swap3A_91 : vector<16xi32> to vector<16xi32>
    %swap3A_93 = vector.shape_cast %get3A_89 : vector<16xi32> to vector<16xi32>
    tpu.vector_store %arg11[%swap3A_90], %swap3A_93 {strides = array<i32>} : memref<128xi32, #tpu.memory_space<vmem>>, vector<16xi32>,
    %get3A_94 = arith.constant 38 : i32
    %get3A_95 = arith.index_cast %get3A_94 : i32 to index
    %get3A_96 = arith.constant 112 : index
    %get3A_97 = tpu.vector_load %arg8[%get3A_95, %get3A_96] {strides = array<i32>} : memref<40x128xi32, #tpu.memory_space<vmem>>, vector<1x16xi32>,
    %get3A_98 = vector.shape_cast %get3A_97 : vector<1x16xi32> to vector<16xi32>
    %swap3A_99 = arith.constant 112 : index
    %swap3A_100 = tpu.vector_load %arg11[%swap3A_99] {strides = array<i32>} : memref<128xi32, #tpu.memory_space<vmem>>, vector<16xi32>,
    %swap3A_101 = vector.shape_cast %swap3A_100 : vector<16xi32> to vector<16xi32>
    %swap3A_102 = vector.shape_cast %get3A_98 : vector<16xi32> to vector<16xi32>
    tpu.vector_store %arg11[%swap3A_99], %swap3A_102 {strides = array<i32>} : memref<128xi32, #tpu.memory_space<vmem>>, vector<16xi32>,
    "tpu.region"() ({
      %run_scoped3A = tpu.sem_alloc : memref<!tpu.dma_semaphore, #tpu.memory_space<semaphore_mem>>
      %dma_start3A_369 = arith.constant 0 : i32
      %dma_start3A_370 = arith.constant 0 : i32
      %dma_start3A_371 = tpu.memref_slice %arg12[%dma_start3A_369, %dma_start3A_370] : memref<10112x128xf32, #tpu.memory_space<vmem_shared>> -> memref<10112x128xf32, #tpu.memory_space<vmem_shared>>
      tpu.enqueue_indirect_dma source(%arg9 : memref<128x128xf32, #tpu.memory_space<vmem>>) target(%dma_start3A_371 : memref<10112x128xf32, #tpu.memory_space<vmem_shared>>) offsets(%arg11 : memref<128xi32, #tpu.memory_space<vmem>>) semaphore(%run_scoped3A : memref<!tpu.dma_semaphore, #tpu.memory_space<semaphore_mem>>) {add = true}
      %dma_wait3A_372 = arith.constant 0 : i32
      %dma_wait3A_373 = arith.constant 0 : i32
      %dma_wait3A_374 = tpu.memref_slice %arg12[%dma_wait3A_372, %dma_wait3A_373] : memref<10112x128xf32, #tpu.memory_space<vmem_shared>> -> memref<10112x128xf32, #tpu.memory_space<vmem_shared>>
      tpu.wait_indirect_dma semaphore(%run_scoped3A : memref<!tpu.dma_semaphore, #tpu.memory_space<semaphore_mem>>) src(%arg9 : memref<128x128xf32, #tpu.memory_space<vmem>>) dst(%dma_wait3A_374 : memref<10112x128xf32, #tpu.memory_space<vmem_shared>>)
      tpu.yield
    }) : () -> ()
    %dma_wait3A_103 = arith.constant 39 : i32
    %dma_wait3A_104 = arith.constant 0 : i32
    %dma_wait3A_105 = tpu.memref_slice %arg7[%dma_wait3A_103, %dma_wait3A_104] : memref<40x128xi32, #tpu.memory_space<vmem>> -> memref<1x128xi32, #tpu.memory_space<vmem>>
    %dma_wait3A_106 = tpu.memref_squeeze %dma_wait3A_105 : memref<1x128xi32, #tpu.memory_space<vmem>> -> memref<128xi32, #tpu.memory_space<vmem>>
    %dma_wait3A_107 = arith.constant 0 : i32
    %dma_wait3A_108 = arith.constant 0 : i32
    %dma_wait3A_109 = tpu.memref_slice %arg2[%dma_wait3A_107, %dma_wait3A_108] : memref<10000x128xf32, #tpu.memory_space<hbm>> -> memref<10000x128xf32, #tpu.memory_space<hbm>>
    tpu.wait_indirect_dma semaphore(%arg14 : memref<!tpu.dma_semaphore, #tpu.memory_space<semaphore_mem>>) src(%dma_wait3A_109 : memref<10000x128xf32, #tpu.memory_space<hbm>>) dst(%arg10 : memref<128x128xf32, #tpu.memory_space<vmem>>)
    %get3A_110 = arith.constant 39 : i32
    %get3A_111 = arith.index_cast %get3A_110 : i32 to index
    %get3A_112 = arith.constant 0 : index
    %get3A_113 = tpu.vector_load %arg8[%get3A_111, %get3A_112] {strides = array<i32>} : memref<40x128xi32, #tpu.memory_space<vmem>>, vector<1x16xi32>,
    %get3A_114 = vector.shape_cast %get3A_113 : vector<1x16xi32> to vector<16xi32>
    %swap3A_115 = arith.constant 0 : index
    %swap3A_116 = tpu.vector_load %arg11[%swap3A_115] {strides = array<i32>} : memref<128xi32, #tpu.memory_space<vmem>>, vector<16xi32>,
    %swap3A_117 = vector.shape_cast %swap3A_116 : vector<16xi32> to vector<16xi32>
    %swap3A_118 = vector.shape_cast %get3A_114 : vector<16xi32> to vector<16xi32>
    tpu.vector_store %arg11[%swap3A_115], %swap3A_118 {strides = array<i32>} : memref<128xi32, #tpu.memory_space<vmem>>, vector<16xi32>,
    %get3A_119 = arith.constant 39 : i32
    %get3A_120 = arith.index_cast %get3A_119 : i32 to index
    %get3A_121 = arith.constant 16 : index
    %get3A_122 = tpu.vector_load %arg8[%get3A_120, %get3A_121] {strides = array<i32>} : memref<40x128xi32, #tpu.memory_space<vmem>>, vector<1x16xi32>,
    %get3A_123 = vector.shape_cast %get3A_122 : vector<1x16xi32> to vector<16xi32>
    %swap3A_124 = arith.constant 16 : index
    %swap3A_125 = tpu.vector_load %arg11[%swap3A_124] {strides = array<i32>} : memref<128xi32, #tpu.memory_space<vmem>>, vector<16xi32>,
    %swap3A_126 = vector.shape_cast %swap3A_125 : vector<16xi32> to vector<16xi32>
    %swap3A_127 = vector.shape_cast %get3A_123 : vector<16xi32> to vector<16xi32>
    tpu.vector_store %arg11[%swap3A_124], %swap3A_127 {strides = array<i32>} : memref<128xi32, #tpu.memory_space<vmem>>, vector<16xi32>,
    %get3A_128 = arith.constant 39 : i32
    %get3A_129 = arith.index_cast %get3A_128 : i32 to index
    %get3A_130 = arith.constant 32 : index
    %get3A_131 = tpu.vector_load %arg8[%get3A_129, %get3A_130] {strides = array<i32>} : memref<40x128xi32, #tpu.memory_space<vmem>>, vector<1x16xi32>,
    %get3A_132 = vector.shape_cast %get3A_131 : vector<1x16xi32> to vector<16xi32>
    %swap3A_133 = arith.constant 32 : index
    %swap3A_134 = tpu.vector_load %arg11[%swap3A_133] {strides = array<i32>} : memref<128xi32, #tpu.memory_space<vmem>>, vector<16xi32>,
    %swap3A_135 = vector.shape_cast %swap3A_134 : vector<16xi32> to vector<16xi32>
    %swap3A_136 = vector.shape_cast %get3A_132 : vector<16xi32> to vector<16xi32>
    tpu.vector_store %arg11[%swap3A_133], %swap3A_136 {strides = array<i32>} : memref<128xi32, #tpu.memory_space<vmem>>, vector<16xi32>,
    %get3A_137 = arith.constant 39 : i32
    %get3A_138 = arith.index_cast %get3A_137 : i32 to index
    %get3A_139 = arith.constant 48 : index
    %get3A_140 = tpu.vector_load %arg8[%get3A_138, %get3A_139] {strides = array<i32>} : memref<40x128xi32, #tpu.memory_space<vmem>>, vector<1x16xi32>,
    %get3A_141 = vector.shape_cast %get3A_140 : vector<1x16xi32> to vector<16xi32>
    %swap3A_142 = arith.constant 48 : index
    %swap3A_143 = tpu.vector_load %arg11[%swap3A_142] {strides = array<i32>} : memref<128xi32, #tpu.memory_space<vmem>>, vector<16xi32>,
    %swap3A_144 = vector.shape_cast %swap3A_143 : vector<16xi32> to vector<16xi32>
    %swap3A_145 = vector.shape_cast %get3A_141 : vector<16xi32> to vector<16xi32>
    tpu.vector_store %arg11[%swap3A_142], %swap3A_145 {strides = array<i32>} : memref<128xi32, #tpu.memory_space<vmem>>, vector<16xi32>,
    %get3A_146 = arith.constant 39 : i32
    %get3A_147 = arith.index_cast %get3A_146 : i32 to index
    %get3A_148 = arith.constant 64 : index
    %get3A_149 = tpu.vector_load %arg8[%get3A_147, %get3A_148] {strides = array<i32>} : memref<40x128xi32, #tpu.memory_space<vmem>>, vector<1x16xi32>,
    %get3A_150 = vector.shape_cast %get3A_149 : vector<1x16xi32> to vector<16xi32>
    %swap3A_151 = arith.constant 64 : index
    %swap3A_152 = tpu.vector_load %arg11[%swap3A_151] {strides = array<i32>} : memref<128xi32, #tpu.memory_space<vmem>>, vector<16xi32>,
    %swap3A_153 = vector.shape_cast %swap3A_152 : vector<16xi32> to vector<16xi32>
    %swap3A_154 = vector.shape_cast %get3A_150 : vector<16xi32> to vector<16xi32>
    tpu.vector_store %arg11[%swap3A_151], %swap3A_154 {strides = array<i32>} : memref<128xi32, #tpu.memory_space<vmem>>, vector<16xi32>,
    %get3A_155 = arith.constant 39 : i32
    %get3A_156 = arith.index_cast %get3A_155 : i32 to index
    %get3A_157 = arith.constant 80 : index
    %get3A_158 = tpu.vector_load %arg8[%get3A_156, %get3A_157] {strides = array<i32>} : memref<40x128xi32, #tpu.memory_space<vmem>>, vector<1x16xi32>,
    %get3A_159 = vector.shape_cast %get3A_158 : vector<1x16xi32> to vector<16xi32>
    %swap3A_160 = arith.constant 80 : index
    %swap3A_161 = tpu.vector_load %arg11[%swap3A_160] {strides = array<i32>} : memref<128xi32, #tpu.memory_space<vmem>>, vector<16xi32>,
    %swap3A_162 = vector.shape_cast %swap3A_161 : vector<16xi32> to vector<16xi32>
    %swap3A_163 = vector.shape_cast %get3A_159 : vector<16xi32> to vector<16xi32>
    tpu.vector_store %arg11[%swap3A_160], %swap3A_163 {strides = array<i32>} : memref<128xi32, #tpu.memory_space<vmem>>, vector<16xi32>,
    %get3A_164 = arith.constant 39 : i32
    %get3A_165 = arith.index_cast %get3A_164 : i32 to index
    %get3A_166 = arith.constant 96 : index
    %get3A_167 = tpu.vector_load %arg8[%get3A_165, %get3A_166] {strides = array<i32>} : memref<40x128xi32, #tpu.memory_space<vmem>>, vector<1x16xi32>,
    %get3A_168 = vector.shape_cast %get3A_167 : vector<1x16xi32> to vector<16xi32>
    %swap3A_169 = arith.constant 96 : index
    %swap3A_170 = tpu.vector_load %arg11[%swap3A_169] {strides = array<i32>} : memref<128xi32, #tpu.memory_space<vmem>>, vector<16xi32>,
    %swap3A_171 = vector.shape_cast %swap3A_170 : vector<16xi32> to vector<16xi32>
    %swap3A_172 = vector.shape_cast %get3A_168 : vector<16xi32> to vector<16xi32>
    tpu.vector_store %arg11[%swap3A_169], %swap3A_172 {strides = array<i32>} : memref<128xi32, #tpu.memory_space<vmem>>, vector<16xi32>,
    %get3A_173 = arith.constant 39 : i32
    %get3A_174 = arith.index_cast %get3A_173 : i32 to index
    %get3A_175 = arith.constant 112 : index
    %get3A_176 = tpu.vector_load %arg8[%get3A_174, %get3A_175] {strides = array<i32>} : memref<40x128xi32, #tpu.memory_space<vmem>>, vector<1x16xi32>,
    %get3A_177 = vector.shape_cast %get3A_176 : vector<1x16xi32> to vector<16xi32>
    %swap3A_178 = arith.constant 112 : index
    %swap3A_179 = tpu.vector_load %arg11[%swap3A_178] {strides = array<i32>} : memref<128xi32, #tpu.memory_space<vmem>>, vector<16xi32>,
    %swap3A_180 = vector.shape_cast %swap3A_179 : vector<16xi32> to vector<16xi32>
    %swap3A_181 = vector.shape_cast %get3A_177 : vector<16xi32> to vector<16xi32>
    tpu.vector_store %arg11[%swap3A_178], %swap3A_181 {strides = array<i32>} : memref<128xi32, #tpu.memory_space<vmem>>, vector<16xi32>,
    "tpu.region"() ({
      %run_scoped3A = tpu.sem_alloc : memref<!tpu.dma_semaphore, #tpu.memory_space<semaphore_mem>>
      %dma_start3A_369 = arith.constant 0 : i32
      %dma_start3A_370 = arith.constant 0 : i32
      %dma_start3A_371 = tpu.memref_slice %arg12[%dma_start3A_369, %dma_start3A_370] : memref<10112x128xf32, #tpu.memory_space<vmem_shared>> -> memref<10112x128xf32, #tpu.memory_space<vmem_shared>>
      tpu.enqueue_indirect_dma source(%arg10 : memref<128x128xf32, #tpu.memory_space<vmem>>) target(%dma_start3A_371 : memref<10112x128xf32, #tpu.memory_space<vmem_shared>>) offsets(%arg11 : memref<128xi32, #tpu.memory_space<vmem>>) semaphore(%run_scoped3A : memref<!tpu.dma_semaphore, #tpu.memory_space<semaphore_mem>>) {add = true}
      %dma_wait3A_372 = arith.constant 0 : i32
      %dma_wait3A_373 = arith.constant 0 : i32
      %dma_wait3A_374 = tpu.memref_slice %arg12[%dma_wait3A_372, %dma_wait3A_373] : memref<10112x128xf32, #tpu.memory_space<vmem_shared>> -> memref<10112x128xf32, #tpu.memory_space<vmem_shared>>
      tpu.wait_indirect_dma semaphore(%run_scoped3A : memref<!tpu.dma_semaphore, #tpu.memory_space<semaphore_mem>>) src(%arg10 : memref<128x128xf32, #tpu.memory_space<vmem>>) dst(%dma_wait3A_374 : memref<10112x128xf32, #tpu.memory_space<vmem_shared>>)
      tpu.yield
    }) : () -> ()
    %mul3A_182 = arith.constant 80 : i32
    %mul3A_183 = arith.muli %add3A, %mul3A_182 : i32
    %add3A_184 = arith.constant 40 : i32
    %add3A_185 = arith.addi %mul3A_183, %add3A_184 : i32
    "tpu.region"() ({
      %run_scoped3A = tpu.sem_alloc : memref<!tpu.dma_semaphore, #tpu.memory_space<semaphore_mem>>
      %dma_start3A_369 = arith.constant 0 : i32
      %dma_start3A_370 = tpu.memref_slice %arg3[%add3A_185, %dma_start3A_369] : memref<2560x128xi32, #tpu.memory_space<hbm>> -> memref<40x128xi32, #tpu.memory_space<hbm>>
      %dma_start3A_371 = arith.constant 0 : i32
      %dma_start3A_372 = tpu.memref_slice %arg3[%add3A_185, %dma_start3A_371] : memref<2560x128xi32, #tpu.memory_space<hbm>> -> memref<40x128xi32, #tpu.memory_space<hbm>>
      tpu.enqueue_dma source(%dma_start3A_372 : memref<40x128xi32, #tpu.memory_space<hbm>>) target(%arg7 : memref<40x128xi32, #tpu.memory_space<vmem>>) target_semaphore(%run_scoped3A : memref<!tpu.dma_semaphore, #tpu.memory_space<semaphore_mem>>)
      %dma_wait3A_373 = arith.constant 0 : i32
      %dma_wait3A_374 = tpu.memref_slice %arg3[%add3A_185, %dma_wait3A_373] : memref<2560x128xi32, #tpu.memory_space<hbm>> -> memref<40x128xi32, #tpu.memory_space<hbm>>
      %dma_wait3A_375 = arith.constant 0 : i32
      %dma_wait3A_376 = tpu.memref_slice %arg3[%add3A_185, %dma_wait3A_375] : memref<2560x128xi32, #tpu.memory_space<hbm>> -> memref<40x128xi32, #tpu.memory_space<hbm>>
      tpu.wait_dma2 semaphore(%run_scoped3A : memref<!tpu.dma_semaphore, #tpu.memory_space<semaphore_mem>>) src(%dma_wait3A_376 : memref<40x128xi32, #tpu.memory_space<hbm>>) dst(%arg7 : memref<40x128xi32, #tpu.memory_space<vmem>>)
      tpu.yield
    }) : () -> ()
    "tpu.region"() ({
      %run_scoped3A = tpu.sem_alloc : memref<!tpu.dma_semaphore, #tpu.memory_space<semaphore_mem>>
      %dma_start3A_369 = arith.constant 0 : i32
      %dma_start3A_370 = tpu.memref_slice %arg4[%add3A_185, %dma_start3A_369] : memref<2560x128xi32, #tpu.memory_space<hbm>> -> memref<40x128xi32, #tpu.memory_space<hbm>>
      %dma_start3A_371 = arith.constant 0 : i32
      %dma_start3A_372 = tpu.memref_slice %arg4[%add3A_185, %dma_start3A_371] : memref<2560x128xi32, #tpu.memory_space<hbm>> -> memref<40x128xi32, #tpu.memory_space<hbm>>
      tpu.enqueue_dma source(%dma_start3A_372 : memref<40x128xi32, #tpu.memory_space<hbm>>) target(%arg8 : memref<40x128xi32, #tpu.memory_space<vmem>>) target_semaphore(%run_scoped3A : memref<!tpu.dma_semaphore, #tpu.memory_space<semaphore_mem>>)
      %dma_wait3A_373 = arith.constant 0 : i32
      %dma_wait3A_374 = tpu.memref_slice %arg4[%add3A_185, %dma_wait3A_373] : memref<2560x128xi32, #tpu.memory_space<hbm>> -> memref<40x128xi32, #tpu.memory_space<hbm>>
      %dma_wait3A_375 = arith.constant 0 : i32
      %dma_wait3A_376 = tpu.memref_slice %arg4[%add3A_185, %dma_wait3A_375] : memref<2560x128xi32, #tpu.memory_space<hbm>> -> memref<40x128xi32, #tpu.memory_space<hbm>>
      tpu.wait_dma2 semaphore(%run_scoped3A : memref<!tpu.dma_semaphore, #tpu.memory_space<semaphore_mem>>) src(%dma_wait3A_376 : memref<40x128xi32, #tpu.memory_space<hbm>>) dst(%arg8 : memref<40x128xi32, #tpu.memory_space<vmem>>)
      tpu.yield
    }) : () -> ()
    %dma_start3A_186 = arith.constant 0 : i32
    %dma_start3A_187 = arith.constant 0 : i32
    %dma_start3A_188 = tpu.memref_slice %arg7[%dma_start3A_186, %dma_start3A_187] : memref<40x128xi32, #tpu.memory_space<vmem>> -> memref<1x128xi32, #tpu.memory_space<vmem>>
    %dma_start3A_189 = tpu.memref_squeeze %dma_start3A_188 : memref<1x128xi32, #tpu.memory_space<vmem>> -> memref<128xi32, #tpu.memory_space<vmem>>
    %dma_start3A_190 = arith.constant 0 : i32
    %dma_start3A_191 = arith.constant 0 : i32
    %dma_start3A_192 = tpu.memref_slice %arg2[%dma_start3A_190, %dma_start3A_191] : memref<10000x128xf32, #tpu.memory_space<hbm>> -> memref<10000x128xf32, #tpu.memory_space<hbm>>
    tpu.enqueue_indirect_dma source(%dma_start3A_192 : memref<10000x128xf32, #tpu.memory_space<hbm>>) target(%arg9 : memref<128x128xf32, #tpu.memory_space<vmem>>) offsets(%dma_start3A_189 : memref<128xi32, #tpu.memory_space<vmem>>) semaphore(%arg13 : memref<!tpu.dma_semaphore, #tpu.memory_space<semaphore_mem>>)
    %scan3A_193 = arith.constant 0 : i32
    %scan3A_194 = arith.constant 0 : i32
    %scan3A_195 = arith.constant 19 : i32
    %scan3A_196 = arith.addi %scan3A_194, %scan3A_195 : i32
    %scan3A_197 = arith.constant 1 : i32
    scf.for %scan3A_369 = %scan3A_194 to %scan3A_196 step %scan3A_197  : i32 {
      %mul3A_370 = arith.constant 2 : i32
      %mul3A_371 = arith.muli %mul3A_370, %scan3A_369 : i32
      %add3A_372 = arith.constant 1 : i32
      %add3A_373 = arith.addi %mul3A_371, %add3A_372 : i32
      %dma_start3A_374 = arith.constant 0 : i32
      %dma_start3A_375 = tpu.memref_slice %arg7[%add3A_373, %dma_start3A_374] : memref<40x128xi32, #tpu.memory_space<vmem>> -> memref<1x128xi32, #tpu.memory_space<vmem>>
      %dma_start3A_376 = tpu.memref_squeeze %dma_start3A_375 : memref<1x128xi32, #tpu.memory_space<vmem>> -> memref<128xi32, #tpu.memory_space<vmem>>
      %dma_start3A_377 = arith.constant 0 : i32
      %dma_start3A_378 = arith.constant 0 : i32
      %dma_start3A_379 = tpu.memref_slice %arg2[%dma_start3A_377, %dma_start3A_378] : memref<10000x128xf32, #tpu.memory_space<hbm>> -> memref<10000x128xf32, #tpu.memory_space<hbm>>
      tpu.enqueue_indirect_dma source(%dma_start3A_379 : memref<10000x128xf32, #tpu.memory_space<hbm>>) target(%arg10 : memref<128x128xf32, #tpu.memory_space<vmem>>) offsets(%dma_start3A_376 : memref<128xi32, #tpu.memory_space<vmem>>) semaphore(%arg14 : memref<!tpu.dma_semaphore, #tpu.memory_space<semaphore_mem>>)
      %dma_wait3A_380 = arith.constant 0 : i32
      %dma_wait3A_381 = tpu.memref_slice %arg7[%mul3A_371, %dma_wait3A_380] : memref<40x128xi32, #tpu.memory_space<vmem>> -> memref<1x128xi32, #tpu.memory_space<vmem>>
      %dma_wait3A_382 = tpu.memref_squeeze %dma_wait3A_381 : memref<1x128xi32, #tpu.memory_space<vmem>> -> memref<128xi32, #tpu.memory_space<vmem>>
      %dma_wait3A_383 = arith.constant 0 : i32
      %dma_wait3A_384 = arith.constant 0 : i32
      %dma_wait3A_385 = tpu.memref_slice %arg2[%dma_wait3A_383, %dma_wait3A_384] : memref<10000x128xf32, #tpu.memory_space<hbm>> -> memref<10000x128xf32, #tpu.memory_space<hbm>>
      tpu.wait_indirect_dma semaphore(%arg13 : memref<!tpu.dma_semaphore, #tpu.memory_space<semaphore_mem>>) src(%dma_wait3A_385 : memref<10000x128xf32, #tpu.memory_space<hbm>>) dst(%arg9 : memref<128x128xf32, #tpu.memory_space<vmem>>)
      %get3A_386 = arith.index_cast %mul3A_371 : i32 to index
      %get3A_387 = arith.constant 0 : index
      %get3A_388 = tpu.vector_load %arg8[%get3A_386, %get3A_387] {strides = array<i32>} : memref<40x128xi32, #tpu.memory_space<vmem>>, vector<1x16xi32>,
      %get3A_389 = vector.shape_cast %get3A_388 : vector<1x16xi32> to vector<16xi32>
      %swap3A_390 = arith.constant 0 : index
      %swap3A_391 = tpu.vector_load %arg11[%swap3A_390] {strides = array<i32>} : memref<128xi32, #tpu.memory_space<vmem>>, vector<16xi32>,
      %swap3A_392 = vector.shape_cast %swap3A_391 : vector<16xi32> to vector<16xi32>
      %swap3A_393 = vector.shape_cast %get3A_389 : vector<16xi32> to vector<16xi32>
      tpu.vector_store %arg11[%swap3A_390], %swap3A_393 {strides = array<i32>} : memref<128xi32, #tpu.memory_space<vmem>>, vector<16xi32>,
      %get3A_394 = arith.index_cast %mul3A_371 : i32 to index
      %get3A_395 = arith.constant 16 : index
      %get3A_396 = tpu.vector_load %arg8[%get3A_394, %get3A_395] {strides = array<i32>} : memref<40x128xi32, #tpu.memory_space<vmem>>, vector<1x16xi32>,
      %get3A_397 = vector.shape_cast %get3A_396 : vector<1x16xi32> to vector<16xi32>
      %swap3A_398 = arith.constant 16 : index
      %swap3A_399 = tpu.vector_load %arg11[%swap3A_398] {strides = array<i32>} : memref<128xi32, #tpu.memory_space<vmem>>, vector<16xi32>,
      %swap3A_400 = vector.shape_cast %swap3A_399 : vector<16xi32> to vector<16xi32>
      %swap3A_401 = vector.shape_cast %get3A_397 : vector<16xi32> to vector<16xi32>
      tpu.vector_store %arg11[%swap3A_398], %swap3A_401 {strides = array<i32>} : memref<128xi32, #tpu.memory_space<vmem>>, vector<16xi32>,
      %get3A_402 = arith.index_cast %mul3A_371 : i32 to index
      %get3A_403 = arith.constant 32 : index
      %get3A_404 = tpu.vector_load %arg8[%get3A_402, %get3A_403] {strides = array<i32>} : memref<40x128xi32, #tpu.memory_space<vmem>>, vector<1x16xi32>,
      %get3A_405 = vector.shape_cast %get3A_404 : vector<1x16xi32> to vector<16xi32>
      %swap3A_406 = arith.constant 32 : index
      %swap3A_407 = tpu.vector_load %arg11[%swap3A_406] {strides = array<i32>} : memref<128xi32, #tpu.memory_space<vmem>>, vector<16xi32>,
      %swap3A_408 = vector.shape_cast %swap3A_407 : vector<16xi32> to vector<16xi32>
      %swap3A_409 = vector.shape_cast %get3A_405 : vector<16xi32> to vector<16xi32>
      tpu.vector_store %arg11[%swap3A_406], %swap3A_409 {strides = array<i32>} : memref<128xi32, #tpu.memory_space<vmem>>, vector<16xi32>,
      %get3A_410 = arith.index_cast %mul3A_371 : i32 to index
      %get3A_411 = arith.constant 48 : index
      %get3A_412 = tpu.vector_load %arg8[%get3A_410, %get3A_411] {strides = array<i32>} : memref<40x128xi32, #tpu.memory_space<vmem>>, vector<1x16xi32>,
      %get3A_413 = vector.shape_cast %get3A_412 : vector<1x16xi32> to vector<16xi32>
      %swap3A_414 = arith.constant 48 : index
      %swap3A_415 = tpu.vector_load %arg11[%swap3A_414] {strides = array<i32>} : memref<128xi32, #tpu.memory_space<vmem>>, vector<16xi32>,
      %swap3A_416 = vector.shape_cast %swap3A_415 : vector<16xi32> to vector<16xi32>
      %swap3A_417 = vector.shape_cast %get3A_413 : vector<16xi32> to vector<16xi32>
      tpu.vector_store %arg11[%swap3A_414], %swap3A_417 {strides = array<i32>} : memref<128xi32, #tpu.memory_space<vmem>>, vector<16xi32>,
      %get3A_418 = arith.index_cast %mul3A_371 : i32 to index
      %get3A_419 = arith.constant 64 : index
      %get3A_420 = tpu.vector_load %arg8[%get3A_418, %get3A_419] {strides = array<i32>} : memref<40x128xi32, #tpu.memory_space<vmem>>, vector<1x16xi32>,
      %get3A_421 = vector.shape_cast %get3A_420 : vector<1x16xi32> to vector<16xi32>
      %swap3A_422 = arith.constant 64 : index
      %swap3A_423 = tpu.vector_load %arg11[%swap3A_422] {strides = array<i32>} : memref<128xi32, #tpu.memory_space<vmem>>, vector<16xi32>,
      %swap3A_424 = vector.shape_cast %swap3A_423 : vector<16xi32> to vector<16xi32>
      %swap3A_425 = vector.shape_cast %get3A_421 : vector<16xi32> to vector<16xi32>
      tpu.vector_store %arg11[%swap3A_422], %swap3A_425 {strides = array<i32>} : memref<128xi32, #tpu.memory_space<vmem>>, vector<16xi32>,
      %get3A_426 = arith.index_cast %mul3A_371 : i32 to index
      %get3A_427 = arith.constant 80 : index
      %get3A_428 = tpu.vector_load %arg8[%get3A_426, %get3A_427] {strides = array<i32>} : memref<40x128xi32, #tpu.memory_space<vmem>>, vector<1x16xi32>,
      %get3A_429 = vector.shape_cast %get3A_428 : vector<1x16xi32> to vector<16xi32>
      %swap3A_430 = arith.constant 80 : index
      %swap3A_431 = tpu.vector_load %arg11[%swap3A_430] {strides = array<i32>} : memref<128xi32, #tpu.memory_space<vmem>>, vector<16xi32>,
      %swap3A_432 = vector.shape_cast %swap3A_431 : vector<16xi32> to vector<16xi32>
      %swap3A_433 = vector.shape_cast %get3A_429 : vector<16xi32> to vector<16xi32>
      tpu.vector_store %arg11[%swap3A_430], %swap3A_433 {strides = array<i32>} : memref<128xi32, #tpu.memory_space<vmem>>, vector<16xi32>,
      %get3A_434 = arith.index_cast %mul3A_371 : i32 to index
      %get3A_435 = arith.constant 96 : index
      %get3A_436 = tpu.vector_load %arg8[%get3A_434, %get3A_435] {strides = array<i32>} : memref<40x128xi32, #tpu.memory_space<vmem>>, vector<1x16xi32>,
      %get3A_437 = vector.shape_cast %get3A_436 : vector<1x16xi32> to vector<16xi32>
      %swap3A_438 = arith.constant 96 : index
      %swap3A_439 = tpu.vector_load %arg11[%swap3A_438] {strides = array<i32>} : memref<128xi32, #tpu.memory_space<vmem>>, vector<16xi32>,
      %swap3A_440 = vector.shape_cast %swap3A_439 : vector<16xi32> to vector<16xi32>
      %swap3A_441 = vector.shape_cast %get3A_437 : vector<16xi32> to vector<16xi32>
      tpu.vector_store %arg11[%swap3A_438], %swap3A_441 {strides = array<i32>} : memref<128xi32, #tpu.memory_space<vmem>>, vector<16xi32>,
      %get3A_442 = arith.index_cast %mul3A_371 : i32 to index
      %get3A_443 = arith.constant 112 : index
      %get3A_444 = tpu.vector_load %arg8[%get3A_442, %get3A_443] {strides = array<i32>} : memref<40x128xi32, #tpu.memory_space<vmem>>, vector<1x16xi32>,
      %get3A_445 = vector.shape_cast %get3A_444 : vector<1x16xi32> to vector<16xi32>
      %swap3A_446 = arith.constant 112 : index
      %swap3A_447 = tpu.vector_load %arg11[%swap3A_446] {strides = array<i32>} : memref<128xi32, #tpu.memory_space<vmem>>, vector<16xi32>,
      %swap3A_448 = vector.shape_cast %swap3A_447 : vector<16xi32> to vector<16xi32>
      %swap3A_449 = vector.shape_cast %get3A_445 : vector<16xi32> to vector<16xi32>
      tpu.vector_store %arg11[%swap3A_446], %swap3A_449 {strides = array<i32>} : memref<128xi32, #tpu.memory_space<vmem>>, vector<16xi32>,
      "tpu.region"() ({
        %run_scoped3A = tpu.sem_alloc : memref<!tpu.dma_semaphore, #tpu.memory_space<semaphore_mem>>
        %dma_start3A_532 = arith.constant 0 : i32
        %dma_start3A_533 = arith.constant 0 : i32
        %dma_start3A_534 = tpu.memref_slice %arg12[%dma_start3A_532, %dma_start3A_533] : memref<10112x128xf32, #tpu.memory_space<vmem_shared>> -> memref<10112x128xf32, #tpu.memory_space<vmem_shared>>
        tpu.enqueue_indirect_dma source(%arg9 : memref<128x128xf32, #tpu.memory_space<vmem>>) target(%dma_start3A_534 : memref<10112x128xf32, #tpu.memory_space<vmem_shared>>) offsets(%arg11 : memref<128xi32, #tpu.memory_space<vmem>>) semaphore(%run_scoped3A : memref<!tpu.dma_semaphore, #tpu.memory_space<semaphore_mem>>) {add = true}
        %dma_wait3A_535 = arith.constant 0 : i32
        %dma_wait3A_536 = arith.constant 0 : i32
        %dma_wait3A_537 = tpu.memref_slice %arg12[%dma_wait3A_535, %dma_wait3A_536] : memref<10112x128xf32, #tpu.memory_space<vmem_shared>> -> memref<10112x128xf32, #tpu.memory_space<vmem_shared>>
        tpu.wait_indirect_dma semaphore(%run_scoped3A : memref<!tpu.dma_semaphore, #tpu.memory_space<semaphore_mem>>) src(%arg9 : memref<128x128xf32, #tpu.memory_space<vmem>>) dst(%dma_wait3A_537 : memref<10112x128xf32, #tpu.memory_space<vmem_shared>>)
        tpu.yield
      }) : () -> ()
      %add3A_450 = arith.constant 2 : i32
      %add3A_451 = arith.addi %mul3A_371, %add3A_450 : i32
      %dma_start3A_452 = arith.constant 0 : i32
      %dma_start3A_453 = tpu.memref_slice %arg7[%add3A_451, %dma_start3A_452] : memref<40x128xi32, #tpu.memory_space<vmem>> -> memref<1x128xi32, #tpu.memory_space<vmem>>
      %dma_start3A_454 = tpu.memref_squeeze %dma_start3A_453 : memref<1x128xi32, #tpu.memory_space<vmem>> -> memref<128xi32, #tpu.memory_space<vmem>>
      %dma_start3A_455 = arith.constant 0 : i32
      %dma_start3A_456 = arith.constant 0 : i32
      %dma_start3A_457 = tpu.memref_slice %arg2[%dma_start3A_455, %dma_start3A_456] : memref<10000x128xf32, #tpu.memory_space<hbm>> -> memref<10000x128xf32, #tpu.memory_space<hbm>>
      tpu.enqueue_indirect_dma source(%dma_start3A_457 : memref<10000x128xf32, #tpu.memory_space<hbm>>) target(%arg9 : memref<128x128xf32, #tpu.memory_space<vmem>>) offsets(%dma_start3A_454 : memref<128xi32, #tpu.memory_space<vmem>>) semaphore(%arg13 : memref<!tpu.dma_semaphore, #tpu.memory_space<semaphore_mem>>)
      %add3A_458 = arith.constant 1 : i32
      %add3A_459 = arith.addi %mul3A_371, %add3A_458 : i32
      %dma_wait3A_460 = arith.constant 0 : i32
      %dma_wait3A_461 = tpu.memref_slice %arg7[%add3A_459, %dma_wait3A_460] : memref<40x128xi32, #tpu.memory_space<vmem>> -> memref<1x128xi32, #tpu.memory_space<vmem>>
      %dma_wait3A_462 = tpu.memref_squeeze %dma_wait3A_461 : memref<1x128xi32, #tpu.memory_space<vmem>> -> memref<128xi32, #tpu.memory_space<vmem>>
      %dma_wait3A_463 = arith.constant 0 : i32
      %dma_wait3A_464 = arith.constant 0 : i32
      %dma_wait3A_465 = tpu.memref_slice %arg2[%dma_wait3A_463, %dma_wait3A_464] : memref<10000x128xf32, #tpu.memory_space<hbm>> -> memref<10000x128xf32, #tpu.memory_space<hbm>>
      tpu.wait_indirect_dma semaphore(%arg14 : memref<!tpu.dma_semaphore, #tpu.memory_space<semaphore_mem>>) src(%dma_wait3A_465 : memref<10000x128xf32, #tpu.memory_space<hbm>>) dst(%arg10 : memref<128x128xf32, #tpu.memory_space<vmem>>)
      %add3A_466 = arith.constant 1 : i32
      %add3A_467 = arith.addi %mul3A_371, %add3A_466 : i32
      %get3A_468 = arith.index_cast %add3A_467 : i32 to index
      %get3A_469 = arith.constant 0 : index
      %get3A_470 = tpu.vector_load %arg8[%get3A_468, %get3A_469] {strides = array<i32>} : memref<40x128xi32, #tpu.memory_space<vmem>>, vector<1x16xi32>,
      %get3A_471 = vector.shape_cast %get3A_470 : vector<1x16xi32> to vector<16xi32>
      %swap3A_472 = arith.constant 0 : index
      %swap3A_473 = tpu.vector_load %arg11[%swap3A_472] {strides = array<i32>} : memref<128xi32, #tpu.memory_space<vmem>>, vector<16xi32>,
      %swap3A_474 = vector.shape_cast %swap3A_473 : vector<16xi32> to vector<16xi32>
      %swap3A_475 = vector.shape_cast %get3A_471 : vector<16xi32> to vector<16xi32>
      tpu.vector_store %arg11[%swap3A_472], %swap3A_475 {strides = array<i32>} : memref<128xi32, #tpu.memory_space<vmem>>, vector<16xi32>,
      %get3A_476 = arith.index_cast %add3A_467 : i32 to index
      %get3A_477 = arith.constant 16 : index
      %get3A_478 = tpu.vector_load %arg8[%get3A_476, %get3A_477] {strides = array<i32>} : memref<40x128xi32, #tpu.memory_space<vmem>>, vector<1x16xi32>,
      %get3A_479 = vector.shape_cast %get3A_478 : vector<1x16xi32> to vector<16xi32>
      %swap3A_480 = arith.constant 16 : index
      %swap3A_481 = tpu.vector_load %arg11[%swap3A_480] {strides = array<i32>} : memref<128xi32, #tpu.memory_space<vmem>>, vector<16xi32>,
      %swap3A_482 = vector.shape_cast %swap3A_481 : vector<16xi32> to vector<16xi32>
      %swap3A_483 = vector.shape_cast %get3A_479 : vector<16xi32> to vector<16xi32>
      tpu.vector_store %arg11[%swap3A_480], %swap3A_483 {strides = array<i32>} : memref<128xi32, #tpu.memory_space<vmem>>, vector<16xi32>,
      %get3A_484 = arith.index_cast %add3A_467 : i32 to index
      %get3A_485 = arith.constant 32 : index
      %get3A_486 = tpu.vector_load %arg8[%get3A_484, %get3A_485] {strides = array<i32>} : memref<40x128xi32, #tpu.memory_space<vmem>>, vector<1x16xi32>,
      %get3A_487 = vector.shape_cast %get3A_486 : vector<1x16xi32> to vector<16xi32>
      %swap3A_488 = arith.constant 32 : index
      %swap3A_489 = tpu.vector_load %arg11[%swap3A_488] {strides = array<i32>} : memref<128xi32, #tpu.memory_space<vmem>>, vector<16xi32>,
      %swap3A_490 = vector.shape_cast %swap3A_489 : vector<16xi32> to vector<16xi32>
      %swap3A_491 = vector.shape_cast %get3A_487 : vector<16xi32> to vector<16xi32>
      tpu.vector_store %arg11[%swap3A_488], %swap3A_491 {strides = array<i32>} : memref<128xi32, #tpu.memory_space<vmem>>, vector<16xi32>,
      %get3A_492 = arith.index_cast %add3A_467 : i32 to index
      %get3A_493 = arith.constant 48 : index
      %get3A_494 = tpu.vector_load %arg8[%get3A_492, %get3A_493] {strides = array<i32>} : memref<40x128xi32, #tpu.memory_space<vmem>>, vector<1x16xi32>,
      %get3A_495 = vector.shape_cast %get3A_494 : vector<1x16xi32> to vector<16xi32>
      %swap3A_496 = arith.constant 48 : index
      %swap3A_497 = tpu.vector_load %arg11[%swap3A_496] {strides = array<i32>} : memref<128xi32, #tpu.memory_space<vmem>>, vector<16xi32>,
      %swap3A_498 = vector.shape_cast %swap3A_497 : vector<16xi32> to vector<16xi32>
      %swap3A_499 = vector.shape_cast %get3A_495 : vector<16xi32> to vector<16xi32>
      tpu.vector_store %arg11[%swap3A_496], %swap3A_499 {strides = array<i32>} : memref<128xi32, #tpu.memory_space<vmem>>, vector<16xi32>,
      %get3A_500 = arith.index_cast %add3A_467 : i32 to index
      %get3A_501 = arith.constant 64 : index
      %get3A_502 = tpu.vector_load %arg8[%get3A_500, %get3A_501] {strides = array<i32>} : memref<40x128xi32, #tpu.memory_space<vmem>>, vector<1x16xi32>,
      %get3A_503 = vector.shape_cast %get3A_502 : vector<1x16xi32> to vector<16xi32>
      %swap3A_504 = arith.constant 64 : index
      %swap3A_505 = tpu.vector_load %arg11[%swap3A_504] {strides = array<i32>} : memref<128xi32, #tpu.memory_space<vmem>>, vector<16xi32>,
      %swap3A_506 = vector.shape_cast %swap3A_505 : vector<16xi32> to vector<16xi32>
      %swap3A_507 = vector.shape_cast %get3A_503 : vector<16xi32> to vector<16xi32>
      tpu.vector_store %arg11[%swap3A_504], %swap3A_507 {strides = array<i32>} : memref<128xi32, #tpu.memory_space<vmem>>, vector<16xi32>,
      %get3A_508 = arith.index_cast %add3A_467 : i32 to index
      %get3A_509 = arith.constant 80 : index
      %get3A_510 = tpu.vector_load %arg8[%get3A_508, %get3A_509] {strides = array<i32>} : memref<40x128xi32, #tpu.memory_space<vmem>>, vector<1x16xi32>,
      %get3A_511 = vector.shape_cast %get3A_510 : vector<1x16xi32> to vector<16xi32>
      %swap3A_512 = arith.constant 80 : index
      %swap3A_513 = tpu.vector_load %arg11[%swap3A_512] {strides = array<i32>} : memref<128xi32, #tpu.memory_space<vmem>>, vector<16xi32>,
      %swap3A_514 = vector.shape_cast %swap3A_513 : vector<16xi32> to vector<16xi32>
      %swap3A_515 = vector.shape_cast %get3A_511 : vector<16xi32> to vector<16xi32>
      tpu.vector_store %arg11[%swap3A_512], %swap3A_515 {strides = array<i32>} : memref<128xi32, #tpu.memory_space<vmem>>, vector<16xi32>,
      %get3A_516 = arith.index_cast %add3A_467 : i32 to index
      %get3A_517 = arith.constant 96 : index
      %get3A_518 = tpu.vector_load %arg8[%get3A_516, %get3A_517] {strides = array<i32>} : memref<40x128xi32, #tpu.memory_space<vmem>>, vector<1x16xi32>,
      %get3A_519 = vector.shape_cast %get3A_518 : vector<1x16xi32> to vector<16xi32>
      %swap3A_520 = arith.constant 96 : index
      %swap3A_521 = tpu.vector_load %arg11[%swap3A_520] {strides = array<i32>} : memref<128xi32, #tpu.memory_space<vmem>>, vector<16xi32>,
      %swap3A_522 = vector.shape_cast %swap3A_521 : vector<16xi32> to vector<16xi32>
      %swap3A_523 = vector.shape_cast %get3A_519 : vector<16xi32> to vector<16xi32>
      tpu.vector_store %arg11[%swap3A_520], %swap3A_523 {strides = array<i32>} : memref<128xi32, #tpu.memory_space<vmem>>, vector<16xi32>,
      %get3A_524 = arith.index_cast %add3A_467 : i32 to index
      %get3A_525 = arith.constant 112 : index
      %get3A_526 = tpu.vector_load %arg8[%get3A_524, %get3A_525] {strides = array<i32>} : memref<40x128xi32, #tpu.memory_space<vmem>>, vector<1x16xi32>,
      %get3A_527 = vector.shape_cast %get3A_526 : vector<1x16xi32> to vector<16xi32>
      %swap3A_528 = arith.constant 112 : index
      %swap3A_529 = tpu.vector_load %arg11[%swap3A_528] {strides = array<i32>} : memref<128xi32, #tpu.memory_space<vmem>>, vector<16xi32>,
      %swap3A_530 = vector.shape_cast %swap3A_529 : vector<16xi32> to vector<16xi32>
      %swap3A_531 = vector.shape_cast %get3A_527 : vector<16xi32> to vector<16xi32>
      tpu.vector_store %arg11[%swap3A_528], %swap3A_531 {strides = array<i32>} : memref<128xi32, #tpu.memory_space<vmem>>, vector<16xi32>,
      "tpu.region"() ({
        %run_scoped3A = tpu.sem_alloc : memref<!tpu.dma_semaphore, #tpu.memory_space<semaphore_mem>>
        %dma_start3A_532 = arith.constant 0 : i32
        %dma_start3A_533 = arith.constant 0 : i32
        %dma_start3A_534 = tpu.memref_slice %arg12[%dma_start3A_532, %dma_start3A_533] : memref<10112x128xf32, #tpu.memory_space<vmem_shared>> -> memref<10112x128xf32, #tpu.memory_space<vmem_shared>>
        tpu.enqueue_indirect_dma source(%arg10 : memref<128x128xf32, #tpu.memory_space<vmem>>) target(%dma_start3A_534 : memref<10112x128xf32, #tpu.memory_space<vmem_shared>>) offsets(%arg11 : memref<128xi32, #tpu.memory_space<vmem>>) semaphore(%run_scoped3A : memref<!tpu.dma_semaphore, #tpu.memory_space<semaphore_mem>>) {add = true}
        %dma_wait3A_535 = arith.constant 0 : i32
        %dma_wait3A_536 = arith.constant 0 : i32
        %dma_wait3A_537 = tpu.memref_slice %arg12[%dma_wait3A_535, %dma_wait3A_536] : memref<10112x128xf32, #tpu.memory_space<vmem_shared>> -> memref<10112x128xf32, #tpu.memory_space<vmem_shared>>
        tpu.wait_indirect_dma semaphore(%run_scoped3A : memref<!tpu.dma_semaphore, #tpu.memory_space<semaphore_mem>>) src(%arg10 : memref<128x128xf32, #tpu.memory_space<vmem>>) dst(%dma_wait3A_537 : memref<10112x128xf32, #tpu.memory_space<vmem_shared>>)
        tpu.yield
      }) : () -> ()
    }
    %scan3A_198 = arith.constant 19 : i32
    %dma_start3A_199 = arith.constant 39 : i32
    %dma_start3A_200 = arith.constant 0 : i32
    %dma_start3A_201 = tpu.memref_slice %arg7[%dma_start3A_199, %dma_start3A_200] : memref<40x128xi32, #tpu.memory_space<vmem>> -> memref<1x128xi32, #tpu.memory_space<vmem>>
    %dma_start3A_202 = tpu.memref_squeeze %dma_start3A_201 : memref<1x128xi32, #tpu.memory_space<vmem>> -> memref<128xi32, #tpu.memory_space<vmem>>
    %dma_start3A_203 = arith.constant 0 : i32
    %dma_start3A_204 = arith.constant 0 : i32
    %dma_start3A_205 = tpu.memref_slice %arg2[%dma_start3A_203, %dma_start3A_204] : memref<10000x128xf32, #tpu.memory_space<hbm>> -> memref<10000x128xf32, #tpu.memory_space<hbm>>
    tpu.enqueue_indirect_dma source(%dma_start3A_205 : memref<10000x128xf32, #tpu.memory_space<hbm>>) target(%arg10 : memref<128x128xf32, #tpu.memory_space<vmem>>) offsets(%dma_start3A_202 : memref<128xi32, #tpu.memory_space<vmem>>) semaphore(%arg14 : memref<!tpu.dma_semaphore, #tpu.memory_space<semaphore_mem>>)
    %dma_wait3A_206 = arith.constant 38 : i32
    %dma_wait3A_207 = arith.constant 0 : i32
    %dma_wait3A_208 = tpu.memref_slice %arg7[%dma_wait3A_206, %dma_wait3A_207] : memref<40x128xi32, #tpu.memory_space<vmem>> -> memref<1x128xi32, #tpu.memory_space<vmem>>
    %dma_wait3A_209 = tpu.memref_squeeze %dma_wait3A_208 : memref<1x128xi32, #tpu.memory_space<vmem>> -> memref<128xi32, #tpu.memory_space<vmem>>
    %dma_wait3A_210 = arith.constant 0 : i32
    %dma_wait3A_211 = arith.constant 0 : i32
    %dma_wait3A_212 = tpu.memref_slice %arg2[%dma_wait3A_210, %dma_wait3A_211] : memref<10000x128xf32, #tpu.memory_space<hbm>> -> memref<10000x128xf32, #tpu.memory_space<hbm>>
    tpu.wait_indirect_dma semaphore(%arg13 : memref<!tpu.dma_semaphore, #tpu.memory_space<semaphore_mem>>) src(%dma_wait3A_212 : memref<10000x128xf32, #tpu.memory_space<hbm>>) dst(%arg9 : memref<128x128xf32, #tpu.memory_space<vmem>>)
    %get3A_213 = arith.constant 38 : i32
    %get3A_214 = arith.index_cast %get3A_213 : i32 to index
    %get3A_215 = arith.constant 0 : index
    %get3A_216 = tpu.vector_load %arg8[%get3A_214, %get3A_215] {strides = array<i32>} : memref<40x128xi32, #tpu.memory_space<vmem>>, vector<1x16xi32>,
    %get3A_217 = vector.shape_cast %get3A_216 : vector<1x16xi32> to vector<16xi32>
    %swap3A_218 = arith.constant 0 : index
    %swap3A_219 = tpu.vector_load %arg11[%swap3A_218] {strides = array<i32>} : memref<128xi32, #tpu.memory_space<vmem>>, vector<16xi32>,
    %swap3A_220 = vector.shape_cast %swap3A_219 : vector<16xi32> to vector<16xi32>
    %swap3A_221 = vector.shape_cast %get3A_217 : vector<16xi32> to vector<16xi32>
    tpu.vector_store %arg11[%swap3A_218], %swap3A_221 {strides = array<i32>} : memref<128xi32, #tpu.memory_space<vmem>>, vector<16xi32>,
    %get3A_222 = arith.constant 38 : i32
    %get3A_223 = arith.index_cast %get3A_222 : i32 to index
    %get3A_224 = arith.constant 16 : index
    %get3A_225 = tpu.vector_load %arg8[%get3A_223, %get3A_224] {strides = array<i32>} : memref<40x128xi32, #tpu.memory_space<vmem>>, vector<1x16xi32>,
    %get3A_226 = vector.shape_cast %get3A_225 : vector<1x16xi32> to vector<16xi32>
    %swap3A_227 = arith.constant 16 : index
    %swap3A_228 = tpu.vector_load %arg11[%swap3A_227] {strides = array<i32>} : memref<128xi32, #tpu.memory_space<vmem>>, vector<16xi32>,
    %swap3A_229 = vector.shape_cast %swap3A_228 : vector<16xi32> to vector<16xi32>
    %swap3A_230 = vector.shape_cast %get3A_226 : vector<16xi32> to vector<16xi32>
    tpu.vector_store %arg11[%swap3A_227], %swap3A_230 {strides = array<i32>} : memref<128xi32, #tpu.memory_space<vmem>>, vector<16xi32>,
    %get3A_231 = arith.constant 38 : i32
    %get3A_232 = arith.index_cast %get3A_231 : i32 to index
    %get3A_233 = arith.constant 32 : index
    %get3A_234 = tpu.vector_load %arg8[%get3A_232, %get3A_233] {strides = array<i32>} : memref<40x128xi32, #tpu.memory_space<vmem>>, vector<1x16xi32>,
    %get3A_235 = vector.shape_cast %get3A_234 : vector<1x16xi32> to vector<16xi32>
    %swap3A_236 = arith.constant 32 : index
    %swap3A_237 = tpu.vector_load %arg11[%swap3A_236] {strides = array<i32>} : memref<128xi32, #tpu.memory_space<vmem>>, vector<16xi32>,
    %swap3A_238 = vector.shape_cast %swap3A_237 : vector<16xi32> to vector<16xi32>
    %swap3A_239 = vector.shape_cast %get3A_235 : vector<16xi32> to vector<16xi32>
    tpu.vector_store %arg11[%swap3A_236], %swap3A_239 {strides = array<i32>} : memref<128xi32, #tpu.memory_space<vmem>>, vector<16xi32>,
    %get3A_240 = arith.constant 38 : i32
    %get3A_241 = arith.index_cast %get3A_240 : i32 to index
    %get3A_242 = arith.constant 48 : index
    %get3A_243 = tpu.vector_load %arg8[%get3A_241, %get3A_242] {strides = array<i32>} : memref<40x128xi32, #tpu.memory_space<vmem>>, vector<1x16xi32>,
    %get3A_244 = vector.shape_cast %get3A_243 : vector<1x16xi32> to vector<16xi32>
    %swap3A_245 = arith.constant 48 : index
    %swap3A_246 = tpu.vector_load %arg11[%swap3A_245] {strides = array<i32>} : memref<128xi32, #tpu.memory_space<vmem>>, vector<16xi32>,
    %swap3A_247 = vector.shape_cast %swap3A_246 : vector<16xi32> to vector<16xi32>
    %swap3A_248 = vector.shape_cast %get3A_244 : vector<16xi32> to vector<16xi32>
    tpu.vector_store %arg11[%swap3A_245], %swap3A_248 {strides = array<i32>} : memref<128xi32, #tpu.memory_space<vmem>>, vector<16xi32>,
    %get3A_249 = arith.constant 38 : i32
    %get3A_250 = arith.index_cast %get3A_249 : i32 to index
    %get3A_251 = arith.constant 64 : index
    %get3A_252 = tpu.vector_load %arg8[%get3A_250, %get3A_251] {strides = array<i32>} : memref<40x128xi32, #tpu.memory_space<vmem>>, vector<1x16xi32>,
    %get3A_253 = vector.shape_cast %get3A_252 : vector<1x16xi32> to vector<16xi32>
    %swap3A_254 = arith.constant 64 : index
    %swap3A_255 = tpu.vector_load %arg11[%swap3A_254] {strides = array<i32>} : memref<128xi32, #tpu.memory_space<vmem>>, vector<16xi32>,
    %swap3A_256 = vector.shape_cast %swap3A_255 : vector<16xi32> to vector<16xi32>
    %swap3A_257 = vector.shape_cast %get3A_253 : vector<16xi32> to vector<16xi32>
    tpu.vector_store %arg11[%swap3A_254], %swap3A_257 {strides = array<i32>} : memref<128xi32, #tpu.memory_space<vmem>>, vector<16xi32>,
    %get3A_258 = arith.constant 38 : i32
    %get3A_259 = arith.index_cast %get3A_258 : i32 to index
    %get3A_260 = arith.constant 80 : index
    %get3A_261 = tpu.vector_load %arg8[%get3A_259, %get3A_260] {strides = array<i32>} : memref<40x128xi32, #tpu.memory_space<vmem>>, vector<1x16xi32>,
    %get3A_262 = vector.shape_cast %get3A_261 : vector<1x16xi32> to vector<16xi32>
    %swap3A_263 = arith.constant 80 : index
    %swap3A_264 = tpu.vector_load %arg11[%swap3A_263] {strides = array<i32>} : memref<128xi32, #tpu.memory_space<vmem>>, vector<16xi32>,
    %swap3A_265 = vector.shape_cast %swap3A_264 : vector<16xi32> to vector<16xi32>
    %swap3A_266 = vector.shape_cast %get3A_262 : vector<16xi32> to vector<16xi32>
    tpu.vector_store %arg11[%swap3A_263], %swap3A_266 {strides = array<i32>} : memref<128xi32, #tpu.memory_space<vmem>>, vector<16xi32>,
    %get3A_267 = arith.constant 38 : i32
    %get3A_268 = arith.index_cast %get3A_267 : i32 to index
    %get3A_269 = arith.constant 96 : index
    %get3A_270 = tpu.vector_load %arg8[%get3A_268, %get3A_269] {strides = array<i32>} : memref<40x128xi32, #tpu.memory_space<vmem>>, vector<1x16xi32>,
    %get3A_271 = vector.shape_cast %get3A_270 : vector<1x16xi32> to vector<16xi32>
    %swap3A_272 = arith.constant 96 : index
    %swap3A_273 = tpu.vector_load %arg11[%swap3A_272] {strides = array<i32>} : memref<128xi32, #tpu.memory_space<vmem>>, vector<16xi32>,
    %swap3A_274 = vector.shape_cast %swap3A_273 : vector<16xi32> to vector<16xi32>
    %swap3A_275 = vector.shape_cast %get3A_271 : vector<16xi32> to vector<16xi32>
    tpu.vector_store %arg11[%swap3A_272], %swap3A_275 {strides = array<i32>} : memref<128xi32, #tpu.memory_space<vmem>>, vector<16xi32>,
    %get3A_276 = arith.constant 38 : i32
    %get3A_277 = arith.index_cast %get3A_276 : i32 to index
    %get3A_278 = arith.constant 112 : index
    %get3A_279 = tpu.vector_load %arg8[%get3A_277, %get3A_278] {strides = array<i32>} : memref<40x128xi32, #tpu.memory_space<vmem>>, vector<1x16xi32>,
    %get3A_280 = vector.shape_cast %get3A_279 : vector<1x16xi32> to vector<16xi32>
    %swap3A_281 = arith.constant 112 : index
    %swap3A_282 = tpu.vector_load %arg11[%swap3A_281] {strides = array<i32>} : memref<128xi32, #tpu.memory_space<vmem>>, vector<16xi32>,
    %swap3A_283 = vector.shape_cast %swap3A_282 : vector<16xi32> to vector<16xi32>
    %swap3A_284 = vector.shape_cast %get3A_280 : vector<16xi32> to vector<16xi32>
    tpu.vector_store %arg11[%swap3A_281], %swap3A_284 {strides = array<i32>} : memref<128xi32, #tpu.memory_space<vmem>>, vector<16xi32>,
    "tpu.region"() ({
      %run_scoped3A = tpu.sem_alloc : memref<!tpu.dma_semaphore, #tpu.memory_space<semaphore_mem>>
      %dma_start3A_369 = arith.constant 0 : i32
      %dma_start3A_370 = arith.constant 0 : i32
      %dma_start3A_371 = tpu.memref_slice %arg12[%dma_start3A_369, %dma_start3A_370] : memref<10112x128xf32, #tpu.memory_space<vmem_shared>> -> memref<10112x128xf32, #tpu.memory_space<vmem_shared>>
      tpu.enqueue_indirect_dma source(%arg9 : memref<128x128xf32, #tpu.memory_space<vmem>>) target(%dma_start3A_371 : memref<10112x128xf32, #tpu.memory_space<vmem_shared>>) offsets(%arg11 : memref<128xi32, #tpu.memory_space<vmem>>) semaphore(%run_scoped3A : memref<!tpu.dma_semaphore, #tpu.memory_space<semaphore_mem>>) {add = true}
      %dma_wait3A_372 = arith.constant 0 : i32
      %dma_wait3A_373 = arith.constant 0 : i32
      %dma_wait3A_374 = tpu.memref_slice %arg12[%dma_wait3A_372, %dma_wait3A_373] : memref<10112x128xf32, #tpu.memory_space<vmem_shared>> -> memref<10112x128xf32, #tpu.memory_space<vmem_shared>>
      tpu.wait_indirect_dma semaphore(%run_scoped3A : memref<!tpu.dma_semaphore, #tpu.memory_space<semaphore_mem>>) src(%arg9 : memref<128x128xf32, #tpu.memory_space<vmem>>) dst(%dma_wait3A_374 : memref<10112x128xf32, #tpu.memory_space<vmem_shared>>)
      tpu.yield
    }) : () -> ()
    %dma_wait3A_285 = arith.constant 39 : i32
    %dma_wait3A_286 = arith.constant 0 : i32
    %dma_wait3A_287 = tpu.memref_slice %arg7[%dma_wait3A_285, %dma_wait3A_286] : memref<40x128xi32, #tpu.memory_space<vmem>> -> memref<1x128xi32, #tpu.memory_space<vmem>>
    %dma_wait3A_288 = tpu.memref_squeeze %dma_wait3A_287 : memref<1x128xi32, #tpu.memory_space<vmem>> -> memref<128xi32, #tpu.memory_space<vmem>>
    %dma_wait3A_289 = arith.constant 0 : i32
    %dma_wait3A_290 = arith.constant 0 : i32
    %dma_wait3A_291 = tpu.memref_slice %arg2[%dma_wait3A_289, %dma_wait3A_290] : memref<10000x128xf32, #tpu.memory_space<hbm>> -> memref<10000x128xf32, #tpu.memory_space<hbm>>
    tpu.wait_indirect_dma semaphore(%arg14 : memref<!tpu.dma_semaphore, #tpu.memory_space<semaphore_mem>>) src(%dma_wait3A_291 : memref<10000x128xf32, #tpu.memory_space<hbm>>) dst(%arg10 : memref<128x128xf32, #tpu.memory_space<vmem>>)
    %get3A_292 = arith.constant 39 : i32
    %get3A_293 = arith.index_cast %get3A_292 : i32 to index
    %get3A_294 = arith.constant 0 : index
    %get3A_295 = tpu.vector_load %arg8[%get3A_293, %get3A_294] {strides = array<i32>} : memref<40x128xi32, #tpu.memory_space<vmem>>, vector<1x16xi32>,
    %get3A_296 = vector.shape_cast %get3A_295 : vector<1x16xi32> to vector<16xi32>
    %swap3A_297 = arith.constant 0 : index
    %swap3A_298 = tpu.vector_load %arg11[%swap3A_297] {strides = array<i32>} : memref<128xi32, #tpu.memory_space<vmem>>, vector<16xi32>,
    %swap3A_299 = vector.shape_cast %swap3A_298 : vector<16xi32> to vector<16xi32>
    %swap3A_300 = vector.shape_cast %get3A_296 : vector<16xi32> to vector<16xi32>
    tpu.vector_store %arg11[%swap3A_297], %swap3A_300 {strides = array<i32>} : memref<128xi32, #tpu.memory_space<vmem>>, vector<16xi32>,
    %get3A_301 = arith.constant 39 : i32
    %get3A_302 = arith.index_cast %get3A_301 : i32 to index
    %get3A_303 = arith.constant 16 : index
    %get3A_304 = tpu.vector_load %arg8[%get3A_302, %get3A_303] {strides = array<i32>} : memref<40x128xi32, #tpu.memory_space<vmem>>, vector<1x16xi32>,
    %get3A_305 = vector.shape_cast %get3A_304 : vector<1x16xi32> to vector<16xi32>
    %swap3A_306 = arith.constant 16 : index
    %swap3A_307 = tpu.vector_load %arg11[%swap3A_306] {strides = array<i32>} : memref<128xi32, #tpu.memory_space<vmem>>, vector<16xi32>,
    %swap3A_308 = vector.shape_cast %swap3A_307 : vector<16xi32> to vector<16xi32>
    %swap3A_309 = vector.shape_cast %get3A_305 : vector<16xi32> to vector<16xi32>
    tpu.vector_store %arg11[%swap3A_306], %swap3A_309 {strides = array<i32>} : memref<128xi32, #tpu.memory_space<vmem>>, vector<16xi32>,
    %get3A_310 = arith.constant 39 : i32
    %get3A_311 = arith.index_cast %get3A_310 : i32 to index
    %get3A_312 = arith.constant 32 : index
    %get3A_313 = tpu.vector_load %arg8[%get3A_311, %get3A_312] {strides = array<i32>} : memref<40x128xi32, #tpu.memory_space<vmem>>, vector<1x16xi32>,
    %get3A_314 = vector.shape_cast %get3A_313 : vector<1x16xi32> to vector<16xi32>
    %swap3A_315 = arith.constant 32 : index
    %swap3A_316 = tpu.vector_load %arg11[%swap3A_315] {strides = array<i32>} : memref<128xi32, #tpu.memory_space<vmem>>, vector<16xi32>,
    %swap3A_317 = vector.shape_cast %swap3A_316 : vector<16xi32> to vector<16xi32>
    %swap3A_318 = vector.shape_cast %get3A_314 : vector<16xi32> to vector<16xi32>
    tpu.vector_store %arg11[%swap3A_315], %swap3A_318 {strides = array<i32>} : memref<128xi32, #tpu.memory_space<vmem>>, vector<16xi32>,
    %get3A_319 = arith.constant 39 : i32
    %get3A_320 = arith.index_cast %get3A_319 : i32 to index
    %get3A_321 = arith.constant 48 : index
    %get3A_322 = tpu.vector_load %arg8[%get3A_320, %get3A_321] {strides = array<i32>} : memref<40x128xi32, #tpu.memory_space<vmem>>, vector<1x16xi32>,
    %get3A_323 = vector.shape_cast %get3A_322 : vector<1x16xi32> to vector<16xi32>
    %swap3A_324 = arith.constant 48 : index
    %swap3A_325 = tpu.vector_load %arg11[%swap3A_324] {strides = array<i32>} : memref<128xi32, #tpu.memory_space<vmem>>, vector<16xi32>,
    %swap3A_326 = vector.shape_cast %swap3A_325 : vector<16xi32> to vector<16xi32>
    %swap3A_327 = vector.shape_cast %get3A_323 : vector<16xi32> to vector<16xi32>
    tpu.vector_store %arg11[%swap3A_324], %swap3A_327 {strides = array<i32>} : memref<128xi32, #tpu.memory_space<vmem>>, vector<16xi32>,
    %get3A_328 = arith.constant 39 : i32
    %get3A_329 = arith.index_cast %get3A_328 : i32 to index
    %get3A_330 = arith.constant 64 : index
    %get3A_331 = tpu.vector_load %arg8[%get3A_329, %get3A_330] {strides = array<i32>} : memref<40x128xi32, #tpu.memory_space<vmem>>, vector<1x16xi32>,
    %get3A_332 = vector.shape_cast %get3A_331 : vector<1x16xi32> to vector<16xi32>
    %swap3A_333 = arith.constant 64 : index
    %swap3A_334 = tpu.vector_load %arg11[%swap3A_333] {strides = array<i32>} : memref<128xi32, #tpu.memory_space<vmem>>, vector<16xi32>,
    %swap3A_335 = vector.shape_cast %swap3A_334 : vector<16xi32> to vector<16xi32>
    %swap3A_336 = vector.shape_cast %get3A_332 : vector<16xi32> to vector<16xi32>
    tpu.vector_store %arg11[%swap3A_333], %swap3A_336 {strides = array<i32>} : memref<128xi32, #tpu.memory_space<vmem>>, vector<16xi32>,
    %get3A_337 = arith.constant 39 : i32
    %get3A_338 = arith.index_cast %get3A_337 : i32 to index
    %get3A_339 = arith.constant 80 : index
    %get3A_340 = tpu.vector_load %arg8[%get3A_338, %get3A_339] {strides = array<i32>} : memref<40x128xi32, #tpu.memory_space<vmem>>, vector<1x16xi32>,
    %get3A_341 = vector.shape_cast %get3A_340 : vector<1x16xi32> to vector<16xi32>
    %swap3A_342 = arith.constant 80 : index
    %swap3A_343 = tpu.vector_load %arg11[%swap3A_342] {strides = array<i32>} : memref<128xi32, #tpu.memory_space<vmem>>, vector<16xi32>,
    %swap3A_344 = vector.shape_cast %swap3A_343 : vector<16xi32> to vector<16xi32>
    %swap3A_345 = vector.shape_cast %get3A_341 : vector<16xi32> to vector<16xi32>
    tpu.vector_store %arg11[%swap3A_342], %swap3A_345 {strides = array<i32>} : memref<128xi32, #tpu.memory_space<vmem>>, vector<16xi32>,
    %get3A_346 = arith.constant 39 : i32
    %get3A_347 = arith.index_cast %get3A_346 : i32 to index
    %get3A_348 = arith.constant 96 : index
    %get3A_349 = tpu.vector_load %arg8[%get3A_347, %get3A_348] {strides = array<i32>} : memref<40x128xi32, #tpu.memory_space<vmem>>, vector<1x16xi32>,
    %get3A_350 = vector.shape_cast %get3A_349 : vector<1x16xi32> to vector<16xi32>
    %swap3A_351 = arith.constant 96 : index
    %swap3A_352 = tpu.vector_load %arg11[%swap3A_351] {strides = array<i32>} : memref<128xi32, #tpu.memory_space<vmem>>, vector<16xi32>,
    %swap3A_353 = vector.shape_cast %swap3A_352 : vector<16xi32> to vector<16xi32>
    %swap3A_354 = vector.shape_cast %get3A_350 : vector<16xi32> to vector<16xi32>
    tpu.vector_store %arg11[%swap3A_351], %swap3A_354 {strides = array<i32>} : memref<128xi32, #tpu.memory_space<vmem>>, vector<16xi32>,
    %get3A_355 = arith.constant 39 : i32
    %get3A_356 = arith.index_cast %get3A_355 : i32 to index
    %get3A_357 = arith.constant 112 : index
    %get3A_358 = tpu.vector_load %arg8[%get3A_356, %get3A_357] {strides = array<i32>} : memref<40x128xi32, #tpu.memory_space<vmem>>, vector<1x16xi32>,
    %get3A_359 = vector.shape_cast %get3A_358 : vector<1x16xi32> to vector<16xi32>
    %swap3A_360 = arith.constant 112 : index
    %swap3A_361 = tpu.vector_load %arg11[%swap3A_360] {strides = array<i32>} : memref<128xi32, #tpu.memory_space<vmem>>, vector<16xi32>,
    %swap3A_362 = vector.shape_cast %swap3A_361 : vector<16xi32> to vector<16xi32>
    %swap3A_363 = vector.shape_cast %get3A_359 : vector<16xi32> to vector<16xi32>
    tpu.vector_store %arg11[%swap3A_360], %swap3A_363 {strides = array<i32>} : memref<128xi32, #tpu.memory_space<vmem>>, vector<16xi32>,
    "tpu.region"() ({
      %run_scoped3A = tpu.sem_alloc : memref<!tpu.dma_semaphore, #tpu.memory_space<semaphore_mem>>
      %dma_start3A_369 = arith.constant 0 : i32
      %dma_start3A_370 = arith.constant 0 : i32
      %dma_start3A_371 = tpu.memref_slice %arg12[%dma_start3A_369, %dma_start3A_370] : memref<10112x128xf32, #tpu.memory_space<vmem_shared>> -> memref<10112x128xf32, #tpu.memory_space<vmem_shared>>
      tpu.enqueue_indirect_dma source(%arg10 : memref<128x128xf32, #tpu.memory_space<vmem>>) target(%dma_start3A_371 : memref<10112x128xf32, #tpu.memory_space<vmem_shared>>) offsets(%arg11 : memref<128xi32, #tpu.memory_space<vmem>>) semaphore(%run_scoped3A : memref<!tpu.dma_semaphore, #tpu.memory_space<semaphore_mem>>) {add = true}
      %dma_wait3A_372 = arith.constant 0 : i32
      %dma_wait3A_373 = arith.constant 0 : i32
      %dma_wait3A_374 = tpu.memref_slice %arg12[%dma_wait3A_372, %dma_wait3A_373] : memref<10112x128xf32, #tpu.memory_space<vmem_shared>> -> memref<10112x128xf32, #tpu.memory_space<vmem_shared>>
      tpu.wait_indirect_dma semaphore(%run_scoped3A : memref<!tpu.dma_semaphore, #tpu.memory_space<semaphore_mem>>) src(%arg10 : memref<128x128xf32, #tpu.memory_space<vmem>>) dst(%dma_wait3A_374 : memref<10112x128xf32, #tpu.memory_space<vmem_shared>>)
      tpu.yield
    }) : () -> ()
    %barrier3A_364 = arith.constant 0 : index
    tpu.barrier barrier_id(%barrier3A_364)
    %mul3A_365 = arith.constant 632 : i32
    %mul3A_366 = arith.muli %arg1, %mul3A_365 : i32
    %mul3A_367 = arith.constant 632 : i32
    %mul3A_368 = arith.muli %arg1, %mul3A_367 : i32
    "tpu.region"() ({
      %run_scoped3A = tpu.sem_alloc : memref<!tpu.dma_semaphore, #tpu.memory_space<semaphore_mem>>
      %dma_start3A_369 = arith.constant 0 : i32
      %dma_start3A_370 = arith.constant 0 : i32
      %dma_start3A_371 = tpu.memref_slice %arg6[%arg0, %dma_start3A_369, %dma_start3A_370] : memref<2x10112x128xf32, #tpu.memory_space<hbm>> -> memref<1x10112x128xf32, #tpu.memory_space<hbm>>
      %dma_start3A_372 = tpu.memref_squeeze %dma_start3A_371 : memref<1x10112x128xf32, #tpu.memory_space<hbm>> -> memref<10112x128xf32, #tpu.memory_space<hbm>>
      %dma_start3A_373 = arith.constant 0 : i32
      %dma_start3A_374 = tpu.memref_slice %dma_start3A_372[%mul3A_368, %dma_start3A_373] : memref<10112x128xf32, #tpu.memory_space<hbm>> -> memref<632x128xf32, #tpu.memory_space<hbm>>
      %dma_start3A_375 = arith.constant 0 : i32
      %dma_start3A_376 = tpu.memref_slice %arg12[%mul3A_366, %dma_start3A_375] : memref<10112x128xf32, #tpu.memory_space<vmem_shared>> -> memref<632x128xf32, #tpu.memory_space<vmem_shared>>
      tpu.enqueue_dma source(%dma_start3A_376 : memref<632x128xf32, #tpu.memory_space<vmem_shared>>) target(%dma_start3A_374 : memref<632x128xf32, #tpu.memory_space<hbm>>) target_semaphore(%run_scoped3A : memref<!tpu.dma_semaphore, #tpu.memory_space<semaphore_mem>>)
      %dma_wait3A_377 = arith.constant 0 : i32
      %dma_wait3A_378 = arith.constant 0 : i32
      %dma_wait3A_379 = tpu.memref_slice %arg6[%arg0, %dma_wait3A_377, %dma_wait3A_378] : memref<2x10112x128xf32, #tpu.memory_space<hbm>> -> memref<1x10112x128xf32, #tpu.memory_space<hbm>>
      %dma_wait3A_380 = tpu.memref_squeeze %dma_wait3A_379 : memref<1x10112x128xf32, #tpu.memory_space<hbm>> -> memref<10112x128xf32, #tpu.memory_space<hbm>>
      %dma_wait3A_381 = arith.constant 0 : i32
      %dma_wait3A_382 = tpu.memref_slice %dma_wait3A_380[%mul3A_368, %dma_wait3A_381] : memref<10112x128xf32, #tpu.memory_space<hbm>> -> memref<632x128xf32, #tpu.memory_space<hbm>>
      %dma_wait3A_383 = arith.constant 0 : i32
      %dma_wait3A_384 = tpu.memref_slice %arg12[%mul3A_366, %dma_wait3A_383] : memref<10112x128xf32, #tpu.memory_space<vmem_shared>> -> memref<632x128xf32, #tpu.memory_space<vmem_shared>>
      tpu.wait_dma2 semaphore(%run_scoped3A : memref<!tpu.dma_semaphore, #tpu.memory_space<semaphore_mem>>) src(%dma_wait3A_384 : memref<632x128xf32, #tpu.memory_space<vmem_shared>>) dst(%dma_wait3A_382 : memref<632x128xf32, #tpu.memory_space<hbm>>)
      tpu.yield
    }) : () -> ()
    return
  }
}

module attributes {stable_mosaic.version = 14 : i64} {
  func.func @_mm1_body(%arg0: i32, %arg1: memref<1000x128xf32, #tpu.memory_space<vmem>>, %arg2: memref<128x128xf32, #tpu.memory_space<vmem>>, %arg3: memref<1000x1xf32, #tpu.memory_space<vmem>>, %arg4: memref<1000x1xf32, #tpu.memory_space<vmem>>, %arg5: memref<1000x128xf32, #tpu.memory_space<vmem>>) attributes {dimension_semantics = [#tpu.dimension_semantics<arbitrary>], iteration_bounds = array<i64: 10>, scalar_prefetch = 0 : i64, scratch_operands = 0 : i64, tpu.core_type = #tpu.core_type<tc>, window_params = [{transform_indices = @transform_0, window_bounds = array<i64: 1000, 128>}, {pipeline_mode = #tpu.pipeline_mode<synchronous>, transform_indices = @transform_1, window_bounds = array<i64: 128, 128>}, {transform_indices = @transform_2, window_bounds = array<i64: 1000, 1>}, {transform_indices = @transform_3, window_bounds = array<i64: 1000, 1>}, {transform_indices = @transform_4, window_bounds = array<i64: 1000, 128>}]} {
    %get3A = arith.constant 0 : index
    %get3A_0 = arith.constant 0 : index
    %get3A_1 = vector.load %arg3[%get3A, %get3A_0] : memref<1000x1xf32, #tpu.memory_space<vmem>>, vector<1000x1xf32>
    %get3A_2 = arith.constant 0 : index
    %get3A_3 = arith.constant 0 : index
    %get3A_4 = vector.load %arg4[%get3A_2, %get3A_3] : memref<1000x1xf32, #tpu.memory_space<vmem>>, vector<1000x1xf32>
    %add3A = arith.addf %get3A_1, %get3A_4 : vector<1000x1xf32>
    %add3A_5 = arith.constant 1.000000e+00 : f32
    %add3A_6 = vector.broadcast %add3A_5 : f32 to vector<1000x1xf32>
    %add3A_7 = arith.addf %add3A, %add3A_6 : vector<1000x1xf32>
    %rsqrt3A = math.rsqrt %add3A_7 : vector<1000x1xf32>
    %get3A_8 = arith.constant 0 : index
    %get3A_9 = arith.constant 0 : index
    %get3A_10 = vector.load %arg1[%get3A_8, %get3A_9] : memref<1000x128xf32, #tpu.memory_space<vmem>>, vector<1000x128xf32>
    %get3A_11 = arith.constant 0 : index
    %get3A_12 = arith.constant 0 : index
    %get3A_13 = vector.load %arg2[%get3A_11, %get3A_12] : memref<128x128xf32, #tpu.memory_space<vmem>>, vector<128x128xf32>
    %dot_general3A = arith.constant dense<0.000000e+00> : vector<1000x128xf32>
    %dot_general3A_14 = tpu.matmul %get3A_10, %get3A_13, %dot_general3A {dimension_numbers = #tpu.dot_dimension_numbers<[1], [0], [0], [1], [0, 0, 1, 1], [], []>, transpose_lhs_hint = false} : vector<1000x128xf32>, vector<128x128xf32>, vector<1000x128xf32> -> vector<1000x128xf32>
    %mul3A = vector.broadcast %rsqrt3A : vector<1000x1xf32> to vector<1000x128xf32>
    %mul3A_15 = arith.mulf %dot_general3A_14, %mul3A : vector<1000x128xf32>
    %swap3A = arith.constant 0 : index
    %swap3A_16 = arith.constant 0 : index
    %swap3A_17 = vector.load %arg5[%swap3A, %swap3A_16] : memref<1000x128xf32, #tpu.memory_space<vmem>>, vector<1000x128xf32>
    tpu.vector_store %arg5[%swap3A, %swap3A_16], %mul3A_15 {strides = array<i32>} : memref<1000x128xf32, #tpu.memory_space<vmem>>, vector<1000x128xf32>,
    return
  }
  func.func @transform_0(%arg0: i32) -> (i32, i32) {
    %c0_i32 = arith.constant 0 : i32
    %c0_i32_0 = arith.constant 0 : i32
    return %arg0, %c0_i32 : i32, i32
  }
  func.func @transform_1(%arg0: i32) -> (i32, i32) {
    %c0_i32 = arith.constant 0 : i32
    %c0_i32_0 = arith.constant 0 : i32
    %c0_i32_1 = arith.constant 0 : i32
    return %c0_i32, %c0_i32_0 : i32, i32
  }
  func.func @transform_2(%arg0: i32) -> (i32, i32) {
    %c0_i32 = arith.constant 0 : i32
    %c0_i32_0 = arith.constant 0 : i32
    return %arg0, %c0_i32 : i32, i32
  }
  func.func @transform_3(%arg0: i32) -> (i32, i32) {
    %c0_i32 = arith.constant 0 : i32
    %c0_i32_0 = arith.constant 0 : i32
    return %arg0, %c0_i32 : i32, i32
  }
  func.func @transform_4(%arg0: i32) -> (i32, i32) {
    %c0_i32 = arith.constant 0 : i32
    %c0_i32_0 = arith.constant 0 : i32
    return %arg0, %c0_i32 : i32, i32
  }
}

module attributes {stable_mosaic.version = 14 : i64} {
  func.func @_mm2_body(%arg0: i32, %arg1: memref<1000x128xf32, #tpu.memory_space<vmem>>, %arg2: memref<1000x128xf32, #tpu.memory_space<vmem>>, %arg3: memref<1000x128xf32, #tpu.memory_space<vmem>>, %arg4: memref<1000x1xf32, #tpu.memory_space<vmem>>, %arg5: memref<1000x1xf32, #tpu.memory_space<vmem>>, %arg6: memref<128x128xf32, #tpu.memory_space<vmem>>, %arg7: memref<1x128xf32, #tpu.memory_space<vmem>>, %arg8: memref<1000x128xf32, #tpu.memory_space<vmem>>) attributes {dimension_semantics = [#tpu.dimension_semantics<arbitrary>], iteration_bounds = array<i64: 10>, scalar_prefetch = 0 : i64, scratch_operands = 0 : i64, tpu.core_type = #tpu.core_type<tc>, window_params = [{transform_indices = @transform_0, window_bounds = array<i64: 1000, 128>}, {transform_indices = @transform_1, window_bounds = array<i64: 1000, 128>}, {transform_indices = @transform_2, window_bounds = array<i64: 1000, 128>}, {transform_indices = @transform_3, window_bounds = array<i64: 1000, 1>}, {transform_indices = @transform_4, window_bounds = array<i64: 1000, 1>}, {pipeline_mode = #tpu.pipeline_mode<synchronous>, transform_indices = @transform_5, window_bounds = array<i64: 128, 128>}, {pipeline_mode = #tpu.pipeline_mode<synchronous>, transform_indices = @transform_6, window_bounds = array<i64: 1, 128>}, {transform_indices = @transform_7, window_bounds = array<i64: 1000, 128>}]} {
    %get3A = arith.constant 0 : index
    %get3A_0 = arith.constant 0 : index
    %get3A_1 = vector.load %arg4[%get3A, %get3A_0] : memref<1000x1xf32, #tpu.memory_space<vmem>>, vector<1000x1xf32>
    %get3A_2 = arith.constant 0 : index
    %get3A_3 = arith.constant 0 : index
    %get3A_4 = vector.load %arg5[%get3A_2, %get3A_3] : memref<1000x1xf32, #tpu.memory_space<vmem>>, vector<1000x1xf32>
    %add3A = arith.addf %get3A_1, %get3A_4 : vector<1000x1xf32>
    %add3A_5 = arith.constant 1.000000e+00 : f32
    %add3A_6 = vector.broadcast %add3A_5 : f32 to vector<1000x1xf32>
    %add3A_7 = arith.addf %add3A, %add3A_6 : vector<1000x1xf32>
    %rsqrt3A = math.rsqrt %add3A_7 : vector<1000x1xf32>
    %get3A_8 = arith.constant 0 : index
    %get3A_9 = arith.constant 0 : index
    %get3A_10 = vector.load %arg1[%get3A_8, %get3A_9] : memref<1000x128xf32, #tpu.memory_space<vmem>>, vector<1000x128xf32>
    %get3A_11 = arith.constant 0 : index
    %get3A_12 = arith.constant 0 : index
    %get3A_13 = vector.load %arg2[%get3A_11, %get3A_12] : memref<1000x128xf32, #tpu.memory_space<vmem>>, vector<1000x128xf32>
    %add3A_14 = arith.addf %get3A_10, %get3A_13 : vector<1000x128xf32>
    %get3A_15 = arith.constant 0 : index
    %get3A_16 = arith.constant 0 : index
    %get3A_17 = vector.load %arg3[%get3A_15, %get3A_16] : memref<1000x128xf32, #tpu.memory_space<vmem>>, vector<1000x128xf32>
    %add3A_18 = arith.addf %add3A_14, %get3A_17 : vector<1000x128xf32>
    %mul3A = vector.broadcast %rsqrt3A : vector<1000x1xf32> to vector<1000x128xf32>
    %mul3A_19 = arith.mulf %mul3A, %add3A_18 : vector<1000x128xf32>
    %get3A_20 = arith.constant 0 : index
    %get3A_21 = arith.constant 0 : index
    %get3A_22 = vector.load %arg7[%get3A_20, %get3A_21] : memref<1x128xf32, #tpu.memory_space<vmem>>, vector<1x128xf32>
    %add3A_23 = vector.broadcast %get3A_22 : vector<1x128xf32> to vector<1000x128xf32>
    %add3A_24 = arith.addf %mul3A_19, %add3A_23 : vector<1000x128xf32>
    %max3A = arith.constant 0.000000e+00 : f32
    %max3A_25 = vector.broadcast %max3A : f32 to vector<1000x128xf32>
    %max3A_26 = arith.maximumf %add3A_24, %max3A_25 : vector<1000x128xf32>
    %get3A_27 = arith.constant 0 : index
    %get3A_28 = arith.constant 0 : index
    %get3A_29 = vector.load %arg6[%get3A_27, %get3A_28] : memref<128x128xf32, #tpu.memory_space<vmem>>, vector<128x128xf32>
    %dot_general3A = arith.constant dense<0.000000e+00> : vector<1000x128xf32>
    %dot_general3A_30 = tpu.matmul %max3A_26, %get3A_29, %dot_general3A {dimension_numbers = #tpu.dot_dimension_numbers<[1], [0], [0], [1], [0, 0, 1, 1], [], []>, transpose_lhs_hint = false} : vector<1000x128xf32>, vector<128x128xf32>, vector<1000x128xf32> -> vector<1000x128xf32>
    %mul3A_31 = vector.broadcast %rsqrt3A : vector<1000x1xf32> to vector<1000x128xf32>
    %mul3A_32 = arith.mulf %dot_general3A_30, %mul3A_31 : vector<1000x128xf32>
    %swap3A = arith.constant 0 : index
    %swap3A_33 = arith.constant 0 : index
    %swap3A_34 = vector.load %arg8[%swap3A, %swap3A_33] : memref<1000x128xf32, #tpu.memory_space<vmem>>, vector<1000x128xf32>
    tpu.vector_store %arg8[%swap3A, %swap3A_33], %mul3A_32 {strides = array<i32>} : memref<1000x128xf32, #tpu.memory_space<vmem>>, vector<1000x128xf32>,
    return
  }
  func.func @transform_0(%arg0: i32) -> (i32, i32) {
    %c0_i32 = arith.constant 0 : i32
    %c0_i32_0 = arith.constant 0 : i32
    return %arg0, %c0_i32 : i32, i32
  }
  func.func @transform_1(%arg0: i32) -> (i32, i32) {
    %c0_i32 = arith.constant 0 : i32
    %c0_i32_0 = arith.constant 0 : i32
    return %arg0, %c0_i32 : i32, i32
  }
  func.func @transform_2(%arg0: i32) -> (i32, i32) {
    %c0_i32 = arith.constant 0 : i32
    %c0_i32_0 = arith.constant 0 : i32
    return %arg0, %c0_i32 : i32, i32
  }
  func.func @transform_3(%arg0: i32) -> (i32, i32) {
    %c0_i32 = arith.constant 0 : i32
    %c0_i32_0 = arith.constant 0 : i32
    return %arg0, %c0_i32 : i32, i32
  }
  func.func @transform_4(%arg0: i32) -> (i32, i32) {
    %c0_i32 = arith.constant 0 : i32
    %c0_i32_0 = arith.constant 0 : i32
    return %arg0, %c0_i32 : i32, i32
  }
  func.func @transform_5(%arg0: i32) -> (i32, i32) {
    %c0_i32 = arith.constant 0 : i32
    %c0_i32_0 = arith.constant 0 : i32
    %c0_i32_1 = arith.constant 0 : i32
    return %c0_i32, %c0_i32_0 : i32, i32
  }
  func.func @transform_6(%arg0: i32) -> (i32, i32) {
    %c0_i32 = arith.constant 0 : i32
    %c0_i32_0 = arith.constant 0 : i32
    %c0_i32_1 = arith.constant 0 : i32
    return %c0_i32, %c0_i32_0 : i32, i32
  }
  func.func @transform_7(%arg0: i32) -> (i32, i32) {
    %c0_i32 = arith.constant 0 : i32
    %c0_i32_0 = arith.constant 0 : i32
    return %arg0, %c0_i32 : i32, i32
  }
}

module attributes {stable_mosaic.version = 14 : i64} {
  func.func @_head_body(%arg0: i32, %arg1: memref<1000x128xf32, #tpu.memory_space<vmem>>, %arg2: memref<1000x128xf32, #tpu.memory_space<vmem>>, %arg3: memref<1000x128xf32, #tpu.memory_space<vmem>>, %arg4: memref<1000x1xf32, #tpu.memory_space<vmem>>, %arg5: memref<1000x1xf32, #tpu.memory_space<vmem>>, %arg6: memref<1x128xf32, #tpu.memory_space<vmem>>, %arg7: memref<1000x1xi32, #tpu.memory_space<vmem>>, %arg8: memref<256x1xf32, #tpu.memory_space<vmem>>, %arg9: memref<128x32xf32, #tpu.memory_space<vmem>>, %arg10: memref<1x32xf32, #tpu.memory_space<vmem>>, %arg11: memref<1x32xf32, #tpu.memory_space<vmem>>, %arg12: memref<32x12xf32, #tpu.memory_space<vmem>>, %arg13: memref<1x12xf32, #tpu.memory_space<vmem>>, %arg14: memref<256x12xf32, #tpu.memory_space<vmem>>, %arg15: memref<256x128xf32, #tpu.memory_space<vmem>>, %arg16: memref<256x128xf32, #tpu.memory_space<vmem>>) attributes {dimension_semantics = [#tpu.dimension_semantics<arbitrary>], iteration_bounds = array<i64: 10>, scalar_prefetch = 0 : i64, scratch_operands = 2 : i64, tpu.core_type = #tpu.core_type<tc>, window_params = [{transform_indices = @transform_0, window_bounds = array<i64: 1000, 128>}, {transform_indices = @transform_1, window_bounds = array<i64: 1000, 128>}, {transform_indices = @transform_2, window_bounds = array<i64: 1000, 128>}, {transform_indices = @transform_3, window_bounds = array<i64: 1000, 1>}, {transform_indices = @transform_4, window_bounds = array<i64: 1000, 1>}, {pipeline_mode = #tpu.pipeline_mode<synchronous>, transform_indices = @transform_5, window_bounds = array<i64: 1, 128>}, {transform_indices = @transform_6, window_bounds = array<i64: 1000, 1>}, {pipeline_mode = #tpu.pipeline_mode<synchronous>, transform_indices = @transform_7, window_bounds = array<i64: 256, 1>}, {pipeline_mode = #tpu.pipeline_mode<synchronous>, transform_indices = @transform_8, window_bounds = array<i64: 128, 32>}, {pipeline_mode = #tpu.pipeline_mode<synchronous>, transform_indices = @transform_9, window_bounds = array<i64: 1, 32>}, {pipeline_mode = #tpu.pipeline_mode<synchronous>, transform_indices = @transform_10, window_bounds = array<i64: 1, 32>}, {pipeline_mode = #tpu.pipeline_mode<synchronous>, transform_indices = @transform_11, window_bounds = array<i64: 32, 12>}, {pipeline_mode = #tpu.pipeline_mode<synchronous>, transform_indices = @transform_12, window_bounds = array<i64: 1, 12>}, {pipeline_mode = #tpu.pipeline_mode<synchronous>, transform_indices = @transform_13, window_bounds = array<i64: 256, 12>}]} {
    %eq3A = arith.constant 0 : i32
    %eq3A_0 = arith.cmpi eq, %arg0, %eq3A : i32
    %convert_element_type3A = arith.extui %eq3A_0 : i1 to i32
    %cond3A = arith.constant 0 : i32
    %cond3A_1 = arith.cmpi ne, %convert_element_type3A, %cond3A : i32
    scf.if %cond3A_1 {
      %broadcast_in_dim3A_58 = arith.constant 0.000000e+00 : f32
      %broadcast_in_dim3A_59 = vector.broadcast %broadcast_in_dim3A_58 : f32 to vector<256x128xf32>
      %swap3A_60 = arith.constant 0 : index
      %swap3A_61 = arith.constant 0 : index
      %swap3A_62 = vector.load %arg15[%swap3A_60, %swap3A_61] : memref<256x128xf32, #tpu.memory_space<vmem>>, vector<256x128xf32>
      tpu.vector_store %arg15[%swap3A_60, %swap3A_61], %broadcast_in_dim3A_59 {strides = array<i32>} : memref<256x128xf32, #tpu.memory_space<vmem>>, vector<256x128xf32>,
      %broadcast_in_dim3A_63 = arith.constant 0.000000e+00 : f32
      %broadcast_in_dim3A_64 = vector.broadcast %broadcast_in_dim3A_63 : f32 to vector<256x128xf32>
      %swap3A_65 = arith.constant 0 : index
      %swap3A_66 = arith.constant 0 : index
      %swap3A_67 = vector.load %arg16[%swap3A_65, %swap3A_66] : memref<256x128xf32, #tpu.memory_space<vmem>>, vector<256x128xf32>
      tpu.vector_store %arg16[%swap3A_65, %swap3A_66], %broadcast_in_dim3A_64 {strides = array<i32>} : memref<256x128xf32, #tpu.memory_space<vmem>>, vector<256x128xf32>,
    } else {
    }
    %get3A = arith.constant 0 : index
    %get3A_2 = arith.constant 0 : index
    %get3A_3 = vector.load %arg4[%get3A, %get3A_2] : memref<1000x1xf32, #tpu.memory_space<vmem>>, vector<1000x1xf32>
    %get3A_4 = arith.constant 0 : index
    %get3A_5 = arith.constant 0 : index
    %get3A_6 = vector.load %arg5[%get3A_4, %get3A_5] : memref<1000x1xf32, #tpu.memory_space<vmem>>, vector<1000x1xf32>
    %add3A = arith.addf %get3A_3, %get3A_6 : vector<1000x1xf32>
    %add3A_7 = arith.constant 1.000000e+00 : f32
    %add3A_8 = vector.broadcast %add3A_7 : f32 to vector<1000x1xf32>
    %add3A_9 = arith.addf %add3A, %add3A_8 : vector<1000x1xf32>
    %rsqrt3A = math.rsqrt %add3A_9 : vector<1000x1xf32>
    %get3A_10 = arith.constant 0 : index
    %get3A_11 = arith.constant 0 : index
    %get3A_12 = vector.load %arg1[%get3A_10, %get3A_11] : memref<1000x128xf32, #tpu.memory_space<vmem>>, vector<1000x128xf32>
    %get3A_13 = arith.constant 0 : index
    %get3A_14 = arith.constant 0 : index
    %get3A_15 = vector.load %arg2[%get3A_13, %get3A_14] : memref<1000x128xf32, #tpu.memory_space<vmem>>, vector<1000x128xf32>
    %add3A_16 = arith.addf %get3A_12, %get3A_15 : vector<1000x128xf32>
    %get3A_17 = arith.constant 0 : index
    %get3A_18 = arith.constant 0 : index
    %get3A_19 = vector.load %arg3[%get3A_17, %get3A_18] : memref<1000x128xf32, #tpu.memory_space<vmem>>, vector<1000x128xf32>
    %add3A_20 = arith.addf %add3A_16, %get3A_19 : vector<1000x128xf32>
    %mul3A = vector.broadcast %rsqrt3A : vector<1000x1xf32> to vector<1000x128xf32>
    %mul3A_21 = arith.mulf %mul3A, %add3A_20 : vector<1000x128xf32>
    %get3A_22 = arith.constant 0 : index
    %get3A_23 = arith.constant 0 : index
    %get3A_24 = vector.load %arg6[%get3A_22, %get3A_23] : memref<1x128xf32, #tpu.memory_space<vmem>>, vector<1x128xf32>
    %add3A_25 = vector.broadcast %get3A_24 : vector<1x128xf32> to vector<1000x128xf32>
    %add3A_26 = arith.addf %mul3A_21, %add3A_25 : vector<1000x128xf32>
    %max3A = arith.constant 0.000000e+00 : f32
    %max3A_27 = vector.broadcast %max3A : f32 to vector<1000x128xf32>
    %max3A_28 = arith.maximumf %add3A_26, %max3A_27 : vector<1000x128xf32>
    %iota3A = tpu.iota {dimensions = array<i32: 1>} : vector<1000x256xi32>
    %get3A_29 = arith.constant 0 : index
    %get3A_30 = arith.constant 0 : index
    %get3A_31 = vector.load %arg7[%get3A_29, %get3A_30] : memref<1000x1xi32, #tpu.memory_space<vmem>>, vector<1000x1xi32>
    %eq3A_32 = vector.broadcast %get3A_31 : vector<1000x1xi32> to vector<1000x256xi32>
    %eq3A_33 = arith.cmpi eq, %eq3A_32, %iota3A : vector<1000x256xi32>
    %convert_element_type3A_34 = arith.extui %eq3A_33 : vector<1000x256xi1> to vector<1000x256xi32>
    %convert_element_type3A_35 = arith.sitofp %convert_element_type3A_34 : vector<1000x256xi32> to vector<1000x256xf32>
    %get3A_36 = arith.constant 0 : index
    %get3A_37 = arith.constant 0 : index
    %get3A_38 = vector.load %arg15[%get3A_36, %get3A_37] : memref<256x128xf32, #tpu.memory_space<vmem>>, vector<256x128xf32>
    %dot_general3A = arith.constant dense<0.000000e+00> : vector<256x128xf32>
    %dot_general3A_39 = tpu.matmul %convert_element_type3A_35, %max3A_28, %dot_general3A {dimension_numbers = #tpu.dot_dimension_numbers<[0], [0], [1], [1], [0, 1, 1, 1], [], []>, transpose_lhs_hint = false} : vector<1000x256xf32>, vector<1000x128xf32>, vector<256x128xf32> -> vector<256x128xf32>
    %add3A_40 = arith.addf %get3A_38, %dot_general3A_39 : vector<256x128xf32>
    %swap3A = arith.constant 0 : index
    %swap3A_41 = arith.constant 0 : index
    %swap3A_42 = vector.load %arg15[%swap3A, %swap3A_41] : memref<256x128xf32, #tpu.memory_space<vmem>>, vector<256x128xf32>
    tpu.vector_store %arg15[%swap3A, %swap3A_41], %add3A_40 {strides = array<i32>} : memref<256x128xf32, #tpu.memory_space<vmem>>, vector<256x128xf32>,
    %reduce_sum3A = arith.constant dense<0.000000e+00> : vector<256xf32>
    %reduce_sum3A_43 = vector.multi_reduction <add>, %convert_element_type3A_35, %reduce_sum3A [0] : vector<1000x256xf32> to vector<256xf32>
    %get3A_44 = arith.constant 0 : index
    %get3A_45 = arith.constant 0 : index
    %get3A_46 = vector.load %arg16[%get3A_44, %get3A_45] : memref<256x128xf32, #tpu.memory_space<vmem>>, vector<256x128xf32>
    %broadcast_in_dim3A = vector.shape_cast %reduce_sum3A_43 : vector<256xf32> to vector<256x1xf32>
    %broadcast_in_dim3A_47 = vector.shape_cast %broadcast_in_dim3A : vector<256x1xf32> to vector<256x1xf32>
    %broadcast_in_dim3A_48 = vector.broadcast %broadcast_in_dim3A_47 : vector<256x1xf32> to vector<256x128xf32>
    %add3A_49 = arith.addf %get3A_46, %broadcast_in_dim3A_48 : vector<256x128xf32>
    %swap3A_50 = arith.constant 0 : index
    %swap3A_51 = arith.constant 0 : index
    %swap3A_52 = vector.load %arg16[%swap3A_50, %swap3A_51] : memref<256x128xf32, #tpu.memory_space<vmem>>, vector<256x128xf32>
    tpu.vector_store %arg16[%swap3A_50, %swap3A_51], %add3A_49 {strides = array<i32>} : memref<256x128xf32, #tpu.memory_space<vmem>>, vector<256x128xf32>,
    %eq3A_53 = arith.constant 9 : i32
    %eq3A_54 = arith.cmpi eq, %arg0, %eq3A_53 : i32
    %convert_element_type3A_55 = arith.extui %eq3A_54 : i1 to i32
    %cond3A_56 = arith.constant 0 : i32
    %cond3A_57 = arith.cmpi ne, %convert_element_type3A_55, %cond3A_56 : i32
    scf.if %cond3A_57 {
      %get3A_58 = arith.constant 0 : index
      %get3A_59 = arith.constant 0 : index
      %get3A_60 = vector.load %arg15[%get3A_58, %get3A_59] : memref<256x128xf32, #tpu.memory_space<vmem>>, vector<256x128xf32>
      %get3A_61 = arith.constant 0 : index
      %get3A_62 = arith.constant 0 : index
      %get3A_63 = vector.load %arg16[%get3A_61, %get3A_62] : memref<256x128xf32, #tpu.memory_space<vmem>>, vector<256x1xf32>
      %max3A_64 = arith.constant 1.000000e+00 : f32
      %max3A_65 = vector.broadcast %max3A_64 : f32 to vector<256x1xf32>
      %max3A_66 = arith.maximumf %get3A_63, %max3A_65 : vector<256x1xf32>
      %div3A = vector.broadcast %max3A_66 : vector<256x1xf32> to vector<256x128xf32>
      %div3A_67 = arith.divf %get3A_60, %div3A : vector<256x128xf32>
      %get3A_68 = arith.constant 0 : index
      %get3A_69 = arith.constant 0 : index
      %get3A_70 = vector.load %arg9[%get3A_68, %get3A_69] : memref<128x32xf32, #tpu.memory_space<vmem>>, vector<128x32xf32>
      %dot_general3A_71 = arith.constant dense<0.000000e+00> : vector<256x32xf32>
      %dot_general3A_72 = tpu.matmul %div3A_67, %get3A_70, %dot_general3A_71 {dimension_numbers = #tpu.dot_dimension_numbers<[1], [0], [0], [1], [0, 0, 1, 1], [], []>, transpose_lhs_hint = false} : vector<256x128xf32>, vector<128x32xf32>, vector<256x32xf32> -> vector<256x32xf32>
      %get3A_73 = arith.constant 0 : index
      %get3A_74 = arith.constant 0 : index
      %get3A_75 = vector.load %arg8[%get3A_73, %get3A_74] : memref<256x1xf32, #tpu.memory_space<vmem>>, vector<256x1xf32>
      %get3A_76 = arith.constant 0 : index
      %get3A_77 = arith.constant 0 : index
      %get3A_78 = vector.load %arg10[%get3A_76, %get3A_77] : memref<1x32xf32, #tpu.memory_space<vmem>>, vector<1x32xf32>
      %mul3A_79 = vector.broadcast %get3A_75 : vector<256x1xf32> to vector<256x32xf32>
      %mul3A_80 = vector.broadcast %get3A_78 : vector<1x32xf32> to vector<256x32xf32>
      %mul3A_81 = arith.mulf %mul3A_79, %mul3A_80 : vector<256x32xf32>
      %add3A_82 = arith.addf %dot_general3A_72, %mul3A_81 : vector<256x32xf32>
      %get3A_83 = arith.constant 0 : index
      %get3A_84 = arith.constant 0 : index
      %get3A_85 = vector.load %arg11[%get3A_83, %get3A_84] : memref<1x32xf32, #tpu.memory_space<vmem>>, vector<1x32xf32>
      %add3A_86 = vector.broadcast %get3A_85 : vector<1x32xf32> to vector<256x32xf32>
      %add3A_87 = arith.addf %add3A_82, %add3A_86 : vector<256x32xf32>
      %max3A_88 = arith.constant 0.000000e+00 : f32
      %max3A_89 = vector.broadcast %max3A_88 : f32 to vector<256x32xf32>
      %max3A_90 = arith.maximumf %add3A_87, %max3A_89 : vector<256x32xf32>
      %get3A_91 = arith.constant 0 : index
      %get3A_92 = arith.constant 0 : index
      %get3A_93 = vector.load %arg12[%get3A_91, %get3A_92] : memref<32x12xf32, #tpu.memory_space<vmem>>, vector<32x12xf32>
      %dot_general3A_94 = arith.constant dense<0.000000e+00> : vector<256x12xf32>
      %dot_general3A_95 = tpu.matmul %max3A_90, %get3A_93, %dot_general3A_94 {dimension_numbers = #tpu.dot_dimension_numbers<[1], [0], [0], [1], [0, 0, 1, 1], [], []>, transpose_lhs_hint = false} : vector<256x32xf32>, vector<32x12xf32>, vector<256x12xf32> -> vector<256x12xf32>
      %get3A_96 = arith.constant 0 : index
      %get3A_97 = arith.constant 0 : index
      %get3A_98 = vector.load %arg13[%get3A_96, %get3A_97] : memref<1x12xf32, #tpu.memory_space<vmem>>, vector<1x12xf32>
      %add3A_99 = vector.broadcast %get3A_98 : vector<1x12xf32> to vector<256x12xf32>
      %add3A_100 = arith.addf %dot_general3A_95, %add3A_99 : vector<256x12xf32>
      %swap3A_101 = arith.constant 0 : index
      %swap3A_102 = arith.constant 0 : index
      %swap3A_103 = vector.load %arg14[%swap3A_101, %swap3A_102] : memref<256x12xf32, #tpu.memory_space<vmem>>, vector<256x12xf32>
      tpu.vector_store %arg14[%swap3A_101, %swap3A_102], %add3A_100 {strides = array<i32>} : memref<256x12xf32, #tpu.memory_space<vmem>>, vector<256x12xf32>,
    } else {
    }
    return
  }
  func.func @transform_0(%arg0: i32) -> (i32, i32) {
    %c0_i32 = arith.constant 0 : i32
    %c0_i32_0 = arith.constant 0 : i32
    return %arg0, %c0_i32 : i32, i32
  }
  func.func @transform_1(%arg0: i32) -> (i32, i32) {
    %c0_i32 = arith.constant 0 : i32
    %c0_i32_0 = arith.constant 0 : i32
    return %arg0, %c0_i32 : i32, i32
  }
  func.func @transform_2(%arg0: i32) -> (i32, i32) {
    %c0_i32 = arith.constant 0 : i32
    %c0_i32_0 = arith.constant 0 : i32
    return %arg0, %c0_i32 : i32, i32
  }
  func.func @transform_3(%arg0: i32) -> (i32, i32) {
    %c0_i32 = arith.constant 0 : i32
    %c0_i32_0 = arith.constant 0 : i32
    return %arg0, %c0_i32 : i32, i32
  }
  func.func @transform_4(%arg0: i32) -> (i32, i32) {
    %c0_i32 = arith.constant 0 : i32
    %c0_i32_0 = arith.constant 0 : i32
    return %arg0, %c0_i32 : i32, i32
  }
  func.func @transform_5(%arg0: i32) -> (i32, i32) {
    %c0_i32 = arith.constant 0 : i32
    %c0_i32_0 = arith.constant 0 : i32
    %c0_i32_1 = arith.constant 0 : i32
    return %c0_i32, %c0_i32_0 : i32, i32
  }
  func.func @transform_6(%arg0: i32) -> (i32, i32) {
    %c0_i32 = arith.constant 0 : i32
    %c0_i32_0 = arith.constant 0 : i32
    return %arg0, %c0_i32 : i32, i32
  }
  func.func @transform_7(%arg0: i32) -> (i32, i32) {
    %c0_i32 = arith.constant 0 : i32
    %c0_i32_0 = arith.constant 0 : i32
    %c0_i32_1 = arith.constant 0 : i32
    return %c0_i32, %c0_i32_0 : i32, i32
  }
  func.func @transform_8(%arg0: i32) -> (i32, i32) {
    %c0_i32 = arith.constant 0 : i32
    %c0_i32_0 = arith.constant 0 : i32
    %c0_i32_1 = arith.constant 0 : i32
    return %c0_i32, %c0_i32_0 : i32, i32
  }
  func.func @transform_9(%arg0: i32) -> (i32, i32) {
    %c0_i32 = arith.constant 0 : i32
    %c0_i32_0 = arith.constant 0 : i32
    %c0_i32_1 = arith.constant 0 : i32
    return %c0_i32, %c0_i32_0 : i32, i32
  }
  func.func @transform_10(%arg0: i32) -> (i32, i32) {
    %c0_i32 = arith.constant 0 : i32
    %c0_i32_0 = arith.constant 0 : i32
    %c0_i32_1 = arith.constant 0 : i32
    return %c0_i32, %c0_i32_0 : i32, i32
  }
  func.func @transform_11(%arg0: i32) -> (i32, i32) {
    %c0_i32 = arith.constant 0 : i32
    %c0_i32_0 = arith.constant 0 : i32
    %c0_i32_1 = arith.constant 0 : i32
    return %c0_i32, %c0_i32_0 : i32, i32
  }
  func.func @transform_12(%arg0: i32) -> (i32, i32) {
    %c0_i32 = arith.constant 0 : i32
    %c0_i32_0 = arith.constant 0 : i32
    %c0_i32_1 = arith.constant 0 : i32
    return %c0_i32, %c0_i32_0 : i32, i32
  }
  func.func @transform_13(%arg0: i32) -> (i32, i32) {
    %c0_i32 = arith.constant 0 : i32
    %c0_i32_0 = arith.constant 0 : i32
    %c0_i32_1 = arith.constant 0 : i32
    return %c0_i32, %c0_i32_0 : i32, i32
  }
}

</mosaic_0001>

<sc_bundles>
// kernel: kernel.11.cloned.1.call-start
scs
__scs_entry_jumppad:
0x0: {  	(pc) =	sbr.rel $0x88, $3  }
0x1: {  	(tag) =	ssettag $0x0;
	lr =	simm.s32 $0x1  }
0x2: {  	[smem:$0x3F95] =	sst lr;
	_ =	strace $0xD0000000  }
0x3: {  	_ = 	snop  }
0x4: {  	_ = 	snop  }
0x5: {  	_ = 	snop  }
0x6: {  	_ = 	snop  }
0x7: {  	_ = 	snop  }
__scs_overlays_trampoline_lowered:
0x8: {  	[smem:$0x3FA4] =	sst s0  }
0x9: {  	[smem:$0x3FA5] =	sst s1  }
0xa: {  	[smem:$0x3FA6] =	sst s2  }
0xb: {  	[smem:$0x3FA7] =	sst s3  }
0xc: {  	[smem:$0x3FA8] =	sst s4  }
0xd: {  	[smem:$0x3FA9] =	sst s5  }
0xe: {  	[smem:$0x3FAA] =	sst s6  }
0xf: {  	[smem:$0x3FAB] =	sst s7  }
0x10: {  	[smem:$0x3FAC] =	sst s8  }
0x11: {  	[smem:$0x3FAD] =	sst s9;
	s0 =	simm.s32 @!p0 $0x0  }
0x12: {  	s1 =	sld [smem:$0x3F93];
	s0 =	simm.s32 @p0 $0x1  }
0x13: {  	[smem:$0x3FAE] =	sst s0;
	s0 =	simm.s32 @!p1 $0x0  }
0x14: {  	s2 =	sld [smem:$0x3F92];
	s0 =	simm.s32 @p1 $0x1  }
0x15: {  	[smem:$0x3FAF] =	sst s0;
	s0 =	simm.s32 @!p2 $0x0  }
0x16: {  	s3 =	sld [smem:$0x3FDB];
	s0 =	simm.s32 @p2 $0x1  }
0x17: {  	s4 =	simm.s32 $0x1BF5;
	[smem:$0x3FB1] =	sst s0  }
0x18: {  	s0 =	sld [smem:$0x3F94];
	_ =	swait.ge [sflag:s4], $0x0  }
0x19: {  	s7 =	sld [smem:$0x3F95]  }
0x1a: {  	s8 =	sadd.s32 $0xFFFFE003, lr  }
0x1b: {  	s9 =	sadd.s32 $0xFFFFFEF7, lr;
	s5 =	simm.s32 $0xFFFFFFFF;
	p2 =	slt.u32 s8, $0xFFFFF086  }
0x1c: {  	p1 =	slt.u32 s9, $0xF7A;
	s5 =	simm.s32 @!p2 $0x0  }
0x1d: {  	s5 =	simm.s32 @p1 $0x1;
	p0 =	seq.s32 s7, s2  }
0x1e: {  	s7 =	smul.u32 @!p0 $0xF7A, s2;
	p2 =	seq.s32 @!p0 s5, $0x0  }
0x1f: {  	s9 =	smul.u32 $0xF7A, s1;
	s8 =	simm.s32 @!p0 $0x1BF5;
	p2 =	por !p2, p0  }
0x20: {  	[sflag:s8] =	ssyncset.s32 @!p0 $0xFFFFF086;
	s6 =	sadd.s32 @!p0 s3, s7;
	s7 =	simm.s32 @!p0 $0x108  }
0x21: {  	s3 =	sadd.s32 s3, s9;
	s6 =	sadd.s32 @!p0 $0x88, s6;
	s7 =	simm.s32 @p2 $0x1082  }
0x22: {  	[simem:s7], [sflag:s8] =	dma.local @!p0 [hbm:s6], $0xF7A  }
0x23: {  	s9 =	sor.u32 $0xD0000000, s2;
	s6 =	simm.s32 $0x108;
	_ =	swait.ge @!p0 [sflag:s8], $0x0  }
0x24: {  	s3 =	sadd.s32 $0x88, s3;
	s6 =	simm.s32 @!p1 $0x1082;
	[sflag:s4] =	ssyncset.s32 $0xFFFFF086  }
0x25: {  	[simem:s6], [sflag:s4] =	dma.local [hbm:s3], $0xF7A  }
0x26: {  	[smem:$0x3F95] =	sst s1;
	(tag) =	ssettag s2;
	_ =	strace s9  }
0x27: {  	s1 =	sld [smem:$0x3FA5]  }
0x28: {  	s2 =	sld [smem:$0x3FA6]  }
0x29: {  	s4 =	sld [smem:$0x3FA8]  }
0x2a: {  	p0 =	seq.s32 s5, $0x0;
	s5 =	sld [smem:$0x3FA9]  }
0x2b: {  	s6 =	sld [smem:$0x3FAA]  }
0x2c: {  	s7 =	sld [smem:$0x3FAB]  }
0x2d: {  	s3 =	simm.s32 $0x108;
	s8 =	sld [smem:$0x3FAC]  }
0x2e: {  	s3 =	simm.s32 @!p0 $0x1082;
	s9 =	sld [smem:$0x3FAD]  }
0x2f: {  	lr =	sadd.s32 s0, s3;
	s0 =	sld [smem:$0x3FA4]  }
0x30: {  	s3 =	sld [smem:$0x3FA7]  }
0x31: {  	[smem:$0x3FB0] =	sst s10  }
0x32: {  	s10 =	sld [smem:$0x3FAE];
	_ =	sdelay $0x3  }
0x33: {  	p0 =	seq.s32 s10, $0x1;
	s10 =	sld [smem:$0x3FB0];
	_ =	sdelay $0x3  }
0x34: {  	[smem:$0x3FB0] =	sst s10  }
0x35: {  	s10 =	sld [smem:$0x3FAF];
	_ =	sdelay $0x3  }
0x36: {  	p1 =	seq.s32 s10, $0x1;
	s10 =	sld [smem:$0x3FB0];
	_ =	sdelay $0x3  }
0x37: {  	[smem:$0x3FB0] =	sst s10  }
0x38: {  	s10 =	sld [smem:$0x3FB1]  }
0x39: {  	_ = 	snop;
	(pc) =	sbr.ind lr, $3  }
0x3a: {  	_ = 	snop  }
0x3b: {  	_ = 	snop  }
0x3c: {  	p2 =	seq.s32 s10, $0x1;
	s10 =	sld [smem:$0x3FB0]  }
0x3d: {  	_ =	shalt  }
0x3e: {  	_ =	shalt  }
0x3f: {  	_ =	shalt  }
0x40: {  	_ =	shalt  }
0x41: {  	_ =	shalt  }
0x42: {  	_ =	shalt  }
0x43: {  	_ =	shalt  }
0x44: {  	_ =	shalt  }
0x45: {  	_ =	shalt  }
0x46: {  	_ =	shalt  }
0x47: {  	_ =	shalt  }
0x48: {  	_ =	shalt  }
0x49: {  	_ =	shalt  }
0x4a: {  	_ =	shalt  }
0x4b: {  	_ =	shalt  }
0x4c: {  	_ =	shalt  }
0x4d: {  	_ =	shalt  }
0x4e: {  	_ =	shalt  }
0x4f: {  	_ =	shalt  }
0x50: {  	_ =	shalt  }
0x51: {  	_ =	shalt  }
0x52: {  	_ =	shalt  }
0x53: {  	_ =	shalt  }
0x54: {  	_ =	shalt  }
0x55: {  	_ =	shalt  }
0x56: {  	_ =	shalt  }
0x57: {  	_ =	shalt  }
0x58: {  	_ =	shalt  }
0x59: {  	_ =	shalt  }
0x5a: {  	_ =	shalt  }
0x5b: {  	_ =	shalt  }
0x5c: {  	_ =	shalt  }
0x5d: {  	_ =	shalt  }
0x5e: {  	_ =	shalt  }
0x5f: {  	_ =	shalt  }
0x60: {  	_ =	shalt  }
0x61: {  	_ =	shalt  }
0x62: {  	_ =	shalt  }
0x63: {  	_ =	shalt  }
0x64: {  	_ =	shalt  }
0x65: {  	_ =	shalt  }
0x66: {  	_ =	shalt  }
0x67: {  	_ =	shalt  }
0x68: {  	_ =	shalt  }
0x69: {  	_ =	shalt  }
0x6a: {  	_ =	shalt  }
0x6b: {  	_ =	shalt  }
0x6c: {  	_ =	shalt  }
0x6d: {  	_ =	shalt  }
0x6e: {  	_ =	shalt  }
0x6f: {  	_ =	shalt  }
0x70: {  	_ =	shalt  }
0x71: {  	_ =	shalt  }
0x72: {  	_ =	shalt  }
0x73: {  	_ =	shalt  }
0x74: {  	_ =	shalt  }
0x75: {  	_ =	shalt  }
0x76: {  	_ =	shalt  }
0x77: {  	_ =	shalt  }
0x78: {  	_ =	shalt  }
0x79: {  	_ =	shalt  }
0x7a: {  	_ =	shalt  }
0x7b: {  	_ =	shalt  }
0x7c: {  	_ =	shalt  }
0x7d: {  	_ =	shalt  }
0x7e: {  	_ =	shalt  }
0x7f: {  	_ =	shalt  }
0x80: {  	_ =	shalt  }
0x81: {  	_ =	shalt  }
0x82: {  	_ =	shalt  }
0x83: {  	_ =	shalt  }
0x84: {  	_ =	shalt  }
0x85: {  	_ =	shalt  }
0x86: {  	_ =	shalt  }
0x87: {  	_ =	shalt  }
.Lfunc_end0:
.L_simem_size_0:
called_computation.1_lowered:
.L_overlay_start_0:
0x88: {  	s2 =	sld [smem:$0x3FD9]  }
0x89: {  	s3 =	sld [smem:$0x3FFE];
	_ =	sdelay $0x1  }
0x8a: {  	s1 =	srdreg.scid  }
0x8b: {  	s0 =	sand.u32 $0x1, s1  }
0x8c: {  	s16 =	sshll.u32 s0, $0xA;
	s2 =	sadd.s32 s3, s2  }
0x8d: {  	s2 =	sadd.s32 s2, s16  }
0x8e: {  	[smem:$0x3FBC] =	sst s2  }
0x8f: {  	_ = 	snop  }
0x90: {  	(tm) =	ssettm $0x1  }
0x91: {  	s17 =	sld [smem:$0x3FFB];
	_ =	sdelay $0x3  }
0x92: {  	_ =	strace s17  }
0x93: {  	s2 =	sld [smem:$0x3FFC];
	_ =	sdelay $0x3  }
0x94: {  	_ =	strace s2  }
0x95: {  	s2 =	sld [smem:$0x3FFD];
	_ =	sdelay $0x3  }
0x96: {  	_ =	strace s2  }
0x97: {  	_ =	strace $0x8FFFFFFF  }
0x98: {  	s18 =	sld [smem:$0x3FDB];
	_ =	sdelay $0x1  }
0x99: {  	s19 =	simm.s32 $_scs_section_size  }
0x9a: {  	s4 =	simm.s32 $_size__tile_overlayer_lowered;
	s5 =	simm.s32 $_tile_overlayer_lowered  }
0x9b: {  	s22 =	simm.s32 $0x1BFF;
	s21 =	sshll.u32 s5, $0x1;
	s2 =	sadd.s32 s19, s18  }
0x9c: {  	s6 =	simm.s32 $0x0;
	s20 =	sshll.u32 s4, $0x1;
	s4 =	sadd.s32 s21, s2  }
0x9d: {  	[timem:s6], [sflag:s22] =	dma.local [hbm:s4], s20  }
0x9e: {  	_ =	swait.ge [sflag:s22], s20  }
0x9f: {  	s3 =	ssub.s32 $0x0, s20;
	[sflag:s22] =	ssyncset.done $0x0  }
0xa0: {  	[sflag:s22] =	ssyncadd.s32 s3;
	_ =	sdelay $0x1  }
0xa1: {  	s23 =	simm.s32 $0x1B8B  }
0xa2: {  	_ =	swait.ge [sflag:s23], $0x1  }
0xa3: {  	[sflag:s23] =	ssyncset.done $0x0  }
0xa4: {  	s25 =	simm.s32 $0x1B8E;
	s24 =	sld [smem:$0x3FFE];
	[sflag:s23] =	ssyncadd.s32 $0xFFFFFFFF  }
0xa5: {  	s26 =	simm.s32 $execute0_lowered;
	[smem:$0x3FD2] =	sst s25  }
0xa6: {  	s4 =	sshll.u32 s26, $0x1;
	_ =	strace $0x80000049;
	[dreg:$0x1] =	wrdreg $0xFFFFFFFF  }
0xa7: {  	s28 =	simm.s32 $_size_execute0_lowered;
	s2 =	sadd.s32 s2, s4;
	[dreg:$0x0] =	wrdreg $0x0  }
0xa8: {  	s4 =	sshll.u32 s28, $0x1;
	[dreg:$0x2] =	wrdreg s2  }
0xa9: {  	[dreg:$0x3] =	wrdreg s4  }
0xaa: {  	[dreg:$0x4] =	wrdreg $0xC0  }
0xab: {  	_ =	task [dreg:s6], $0x5FFFF  }
0xac: {  	[dreg:$0x1] =	wrdreg $0xFFFFFFFF  }
0xad: {  	[dreg:$0x0] =	wrdreg $0x60  }
0xae: {  	[dreg:$0x2] =	wrdreg s24  }
0xaf: {  	[dreg:$0x3] =	wrdreg $0xA8800  }
0xb0: {  	[dreg:$0x4] =	wrdreg $0x9  }
0xb1: {  	_ =	task.clear_ibuf [dreg:s6], $0x5FFFF;
	_ =	strace $0x90000049  }
0xb2: {  	s29 =	simm.s32 $0x9;
	_ =	strace $0x8000004B  }
0xb3: {  	_ =	swait.ge [sflag:s29], $0x1  }
0xb4: {  	[sflag:s29] =	ssyncadd.s32 $0xFFFFFFFF  }
0xb5: {  	_ =	strace $0x9000004B  }
0xb6: {  	_ =	sfence  }
0xb7: {  	s30 =	sld [smem:$0x0];
	_ =	sdelay $0x2  }
0xb8: {  	s31 =	sshll.u32 s1, $0xD;
	s1 =	sshrl.u32 s1, $0x2  }
0xb9: {  	s3 =	sand.u32 $0x4000, s31;
	s1 =	sadd.s32 s1, s30  }
0xba: {  	s0 =	sor.u32 s3, s0;
	s1 =	sshll.u32 s1, $0x11  }
0xbb: {  	s0 =	sor.u32 s1, s0  }
0xbc: {  	s0 =	sadd.s32 $0x8F2B, s0  }
0xbd: {  	[sflag:s0] =	ssyncadd.remote.s32 $0x1  }
0xbe: {  	_ =	sfence.sel $0xFFFF  }
0xbf: {  	[dreg:$0x0] =	wrdreg $0xFFFFFFFF;
	(pc) =	sbr.abs _section_cstart, $3  }
0xc0: {  	[dreg:$0x1] =	wrdreg $0xFFFFFFFF  }
0xc1: {  	_ =	task.clear_ibuf [dreg:s6], $0x2FFFF;
	_ =	strace $0x9FFFFFFF  }
0xc2: {  	(tm) =	ssettm $0x7FFFFFFF  }
0xc3: {  	_ =	shalt  }
tec
execute0_lowered:
.L_overlay_start_1:
0x0: {  	(tag) =	ssettag $0x1  }
0x1: {  	s5 =	rddreg [dreg:$0x0]  }
0x2: {  	s2 =	rddreg [dreg:$0x1]  }
0x3: {  	s0 =	rddreg [dreg:$0x2];
	s3 =	simm.s32 $0x0  }
0x4: {  	s1 =	stileid.u32;
	s7 =	srdreg.scid;
	s16 =	simm.s32 $0x2800  }
0x5: {  	s17 =	simm.s32 $0x6800;
	s18 =	simm.s32 $0x1;
	s19 =	simm.s32 $0xA800  }
0x6: {  	s20 =	simm.s32 $0x2;
	s21 =	simm.s32 $0x1380;
	[smem:$0x7FF] =	sst s3  }
0x7: {  	s22 =	smul.u32 $0x2780, s1;
	s4 =	sadd.s32 $0x8EA00, s5;
	s9 =	sadd.s32 $0xEE00, s5  }
0x8: {  	s10 =	sadd.s32 $0x4E00, s5;
	s7 =	sand.u32 $0x1, s7;
	s8 =	sshll.u32 s1, $0x1  }
0x9: {  	s11 =	smul.u32 $0x4F000, s1;
	s29 =	sshll.u32 s1, $0x6;
	_ =	strace $0x8000004A  }
0xa: {  	s12 =	smul.u32 $0x27800, s7;
	s13 =	ssub.s32 $0x2, s7;
	s7 =	sor.u32 s7, s8  }
0xb: {  	s6 =	sadd.s32 s22, s5;
	s28 =	sshrl.u32 s13, $0x1;
	s14 =	smul.u32 $0x2800, s7  }
0xc: {  	s11 =	sshrl.u32 s11, $0x2;
	s30 =	smul.u32 $0x500, s7;
	s12 =	sadd.s32 s12, s5  }
0xd: {  	s13 =	ssub.s32 s13, s28;
	s15 =	sadd.s32 s11, s2;
	s5 =	sadd.s32 $0x18E00, s6  }
0xe: {  	s6 =	sor.u32 $0x1C03, s29;
	s31 =	sshrl.u32 s14, $0x3;
	s7 =	sadd.s32 s9, s30  }
0xf: {  	s8 =	sadd.s32 s10, s30;
	s23 =	sadd.s32 $0xB5C00, s12;
	s11 =	smax.u32 s13, $0x1  }
0x10: {  	s12 =	sshrl.u32 s15, $0x3;
	s13 =	simm.s32 $0x3;
	s15 =	simm.s32 $0x80  }
0x11: {  	s14 =	sadd.s32 $0x280, s31;
	s22 =	sadd.s32 s22, s23;
	s23 =	simm.s32 $0x0  }
0x12: {  	s9 =	sadd.s32 s9, s14;
	s10 =	sadd.s32 s10, s14;
	s14 =	simm.s32 $0x1400  }
.LBB2_1:
0x13: {  	[spmem:s12], [sflag:s6] =	dma.local [hbm:s5], $0x2780  }
0x14: {  	_ =	swait.ge [sflag:s13], $0x2780  }
0x15: {  	[sflag:s13] =	ssyncset.done $0x0  }
0x16: {  	[sflag:s13] =	ssyncadd.s32 $0xFFFFD880  }
0x17: {  	[bflag:$0x0] =	sbarrier.arrive $0xFFFF  }
0x18: {  	[tilespmem:s3], [sflag:$0x3] =	stream.linear.gather [hbm4b:s7+s3], $0x1400, $0x38;
	[tilespmem:$0x1E480] =	vst v63  }
0x19: {  	_ =	swait.ge [sflag:s13], $0x1400  }
0x1a: {  	[sflag:s13] =	ssyncset.done $0x0  }
0x1b: {  	[sflag:s13] =	ssyncadd.s32 $0xFFFFEC00  }
0x1c: {  	[tilespmem:s14], [sflag:$0x3] =	stream.linear.gather [hbm4b:s8+s3], $0x1400, $0x38;
	[tilespmem:$0x1E480] =	vst v63  }
0x1d: {  	_ =	swait.ge [sflag:s13], $0x1400  }
0x1e: {  	[sflag:s13] =	ssyncset.done $0x0  }
0x1f: {  	[sflag:s13] =	ssyncadd.s32 $0xFFFFEC00  }
0x20: {  	[tilespmem:s16], [sflag:$0x1] =	stream.indirect.gather [hbm4b:s4+s15], $0x80, s3, s15, $0xb8;
	[tilespmem:$0x1E480] =	vst v63  }
0x21: {  	s24 =	simm.s32 $0x80  }
0x22: {  	[tilespmem:s17], [sflag:$0x2] =	stream.indirect.gather [hbm4b:s4+s15], $0x80, s24, s15, $0xb8;
	[tilespmem:$0x1E480] =	vst v63  }
0x23: {  	_ =	swait.ge [sflag:s18], $0x4000  }
0x24: {  	[sflag:s18] =	ssyncset.done $0x0  }
0x25: {  	s31 =	simm.s32 $0x0;
	[sflag:s18] =	ssyncadd.s32 $0xFFFFC000  }
0x26: {  	v0 =	vld [tilespmem:s31+$0x1400];
	_ =	sdelay $0x4  }
0x27: {  	[tilespmem:$0xA800] =	vst v0  }
0x28: {  	v0 =	vld [tilespmem:s31+$0x1410];
	_ =	sdelay $0x4  }
0x29: {  	[tilespmem:$0xA810] =	vst v0  }
0x2a: {  	v0 =	vld [tilespmem:s31+$0x1420];
	_ =	sdelay $0x4  }
0x2b: {  	[tilespmem:$0xA820] =	vst v0  }
0x2c: {  	v0 =	vld [tilespmem:s31+$0x1430];
	_ =	sdelay $0x4  }
0x2d: {  	[tilespmem:$0xA830] =	vst v0  }
0x2e: {  	v0 =	vld [tilespmem:s31+$0x1440];
	_ =	sdelay $0x4  }
0x2f: {  	[tilespmem:$0xA840] =	vst v0  }
0x30: {  	v0 =	vld [tilespmem:s31+$0x1450];
	_ =	sdelay $0x4  }
0x31: {  	[tilespmem:$0xA850] =	vst v0  }
0x32: {  	v0 =	vld [tilespmem:s31+$0x1460];
	_ =	sdelay $0x4  }
0x33: {  	[tilespmem:$0xA860] =	vst v0  }
0x34: {  	v0 =	vld [tilespmem:s31+$0x1470];
	_ =	sdelay $0x4  }
0x35: {  	[tilespmem:$0xA870] =	vst v0  }
0x36: {  	[spmem:s2] =	stream.indirect.scatter.add.f32 [tilespmem:s16], [sflag:$0x3], $0x80, s19, s15, $0xb8;
	[tilespmem:$0x1E480] =	vst v63  }
0x37: {  	_ =	swait.ge [sflag:s13], $0x4000  }
0x38: {  	[sflag:s13] =	ssyncset.done $0x0  }
0x39: {  	s25 =	simm.s32 $0x100;
	[sflag:s13] =	ssyncadd.s32 $0xFFFFC000  }
0x3a: {  	[tilespmem:s16], [sflag:$0x1] =	stream.indirect.gather [hbm4b:s4+s15], $0x80, s25, s15, $0xb8;
	[tilespmem:$0x1E480] =	vst v63  }
0x3b: {  	_ =	swait.ge [sflag:s20], $0x4000  }
0x3c: {  	[sflag:s20] =	ssyncset.done $0x0  }
0x3d: {  	[sflag:s20] =	ssyncadd.s32 $0xFFFFC000  }
0x3e: {  	v63 =	vld [tilespmem:s31+$0x1480];
	_ =	sdelay $0x4  }
0x3f: {  	[tilespmem:$0xA800] =	vst v63  }
0x40: {  	v0 =	vld [tilespmem:s31+$0x1490];
	_ =	sdelay $0x4  }
0x41: {  	[tilespmem:$0xA810] =	vst v0  }
0x42: {  	v0 =	vld [tilespmem:s31+$0x14A0];
	_ =	sdelay $0x4  }
0x43: {  	[tilespmem:$0xA820] =	vst v0  }
0x44: {  	v0 =	vld [tilespmem:s31+$0x14B0];
	_ =	sdelay $0x4  }
0x45: {  	[tilespmem:$0xA830] =	vst v0  }
0x46: {  	v0 =	vld [tilespmem:s31+$0x14C0];
	_ =	sdelay $0x4  }
0x47: {  	[tilespmem:$0xA840] =	vst v0  }
0x48: {  	v0 =	vld [tilespmem:s31+$0x14D0];
	_ =	sdelay $0x4  }
0x49: {  	[tilespmem:$0xA850] =	vst v0  }
0x4a: {  	v0 =	vld [tilespmem:s31+$0x14E0];
	_ =	sdelay $0x4  }
0x4b: {  	[tilespmem:$0xA860] =	vst v0  }
0x4c: {  	v0 =	vld [tilespmem:s31+$0x14F0];
	_ =	sdelay $0x4  }
0x4d: {  	[tilespmem:$0xA870] =	vst v0  }
0x4e: {  	[spmem:s2] =	stream.indirect.scatter.add.f32 [tilespmem:s17], [sflag:$0x3], $0x80, s19, s15, $0xb8;
	[tilespmem:$0x1E480] =	vst v63  }
0x4f: {  	_ =	swait.ge [sflag:s13], $0x4000  }
0x50: {  	s28 =	simm.s32 $0x800;
	s24 =	simm.s32 $0x100;
	[sflag:s13] =	ssyncset.done $0x0  }
.LBB2_2:
0x51: {  	s29 =	sadd.s32 $0x80, s24  }
0x52: {  	[sflag:s13] =	ssyncadd.s32 $0xFFFFC000;
	s26 =	smov.u32 s28;
	s25 =	sadd.s32 $0x400, s28  }
0x53: {  	[tilespmem:s17], [sflag:$0x2] =	stream.indirect.gather [hbm4b:s4+s15], $0x80, s29, s15, $0xb8;
	[tilespmem:$0x1E480] =	vst v63  }
0x54: {  	p0 =	sne.s32 s28, $0x4800;
	_ =	swait.ge [sflag:s18], $0x4000  }
0x55: {  	[sflag:s18] =	ssyncset.done $0x0  }
0x56: {  	[sflag:s18] =	ssyncadd.s32 $0xFFFFC000  }
0x57: {  	v0 =	vld [tilespmem:s24+$0x1400];
	_ =	sdelay $0x4  }
0x58: {  	[tilespmem:$0xA800] =	vst v0  }
0x59: {  	v0 =	vld [tilespmem:s24+$0x1410];
	_ =	sdelay $0x4  }
0x5a: {  	[tilespmem:$0xA810] =	vst v0  }
0x5b: {  	v0 =	vld [tilespmem:s24+$0x1420];
	_ =	sdelay $0x4  }
0x5c: {  	[tilespmem:$0xA820] =	vst v0  }
0x5d: {  	v0 =	vld [tilespmem:s24+$0x1430];
	_ =	sdelay $0x4  }
0x5e: {  	[tilespmem:$0xA830] =	vst v0  }
0x5f: {  	v0 =	vld [tilespmem:s24+$0x1440];
	_ =	sdelay $0x4  }
0x60: {  	[tilespmem:$0xA840] =	vst v0  }
0x61: {  	v0 =	vld [tilespmem:s24+$0x1450];
	_ =	sdelay $0x4  }
0x62: {  	[tilespmem:$0xA850] =	vst v0  }
0x63: {  	v0 =	vld [tilespmem:s24+$0x1460];
	_ =	sdelay $0x4  }
0x64: {  	[tilespmem:$0xA860] =	vst v0  }
0x65: {  	v0 =	vld [tilespmem:s24+$0x1470];
	_ =	sdelay $0x4  }
0x66: {  	[tilespmem:$0xA870] =	vst v0  }
0x67: {  	[spmem:s2] =	stream.indirect.scatter.add.f32 [tilespmem:s16], [sflag:$0x3], $0x80, s19, s15, $0xb8;
	[tilespmem:$0x1E480] =	vst v63  }
0x68: {  	_ =	swait.ge [sflag:s13], $0x4000  }
0x69: {  	[sflag:s13] =	ssyncset.done $0x0  }
0x6a: {  	s28 =	sadd.s32 $0x100, s24;
	[sflag:s13] =	ssyncadd.s32 $0xFFFFC000  }
0x6b: {  	[tilespmem:s16], [sflag:$0x1] =	stream.indirect.gather [hbm4b:s4+s15], $0x80, s28, s15, $0xb8;
	[tilespmem:$0x1E480] =	vst v63  }
0x6c: {  	_ =	swait.ge [sflag:s20], $0x4000  }
0x6d: {  	[sflag:s20] =	ssyncset.done $0x0  }
0x6e: {  	[sflag:s20] =	ssyncadd.s32 $0xFFFFC000  }
0x6f: {  	v0 =	vld [tilespmem:s24+$0x1480];
	_ =	sdelay $0x4  }
0x70: {  	[tilespmem:$0xA800] =	vst v0  }
0x71: {  	v0 =	vld [tilespmem:s24+$0x1490];
	_ =	sdelay $0x4  }
0x72: {  	[tilespmem:$0xA810] =	vst v0  }
0x73: {  	v0 =	vld [tilespmem:s24+$0x14A0];
	_ =	sdelay $0x4  }
0x74: {  	[tilespmem:$0xA820] =	vst v0  }
0x75: {  	v0 =	vld [tilespmem:s24+$0x14B0];
	_ =	sdelay $0x4  }
0x76: {  	[tilespmem:$0xA830] =	vst v0  }
0x77: {  	v0 =	vld [tilespmem:s24+$0x14C0];
	_ =	sdelay $0x4  }
0x78: {  	[tilespmem:$0xA840] =	vst v0  }
0x79: {  	v0 =	vld [tilespmem:s24+$0x14D0];
	_ =	sdelay $0x4  }
0x7a: {  	[tilespmem:$0xA850] =	vst v0  }
0x7b: {  	v0 =	vld [tilespmem:s24+$0x14E0];
	_ =	sdelay $0x4  }
0x7c: {  	[tilespmem:$0xA860] =	vst v0  }
0x7d: {  	v0 =	vld [tilespmem:s24+$0x14F0];
	_ =	sdelay $0x3  }
.Ltmp0:
0x7e: {  	(pc) =	sbr.rel @p0 .LBB2_2-.Ltmp0, $4  }
0x7f: {  	[tilespmem:$0xA870] =	vst v0  }
0x80: {  	[spmem:s2] =	stream.indirect.scatter.add.f32 [tilespmem:s17], [sflag:$0x3], $0x80, s19, s15, $0xb8;
	[tilespmem:$0x1E480] =	vst v63  }
0x81: {  	_ =	swait.ge [sflag:s13], $0x4000  }
0x82: {  	s28 =	smov.u32 s25;
	s24 =	sshra.s32 s26, $0x2;
	[sflag:s13] =	ssyncset.done $0x0  }
0x83: {  	s25 =	sadd.s32 $0x80, s24;
	[sflag:s13] =	ssyncadd.s32 $0xFFFFC000  }
0x84: {  	[tilespmem:s17], [sflag:$0x2] =	stream.indirect.gather [hbm4b:s4+s15], $0x80, s25, s15, $0xb8;
	[tilespmem:$0x1E480] =	vst v63  }
0x85: {  	_ =	swait.ge [sflag:s18], $0x4000  }
0x86: {  	[sflag:s18] =	ssyncset.done $0x0  }
0x87: {  	[sflag:s18] =	ssyncadd.s32 $0xFFFFC000  }
0x88: {  	v0 =	vld [tilespmem:s24+$0x1400];
	_ =	sdelay $0x4  }
0x89: {  	[tilespmem:$0xA800] =	vst v0  }
0x8a: {  	v0 =	vld [tilespmem:s24+$0x1410];
	_ =	sdelay $0x4  }
0x8b: {  	[tilespmem:$0xA810] =	vst v0  }
0x8c: {  	v0 =	vld [tilespmem:s24+$0x1420];
	_ =	sdelay $0x4  }
0x8d: {  	[tilespmem:$0xA820] =	vst v0  }
0x8e: {  	v0 =	vld [tilespmem:s24+$0x1430];
	_ =	sdelay $0x4  }
0x8f: {  	[tilespmem:$0xA830] =	vst v0  }
0x90: {  	v0 =	vld [tilespmem:s24+$0x1440];
	_ =	sdelay $0x4  }
0x91: {  	[tilespmem:$0xA840] =	vst v0  }
0x92: {  	v0 =	vld [tilespmem:s24+$0x1450];
	_ =	sdelay $0x4  }
0x93: {  	[tilespmem:$0xA850] =	vst v0  }
0x94: {  	v0 =	vld [tilespmem:s24+$0x1460];
	_ =	sdelay $0x4  }
0x95: {  	[tilespmem:$0xA860] =	vst v0  }
0x96: {  	v0 =	vld [tilespmem:s24+$0x1470];
	_ =	sdelay $0x4  }
0x97: {  	[tilespmem:$0xA870] =	vst v0  }
0x98: {  	[spmem:s2] =	stream.indirect.scatter.add.f32 [tilespmem:s16], [sflag:$0x3], $0x80, s19, s15, $0xb8;
	[tilespmem:$0x1E480] =	vst v63  }
0x99: {  	_ =	swait.ge [sflag:s13], $0x4000  }
0x9a: {  	[sflag:s13] =	ssyncset.done $0x0  }
0x9b: {  	s31 =	sadd.s32 $0x100, s24;
	[sflag:s13] =	ssyncadd.s32 $0xFFFFC000  }
0x9c: {  	[tilespmem:s16], [sflag:$0x1] =	stream.indirect.gather [hbm4b:s4+s15], $0x80, s31, s15, $0xb8;
	[tilespmem:$0x1E480] =	vst v63  }
0x9d: {  	_ =	swait.ge [sflag:s20], $0x4000  }
0x9e: {  	[sflag:s20] =	ssyncset.done $0x0  }
0x9f: {  	[sflag:s20] =	ssyncadd.s32 $0xFFFFC000  }
0xa0: {  	v49 =	vld [tilespmem:s24+$0x1480];
	_ =	sdelay $0x4  }
0xa1: {  	[tilespmem:$0xA800] =	vst v49  }
0xa2: {  	v0 =	vld [tilespmem:s24+$0x1490];
	_ =	sdelay $0x4  }
0xa3: {  	[tilespmem:$0xA810] =	vst v0  }
0xa4: {  	v0 =	vld [tilespmem:s24+$0x14A0];
	_ =	sdelay $0x4  }
0xa5: {  	[tilespmem:$0xA820] =	vst v0  }
0xa6: {  	v0 =	vld [tilespmem:s24+$0x14B0];
	_ =	sdelay $0x4  }
0xa7: {  	[tilespmem:$0xA830] =	vst v0  }
0xa8: {  	v0 =	vld [tilespmem:s24+$0x14C0];
	_ =	sdelay $0x4  }
0xa9: {  	[tilespmem:$0xA840] =	vst v0  }
0xaa: {  	v0 =	vld [tilespmem:s24+$0x14D0];
	_ =	sdelay $0x4  }
0xab: {  	[tilespmem:$0xA850] =	vst v0  }
0xac: {  	v0 =	vld [tilespmem:s24+$0x14E0];
	_ =	sdelay $0x4  }
0xad: {  	[tilespmem:$0xA860] =	vst v0  }
0xae: {  	v0 =	vld [tilespmem:s24+$0x14F0];
	_ =	sdelay $0x4  }
0xaf: {  	[tilespmem:$0xA870] =	vst v0  }
0xb0: {  	[spmem:s2] =	stream.indirect.scatter.add.f32 [tilespmem:s17], [sflag:$0x3], $0x80, s19, s15, $0xb8;
	[tilespmem:$0x1E480] =	vst v63  }
0xb1: {  	_ =	swait.ge [sflag:s13], $0x4000  }
0xb2: {  	[sflag:s13] =	ssyncset.done $0x0  }
0xb3: {  	[sflag:s13] =	ssyncadd.s32 $0xFFFFC000  }
0xb4: {  	[tilespmem:s17], [sflag:$0x2] =	stream.indirect.gather [hbm4b:s4+s15], $0x80, s21, s15, $0xb8;
	[tilespmem:$0x1E480] =	vst v63  }
0xb5: {  	_ =	swait.ge [sflag:s18], $0x4000  }
0xb6: {  	[sflag:s18] =	ssyncset.done $0x0  }
0xb7: {  	[sflag:s18] =	ssyncadd.s32 $0xFFFFC000  }
0xb8: {  	v50 =	vld [tilespmem:$0x2700]  }
0xb9: {  	v1 =	vld [tilespmem:$0x2710]  }
0xba: {  	v2 =	vld [tilespmem:$0x2720]  }
0xbb: {  	v3 =	vld [tilespmem:$0x2730]  }
0xbc: {  	v4 =	vld [tilespmem:$0x2740]  }
0xbd: {  	v51 =	vld [tilespmem:$0x2750];
	[tilespmem:$0xA800] =	vst v50  }
0xbe: {  	v52 =	vld [tilespmem:$0x2760];
	[tilespmem:$0xA810] =	vst v1  }
0xbf: {  	v53 =	vld [tilespmem:$0x2770];
	[tilespmem:$0xA820] =	vst v2  }
0xc0: {  	[tilespmem:$0xA830] =	vst v3  }
0xc1: {  	[tilespmem:$0xA840] =	vst v4  }
0xc2: {  	[tilespmem:$0xA850] =	vst v51  }
0xc3: {  	[tilespmem:$0xA860] =	vst v52  }
0xc4: {  	[tilespmem:$0xA870] =	vst v53  }
0xc5: {  	[spmem:s2] =	stream.indirect.scatter.add.f32 [tilespmem:s16], [sflag:$0x3], $0x80, s19, s15, $0xb8;
	[tilespmem:$0x1E480] =	vst v63  }
0xc6: {  	_ =	swait.ge [sflag:s13], $0x4000  }
0xc7: {  	[sflag:s13] =	ssyncset.done $0x0  }
0xc8: {  	[sflag:s13] =	ssyncadd.s32 $0xFFFFC000  }
0xc9: {  	_ =	swait.ge [sflag:s20], $0x4000  }
0xca: {  	[sflag:s20] =	ssyncset.done $0x0  }
0xcb: {  	[sflag:s20] =	ssyncadd.s32 $0xFFFFC000  }
0xcc: {  	v54 =	vld [tilespmem:$0x2780]  }
0xcd: {  	v55 =	vld [tilespmem:$0x2790]  }
0xce: {  	v56 =	vld [tilespmem:$0x27A0]  }
0xcf: {  	v57 =	vld [tilespmem:$0x27B0]  }
0xd0: {  	v58 =	vld [tilespmem:$0x27C0]  }
0xd1: {  	v59 =	vld [tilespmem:$0x27D0];
	[tilespmem:$0xA800] =	vst v54  }
0xd2: {  	v60 =	vld [tilespmem:$0x27E0];
	[tilespmem:$0xA810] =	vst v55  }
0xd3: {  	v61 =	vld [tilespmem:$0x27F0];
	[tilespmem:$0xA820] =	vst v56  }
0xd4: {  	[tilespmem:$0xA830] =	vst v57  }
0xd5: {  	[tilespmem:$0xA840] =	vst v58  }
0xd6: {  	[tilespmem:$0xA850] =	vst v59  }
0xd7: {  	[tilespmem:$0xA860] =	vst v60  }
0xd8: {  	[tilespmem:$0xA870] =	vst v61  }
0xd9: {  	[spmem:s2] =	stream.indirect.scatter.add.f32 [tilespmem:s17], [sflag:$0x3], $0x80, s19, s15, $0xb8;
	[tilespmem:$0x1E480] =	vst v63  }
0xda: {  	_ =	swait.ge [sflag:s13], $0x4000  }
0xdb: {  	[sflag:s13] =	ssyncset.done $0x0  }
0xdc: {  	s26 =	simm.s32 $0x0;
	[sflag:s13] =	ssyncadd.s32 $0xFFFFC000  }
0xdd: {  	[tilespmem:s26], [sflag:$0x3] =	stream.linear.gather [hbm4b:s9+s26], $0x1400, $0x38;
	[tilespmem:$0x1E480] =	vst v63  }
0xde: {  	_ =	swait.ge [sflag:s13], $0x1400  }
0xdf: {  	[sflag:s13] =	ssyncset.done $0x0  }
0xe0: {  	[sflag:s13] =	ssyncadd.s32 $0xFFFFEC00  }
0xe1: {  	[tilespmem:s14], [sflag:$0x3] =	stream.linear.gather [hbm4b:s10+s26], $0x1400, $0x38;
	[tilespmem:$0x1E480] =	vst v63  }
0xe2: {  	_ =	swait.ge [sflag:s13], $0x1400  }
0xe3: {  	[sflag:s13] =	ssyncset.done $0x0  }
0xe4: {  	[sflag:s13] =	ssyncadd.s32 $0xFFFFEC00  }
0xe5: {  	[tilespmem:s16], [sflag:$0x1] =	stream.indirect.gather [hbm4b:s4+s15], $0x80, s26, s15, $0xb8;
	[tilespmem:$0x1E480] =	vst v63  }
0xe6: {  	s29 =	simm.s32 $0x80  }
0xe7: {  	[tilespmem:s17], [sflag:$0x2] =	stream.indirect.gather [hbm4b:s4+s15], $0x80, s29, s15, $0xb8;
	[tilespmem:$0x1E480] =	vst v63  }
0xe8: {  	_ =	swait.ge [sflag:s18], $0x4000  }
0xe9: {  	[sflag:s18] =	ssyncset.done $0x0  }
0xea: {  	s30 =	simm.s32 $0x0;
	[sflag:s18] =	ssyncadd.s32 $0xFFFFC000  }
0xeb: {  	v62 =	vld [tilespmem:s30+$0x1400];
	_ =	sdelay $0x4  }
0xec: {  	[tilespmem:$0xA800] =	vst v62  }
0xed: {  	v0 =	vld [tilespmem:s30+$0x1410];
	_ =	sdelay $0x4  }
0xee: {  	[tilespmem:$0xA810] =	vst v0  }
0xef: {  	v0 =	vld [tilespmem:s30+$0x1420];
	_ =	sdelay $0x4  }
0xf0: {  	[tilespmem:$0xA820] =	vst v0  }
0xf1: {  	v0 =	vld [tilespmem:s30+$0x1430];
	_ =	sdelay $0x4  }
0xf2: {  	[tilespmem:$0xA830] =	vst v0  }
0xf3: {  	v0 =	vld [tilespmem:s30+$0x1440];
	_ =	sdelay $0x4  }
0xf4: {  	[tilespmem:$0xA840] =	vst v0  }
0xf5: {  	v0 =	vld [tilespmem:s30+$0x1450];
	_ =	sdelay $0x4  }
0xf6: {  	[tilespmem:$0xA850] =	vst v0  }
0xf7: {  	v0 =	vld [tilespmem:s30+$0x1460];
	_ =	sdelay $0x4  }
0xf8: {  	[tilespmem:$0xA860] =	vst v0  }
0xf9: {  	v0 =	vld [tilespmem:s30+$0x1470];
	_ =	sdelay $0x4  }
0xfa: {  	[tilespmem:$0xA870] =	vst v0  }
0xfb: {  	[spmem:s2] =	stream.indirect.scatter.add.f32 [tilespmem:s16], [sflag:$0x3], $0x80, s19, s15, $0xb8;
	[tilespmem:$0x1E480] =	vst v63  }
0xfc: {  	_ =	swait.ge [sflag:s13], $0x4000  }
0xfd: {  	[sflag:s13] =	ssyncset.done $0x0  }
0xfe: {  	s31 =	simm.s32 $0x100;
	[sflag:s13] =	ssyncadd.s32 $0xFFFFC000  }
0xff: {  	[tilespmem:s16], [sflag:$0x1] =	stream.indirect.gather [hbm4b:s4+s15], $0x80, s31, s15, $0xb8;
	[tilespmem:$0x1E480] =	vst v63  }
0x100: {  	_ =	swait.ge [sflag:s20], $0x4000  }
0x101: {  	[sflag:s20] =	ssyncset.done $0x0  }
0x102: {  	[sflag:s20] =	ssyncadd.s32 $0xFFFFC000  }
0x103: {  	v63 =	vld [tilespmem:s30+$0x1480];
	_ =	sdelay $0x4  }
0x104: {  	[tilespmem:$0xA800] =	vst v63  }
0x105: {  	v0 =	vld [tilespmem:s30+$0x1490];
	_ =	sdelay $0x4  }
0x106: {  	[tilespmem:$0xA810] =	vst v0  }
0x107: {  	v0 =	vld [tilespmem:s30+$0x14A0];
	_ =	sdelay $0x4  }
0x108: {  	[tilespmem:$0xA820] =	vst v0  }
0x109: {  	v0 =	vld [tilespmem:s30+$0x14B0];
	_ =	sdelay $0x4  }
0x10a: {  	[tilespmem:$0xA830] =	vst v0  }
0x10b: {  	v0 =	vld [tilespmem:s30+$0x14C0];
	_ =	sdelay $0x4  }
0x10c: {  	[tilespmem:$0xA840] =	vst v0  }
0x10d: {  	v0 =	vld [tilespmem:s30+$0x14D0];
	_ =	sdelay $0x4  }
0x10e: {  	[tilespmem:$0xA850] =	vst v0  }
0x10f: {  	v0 =	vld [tilespmem:s30+$0x14E0];
	_ =	sdelay $0x4  }
0x110: {  	[tilespmem:$0xA860] =	vst v0  }
0x111: {  	v0 =	vld [tilespmem:s30+$0x14F0];
	_ =	sdelay $0x4  }
0x112: {  	[tilespmem:$0xA870] =	vst v0  }
0x113: {  	[spmem:s2] =	stream.indirect.scatter.add.f32 [tilespmem:s17], [sflag:$0x3], $0x80, s19, s15, $0xb8;
	[tilespmem:$0x1E480] =	vst v63  }
0x114: {  	_ =	swait.ge [sflag:s13], $0x4000  }
0x115: {  	s28 =	simm.s32 $0x800;
	s24 =	simm.s32 $0x100;
	[sflag:s13] =	ssyncset.done $0x0  }
.LBB2_4:
0x116: {  	s29 =	sadd.s32 $0x80, s24  }
0x117: {  	[sflag:s13] =	ssyncadd.s32 $0xFFFFC000;
	s26 =	smov.u32 s28;
	s25 =	sadd.s32 $0x400, s28  }
0x118: {  	[tilespmem:s17], [sflag:$0x2] =	stream.indirect.gather [hbm4b:s4+s15], $0x80, s29, s15, $0xb8;
	[tilespmem:$0x1E480] =	vst v63  }
0x119: {  	p0 =	sne.s32 s28, $0x4800;
	_ =	swait.ge [sflag:s18], $0x4000  }
0x11a: {  	[sflag:s18] =	ssyncset.done $0x0  }
0x11b: {  	[sflag:s18] =	ssyncadd.s32 $0xFFFFC000  }
0x11c: {  	v0 =	vld [tilespmem:s24+$0x1400];
	_ =	sdelay $0x4  }
0x11d: {  	[tilespmem:$0xA800] =	vst v0  }
0x11e: {  	v0 =	vld [tilespmem:s24+$0x1410];
	_ =	sdelay $0x4  }
0x11f: {  	[tilespmem:$0xA810] =	vst v0  }
0x120: {  	v0 =	vld [tilespmem:s24+$0x1420];
	_ =	sdelay $0x4  }
0x121: {  	[tilespmem:$0xA820] =	vst v0  }
0x122: {  	v0 =	vld [tilespmem:s24+$0x1430];
	_ =	sdelay $0x4  }
0x123: {  	[tilespmem:$0xA830] =	vst v0  }
0x124: {  	v0 =	vld [tilespmem:s24+$0x1440];
	_ =	sdelay $0x4  }
0x125: {  	[tilespmem:$0xA840] =	vst v0  }
0x126: {  	v0 =	vld [tilespmem:s24+$0x1450];
	_ =	sdelay $0x4  }
0x127: {  	[tilespmem:$0xA850] =	vst v0  }
0x128: {  	v0 =	vld [tilespmem:s24+$0x1460];
	_ =	sdelay $0x4  }
0x129: {  	[tilespmem:$0xA860] =	vst v0  }
0x12a: {  	v0 =	vld [tilespmem:s24+$0x1470];
	_ =	sdelay $0x4  }
0x12b: {  	[tilespmem:$0xA870] =	vst v0  }
0x12c: {  	[spmem:s2] =	stream.indirect.scatter.add.f32 [tilespmem:s16], [sflag:$0x3], $0x80, s19, s15, $0xb8;
	[tilespmem:$0x1E480] =	vst v63  }
0x12d: {  	_ =	swait.ge [sflag:s13], $0x4000  }
0x12e: {  	[sflag:s13] =	ssyncset.done $0x0  }
0x12f: {  	s28 =	sadd.s32 $0x100, s24;
	[sflag:s13] =	ssyncadd.s32 $0xFFFFC000  }
0x130: {  	[tilespmem:s16], [sflag:$0x1] =	stream.indirect.gather [hbm4b:s4+s15], $0x80, s28, s15, $0xb8;
	[tilespmem:$0x1E480] =	vst v63  }
0x131: {  	_ =	swait.ge [sflag:s20], $0x4000  }
0x132: {  	[sflag:s20] =	ssyncset.done $0x0  }
0x133: {  	[sflag:s20] =	ssyncadd.s32 $0xFFFFC000  }
0x134: {  	v0 =	vld [tilespmem:s24+$0x1480];
	_ =	sdelay $0x4  }
0x135: {  	[tilespmem:$0xA800] =	vst v0  }
0x136: {  	v0 =	vld [tilespmem:s24+$0x1490];
	_ =	sdelay $0x4  }
0x137: {  	[tilespmem:$0xA810] =	vst v0  }
0x138: {  	v0 =	vld [tilespmem:s24+$0x14A0];
	_ =	sdelay $0x4  }
0x139: {  	[tilespmem:$0xA820] =	vst v0  }
0x13a: {  	v0 =	vld [tilespmem:s24+$0x14B0];
	_ =	sdelay $0x4  }
0x13b: {  	[tilespmem:$0xA830] =	vst v0  }
0x13c: {  	v0 =	vld [tilespmem:s24+$0x14C0];
	_ =	sdelay $0x4  }
0x13d: {  	[tilespmem:$0xA840] =	vst v0  }
0x13e: {  	v0 =	vld [tilespmem:s24+$0x14D0];
	_ =	sdelay $0x4  }
0x13f: {  	[tilespmem:$0xA850] =	vst v0  }
0x140: {  	v0 =	vld [tilespmem:s24+$0x14E0];
	_ =	sdelay $0x4  }
0x141: {  	[tilespmem:$0xA860] =	vst v0  }
0x142: {  	v0 =	vld [tilespmem:s24+$0x14F0];
	_ =	sdelay $0x3  }
.Ltmp1:
0x143: {  	(pc) =	sbr.rel @p0 .LBB2_4-.Ltmp1, $4  }
0x144: {  	[tilespmem:$0xA870] =	vst v0  }
0x145: {  	[spmem:s2] =	stream.indirect.scatter.add.f32 [tilespmem:s17], [sflag:$0x3], $0x80, s19, s15, $0xb8;
	[tilespmem:$0x1E480] =	vst v63  }
0x146: {  	_ =	swait.ge [sflag:s13], $0x4000  }
0x147: {  	s28 =	smov.u32 s25;
	s24 =	sshra.s32 s26, $0x2;
	[sflag:s13] =	ssyncset.done $0x0  }
0x148: {  	s25 =	sadd.s32 $0x80, s24;
	[sflag:s13] =	ssyncadd.s32 $0xFFFFC000  }
0x149: {  	[tilespmem:s17], [sflag:$0x2] =	stream.indirect.gather [hbm4b:s4+s15], $0x80, s25, s15, $0xb8;
	[tilespmem:$0x1E480] =	vst v63  }
0x14a: {  	_ =	swait.ge [sflag:s18], $0x4000  }
0x14b: {  	[sflag:s18] =	ssyncset.done $0x0  }
0x14c: {  	[sflag:s18] =	ssyncadd.s32 $0xFFFFC000  }
0x14d: {  	v0 =	vld [tilespmem:s24+$0x1400];
	_ =	sdelay $0x4  }
0x14e: {  	[tilespmem:$0xA800] =	vst v0  }
0x14f: {  	v0 =	vld [tilespmem:s24+$0x1410];
	_ =	sdelay $0x4  }
0x150: {  	[tilespmem:$0xA810] =	vst v0  }
0x151: {  	v0 =	vld [tilespmem:s24+$0x1420];
	_ =	sdelay $0x4  }
0x152: {  	[tilespmem:$0xA820] =	vst v0  }
0x153: {  	v0 =	vld [tilespmem:s24+$0x1430];
	_ =	sdelay $0x4  }
0x154: {  	[tilespmem:$0xA830] =	vst v0  }
0x155: {  	v0 =	vld [tilespmem:s24+$0x1440];
	_ =	sdelay $0x4  }
0x156: {  	[tilespmem:$0xA840] =	vst v0  }
0x157: {  	v0 =	vld [tilespmem:s24+$0x1450];
	_ =	sdelay $0x4  }
0x158: {  	[tilespmem:$0xA850] =	vst v0  }
0x159: {  	v0 =	vld [tilespmem:s24+$0x1460];
	_ =	sdelay $0x4  }
0x15a: {  	[tilespmem:$0xA860] =	vst v0  }
0x15b: {  	v0 =	vld [tilespmem:s24+$0x1470];
	_ =	sdelay $0x4  }
0x15c: {  	[tilespmem:$0xA870] =	vst v0  }
0x15d: {  	[spmem:s2] =	stream.indirect.scatter.add.f32 [tilespmem:s16], [sflag:$0x3], $0x80, s19, s15, $0xb8;
	[tilespmem:$0x1E480] =	vst v63  }
0x15e: {  	_ =	swait.ge [sflag:s13], $0x4000  }
0x15f: {  	[sflag:s13] =	ssyncset.done $0x0  }
0x160: {  	s31 =	sadd.s32 $0x100, s24;
	[sflag:s13] =	ssyncadd.s32 $0xFFFFC000  }
0x161: {  	[tilespmem:s16], [sflag:$0x1] =	stream.indirect.gather [hbm4b:s4+s15], $0x80, s31, s15, $0xb8;
	[tilespmem:$0x1E480] =	vst v63  }
0x162: {  	_ =	swait.ge [sflag:s20], $0x4000  }
0x163: {  	[sflag:s20] =	ssyncset.done $0x0  }
0x164: {  	[sflag:s20] =	ssyncadd.s32 $0xFFFFC000  }
0x165: {  	v51 =	vld [tilespmem:s24+$0x1480];
	_ =	sdelay $0x4  }
0x166: {  	[tilespmem:$0xA800] =	vst v51  }
0x167: {  	v0 =	vld [tilespmem:s24+$0x1490];
	_ =	sdelay $0x4  }
0x168: {  	[tilespmem:$0xA810] =	vst v0  }
0x169: {  	v0 =	vld [tilespmem:s24+$0x14A0];
	_ =	sdelay $0x4  }
0x16a: {  	[tilespmem:$0xA820] =	vst v0  }
0x16b: {  	v0 =	vld [tilespmem:s24+$0x14B0];
	_ =	sdelay $0x4  }
0x16c: {  	[tilespmem:$0xA830] =	vst v0  }
0x16d: {  	v0 =	vld [tilespmem:s24+$0x14C0];
	_ =	sdelay $0x4  }
0x16e: {  	[tilespmem:$0xA840] =	vst v0  }
0x16f: {  	v0 =	vld [tilespmem:s24+$0x14D0];
	_ =	sdelay $0x4  }
0x170: {  	[tilespmem:$0xA850] =	vst v0  }
0x171: {  	v0 =	vld [tilespmem:s24+$0x14E0];
	_ =	sdelay $0x4  }
0x172: {  	[tilespmem:$0xA860] =	vst v0  }
0x173: {  	v0 =	vld [tilespmem:s24+$0x14F0];
	_ =	sdelay $0x4  }
0x174: {  	[tilespmem:$0xA870] =	vst v0  }
0x175: {  	[spmem:s2] =	stream.indirect.scatter.add.f32 [tilespmem:s17], [sflag:$0x3], $0x80, s19, s15, $0xb8;
	[tilespmem:$0x1E480] =	vst v63  }
0x176: {  	_ =	swait.ge [sflag:s13], $0x4000  }
0x177: {  	[sflag:s13] =	ssyncset.done $0x0  }
0x178: {  	[sflag:s13] =	ssyncadd.s32 $0xFFFFC000  }
0x179: {  	[tilespmem:s17], [sflag:$0x2] =	stream.indirect.gather [hbm4b:s4+s15], $0x80, s21, s15, $0xb8;
	[tilespmem:$0x1E480] =	vst v63  }
0x17a: {  	_ =	swait.ge [sflag:s18], $0x4000  }
0x17b: {  	[sflag:s18] =	ssyncset.done $0x0  }
0x17c: {  	[sflag:s18] =	ssyncadd.s32 $0xFFFFC000  }
0x17d: {  	v52 =	vld [tilespmem:$0x2700]  }
0x17e: {  	v1 =	vld [tilespmem:$0x2710]  }
0x17f: {  	v2 =	vld [tilespmem:$0x2720]  }
0x180: {  	v3 =	vld [tilespmem:$0x2730]  }
0x181: {  	v4 =	vld [tilespmem:$0x2740]  }
0x182: {  	v53 =	vld [tilespmem:$0x2750];
	[tilespmem:$0xA800] =	vst v52  }
0x183: {  	v54 =	vld [tilespmem:$0x2760];
	[tilespmem:$0xA810] =	vst v1  }
0x184: {  	v55 =	vld [tilespmem:$0x2770];
	[tilespmem:$0xA820] =	vst v2  }
0x185: {  	[tilespmem:$0xA830] =	vst v3  }
0x186: {  	[tilespmem:$0xA840] =	vst v4  }
0x187: {  	[tilespmem:$0xA850] =	vst v53  }
0x188: {  	[tilespmem:$0xA860] =	vst v54  }
0x189: {  	[tilespmem:$0xA870] =	vst v55  }
0x18a: {  	[spmem:s2] =	stream.indirect.scatter.add.f32 [tilespmem:s16], [sflag:$0x3], $0x80, s19, s15, $0xb8;
	[tilespmem:$0x1E480] =	vst v63  }
0x18b: {  	_ =	swait.ge [sflag:s13], $0x4000  }
0x18c: {  	[sflag:s13] =	ssyncset.done $0x0  }
0x18d: {  	[sflag:s13] =	ssyncadd.s32 $0xFFFFC000  }
0x18e: {  	_ =	swait.ge [sflag:s20], $0x4000  }
0x18f: {  	[sflag:s20] =	ssyncset.done $0x0  }
0x190: {  	[sflag:s20] =	ssyncadd.s32 $0xFFFFC000  }
0x191: {  	v56 =	vld [tilespmem:$0x2780]  }
0x192: {  	v57 =	vld [tilespmem:$0x2790]  }
0x193: {  	v58 =	vld [tilespmem:$0x27A0]  }
0x194: {  	v59 =	vld [tilespmem:$0x27B0]  }
0x195: {  	v60 =	vld [tilespmem:$0x27C0]  }
0x196: {  	v61 =	vld [tilespmem:$0x27D0];
	[tilespmem:$0xA800] =	vst v56  }
0x197: {  	v62 =	vld [tilespmem:$0x27E0];
	[tilespmem:$0xA810] =	vst v57  }
0x198: {  	v63 =	vld [tilespmem:$0x27F0];
	[tilespmem:$0xA820] =	vst v58  }
0x199: {  	[tilespmem:$0xA830] =	vst v59  }
0x19a: {  	[tilespmem:$0xA840] =	vst v60  }
0x19b: {  	[tilespmem:$0xA850] =	vst v61  }
0x19c: {  	[tilespmem:$0xA860] =	vst v62  }
0x19d: {  	[tilespmem:$0xA870] =	vst v63  }
0x19e: {  	[spmem:s2] =	stream.indirect.scatter.add.f32 [tilespmem:s17], [sflag:$0x3], $0x80, s19, s15, $0xb8;
	[tilespmem:$0x1E480] =	vst v63  }
0x19f: {  	_ =	swait.ge [sflag:s13], $0x4000  }
0x1a0: {  	s23 =	sadd.s32 $0x1, s23;
	[sflag:s13] =	ssyncset.done $0x0  }
0x1a1: {  	p0 =	sne.s32 s23, s11;
	[sflag:s13] =	ssyncadd.s32 $0xFFFFC000  }
.Ltmp2:
0x1a2: {  	[bflag:$0x0] =	sbarrier.arrive $0xFFFF;
	(pc) =	sbr.rel @p0 .LBB2_1-.Ltmp2, $4  }
0x1a3: {  	[hbm:s22], [sflag:s6] =	dma.local [spmem:s12], $0x2780  }
0x1a4: {  	_ =	swait.ge [sflag:s13], $0x2780  }
0x1a5: {  	[sflag:s13] =	ssyncset.done $0x0  }
0x1a6: {  	[sflag:s13] =	ssyncadd.s32 $0xFFFFD880  }
0x1a7: {  	_ =	sfence.sel $0x180000  }
0x1a8: {  	[bflag:$0x0] =	sbarrier.arrive $0xFFFF  }
0x1a9: {  	p0 =	sne.s32 s1, $0x0;
	_ =	strace $0x9000004A  }
0x1aa: {  	s0 =	sadd.s32 @!p0 $0x100000, s0;
	[bflag:$0x2] =	sbarrier.arrive $0xFFFF  }
0x1ab: {  	[sflag:s0] =	ssyncadd.tile.s32 @!p0 $0x1;
	_ =	shalt  }
.Lfunc_end2:
_tile_overlayer_lowered:
.L_overlay_start_2:
0x1ac: {  	(tag) =	ssettag $0x2  }
0x1ad: {  	s0 =	rddreg [dreg:$0x0];
	s2 =	stileid.u32  }
0x1ae: {  	s1 =	rddreg [dreg:$0x1];
	p0 =	sne.s32 s2, $0x0  }
0x1af: {  	s3 =	rddreg [dreg:$0x2];
	[bflag:$0x3] =	sbarrier.arrive $0xFFFF;
	s2 =	simm.s32 @!p0 $0x1C03  }
0x1b0: {  	[timem:s3], [sflag:s2] =	dma.local @!p0 [hbm:s0], s1  }
0x1b1: {  	s0 =	simm.s32 @!p0 $0x3  }
0x1b2: {  	_ =	swait.ge @!p0 [sflag:s0], s1  }
0x1b3: {  	s1 =	ssub.s32 @!p0 $0x0, s1;
	[sflag:s0] =	ssyncset.done @!p0 $0x0  }
0x1b4: {  	[sflag:s0] =	ssyncadd.s32 @!p0 s1  }
0x1b5: {  	[bflag:$0x3] =	sbarrier.arrive $0xFFFF  }
0x1b6: {  	_ =	shalt  }

// kernel: kernel.14.cloned.1.call-start
scs
__scs_entry_jumppad:
0x0: {  	(pc) =	sbr.rel $0x88, $3  }
0x1: {  	(tag) =	ssettag $0x0;
	lr =	simm.s32 $0x1  }
0x2: {  	[smem:$0x3F95] =	sst lr;
	_ =	strace $0xD0000000  }
0x3: {  	_ = 	snop  }
0x4: {  	_ = 	snop  }
0x5: {  	_ = 	snop  }
0x6: {  	_ = 	snop  }
0x7: {  	_ = 	snop  }
__scs_overlays_trampoline_lowered:
0x8: {  	[smem:$0x3FA4] =	sst s0  }
0x9: {  	[smem:$0x3FA5] =	sst s1  }
0xa: {  	[smem:$0x3FA6] =	sst s2  }
0xb: {  	[smem:$0x3FA7] =	sst s3  }
0xc: {  	[smem:$0x3FA8] =	sst s4  }
0xd: {  	[smem:$0x3FA9] =	sst s5  }
0xe: {  	[smem:$0x3FAA] =	sst s6  }
0xf: {  	[smem:$0x3FAB] =	sst s7  }
0x10: {  	[smem:$0x3FAC] =	sst s8  }
0x11: {  	[smem:$0x3FAD] =	sst s9;
	s0 =	simm.s32 @!p0 $0x0  }
0x12: {  	s1 =	sld [smem:$0x3F93];
	s0 =	simm.s32 @p0 $0x1  }
0x13: {  	[smem:$0x3FAE] =	sst s0;
	s0 =	simm.s32 @!p1 $0x0  }
0x14: {  	s2 =	sld [smem:$0x3F92];
	s0 =	simm.s32 @p1 $0x1  }
0x15: {  	[smem:$0x3FAF] =	sst s0;
	s0 =	simm.s32 @!p2 $0x0  }
0x16: {  	s3 =	sld [smem:$0x3FDB];
	s0 =	simm.s32 @p2 $0x1  }
0x17: {  	s4 =	simm.s32 $0x1BF5;
	[smem:$0x3FB1] =	sst s0  }
0x18: {  	s0 =	sld [smem:$0x3F94];
	_ =	swait.ge [sflag:s4], $0x0  }
0x19: {  	s7 =	sld [smem:$0x3F95]  }
0x1a: {  	s8 =	sadd.s32 $0xFFFFE003, lr  }
0x1b: {  	s9 =	sadd.s32 $0xFFFFFEF7, lr;
	s5 =	simm.s32 $0xFFFFFFFF;
	p2 =	slt.u32 s8, $0xFFFFF086  }
0x1c: {  	p1 =	slt.u32 s9, $0xF7A;
	s5 =	simm.s32 @!p2 $0x0  }
0x1d: {  	s5 =	simm.s32 @p1 $0x1;
	p0 =	seq.s32 s7, s2  }
0x1e: {  	s7 =	smul.u32 @!p0 $0xF7A, s2;
	p2 =	seq.s32 @!p0 s5, $0x0  }
0x1f: {  	s9 =	smul.u32 $0xF7A, s1;
	s8 =	simm.s32 @!p0 $0x1BF5;
	p2 =	por !p2, p0  }
0x20: {  	[sflag:s8] =	ssyncset.s32 @!p0 $0xFFFFF086;
	s6 =	sadd.s32 @!p0 s3, s7;
	s7 =	simm.s32 @!p0 $0x108  }
0x21: {  	s3 =	sadd.s32 s3, s9;
	s6 =	sadd.s32 @!p0 $0x88, s6;
	s7 =	simm.s32 @p2 $0x1082  }
0x22: {  	[simem:s7], [sflag:s8] =	dma.local @!p0 [hbm:s6], $0xF7A  }
0x23: {  	s9 =	sor.u32 $0xD0000000, s2;
	s6 =	simm.s32 $0x108;
	_ =	swait.ge @!p0 [sflag:s8], $0x0  }
0x24: {  	s3 =	sadd.s32 $0x88, s3;
	s6 =	simm.s32 @!p1 $0x1082;
	[sflag:s4] =	ssyncset.s32 $0xFFFFF086  }
0x25: {  	[simem:s6], [sflag:s4] =	dma.local [hbm:s3], $0xF7A  }
0x26: {  	[smem:$0x3F95] =	sst s1;
	(tag) =	ssettag s2;
	_ =	strace s9  }
0x27: {  	s1 =	sld [smem:$0x3FA5]  }
0x28: {  	s2 =	sld [smem:$0x3FA6]  }
0x29: {  	s4 =	sld [smem:$0x3FA8]  }
0x2a: {  	p0 =	seq.s32 s5, $0x0;
	s5 =	sld [smem:$0x3FA9]  }
0x2b: {  	s6 =	sld [smem:$0x3FAA]  }
0x2c: {  	s7 =	sld [smem:$0x3FAB]  }
0x2d: {  	s3 =	simm.s32 $0x108;
	s8 =	sld [smem:$0x3FAC]  }
0x2e: {  	s3 =	simm.s32 @!p0 $0x1082;
	s9 =	sld [smem:$0x3FAD]  }
0x2f: {  	lr =	sadd.s32 s0, s3;
	s0 =	sld [smem:$0x3FA4]  }
0x30: {  	s3 =	sld [smem:$0x3FA7]  }
0x31: {  	[smem:$0x3FB0] =	sst s10  }
0x32: {  	s10 =	sld [smem:$0x3FAE];
	_ =	sdelay $0x3  }
0x33: {  	p0 =	seq.s32 s10, $0x1;
	s10 =	sld [smem:$0x3FB0];
	_ =	sdelay $0x3  }
0x34: {  	[smem:$0x3FB0] =	sst s10  }
0x35: {  	s10 =	sld [smem:$0x3FAF];
	_ =	sdelay $0x3  }
0x36: {  	p1 =	seq.s32 s10, $0x1;
	s10 =	sld [smem:$0x3FB0];
	_ =	sdelay $0x3  }
0x37: {  	[smem:$0x3FB0] =	sst s10  }
0x38: {  	s10 =	sld [smem:$0x3FB1]  }
0x39: {  	_ = 	snop;
	(pc) =	sbr.ind lr, $3  }
0x3a: {  	_ = 	snop  }
0x3b: {  	_ = 	snop  }
0x3c: {  	p2 =	seq.s32 s10, $0x1;
	s10 =	sld [smem:$0x3FB0]  }
0x3d: {  	_ =	shalt  }
0x3e: {  	_ =	shalt  }
0x3f: {  	_ =	shalt  }
0x40: {  	_ =	shalt  }
0x41: {  	_ =	shalt  }
0x42: {  	_ =	shalt  }
0x43: {  	_ =	shalt  }
0x44: {  	_ =	shalt  }
0x45: {  	_ =	shalt  }
0x46: {  	_ =	shalt  }
0x47: {  	_ =	shalt  }
0x48: {  	_ =	shalt  }
0x49: {  	_ =	shalt  }
0x4a: {  	_ =	shalt  }
0x4b: {  	_ =	shalt  }
0x4c: {  	_ =	shalt  }
0x4d: {  	_ =	shalt  }
0x4e: {  	_ =	shalt  }
0x4f: {  	_ =	shalt  }
0x50: {  	_ =	shalt  }
0x51: {  	_ =	shalt  }
0x52: {  	_ =	shalt  }
0x53: {  	_ =	shalt  }
0x54: {  	_ =	shalt  }
0x55: {  	_ =	shalt  }
0x56: {  	_ =	shalt  }
0x57: {  	_ =	shalt  }
0x58: {  	_ =	shalt  }
0x59: {  	_ =	shalt  }
0x5a: {  	_ =	shalt  }
0x5b: {  	_ =	shalt  }
0x5c: {  	_ =	shalt  }
0x5d: {  	_ =	shalt  }
0x5e: {  	_ =	shalt  }
0x5f: {  	_ =	shalt  }
0x60: {  	_ =	shalt  }
0x61: {  	_ =	shalt  }
0x62: {  	_ =	shalt  }
0x63: {  	_ =	shalt  }
0x64: {  	_ =	shalt  }
0x65: {  	_ =	shalt  }
0x66: {  	_ =	shalt  }
0x67: {  	_ =	shalt  }
0x68: {  	_ =	shalt  }
0x69: {  	_ =	shalt  }
0x6a: {  	_ =	shalt  }
0x6b: {  	_ =	shalt  }
0x6c: {  	_ =	shalt  }
0x6d: {  	_ =	shalt  }
0x6e: {  	_ =	shalt  }
0x6f: {  	_ =	shalt  }
0x70: {  	_ =	shalt  }
0x71: {  	_ =	shalt  }
0x72: {  	_ =	shalt  }
0x73: {  	_ =	shalt  }
0x74: {  	_ =	shalt  }
0x75: {  	_ =	shalt  }
0x76: {  	_ =	shalt  }
0x77: {  	_ =	shalt  }
0x78: {  	_ =	shalt  }
0x79: {  	_ =	shalt  }
0x7a: {  	_ =	shalt  }
0x7b: {  	_ =	shalt  }
0x7c: {  	_ =	shalt  }
0x7d: {  	_ =	shalt  }
0x7e: {  	_ =	shalt  }
0x7f: {  	_ =	shalt  }
0x80: {  	_ =	shalt  }
0x81: {  	_ =	shalt  }
0x82: {  	_ =	shalt  }
0x83: {  	_ =	shalt  }
0x84: {  	_ =	shalt  }
0x85: {  	_ =	shalt  }
0x86: {  	_ =	shalt  }
0x87: {  	_ =	shalt  }
.Lfunc_end0:
.L_simem_size_0:
called_computation.2_lowered:
.L_overlay_start_0:
0x88: {  	s2 =	sld [smem:$0x3FD9]  }
0x89: {  	s3 =	sld [smem:$0x3FFE];
	_ =	sdelay $0x1  }
0x8a: {  	s1 =	srdreg.scid  }
0x8b: {  	s0 =	sand.u32 $0x1, s1  }
0x8c: {  	s16 =	sshll.u32 s0, $0xA;
	s2 =	sadd.s32 s3, s2  }
0x8d: {  	s2 =	sadd.s32 s2, s16  }
0x8e: {  	[smem:$0x3FBC] =	sst s2  }
0x8f: {  	_ = 	snop  }
0x90: {  	(tm) =	ssettm $0x1  }
0x91: {  	s17 =	sld [smem:$0x3FFB];
	_ =	sdelay $0x3  }
0x92: {  	_ =	strace s17  }
0x93: {  	s2 =	sld [smem:$0x3FFC];
	_ =	sdelay $0x3  }
0x94: {  	_ =	strace s2  }
0x95: {  	s2 =	sld [smem:$0x3FFD];
	_ =	sdelay $0x3  }
0x96: {  	_ =	strace s2  }
0x97: {  	_ =	strace $0x8FFFFFFF  }
0x98: {  	s18 =	sld [smem:$0x3FDB];
	_ =	sdelay $0x1  }
0x99: {  	s19 =	simm.s32 $_scs_section_size  }
0x9a: {  	s4 =	simm.s32 $_size__tile_overlayer_lowered;
	s5 =	simm.s32 $_tile_overlayer_lowered  }
0x9b: {  	s22 =	simm.s32 $0x1BFF;
	s21 =	sshll.u32 s5, $0x1;
	s2 =	sadd.s32 s19, s18  }
0x9c: {  	s6 =	simm.s32 $0x0;
	s20 =	sshll.u32 s4, $0x1;
	s4 =	sadd.s32 s21, s2  }
0x9d: {  	[timem:s6], [sflag:s22] =	dma.local [hbm:s4], s20  }
0x9e: {  	_ =	swait.ge [sflag:s22], s20  }
0x9f: {  	s3 =	ssub.s32 $0x0, s20;
	[sflag:s22] =	ssyncset.done $0x0  }
0xa0: {  	[sflag:s22] =	ssyncadd.s32 s3;
	_ =	sdelay $0x1  }
0xa1: {  	s23 =	simm.s32 $0x1B8B  }
0xa2: {  	_ =	swait.ge [sflag:s23], $0x1  }
0xa3: {  	[sflag:s23] =	ssyncset.done $0x0  }
0xa4: {  	s25 =	simm.s32 $0x1B8E;
	s24 =	sld [smem:$0x3FFE];
	[sflag:s23] =	ssyncadd.s32 $0xFFFFFFFF  }
0xa5: {  	s26 =	simm.s32 $execute0_lowered;
	[smem:$0x3FD2] =	sst s25  }
0xa6: {  	s4 =	sshll.u32 s26, $0x1;
	_ =	strace $0x8000004C;
	[dreg:$0x1] =	wrdreg $0xFFFFFFFF  }
0xa7: {  	s28 =	simm.s32 $_size_execute0_lowered;
	s2 =	sadd.s32 s2, s4;
	[dreg:$0x0] =	wrdreg $0x0  }
0xa8: {  	s4 =	sshll.u32 s28, $0x1;
	[dreg:$0x2] =	wrdreg s2  }
0xa9: {  	[dreg:$0x3] =	wrdreg s4  }
0xaa: {  	[dreg:$0x4] =	wrdreg $0xC0  }
0xab: {  	_ =	task [dreg:s6], $0x5FFFF  }
0xac: {  	[dreg:$0x1] =	wrdreg $0xFFFFFFFF  }
0xad: {  	[dreg:$0x0] =	wrdreg $0x60  }
0xae: {  	[dreg:$0x2] =	wrdreg s24  }
0xaf: {  	[dreg:$0x3] =	wrdreg $0xA8800  }
0xb0: {  	[dreg:$0x4] =	wrdreg $0x9  }
0xb1: {  	_ =	task.clear_ibuf [dreg:s6], $0x5FFFF;
	_ =	strace $0x9000004C  }
0xb2: {  	s29 =	simm.s32 $0x9;
	_ =	strace $0x8000004E  }
0xb3: {  	_ =	swait.ge [sflag:s29], $0x1  }
0xb4: {  	[sflag:s29] =	ssyncadd.s32 $0xFFFFFFFF  }
0xb5: {  	_ =	strace $0x9000004E  }
0xb6: {  	_ =	sfence  }
0xb7: {  	s30 =	sld [smem:$0x0];
	_ =	sdelay $0x2  }
0xb8: {  	s31 =	sshll.u32 s1, $0xD;
	s1 =	sshrl.u32 s1, $0x2  }
0xb9: {  	s3 =	sand.u32 $0x4000, s31;
	s1 =	sadd.s32 s1, s30  }
0xba: {  	s0 =	sor.u32 s3, s0;
	s1 =	sshll.u32 s1, $0x11  }
0xbb: {  	s0 =	sor.u32 s1, s0  }
0xbc: {  	s0 =	sadd.s32 $0x8F2B, s0  }
0xbd: {  	[sflag:s0] =	ssyncadd.remote.s32 $0x1  }
0xbe: {  	_ =	sfence.sel $0xFFFF  }
0xbf: {  	[dreg:$0x0] =	wrdreg $0xFFFFFFFF;
	(pc) =	sbr.abs _section_cstart, $3  }
0xc0: {  	[dreg:$0x1] =	wrdreg $0xFFFFFFFF  }
0xc1: {  	_ =	task.clear_ibuf [dreg:s6], $0x2FFFF;
	_ =	strace $0x9FFFFFFF  }
0xc2: {  	(tm) =	ssettm $0x7FFFFFFF  }
0xc3: {  	_ =	shalt  }
tec
execute0_lowered:
.L_overlay_start_1:
0x0: {  	(tag) =	ssettag $0x1  }
0x1: {  	s5 =	rddreg [dreg:$0x0]  }
0x2: {  	s2 =	rddreg [dreg:$0x1]  }
0x3: {  	s0 =	rddreg [dreg:$0x2];
	s3 =	simm.s32 $0x0  }
0x4: {  	s1 =	stileid.u32;
	s7 =	srdreg.scid;
	s16 =	simm.s32 $0x2800  }
0x5: {  	s17 =	simm.s32 $0x6800;
	s18 =	simm.s32 $0x1;
	s19 =	simm.s32 $0xA800  }
0x6: {  	s20 =	simm.s32 $0x2;
	s21 =	simm.s32 $0x1380;
	[smem:$0x7FF] =	sst s3  }
0x7: {  	s22 =	smul.u32 $0x2780, s1;
	s4 =	sadd.s32 $0x8EA00, s5;
	s9 =	sadd.s32 $0xEE00, s5  }
0x8: {  	s10 =	sadd.s32 $0x4E00, s5;
	s7 =	sand.u32 $0x1, s7;
	s8 =	sshll.u32 s1, $0x1  }
0x9: {  	s11 =	smul.u32 $0x4F000, s1;
	s29 =	sshll.u32 s1, $0x6;
	_ =	strace $0x8000004D  }
0xa: {  	s12 =	smul.u32 $0x27800, s7;
	s13 =	ssub.s32 $0x2, s7;
	s7 =	sor.u32 s7, s8  }
0xb: {  	s6 =	sadd.s32 s22, s5;
	s28 =	sshrl.u32 s13, $0x1;
	s14 =	smul.u32 $0x2800, s7  }
0xc: {  	s11 =	sshrl.u32 s11, $0x2;
	s30 =	smul.u32 $0x500, s7;
	s12 =	sadd.s32 s12, s5  }
0xd: {  	s13 =	ssub.s32 s13, s28;
	s15 =	sadd.s32 s11, s2;
	s5 =	sadd.s32 $0x18E00, s6  }
0xe: {  	s6 =	sor.u32 $0x1C03, s29;
	s31 =	sshrl.u32 s14, $0x3;
	s7 =	sadd.s32 s9, s30  }
0xf: {  	s8 =	sadd.s32 s10, s30;
	s23 =	sadd.s32 $0xB5C00, s12;
	s11 =	smax.u32 s13, $0x1  }
0x10: {  	s12 =	sshrl.u32 s15, $0x3;
	s13 =	simm.s32 $0x3;
	s15 =	simm.s32 $0x80  }
0x11: {  	s14 =	sadd.s32 $0x280, s31;
	s22 =	sadd.s32 s22, s23;
	s23 =	simm.s32 $0x0  }
0x12: {  	s9 =	sadd.s32 s9, s14;
	s10 =	sadd.s32 s10, s14;
	s14 =	simm.s32 $0x1400  }
.LBB2_1:
0x13: {  	[spmem:s12], [sflag:s6] =	dma.local [hbm:s5], $0x2780  }
0x14: {  	_ =	swait.ge [sflag:s13], $0x2780  }
0x15: {  	[sflag:s13] =	ssyncset.done $0x0  }
0x16: {  	[sflag:s13] =	ssyncadd.s32 $0xFFFFD880  }
0x17: {  	[bflag:$0x0] =	sbarrier.arrive $0xFFFF  }
0x18: {  	[tilespmem:s3], [sflag:$0x3] =	stream.linear.gather [hbm4b:s7+s3], $0x1400, $0x38;
	[tilespmem:$0x1E480] =	vst v63  }
0x19: {  	_ =	swait.ge [sflag:s13], $0x1400  }
0x1a: {  	[sflag:s13] =	ssyncset.done $0x0  }
0x1b: {  	[sflag:s13] =	ssyncadd.s32 $0xFFFFEC00  }
0x1c: {  	[tilespmem:s14], [sflag:$0x3] =	stream.linear.gather [hbm4b:s8+s3], $0x1400, $0x38;
	[tilespmem:$0x1E480] =	vst v63  }
0x1d: {  	_ =	swait.ge [sflag:s13], $0x1400  }
0x1e: {  	[sflag:s13] =	ssyncset.done $0x0  }
0x1f: {  	[sflag:s13] =	ssyncadd.s32 $0xFFFFEC00  }
0x20: {  	[tilespmem:s16], [sflag:$0x1] =	stream.indirect.gather [hbm4b:s4+s15], $0x80, s3, s15, $0xb8;
	[tilespmem:$0x1E480] =	vst v63  }
0x21: {  	s24 =	simm.s32 $0x80  }
0x22: {  	[tilespmem:s17], [sflag:$0x2] =	stream.indirect.gather [hbm4b:s4+s15], $0x80, s24, s15, $0xb8;
	[tilespmem:$0x1E480] =	vst v63  }
0x23: {  	_ =	swait.ge [sflag:s18], $0x4000  }
0x24: {  	[sflag:s18] =	ssyncset.done $0x0  }
0x25: {  	s31 =	simm.s32 $0x0;
	[sflag:s18] =	ssyncadd.s32 $0xFFFFC000  }
0x26: {  	v0 =	vld [tilespmem:s31+$0x1400];
	_ =	sdelay $0x4  }
0x27: {  	[tilespmem:$0xA800] =	vst v0  }
0x28: {  	v0 =	vld [tilespmem:s31+$0x1410];
	_ =	sdelay $0x4  }
0x29: {  	[tilespmem:$0xA810] =	vst v0  }
0x2a: {  	v0 =	vld [tilespmem:s31+$0x1420];
	_ =	sdelay $0x4  }
0x2b: {  	[tilespmem:$0xA820] =	vst v0  }
0x2c: {  	v0 =	vld [tilespmem:s31+$0x1430];
	_ =	sdelay $0x4  }
0x2d: {  	[tilespmem:$0xA830] =	vst v0  }
0x2e: {  	v0 =	vld [tilespmem:s31+$0x1440];
	_ =	sdelay $0x4  }
0x2f: {  	[tilespmem:$0xA840] =	vst v0  }
0x30: {  	v0 =	vld [tilespmem:s31+$0x1450];
	_ =	sdelay $0x4  }
0x31: {  	[tilespmem:$0xA850] =	vst v0  }
0x32: {  	v0 =	vld [tilespmem:s31+$0x1460];
	_ =	sdelay $0x4  }
0x33: {  	[tilespmem:$0xA860] =	vst v0  }
0x34: {  	v0 =	vld [tilespmem:s31+$0x1470];
	_ =	sdelay $0x4  }
0x35: {  	[tilespmem:$0xA870] =	vst v0  }
0x36: {  	[spmem:s2] =	stream.indirect.scatter.add.f32 [tilespmem:s16], [sflag:$0x3], $0x80, s19, s15, $0xb8;
	[tilespmem:$0x1E480] =	vst v63  }
0x37: {  	_ =	swait.ge [sflag:s13], $0x4000  }
0x38: {  	[sflag:s13] =	ssyncset.done $0x0  }
0x39: {  	s25 =	simm.s32 $0x100;
	[sflag:s13] =	ssyncadd.s32 $0xFFFFC000  }
0x3a: {  	[tilespmem:s16], [sflag:$0x1] =	stream.indirect.gather [hbm4b:s4+s15], $0x80, s25, s15, $0xb8;
	[tilespmem:$0x1E480] =	vst v63  }
0x3b: {  	_ =	swait.ge [sflag:s20], $0x4000  }
0x3c: {  	[sflag:s20] =	ssyncset.done $0x0  }
0x3d: {  	[sflag:s20] =	ssyncadd.s32 $0xFFFFC000  }
0x3e: {  	v63 =	vld [tilespmem:s31+$0x1480];
	_ =	sdelay $0x4  }
0x3f: {  	[tilespmem:$0xA800] =	vst v63  }
0x40: {  	v0 =	vld [tilespmem:s31+$0x1490];
	_ =	sdelay $0x4  }
0x41: {  	[tilespmem:$0xA810] =	vst v0  }
0x42: {  	v0 =	vld [tilespmem:s31+$0x14A0];
	_ =	sdelay $0x4  }
0x43: {  	[tilespmem:$0xA820] =	vst v0  }
0x44: {  	v0 =	vld [tilespmem:s31+$0x14B0];
	_ =	sdelay $0x4  }
0x45: {  	[tilespmem:$0xA830] =	vst v0  }
0x46: {  	v0 =	vld [tilespmem:s31+$0x14C0];
	_ =	sdelay $0x4  }
0x47: {  	[tilespmem:$0xA840] =	vst v0  }
0x48: {  	v0 =	vld [tilespmem:s31+$0x14D0];
	_ =	sdelay $0x4  }
0x49: {  	[tilespmem:$0xA850] =	vst v0  }
0x4a: {  	v0 =	vld [tilespmem:s31+$0x14E0];
	_ =	sdelay $0x4  }
0x4b: {  	[tilespmem:$0xA860] =	vst v0  }
0x4c: {  	v0 =	vld [tilespmem:s31+$0x14F0];
	_ =	sdelay $0x4  }
0x4d: {  	[tilespmem:$0xA870] =	vst v0  }
0x4e: {  	[spmem:s2] =	stream.indirect.scatter.add.f32 [tilespmem:s17], [sflag:$0x3], $0x80, s19, s15, $0xb8;
	[tilespmem:$0x1E480] =	vst v63  }
0x4f: {  	_ =	swait.ge [sflag:s13], $0x4000  }
0x50: {  	s28 =	simm.s32 $0x800;
	s24 =	simm.s32 $0x100;
	[sflag:s13] =	ssyncset.done $0x0  }
.LBB2_2:
0x51: {  	s29 =	sadd.s32 $0x80, s24  }
0x52: {  	[sflag:s13] =	ssyncadd.s32 $0xFFFFC000;
	s26 =	smov.u32 s28;
	s25 =	sadd.s32 $0x400, s28  }
0x53: {  	[tilespmem:s17], [sflag:$0x2] =	stream.indirect.gather [hbm4b:s4+s15], $0x80, s29, s15, $0xb8;
	[tilespmem:$0x1E480] =	vst v63  }
0x54: {  	p0 =	sne.s32 s28, $0x4800;
	_ =	swait.ge [sflag:s18], $0x4000  }
0x55: {  	[sflag:s18] =	ssyncset.done $0x0  }
0x56: {  	[sflag:s18] =	ssyncadd.s32 $0xFFFFC000  }
0x57: {  	v0 =	vld [tilespmem:s24+$0x1400];
	_ =	sdelay $0x4  }
0x58: {  	[tilespmem:$0xA800] =	vst v0  }
0x59: {  	v0 =	vld [tilespmem:s24+$0x1410];
	_ =	sdelay $0x4  }
0x5a: {  	[tilespmem:$0xA810] =	vst v0  }
0x5b: {  	v0 =	vld [tilespmem:s24+$0x1420];
	_ =	sdelay $0x4  }
0x5c: {  	[tilespmem:$0xA820] =	vst v0  }
0x5d: {  	v0 =	vld [tilespmem:s24+$0x1430];
	_ =	sdelay $0x4  }
0x5e: {  	[tilespmem:$0xA830] =	vst v0  }
0x5f: {  	v0 =	vld [tilespmem:s24+$0x1440];
	_ =	sdelay $0x4  }
0x60: {  	[tilespmem:$0xA840] =	vst v0  }
0x61: {  	v0 =	vld [tilespmem:s24+$0x1450];
	_ =	sdelay $0x4  }
0x62: {  	[tilespmem:$0xA850] =	vst v0  }
0x63: {  	v0 =	vld [tilespmem:s24+$0x1460];
	_ =	sdelay $0x4  }
0x64: {  	[tilespmem:$0xA860] =	vst v0  }
0x65: {  	v0 =	vld [tilespmem:s24+$0x1470];
	_ =	sdelay $0x4  }
0x66: {  	[tilespmem:$0xA870] =	vst v0  }
0x67: {  	[spmem:s2] =	stream.indirect.scatter.add.f32 [tilespmem:s16], [sflag:$0x3], $0x80, s19, s15, $0xb8;
	[tilespmem:$0x1E480] =	vst v63  }
0x68: {  	_ =	swait.ge [sflag:s13], $0x4000  }
0x69: {  	[sflag:s13] =	ssyncset.done $0x0  }
0x6a: {  	s28 =	sadd.s32 $0x100, s24;
	[sflag:s13] =	ssyncadd.s32 $0xFFFFC000  }
0x6b: {  	[tilespmem:s16], [sflag:$0x1] =	stream.indirect.gather [hbm4b:s4+s15], $0x80, s28, s15, $0xb8;
	[tilespmem:$0x1E480] =	vst v63  }
0x6c: {  	_ =	swait.ge [sflag:s20], $0x4000  }
0x6d: {  	[sflag:s20] =	ssyncset.done $0x0  }
0x6e: {  	[sflag:s20] =	ssyncadd.s32 $0xFFFFC000  }
0x6f: {  	v0 =	vld [tilespmem:s24+$0x1480];
	_ =	sdelay $0x4  }
0x70: {  	[tilespmem:$0xA800] =	vst v0  }
0x71: {  	v0 =	vld [tilespmem:s24+$0x1490];
	_ =	sdelay $0x4  }
0x72: {  	[tilespmem:$0xA810] =	vst v0  }
0x73: {  	v0 =	vld [tilespmem:s24+$0x14A0];
	_ =	sdelay $0x4  }
0x74: {  	[tilespmem:$0xA820] =	vst v0  }
0x75: {  	v0 =	vld [tilespmem:s24+$0x14B0];
	_ =	sdelay $0x4  }
0x76: {  	[tilespmem:$0xA830] =	vst v0  }
0x77: {  	v0 =	vld [tilespmem:s24+$0x14C0];
	_ =	sdelay $0x4  }
0x78: {  	[tilespmem:$0xA840] =	vst v0  }
0x79: {  	v0 =	vld [tilespmem:s24+$0x14D0];
	_ =	sdelay $0x4  }
0x7a: {  	[tilespmem:$0xA850] =	vst v0  }
0x7b: {  	v0 =	vld [tilespmem:s24+$0x14E0];
	_ =	sdelay $0x4  }
0x7c: {  	[tilespmem:$0xA860] =	vst v0  }
0x7d: {  	v0 =	vld [tilespmem:s24+$0x14F0];
	_ =	sdelay $0x3  }
.Ltmp0:
0x7e: {  	(pc) =	sbr.rel @p0 .LBB2_2-.Ltmp0, $4  }
0x7f: {  	[tilespmem:$0xA870] =	vst v0  }
0x80: {  	[spmem:s2] =	stream.indirect.scatter.add.f32 [tilespmem:s17], [sflag:$0x3], $0x80, s19, s15, $0xb8;
	[tilespmem:$0x1E480] =	vst v63  }
0x81: {  	_ =	swait.ge [sflag:s13], $0x4000  }
0x82: {  	s28 =	smov.u32 s25;
	s24 =	sshra.s32 s26, $0x2;
	[sflag:s13] =	ssyncset.done $0x0  }
0x83: {  	s25 =	sadd.s32 $0x80, s24;
	[sflag:s13] =	ssyncadd.s32 $0xFFFFC000  }
0x84: {  	[tilespmem:s17], [sflag:$0x2] =	stream.indirect.gather [hbm4b:s4+s15], $0x80, s25, s15, $0xb8;
	[tilespmem:$0x1E480] =	vst v63  }
0x85: {  	_ =	swait.ge [sflag:s18], $0x4000  }
0x86: {  	[sflag:s18] =	ssyncset.done $0x0  }
0x87: {  	[sflag:s18] =	ssyncadd.s32 $0xFFFFC000  }
0x88: {  	v0 =	vld [tilespmem:s24+$0x1400];
	_ =	sdelay $0x4  }
0x89: {  	[tilespmem:$0xA800] =	vst v0  }
0x8a: {  	v0 =	vld [tilespmem:s24+$0x1410];
	_ =	sdelay $0x4  }
0x8b: {  	[tilespmem:$0xA810] =	vst v0  }
0x8c: {  	v0 =	vld [tilespmem:s24+$0x1420];
	_ =	sdelay $0x4  }
0x8d: {  	[tilespmem:$0xA820] =	vst v0  }
0x8e: {  	v0 =	vld [tilespmem:s24+$0x1430];
	_ =	sdelay $0x4  }
0x8f: {  	[tilespmem:$0xA830] =	vst v0  }
0x90: {  	v0 =	vld [tilespmem:s24+$0x1440];
	_ =	sdelay $0x4  }
0x91: {  	[tilespmem:$0xA840] =	vst v0  }
0x92: {  	v0 =	vld [tilespmem:s24+$0x1450];
	_ =	sdelay $0x4  }
0x93: {  	[tilespmem:$0xA850] =	vst v0  }
0x94: {  	v0 =	vld [tilespmem:s24+$0x1460];
	_ =	sdelay $0x4  }
0x95: {  	[tilespmem:$0xA860] =	vst v0  }
0x96: {  	v0 =	vld [tilespmem:s24+$0x1470];
	_ =	sdelay $0x4  }
0x97: {  	[tilespmem:$0xA870] =	vst v0  }
0x98: {  	[spmem:s2] =	stream.indirect.scatter.add.f32 [tilespmem:s16], [sflag:$0x3], $0x80, s19, s15, $0xb8;
	[tilespmem:$0x1E480] =	vst v63  }
0x99: {  	_ =	swait.ge [sflag:s13], $0x4000  }
0x9a: {  	[sflag:s13] =	ssyncset.done $0x0  }
0x9b: {  	s31 =	sadd.s32 $0x100, s24;
	[sflag:s13] =	ssyncadd.s32 $0xFFFFC000  }
0x9c: {  	[tilespmem:s16], [sflag:$0x1] =	stream.indirect.gather [hbm4b:s4+s15], $0x80, s31, s15, $0xb8;
	[tilespmem:$0x1E480] =	vst v63  }
0x9d: {  	_ =	swait.ge [sflag:s20], $0x4000  }
0x9e: {  	[sflag:s20] =	ssyncset.done $0x0  }
0x9f: {  	[sflag:s20] =	ssyncadd.s32 $0xFFFFC000  }
0xa0: {  	v49 =	vld [tilespmem:s24+$0x1480];
	_ =	sdelay $0x4  }
0xa1: {  	[tilespmem:$0xA800] =	vst v49  }
0xa2: {  	v0 =	vld [tilespmem:s24+$0x1490];
	_ =	sdelay $0x4  }
0xa3: {  	[tilespmem:$0xA810] =	vst v0  }
0xa4: {  	v0 =	vld [tilespmem:s24+$0x14A0];
	_ =	sdelay $0x4  }
0xa5: {  	[tilespmem:$0xA820] =	vst v0  }
0xa6: {  	v0 =	vld [tilespmem:s24+$0x14B0];
	_ =	sdelay $0x4  }
0xa7: {  	[tilespmem:$0xA830] =	vst v0  }
0xa8: {  	v0 =	vld [tilespmem:s24+$0x14C0];
	_ =	sdelay $0x4  }
0xa9: {  	[tilespmem:$0xA840] =	vst v0  }
0xaa: {  	v0 =	vld [tilespmem:s24+$0x14D0];
	_ =	sdelay $0x4  }
0xab: {  	[tilespmem:$0xA850] =	vst v0  }
0xac: {  	v0 =	vld [tilespmem:s24+$0x14E0];
	_ =	sdelay $0x4  }
0xad: {  	[tilespmem:$0xA860] =	vst v0  }
0xae: {  	v0 =	vld [tilespmem:s24+$0x14F0];
	_ =	sdelay $0x4  }
0xaf: {  	[tilespmem:$0xA870] =	vst v0  }
0xb0: {  	[spmem:s2] =	stream.indirect.scatter.add.f32 [tilespmem:s17], [sflag:$0x3], $0x80, s19, s15, $0xb8;
	[tilespmem:$0x1E480] =	vst v63  }
0xb1: {  	_ =	swait.ge [sflag:s13], $0x4000  }
0xb2: {  	[sflag:s13] =	ssyncset.done $0x0  }
0xb3: {  	[sflag:s13] =	ssyncadd.s32 $0xFFFFC000  }
0xb4: {  	[tilespmem:s17], [sflag:$0x2] =	stream.indirect.gather [hbm4b:s4+s15], $0x80, s21, s15, $0xb8;
	[tilespmem:$0x1E480] =	vst v63  }
0xb5: {  	_ =	swait.ge [sflag:s18], $0x4000  }
0xb6: {  	[sflag:s18] =	ssyncset.done $0x0  }
0xb7: {  	[sflag:s18] =	ssyncadd.s32 $0xFFFFC000  }
0xb8: {  	v50 =	vld [tilespmem:$0x2700]  }
0xb9: {  	v1 =	vld [tilespmem:$0x2710]  }
0xba: {  	v2 =	vld [tilespmem:$0x2720]  }
0xbb: {  	v3 =	vld [tilespmem:$0x2730]  }
0xbc: {  	v4 =	vld [tilespmem:$0x2740]  }
0xbd: {  	v51 =	vld [tilespmem:$0x2750];
	[tilespmem:$0xA800] =	vst v50  }
0xbe: {  	v52 =	vld [tilespmem:$0x2760];
	[tilespmem:$0xA810] =	vst v1  }
0xbf: {  	v53 =	vld [tilespmem:$0x2770];
	[tilespmem:$0xA820] =	vst v2  }
0xc0: {  	[tilespmem:$0xA830] =	vst v3  }
0xc1: {  	[tilespmem:$0xA840] =	vst v4  }
0xc2: {  	[tilespmem:$0xA850] =	vst v51  }
0xc3: {  	[tilespmem:$0xA860] =	vst v52  }
0xc4: {  	[tilespmem:$0xA870] =	vst v53  }
0xc5: {  	[spmem:s2] =	stream.indirect.scatter.add.f32 [tilespmem:s16], [sflag:$0x3], $0x80, s19, s15, $0xb8;
	[tilespmem:$0x1E480] =	vst v63  }
0xc6: {  	_ =	swait.ge [sflag:s13], $0x4000  }
0xc7: {  	[sflag:s13] =	ssyncset.done $0x0  }
0xc8: {  	[sflag:s13] =	ssyncadd.s32 $0xFFFFC000  }
0xc9: {  	_ =	swait.ge [sflag:s20], $0x4000  }
0xca: {  	[sflag:s20] =	ssyncset.done $0x0  }
0xcb: {  	[sflag:s20] =	ssyncadd.s32 $0xFFFFC000  }
0xcc: {  	v54 =	vld [tilespmem:$0x2780]  }
0xcd: {  	v55 =	vld [tilespmem:$0x2790]  }
0xce: {  	v56 =	vld [tilespmem:$0x27A0]  }
0xcf: {  	v57 =	vld [tilespmem:$0x27B0]  }
0xd0: {  	v58 =	vld [tilespmem:$0x27C0]  }
0xd1: {  	v59 =	vld [tilespmem:$0x27D0];
	[tilespmem:$0xA800] =	vst v54  }
0xd2: {  	v60 =	vld [tilespmem:$0x27E0];
	[tilespmem:$0xA810] =	vst v55  }
0xd3: {  	v61 =	vld [tilespmem:$0x27F0];
	[tilespmem:$0xA820] =	vst v56  }
0xd4: {  	[tilespmem:$0xA830] =	vst v57  }
0xd5: {  	[tilespmem:$0xA840] =	vst v58  }
0xd6: {  	[tilespmem:$0xA850] =	vst v59  }
0xd7: {  	[tilespmem:$0xA860] =	vst v60  }
0xd8: {  	[tilespmem:$0xA870] =	vst v61  }
0xd9: {  	[spmem:s2] =	stream.indirect.scatter.add.f32 [tilespmem:s17], [sflag:$0x3], $0x80, s19, s15, $0xb8;
	[tilespmem:$0x1E480] =	vst v63  }
0xda: {  	_ =	swait.ge [sflag:s13], $0x4000  }
0xdb: {  	[sflag:s13] =	ssyncset.done $0x0  }
0xdc: {  	s26 =	simm.s32 $0x0;
	[sflag:s13] =	ssyncadd.s32 $0xFFFFC000  }
0xdd: {  	[tilespmem:s26], [sflag:$0x3] =	stream.linear.gather [hbm4b:s9+s26], $0x1400, $0x38;
	[tilespmem:$0x1E480] =	vst v63  }
0xde: {  	_ =	swait.ge [sflag:s13], $0x1400  }
0xdf: {  	[sflag:s13] =	ssyncset.done $0x0  }
0xe0: {  	[sflag:s13] =	ssyncadd.s32 $0xFFFFEC00  }
0xe1: {  	[tilespmem:s14], [sflag:$0x3] =	stream.linear.gather [hbm4b:s10+s26], $0x1400, $0x38;
	[tilespmem:$0x1E480] =	vst v63  }
0xe2: {  	_ =	swait.ge [sflag:s13], $0x1400  }
0xe3: {  	[sflag:s13] =	ssyncset.done $0x0  }
0xe4: {  	[sflag:s13] =	ssyncadd.s32 $0xFFFFEC00  }
0xe5: {  	[tilespmem:s16], [sflag:$0x1] =	stream.indirect.gather [hbm4b:s4+s15], $0x80, s26, s15, $0xb8;
	[tilespmem:$0x1E480] =	vst v63  }
0xe6: {  	s29 =	simm.s32 $0x80  }
0xe7: {  	[tilespmem:s17], [sflag:$0x2] =	stream.indirect.gather [hbm4b:s4+s15], $0x80, s29, s15, $0xb8;
	[tilespmem:$0x1E480] =	vst v63  }
0xe8: {  	_ =	swait.ge [sflag:s18], $0x4000  }
0xe9: {  	[sflag:s18] =	ssyncset.done $0x0  }
0xea: {  	s30 =	simm.s32 $0x0;
	[sflag:s18] =	ssyncadd.s32 $0xFFFFC000  }
0xeb: {  	v62 =	vld [tilespmem:s30+$0x1400];
	_ =	sdelay $0x4  }
0xec: {  	[tilespmem:$0xA800] =	vst v62  }
0xed: {  	v0 =	vld [tilespmem:s30+$0x1410];
	_ =	sdelay $0x4  }
0xee: {  	[tilespmem:$0xA810] =	vst v0  }
0xef: {  	v0 =	vld [tilespmem:s30+$0x1420];
	_ =	sdelay $0x4  }
0xf0: {  	[tilespmem:$0xA820] =	vst v0  }
0xf1: {  	v0 =	vld [tilespmem:s30+$0x1430];
	_ =	sdelay $0x4  }
0xf2: {  	[tilespmem:$0xA830] =	vst v0  }
0xf3: {  	v0 =	vld [tilespmem:s30+$0x1440];
	_ =	sdelay $0x4  }
0xf4: {  	[tilespmem:$0xA840] =	vst v0  }
0xf5: {  	v0 =	vld [tilespmem:s30+$0x1450];
	_ =	sdelay $0x4  }
0xf6: {  	[tilespmem:$0xA850] =	vst v0  }
0xf7: {  	v0 =	vld [tilespmem:s30+$0x1460];
	_ =	sdelay $0x4  }
0xf8: {  	[tilespmem:$0xA860] =	vst v0  }
0xf9: {  	v0 =	vld [tilespmem:s30+$0x1470];
	_ =	sdelay $0x4  }
0xfa: {  	[tilespmem:$0xA870] =	vst v0  }
0xfb: {  	[spmem:s2] =	stream.indirect.scatter.add.f32 [tilespmem:s16], [sflag:$0x3], $0x80, s19, s15, $0xb8;
	[tilespmem:$0x1E480] =	vst v63  }
0xfc: {  	_ =	swait.ge [sflag:s13], $0x4000  }
0xfd: {  	[sflag:s13] =	ssyncset.done $0x0  }
0xfe: {  	s31 =	simm.s32 $0x100;
	[sflag:s13] =	ssyncadd.s32 $0xFFFFC000  }
0xff: {  	[tilespmem:s16], [sflag:$0x1] =	stream.indirect.gather [hbm4b:s4+s15], $0x80, s31, s15, $0xb8;
	[tilespmem:$0x1E480] =	vst v63  }
0x100: {  	_ =	swait.ge [sflag:s20], $0x4000  }
0x101: {  	[sflag:s20] =	ssyncset.done $0x0  }
0x102: {  	[sflag:s20] =	ssyncadd.s32 $0xFFFFC000  }
0x103: {  	v63 =	vld [tilespmem:s30+$0x1480];
	_ =	sdelay $0x4  }
0x104: {  	[tilespmem:$0xA800] =	vst v63  }
0x105: {  	v0 =	vld [tilespmem:s30+$0x1490];
	_ =	sdelay $0x4  }
0x106: {  	[tilespmem:$0xA810] =	vst v0  }
0x107: {  	v0 =	vld [tilespmem:s30+$0x14A0];
	_ =	sdelay $0x4  }
0x108: {  	[tilespmem:$0xA820] =	vst v0  }
0x109: {  	v0 =	vld [tilespmem:s30+$0x14B0];
	_ =	sdelay $0x4  }
0x10a: {  	[tilespmem:$0xA830] =	vst v0  }
0x10b: {  	v0 =	vld [tilespmem:s30+$0x14C0];
	_ =	sdelay $0x4  }
0x10c: {  	[tilespmem:$0xA840] =	vst v0  }
0x10d: {  	v0 =	vld [tilespmem:s30+$0x14D0];
	_ =	sdelay $0x4  }
0x10e: {  	[tilespmem:$0xA850] =	vst v0  }
0x10f: {  	v0 =	vld [tilespmem:s30+$0x14E0];
	_ =	sdelay $0x4  }
0x110: {  	[tilespmem:$0xA860] =	vst v0  }
0x111: {  	v0 =	vld [tilespmem:s30+$0x14F0];
	_ =	sdelay $0x4  }
0x112: {  	[tilespmem:$0xA870] =	vst v0  }
0x113: {  	[spmem:s2] =	stream.indirect.scatter.add.f32 [tilespmem:s17], [sflag:$0x3], $0x80, s19, s15, $0xb8;
	[tilespmem:$0x1E480] =	vst v63  }
0x114: {  	_ =	swait.ge [sflag:s13], $0x4000  }
0x115: {  	s28 =	simm.s32 $0x800;
	s24 =	simm.s32 $0x100;
	[sflag:s13] =	ssyncset.done $0x0  }
.LBB2_4:
0x116: {  	s29 =	sadd.s32 $0x80, s24  }
0x117: {  	[sflag:s13] =	ssyncadd.s32 $0xFFFFC000;
	s26 =	smov.u32 s28;
	s25 =	sadd.s32 $0x400, s28  }
0x118: {  	[tilespmem:s17], [sflag:$0x2] =	stream.indirect.gather [hbm4b:s4+s15], $0x80, s29, s15, $0xb8;
	[tilespmem:$0x1E480] =	vst v63  }
0x119: {  	p0 =	sne.s32 s28, $0x4800;
	_ =	swait.ge [sflag:s18], $0x4000  }
0x11a: {  	[sflag:s18] =	ssyncset.done $0x0  }
0x11b: {  	[sflag:s18] =	ssyncadd.s32 $0xFFFFC000  }
0x11c: {  	v0 =	vld [tilespmem:s24+$0x1400];
	_ =	sdelay $0x4  }
0x11d: {  	[tilespmem:$0xA800] =	vst v0  }
0x11e: {  	v0 =	vld [tilespmem:s24+$0x1410];
	_ =	sdelay $0x4  }
0x11f: {  	[tilespmem:$0xA810] =	vst v0  }
0x120: {  	v0 =	vld [tilespmem:s24+$0x1420];
	_ =	sdelay $0x4  }
0x121: {  	[tilespmem:$0xA820] =	vst v0  }
0x122: {  	v0 =	vld [tilespmem:s24+$0x1430];
	_ =	sdelay $0x4  }
0x123: {  	[tilespmem:$0xA830] =	vst v0  }
0x124: {  	v0 =	vld [tilespmem:s24+$0x1440];
	_ =	sdelay $0x4  }
0x125: {  	[tilespmem:$0xA840] =	vst v0  }
0x126: {  	v0 =	vld [tilespmem:s24+$0x1450];
	_ =	sdelay $0x4  }
0x127: {  	[tilespmem:$0xA850] =	vst v0  }
0x128: {  	v0 =	vld [tilespmem:s24+$0x1460];
	_ =	sdelay $0x4  }
0x129: {  	[tilespmem:$0xA860] =	vst v0  }
0x12a: {  	v0 =	vld [tilespmem:s24+$0x1470];
	_ =	sdelay $0x4  }
0x12b: {  	[tilespmem:$0xA870] =	vst v0  }
0x12c: {  	[spmem:s2] =	stream.indirect.scatter.add.f32 [tilespmem:s16], [sflag:$0x3], $0x80, s19, s15, $0xb8;
	[tilespmem:$0x1E480] =	vst v63  }
0x12d: {  	_ =	swait.ge [sflag:s13], $0x4000  }
0x12e: {  	[sflag:s13] =	ssyncset.done $0x0  }
0x12f: {  	s28 =	sadd.s32 $0x100, s24;
	[sflag:s13] =	ssyncadd.s32 $0xFFFFC000  }
0x130: {  	[tilespmem:s16], [sflag:$0x1] =	stream.indirect.gather [hbm4b:s4+s15], $0x80, s28, s15, $0xb8;
	[tilespmem:$0x1E480] =	vst v63  }
0x131: {  	_ =	swait.ge [sflag:s20], $0x4000  }
0x132: {  	[sflag:s20] =	ssyncset.done $0x0  }
0x133: {  	[sflag:s20] =	ssyncadd.s32 $0xFFFFC000  }
0x134: {  	v0 =	vld [tilespmem:s24+$0x1480];
	_ =	sdelay $0x4  }
0x135: {  	[tilespmem:$0xA800] =	vst v0  }
0x136: {  	v0 =	vld [tilespmem:s24+$0x1490];
	_ =	sdelay $0x4  }
0x137: {  	[tilespmem:$0xA810] =	vst v0  }
0x138: {  	v0 =	vld [tilespmem:s24+$0x14A0];
	_ =	sdelay $0x4  }
0x139: {  	[tilespmem:$0xA820] =	vst v0  }
0x13a: {  	v0 =	vld [tilespmem:s24+$0x14B0];
	_ =	sdelay $0x4  }
0x13b: {  	[tilespmem:$0xA830] =	vst v0  }
0x13c: {  	v0 =	vld [tilespmem:s24+$0x14C0];
	_ =	sdelay $0x4  }
0x13d: {  	[tilespmem:$0xA840] =	vst v0  }
0x13e: {  	v0 =	vld [tilespmem:s24+$0x14D0];
	_ =	sdelay $0x4  }
0x13f: {  	[tilespmem:$0xA850] =	vst v0  }
0x140: {  	v0 =	vld [tilespmem:s24+$0x14E0];
	_ =	sdelay $0x4  }
0x141: {  	[tilespmem:$0xA860] =	vst v0  }
0x142: {  	v0 =	vld [tilespmem:s24+$0x14F0];
	_ =	sdelay $0x3  }
.Ltmp1:
0x143: {  	(pc) =	sbr.rel @p0 .LBB2_4-.Ltmp1, $4  }
0x144: {  	[tilespmem:$0xA870] =	vst v0  }
0x145: {  	[spmem:s2] =	stream.indirect.scatter.add.f32 [tilespmem:s17], [sflag:$0x3], $0x80, s19, s15, $0xb8;
	[tilespmem:$0x1E480] =	vst v63  }
0x146: {  	_ =	swait.ge [sflag:s13], $0x4000  }
0x147: {  	s28 =	smov.u32 s25;
	s24 =	sshra.s32 s26, $0x2;
	[sflag:s13] =	ssyncset.done $0x0  }
0x148: {  	s25 =	sadd.s32 $0x80, s24;
	[sflag:s13] =	ssyncadd.s32 $0xFFFFC000  }
0x149: {  	[tilespmem:s17], [sflag:$0x2] =	stream.indirect.gather [hbm4b:s4+s15], $0x80, s25, s15, $0xb8;
	[tilespmem:$0x1E480] =	vst v63  }
0x14a: {  	_ =	swait.ge [sflag:s18], $0x4000  }
0x14b: {  	[sflag:s18] =	ssyncset.done $0x0  }
0x14c: {  	[sflag:s18] =	ssyncadd.s32 $0xFFFFC000  }
0x14d: {  	v0 =	vld [tilespmem:s24+$0x1400];
	_ =	sdelay $0x4  }
0x14e: {  	[tilespmem:$0xA800] =	vst v0  }
0x14f: {  	v0 =	vld [tilespmem:s24+$0x1410];
	_ =	sdelay $0x4  }
0x150: {  	[tilespmem:$0xA810] =	vst v0  }
0x151: {  	v0 =	vld [tilespmem:s24+$0x1420];
	_ =	sdelay $0x4  }
0x152: {  	[tilespmem:$0xA820] =	vst v0  }
0x153: {  	v0 =	vld [tilespmem:s24+$0x1430];
	_ =	sdelay $0x4  }
0x154: {  	[tilespmem:$0xA830] =	vst v0  }
0x155: {  	v0 =	vld [tilespmem:s24+$0x1440];
	_ =	sdelay $0x4  }
0x156: {  	[tilespmem:$0xA840] =	vst v0  }
0x157: {  	v0 =	vld [tilespmem:s24+$0x1450];
	_ =	sdelay $0x4  }
0x158: {  	[tilespmem:$0xA850] =	vst v0  }
0x159: {  	v0 =	vld [tilespmem:s24+$0x1460];
	_ =	sdelay $0x4  }
0x15a: {  	[tilespmem:$0xA860] =	vst v0  }
0x15b: {  	v0 =	vld [tilespmem:s24+$0x1470];
	_ =	sdelay $0x4  }
0x15c: {  	[tilespmem:$0xA870] =	vst v0  }
0x15d: {  	[spmem:s2] =	stream.indirect.scatter.add.f32 [tilespmem:s16], [sflag:$0x3], $0x80, s19, s15, $0xb8;
	[tilespmem:$0x1E480] =	vst v63  }
0x15e: {  	_ =	swait.ge [sflag:s13], $0x4000  }
0x15f: {  	[sflag:s13] =	ssyncset.done $0x0  }
0x160: {  	s31 =	sadd.s32 $0x100, s24;
	[sflag:s13] =	ssyncadd.s32 $0xFFFFC000  }
0x161: {  	[tilespmem:s16], [sflag:$0x1] =	stream.indirect.gather [hbm4b:s4+s15], $0x80, s31, s15, $0xb8;
	[tilespmem:$0x1E480] =	vst v63  }
0x162: {  	_ =	swait.ge [sflag:s20], $0x4000  }
0x163: {  	[sflag:s20] =	ssyncset.done $0x0  }
0x164: {  	[sflag:s20] =	ssyncadd.s32 $0xFFFFC000  }
0x165: {  	v51 =	vld [tilespmem:s24+$0x1480];
	_ =	sdelay $0x4  }
0x166: {  	[tilespmem:$0xA800] =	vst v51  }
0x167: {  	v0 =	vld [tilespmem:s24+$0x1490];
	_ =	sdelay $0x4  }
0x168: {  	[tilespmem:$0xA810] =	vst v0  }
0x169: {  	v0 =	vld [tilespmem:s24+$0x14A0];
	_ =	sdelay $0x4  }
0x16a: {  	[tilespmem:$0xA820] =	vst v0  }
0x16b: {  	v0 =	vld [tilespmem:s24+$0x14B0];
	_ =	sdelay $0x4  }
0x16c: {  	[tilespmem:$0xA830] =	vst v0  }
0x16d: {  	v0 =	vld [tilespmem:s24+$0x14C0];
	_ =	sdelay $0x4  }
0x16e: {  	[tilespmem:$0xA840] =	vst v0  }
0x16f: {  	v0 =	vld [tilespmem:s24+$0x14D0];
	_ =	sdelay $0x4  }
0x170: {  	[tilespmem:$0xA850] =	vst v0  }
0x171: {  	v0 =	vld [tilespmem:s24+$0x14E0];
	_ =	sdelay $0x4  }
0x172: {  	[tilespmem:$0xA860] =	vst v0  }
0x173: {  	v0 =	vld [tilespmem:s24+$0x14F0];
	_ =	sdelay $0x4  }
0x174: {  	[tilespmem:$0xA870] =	vst v0  }
0x175: {  	[spmem:s2] =	stream.indirect.scatter.add.f32 [tilespmem:s17], [sflag:$0x3], $0x80, s19, s15, $0xb8;
	[tilespmem:$0x1E480] =	vst v63  }
0x176: {  	_ =	swait.ge [sflag:s13], $0x4000  }
0x177: {  	[sflag:s13] =	ssyncset.done $0x0  }
0x178: {  	[sflag:s13] =	ssyncadd.s32 $0xFFFFC000  }
0x179: {  	[tilespmem:s17], [sflag:$0x2] =	stream.indirect.gather [hbm4b:s4+s15], $0x80, s21, s15, $0xb8;
	[tilespmem:$0x1E480] =	vst v63  }
0x17a: {  	_ =	swait.ge [sflag:s18], $0x4000  }
0x17b: {  	[sflag:s18] =	ssyncset.done $0x0  }
0x17c: {  	[sflag:s18] =	ssyncadd.s32 $0xFFFFC000  }
0x17d: {  	v52 =	vld [tilespmem:$0x2700]  }
0x17e: {  	v1 =	vld [tilespmem:$0x2710]  }
0x17f: {  	v2 =	vld [tilespmem:$0x2720]  }
0x180: {  	v3 =	vld [tilespmem:$0x2730]  }
0x181: {  	v4 =	vld [tilespmem:$0x2740]  }
0x182: {  	v53 =	vld [tilespmem:$0x2750];
	[tilespmem:$0xA800] =	vst v52  }
0x183: {  	v54 =	vld [tilespmem:$0x2760];
	[tilespmem:$0xA810] =	vst v1  }
0x184: {  	v55 =	vld [tilespmem:$0x2770];
	[tilespmem:$0xA820] =	vst v2  }
0x185: {  	[tilespmem:$0xA830] =	vst v3  }
0x186: {  	[tilespmem:$0xA840] =	vst v4  }
0x187: {  	[tilespmem:$0xA850] =	vst v53  }
0x188: {  	[tilespmem:$0xA860] =	vst v54  }
0x189: {  	[tilespmem:$0xA870] =	vst v55  }
0x18a: {  	[spmem:s2] =	stream.indirect.scatter.add.f32 [tilespmem:s16], [sflag:$0x3], $0x80, s19, s15, $0xb8;
	[tilespmem:$0x1E480] =	vst v63  }
0x18b: {  	_ =	swait.ge [sflag:s13], $0x4000  }
0x18c: {  	[sflag:s13] =	ssyncset.done $0x0  }
0x18d: {  	[sflag:s13] =	ssyncadd.s32 $0xFFFFC000  }
0x18e: {  	_ =	swait.ge [sflag:s20], $0x4000  }
0x18f: {  	[sflag:s20] =	ssyncset.done $0x0  }
0x190: {  	[sflag:s20] =	ssyncadd.s32 $0xFFFFC000  }
0x191: {  	v56 =	vld [tilespmem:$0x2780]  }
0x192: {  	v57 =	vld [tilespmem:$0x2790]  }
0x193: {  	v58 =	vld [tilespmem:$0x27A0]  }
0x194: {  	v59 =	vld [tilespmem:$0x27B0]  }
0x195: {  	v60 =	vld [tilespmem:$0x27C0]  }
0x196: {  	v61 =	vld [tilespmem:$0x27D0];
	[tilespmem:$0xA800] =	vst v56  }
0x197: {  	v62 =	vld [tilespmem:$0x27E0];
	[tilespmem:$0xA810] =	vst v57  }
0x198: {  	v63 =	vld [tilespmem:$0x27F0];
	[tilespmem:$0xA820] =	vst v58  }
0x199: {  	[tilespmem:$0xA830] =	vst v59  }
0x19a: {  	[tilespmem:$0xA840] =	vst v60  }
0x19b: {  	[tilespmem:$0xA850] =	vst v61  }
0x19c: {  	[tilespmem:$0xA860] =	vst v62  }
0x19d: {  	[tilespmem:$0xA870] =	vst v63  }
0x19e: {  	[spmem:s2] =	stream.indirect.scatter.add.f32 [tilespmem:s17], [sflag:$0x3], $0x80, s19, s15, $0xb8;
	[tilespmem:$0x1E480] =	vst v63  }
0x19f: {  	_ =	swait.ge [sflag:s13], $0x4000  }
0x1a0: {  	s23 =	sadd.s32 $0x1, s23;
	[sflag:s13] =	ssyncset.done $0x0  }
0x1a1: {  	p0 =	sne.s32 s23, s11;
	[sflag:s13] =	ssyncadd.s32 $0xFFFFC000  }
.Ltmp2:
0x1a2: {  	[bflag:$0x0] =	sbarrier.arrive $0xFFFF;
	(pc) =	sbr.rel @p0 .LBB2_1-.Ltmp2, $4  }
0x1a3: {  	[hbm:s22], [sflag:s6] =	dma.local [spmem:s12], $0x2780  }
0x1a4: {  	_ =	swait.ge [sflag:s13], $0x2780  }
0x1a5: {  	[sflag:s13] =	ssyncset.done $0x0  }
0x1a6: {  	[sflag:s13] =	ssyncadd.s32 $0xFFFFD880  }
0x1a7: {  	_ =	sfence.sel $0x180000  }
0x1a8: {  	[bflag:$0x0] =	sbarrier.arrive $0xFFFF  }
0x1a9: {  	p0 =	sne.s32 s1, $0x0;
	_ =	strace $0x9000004D  }
0x1aa: {  	s0 =	sadd.s32 @!p0 $0x100000, s0;
	[bflag:$0x2] =	sbarrier.arrive $0xFFFF  }
0x1ab: {  	[sflag:s0] =	ssyncadd.tile.s32 @!p0 $0x1;
	_ =	shalt  }
.Lfunc_end2:
_tile_overlayer_lowered:
.L_overlay_start_2:
0x1ac: {  	(tag) =	ssettag $0x2  }
0x1ad: {  	s0 =	rddreg [dreg:$0x0];
	s2 =	stileid.u32  }
0x1ae: {  	s1 =	rddreg [dreg:$0x1];
	p0 =	sne.s32 s2, $0x0  }
0x1af: {  	s3 =	rddreg [dreg:$0x2];
	[bflag:$0x3] =	sbarrier.arrive $0xFFFF;
	s2 =	simm.s32 @!p0 $0x1C03  }
0x1b0: {  	[timem:s3], [sflag:s2] =	dma.local @!p0 [hbm:s0], s1  }
0x1b1: {  	s0 =	simm.s32 @!p0 $0x3  }
0x1b2: {  	_ =	swait.ge @!p0 [sflag:s0], s1  }
0x1b3: {  	s1 =	ssub.s32 @!p0 $0x0, s1;
	[sflag:s0] =	ssyncset.done @!p0 $0x0  }
0x1b4: {  	[sflag:s0] =	ssyncadd.s32 @!p0 s1  }
0x1b5: {  	[bflag:$0x3] =	sbarrier.arrive $0xFFFF  }
0x1b6: {  	_ =	shalt  }

// kernel: kernel.8.cloned.1.call-start
scs
__scs_entry_jumppad:
0x0: {  	(pc) =	sbr.rel $0x88, $3  }
0x1: {  	(tag) =	ssettag $0x0;
	lr =	simm.s32 $0x1  }
0x2: {  	[smem:$0x3F95] =	sst lr;
	_ =	strace $0xD0000000  }
0x3: {  	_ = 	snop  }
0x4: {  	_ = 	snop  }
0x5: {  	_ = 	snop  }
0x6: {  	_ = 	snop  }
0x7: {  	_ = 	snop  }
__scs_overlays_trampoline_lowered:
0x8: {  	[smem:$0x3FA4] =	sst s0  }
0x9: {  	[smem:$0x3FA5] =	sst s1  }
0xa: {  	[smem:$0x3FA6] =	sst s2  }
0xb: {  	[smem:$0x3FA7] =	sst s3  }
0xc: {  	[smem:$0x3FA8] =	sst s4  }
0xd: {  	[smem:$0x3FA9] =	sst s5  }
0xe: {  	[smem:$0x3FAA] =	sst s6  }
0xf: {  	[smem:$0x3FAB] =	sst s7  }
0x10: {  	[smem:$0x3FAC] =	sst s8  }
0x11: {  	[smem:$0x3FAD] =	sst s9;
	s0 =	simm.s32 @!p0 $0x0  }
0x12: {  	s1 =	sld [smem:$0x3F93];
	s0 =	simm.s32 @p0 $0x1  }
0x13: {  	[smem:$0x3FAE] =	sst s0;
	s0 =	simm.s32 @!p1 $0x0  }
0x14: {  	s2 =	sld [smem:$0x3F92];
	s0 =	simm.s32 @p1 $0x1  }
0x15: {  	[smem:$0x3FAF] =	sst s0;
	s0 =	simm.s32 @!p2 $0x0  }
0x16: {  	s3 =	sld [smem:$0x3FDB];
	s0 =	simm.s32 @p2 $0x1  }
0x17: {  	s4 =	simm.s32 $0x1BF5;
	[smem:$0x3FB1] =	sst s0  }
0x18: {  	s0 =	sld [smem:$0x3F94];
	_ =	swait.ge [sflag:s4], $0x0  }
0x19: {  	s7 =	sld [smem:$0x3F95]  }
0x1a: {  	s8 =	sadd.s32 $0xFFFFE003, lr  }
0x1b: {  	s9 =	sadd.s32 $0xFFFFFEF7, lr;
	s5 =	simm.s32 $0xFFFFFFFF;
	p2 =	slt.u32 s8, $0xFFFFF086  }
0x1c: {  	p1 =	slt.u32 s9, $0xF7A;
	s5 =	simm.s32 @!p2 $0x0  }
0x1d: {  	s5 =	simm.s32 @p1 $0x1;
	p0 =	seq.s32 s7, s2  }
0x1e: {  	s7 =	smul.u32 @!p0 $0xF7A, s2;
	p2 =	seq.s32 @!p0 s5, $0x0  }
0x1f: {  	s9 =	smul.u32 $0xF7A, s1;
	s8 =	simm.s32 @!p0 $0x1BF5;
	p2 =	por !p2, p0  }
0x20: {  	[sflag:s8] =	ssyncset.s32 @!p0 $0xFFFFF086;
	s6 =	sadd.s32 @!p0 s3, s7;
	s7 =	simm.s32 @!p0 $0x108  }
0x21: {  	s3 =	sadd.s32 s3, s9;
	s6 =	sadd.s32 @!p0 $0x88, s6;
	s7 =	simm.s32 @p2 $0x1082  }
0x22: {  	[simem:s7], [sflag:s8] =	dma.local @!p0 [hbm:s6], $0xF7A  }
0x23: {  	s9 =	sor.u32 $0xD0000000, s2;
	s6 =	simm.s32 $0x108;
	_ =	swait.ge @!p0 [sflag:s8], $0x0  }
0x24: {  	s3 =	sadd.s32 $0x88, s3;
	s6 =	simm.s32 @!p1 $0x1082;
	[sflag:s4] =	ssyncset.s32 $0xFFFFF086  }
0x25: {  	[simem:s6], [sflag:s4] =	dma.local [hbm:s3], $0xF7A  }
0x26: {  	[smem:$0x3F95] =	sst s1;
	(tag) =	ssettag s2;
	_ =	strace s9  }
0x27: {  	s1 =	sld [smem:$0x3FA5]  }
0x28: {  	s2 =	sld [smem:$0x3FA6]  }
0x29: {  	s4 =	sld [smem:$0x3FA8]  }
0x2a: {  	p0 =	seq.s32 s5, $0x0;
	s5 =	sld [smem:$0x3FA9]  }
0x2b: {  	s6 =	sld [smem:$0x3FAA]  }
0x2c: {  	s7 =	sld [smem:$0x3FAB]  }
0x2d: {  	s3 =	simm.s32 $0x108;
	s8 =	sld [smem:$0x3FAC]  }
0x2e: {  	s3 =	simm.s32 @!p0 $0x1082;
	s9 =	sld [smem:$0x3FAD]  }
0x2f: {  	lr =	sadd.s32 s0, s3;
	s0 =	sld [smem:$0x3FA4]  }
0x30: {  	s3 =	sld [smem:$0x3FA7]  }
0x31: {  	[smem:$0x3FB0] =	sst s10  }
0x32: {  	s10 =	sld [smem:$0x3FAE];
	_ =	sdelay $0x3  }
0x33: {  	p0 =	seq.s32 s10, $0x1;
	s10 =	sld [smem:$0x3FB0];
	_ =	sdelay $0x3  }
0x34: {  	[smem:$0x3FB0] =	sst s10  }
0x35: {  	s10 =	sld [smem:$0x3FAF];
	_ =	sdelay $0x3  }
0x36: {  	p1 =	seq.s32 s10, $0x1;
	s10 =	sld [smem:$0x3FB0];
	_ =	sdelay $0x3  }
0x37: {  	[smem:$0x3FB0] =	sst s10  }
0x38: {  	s10 =	sld [smem:$0x3FB1]  }
0x39: {  	_ = 	snop;
	(pc) =	sbr.ind lr, $3  }
0x3a: {  	_ = 	snop  }
0x3b: {  	_ = 	snop  }
0x3c: {  	p2 =	seq.s32 s10, $0x1;
	s10 =	sld [smem:$0x3FB0]  }
0x3d: {  	_ =	shalt  }
0x3e: {  	_ =	shalt  }
0x3f: {  	_ =	shalt  }
0x40: {  	_ =	shalt  }
0x41: {  	_ =	shalt  }
0x42: {  	_ =	shalt  }
0x43: {  	_ =	shalt  }
0x44: {  	_ =	shalt  }
0x45: {  	_ =	shalt  }
0x46: {  	_ =	shalt  }
0x47: {  	_ =	shalt  }
0x48: {  	_ =	shalt  }
0x49: {  	_ =	shalt  }
0x4a: {  	_ =	shalt  }
0x4b: {  	_ =	shalt  }
0x4c: {  	_ =	shalt  }
0x4d: {  	_ =	shalt  }
0x4e: {  	_ =	shalt  }
0x4f: {  	_ =	shalt  }
0x50: {  	_ =	shalt  }
0x51: {  	_ =	shalt  }
0x52: {  	_ =	shalt  }
0x53: {  	_ =	shalt  }
0x54: {  	_ =	shalt  }
0x55: {  	_ =	shalt  }
0x56: {  	_ =	shalt  }
0x57: {  	_ =	shalt  }
0x58: {  	_ =	shalt  }
0x59: {  	_ =	shalt  }
0x5a: {  	_ =	shalt  }
0x5b: {  	_ =	shalt  }
0x5c: {  	_ =	shalt  }
0x5d: {  	_ =	shalt  }
0x5e: {  	_ =	shalt  }
0x5f: {  	_ =	shalt  }
0x60: {  	_ =	shalt  }
0x61: {  	_ =	shalt  }
0x62: {  	_ =	shalt  }
0x63: {  	_ =	shalt  }
0x64: {  	_ =	shalt  }
0x65: {  	_ =	shalt  }
0x66: {  	_ =	shalt  }
0x67: {  	_ =	shalt  }
0x68: {  	_ =	shalt  }
0x69: {  	_ =	shalt  }
0x6a: {  	_ =	shalt  }
0x6b: {  	_ =	shalt  }
0x6c: {  	_ =	shalt  }
0x6d: {  	_ =	shalt  }
0x6e: {  	_ =	shalt  }
0x6f: {  	_ =	shalt  }
0x70: {  	_ =	shalt  }
0x71: {  	_ =	shalt  }
0x72: {  	_ =	shalt  }
0x73: {  	_ =	shalt  }
0x74: {  	_ =	shalt  }
0x75: {  	_ =	shalt  }
0x76: {  	_ =	shalt  }
0x77: {  	_ =	shalt  }
0x78: {  	_ =	shalt  }
0x79: {  	_ =	shalt  }
0x7a: {  	_ =	shalt  }
0x7b: {  	_ =	shalt  }
0x7c: {  	_ =	shalt  }
0x7d: {  	_ =	shalt  }
0x7e: {  	_ =	shalt  }
0x7f: {  	_ =	shalt  }
0x80: {  	_ =	shalt  }
0x81: {  	_ =	shalt  }
0x82: {  	_ =	shalt  }
0x83: {  	_ =	shalt  }
0x84: {  	_ =	shalt  }
0x85: {  	_ =	shalt  }
0x86: {  	_ =	shalt  }
0x87: {  	_ =	shalt  }
.Lfunc_end0:
.L_simem_size_0:
called_computation_lowered:
.L_overlay_start_0:
0x88: {  	s2 =	sld [smem:$0x3FD9]  }
0x89: {  	s3 =	sld [smem:$0x3FFE];
	_ =	sdelay $0x1  }
0x8a: {  	s1 =	srdreg.scid  }
0x8b: {  	s0 =	sand.u32 $0x1, s1  }
0x8c: {  	s16 =	sshll.u32 s0, $0xA;
	s2 =	sadd.s32 s3, s2  }
0x8d: {  	s2 =	sadd.s32 s2, s16  }
0x8e: {  	[smem:$0x3FBC] =	sst s2  }
0x8f: {  	_ = 	snop  }
0x90: {  	(tm) =	ssettm $0x1  }
0x91: {  	s17 =	sld [smem:$0x3FFB];
	_ =	sdelay $0x3  }
0x92: {  	_ =	strace s17  }
0x93: {  	s2 =	sld [smem:$0x3FFC];
	_ =	sdelay $0x3  }
0x94: {  	_ =	strace s2  }
0x95: {  	s2 =	sld [smem:$0x3FFD];
	_ =	sdelay $0x3  }
0x96: {  	_ =	strace s2  }
0x97: {  	_ =	strace $0x8FFFFFFF  }
0x98: {  	s18 =	sld [smem:$0x3FDB];
	_ =	sdelay $0x1  }
0x99: {  	s19 =	simm.s32 $_scs_section_size  }
0x9a: {  	s4 =	simm.s32 $_size__tile_overlayer_lowered;
	s5 =	simm.s32 $_tile_overlayer_lowered  }
0x9b: {  	s22 =	simm.s32 $0x1BFF;
	s21 =	sshll.u32 s5, $0x1;
	s2 =	sadd.s32 s19, s18  }
0x9c: {  	s6 =	simm.s32 $0x0;
	s20 =	sshll.u32 s4, $0x1;
	s4 =	sadd.s32 s21, s2  }
0x9d: {  	[timem:s6], [sflag:s22] =	dma.local [hbm:s4], s20  }
0x9e: {  	_ =	swait.ge [sflag:s22], s20  }
0x9f: {  	s3 =	ssub.s32 $0x0, s20;
	[sflag:s22] =	ssyncset.done $0x0  }
0xa0: {  	[sflag:s22] =	ssyncadd.s32 s3;
	_ =	sdelay $0x1  }
0xa1: {  	s23 =	simm.s32 $0x1B8B  }
0xa2: {  	_ =	swait.ge [sflag:s23], $0x1  }
0xa3: {  	[sflag:s23] =	ssyncset.done $0x0  }
0xa4: {  	s25 =	simm.s32 $0x1B8E;
	s24 =	sld [smem:$0x3FFE];
	[sflag:s23] =	ssyncadd.s32 $0xFFFFFFFF  }
0xa5: {  	s26 =	simm.s32 $execute0_lowered;
	[smem:$0x3FD2] =	sst s25  }
0xa6: {  	s4 =	sshll.u32 s26, $0x1;
	_ =	strace $0x80000046;
	[dreg:$0x1] =	wrdreg $0xFFFFFFFF  }
0xa7: {  	s28 =	simm.s32 $_size_execute0_lowered;
	s2 =	sadd.s32 s2, s4;
	[dreg:$0x0] =	wrdreg $0x0  }
0xa8: {  	s4 =	sshll.u32 s28, $0x1;
	[dreg:$0x2] =	wrdreg s2  }
0xa9: {  	[dreg:$0x3] =	wrdreg s4  }
0xaa: {  	[dreg:$0x4] =	wrdreg $0xC0  }
0xab: {  	_ =	task [dreg:s6], $0x5FFFF  }
0xac: {  	[dreg:$0x1] =	wrdreg $0xFFFFFFFF  }
0xad: {  	[dreg:$0x0] =	wrdreg $0x60  }
0xae: {  	[dreg:$0x2] =	wrdreg s24  }
0xaf: {  	[dreg:$0x3] =	wrdreg $0x68800  }
0xb0: {  	[dreg:$0x4] =	wrdreg $0x9  }
0xb1: {  	_ =	task.clear_ibuf [dreg:s6], $0x5FFFF;
	_ =	strace $0x90000046  }
0xb2: {  	s29 =	simm.s32 $0x9;
	_ =	strace $0x80000048  }
0xb3: {  	_ =	swait.ge [sflag:s29], $0x1  }
0xb4: {  	[sflag:s29] =	ssyncadd.s32 $0xFFFFFFFF  }
0xb5: {  	_ =	strace $0x90000048  }
0xb6: {  	_ =	sfence  }
0xb7: {  	s30 =	sld [smem:$0x0];
	_ =	sdelay $0x2  }
0xb8: {  	s31 =	sshll.u32 s1, $0xD;
	s1 =	sshrl.u32 s1, $0x2  }
0xb9: {  	s3 =	sand.u32 $0x4000, s31;
	s1 =	sadd.s32 s1, s30  }
0xba: {  	s0 =	sor.u32 s3, s0;
	s1 =	sshll.u32 s1, $0x11  }
0xbb: {  	s0 =	sor.u32 s1, s0  }
0xbc: {  	s0 =	sadd.s32 $0x8F2B, s0  }
0xbd: {  	[sflag:s0] =	ssyncadd.remote.s32 $0x1  }
0xbe: {  	_ =	sfence.sel $0xFFFF  }
0xbf: {  	[dreg:$0x0] =	wrdreg $0xFFFFFFFF;
	(pc) =	sbr.abs _section_cstart, $3  }
0xc0: {  	[dreg:$0x1] =	wrdreg $0xFFFFFFFF  }
0xc1: {  	_ =	task.clear_ibuf [dreg:s6], $0x2FFFF;
	_ =	strace $0x9FFFFFFF  }
0xc2: {  	(tm) =	ssettm $0x7FFFFFFF  }
0xc3: {  	_ =	shalt  }
tec
execute0_lowered:
.L_overlay_start_1:
0x0: {  	(tag) =	ssettag $0x1  }
0x1: {  	s1 =	srdreg.scid;
	s6 =	rddreg [dreg:$0x0]  }
0x2: {  	s0 =	stileid.u32;
	s2 =	rddreg [dreg:$0x1]  }
0x3: {  	s3 =	simm.s32 $0x0;
	s13 =	simm.s32 $0x2800;
	s14 =	smul.u32 $0x2780, s0  }
0x4: {  	s5 =	sand.u32 $0x1, s1;
	s29 =	sshll.u32 s0, $0x1;
	s9 =	smul.u32 $0x4F000, s0  }
0x5: {  	[smem:$0x7FF] =	sst s3;
	s1 =	sor.u32 s5, s29;
	s7 =	smul.u32 $0x27800, s5  }
0x6: {  	s31 =	sshll.u32 s0, $0x6;
	s5 =	ssub.s32 $0x2, s5;
	s4 =	smul.u32 $0x500, s1  }
0x7: {  	s1 =	rddreg [dreg:$0x2];
	_ =	strace $0x80000047;
	s10 =	sadd.s32 s14, s6  }
0x8: {  	s30 =	sshrl.u32 s5, $0x1;
	s9 =	sshrl.u32 s9, $0x2;
	s7 =	sadd.s32 s7, s6  }
0x9: {  	s11 =	ssub.s32 s5, s30;
	s12 =	sadd.s32 s9, s2;
	s9 =	simm.s32 $0x2880  }
0xa: {  	s8 =	sadd.s32 s4, s6;
	s4 =	sadd.s32 $0x40600, s6;
	s6 =	sadd.s32 $0x18E00, s10  }
0xb: {  	s15 =	sadd.s32 $0x40E00, s7;
	s7 =	smax.u32 s11, $0x1;
	s10 =	sor.u32 $0x1C01, s31  }
0xc: {  	s11 =	sshrl.u32 s12, $0x3;
	s12 =	simm.s32 $0x80;
	s5 =	sadd.s32 $0x4E00, s8  }
0xd: {  	s8 =	simm.s32 $0x1;
	s14 =	sadd.s32 s14, s15;
	s15 =	simm.s32 $0x0  }
.LBB2_1:
0xe: {  	[tilespmem:s3], [sflag:$0x1] =	stream.linear.gather [hbm4b:s5+s3], $0x2800, $0x38;
	[tilespmem:$0x1A480] =	vst v63  }
0xf: {  	_ =	swait.ge [sflag:s8], $0x2800  }
0x10: {  	[sflag:s8] =	ssyncset.done $0x0  }
0x11: {  	[sflag:s8] =	ssyncadd.s32 $0xFFFFD800  }
0x12: {  	[tilespmem:s9], [sflag:$0x1] =	stream.linear.gather [hbm4b:s4+s3], $0x4000, $0x38;
	[tilespmem:$0x1A480] =	vst v63  }
0x13: {  	_ =	swait.ge [sflag:s8], $0x4000  }
0x14: {  	[sflag:s8] =	ssyncset.done $0x0  }
0x15: {  	[sflag:s8] =	ssyncadd.s32 $0xFFFFC000  }
0x16: {  	[spmem:s11], [sflag:s10] =	dma.local [hbm:s6], $0x2780  }
0x17: {  	_ =	swait.ge [sflag:s8], $0x2780  }
0x18: {  	[sflag:s8] =	ssyncset.done $0x0  }
0x19: {  	[sflag:s8] =	ssyncadd.s32 $0xFFFFD880  }
0x1a: {  	s16 =	simm.s32 $0x0;
	[bflag:$0x0] =	sbarrier.arrive $0xFFFF  }
0x1b: {  	v0 =	vld [tilespmem:s16+$0x0];
	_ =	sdelay $0x4  }
0x1c: {  	[tilespmem:$0x2800] =	vst v0  }
0x1d: {  	v0 =	vld [tilespmem:s16+$0x10];
	_ =	sdelay $0x4  }
0x1e: {  	[tilespmem:$0x2810] =	vst v0  }
0x1f: {  	v0 =	vld [tilespmem:s16+$0x20];
	_ =	sdelay $0x4  }
0x20: {  	[tilespmem:$0x2820] =	vst v0  }
0x21: {  	v0 =	vld [tilespmem:s16+$0x30];
	_ =	sdelay $0x4  }
0x22: {  	[tilespmem:$0x2830] =	vst v0  }
0x23: {  	v0 =	vld [tilespmem:s16+$0x40];
	_ =	sdelay $0x4  }
0x24: {  	[tilespmem:$0x2840] =	vst v0  }
0x25: {  	v0 =	vld [tilespmem:s16+$0x50];
	_ =	sdelay $0x4  }
0x26: {  	[tilespmem:$0x2850] =	vst v0  }
0x27: {  	v0 =	vld [tilespmem:s16+$0x60];
	_ =	sdelay $0x4  }
0x28: {  	[tilespmem:$0x2860] =	vst v0  }
0x29: {  	v0 =	vld [tilespmem:s16+$0x70];
	_ =	sdelay $0x4  }
0x2a: {  	[tilespmem:$0x2870] =	vst v0  }
0x2b: {  	[spmem:s2] =	stream.indirect.scatter.add.f32 [tilespmem:s9], [sflag:$0x1], $0x80, s13, s12, $0xb8;
	[tilespmem:$0x1A480] =	vst v63  }
0x2c: {  	_ =	swait.ge [sflag:s8], $0x4000  }
0x2d: {  	s18 =	simm.s32 $0x400;
	s16 =	simm.s32 $0x200;
	[sflag:s8] =	ssyncset.done $0x0  }
.LBB2_2:
0x2e: {  	s19 =	sshra.s32 s16, $0x2  }
0x2f: {  	[sflag:s8] =	ssyncadd.s32 $0xFFFFC000;
	s16 =	smov.u32 s18;
	s17 =	sadd.s32 $0x200, s18  }
0x30: {  	p0 =	sne.s32 s18, $0x9E00;
	v0 =	vld [tilespmem:s19+$0x0];
	_ =	sdelay $0x4  }
0x31: {  	[tilespmem:$0x2800] =	vst v0  }
0x32: {  	v0 =	vld [tilespmem:s19+$0x10];
	_ =	sdelay $0x4  }
0x33: {  	[tilespmem:$0x2810] =	vst v0  }
0x34: {  	v0 =	vld [tilespmem:s19+$0x20];
	_ =	sdelay $0x4  }
0x35: {  	[tilespmem:$0x2820] =	vst v0  }
0x36: {  	v0 =	vld [tilespmem:s19+$0x30];
	_ =	sdelay $0x4  }
0x37: {  	[tilespmem:$0x2830] =	vst v0  }
0x38: {  	v0 =	vld [tilespmem:s19+$0x40];
	_ =	sdelay $0x4  }
0x39: {  	[tilespmem:$0x2840] =	vst v0  }
0x3a: {  	v0 =	vld [tilespmem:s19+$0x50];
	_ =	sdelay $0x4  }
0x3b: {  	[tilespmem:$0x2850] =	vst v0  }
0x3c: {  	v0 =	vld [tilespmem:s19+$0x60];
	_ =	sdelay $0x4  }
0x3d: {  	[tilespmem:$0x2860] =	vst v0  }
0x3e: {  	v0 =	vld [tilespmem:s19+$0x70];
	_ =	sdelay $0x3  }
.Ltmp0:
0x3f: {  	(pc) =	sbr.rel @p0 .LBB2_2-.Ltmp0, $4  }
0x40: {  	[tilespmem:$0x2870] =	vst v0  }
0x41: {  	[spmem:s2] =	stream.indirect.scatter.add.f32 [tilespmem:s9], [sflag:$0x1], $0x80, s13, s12, $0xb8;
	[tilespmem:$0x1A480] =	vst v63  }
0x42: {  	_ =	swait.ge [sflag:s8], $0x4000  }
0x43: {  	s18 =	smov.u32 s17;
	[sflag:s8] =	ssyncset.done $0x0  }
0x44: {  	s16 =	sshra.s32 s16, $0x2;
	[sflag:s8] =	ssyncadd.s32 $0xFFFFC000  }
0x45: {  	v0 =	vld [tilespmem:s16+$0x0];
	_ =	sdelay $0x4  }
0x46: {  	[tilespmem:$0x2800] =	vst v0  }
0x47: {  	v0 =	vld [tilespmem:s16+$0x10];
	_ =	sdelay $0x4  }
0x48: {  	[tilespmem:$0x2810] =	vst v0  }
0x49: {  	v0 =	vld [tilespmem:s16+$0x20];
	_ =	sdelay $0x4  }
0x4a: {  	[tilespmem:$0x2820] =	vst v0  }
0x4b: {  	v0 =	vld [tilespmem:s16+$0x30];
	_ =	sdelay $0x4  }
0x4c: {  	[tilespmem:$0x2830] =	vst v0  }
0x4d: {  	v0 =	vld [tilespmem:s16+$0x40];
	_ =	sdelay $0x4  }
0x4e: {  	[tilespmem:$0x2840] =	vst v0  }
0x4f: {  	v0 =	vld [tilespmem:s16+$0x50];
	_ =	sdelay $0x4  }
0x50: {  	[tilespmem:$0x2850] =	vst v0  }
0x51: {  	v0 =	vld [tilespmem:s16+$0x60];
	_ =	sdelay $0x4  }
0x52: {  	[tilespmem:$0x2860] =	vst v0  }
0x53: {  	v0 =	vld [tilespmem:s16+$0x70];
	_ =	sdelay $0x4  }
0x54: {  	[tilespmem:$0x2870] =	vst v0  }
0x55: {  	[spmem:s2] =	stream.indirect.scatter.add.f32 [tilespmem:s9], [sflag:$0x1], $0x80, s13, s12, $0xb8;
	[tilespmem:$0x1A480] =	vst v63  }
0x56: {  	_ =	swait.ge [sflag:s8], $0x4000  }
0x57: {  	s15 =	sadd.s32 $0x1, s15;
	[sflag:s8] =	ssyncset.done $0x0  }
0x58: {  	p0 =	sne.s32 s15, s7;
	[sflag:s8] =	ssyncadd.s32 $0xFFFFC000  }
.Ltmp1:
0x59: {  	[bflag:$0x0] =	sbarrier.arrive $0xFFFF;
	(pc) =	sbr.rel @p0 .LBB2_1-.Ltmp1, $4  }
0x5a: {  	[hbm:s14], [sflag:s10] =	dma.local [spmem:s11], $0x2780  }
0x5b: {  	_ =	swait.ge [sflag:s8], $0x2780  }
0x5c: {  	[sflag:s8] =	ssyncset.done $0x0  }
0x5d: {  	[sflag:s8] =	ssyncadd.s32 $0xFFFFD880  }
0x5e: {  	_ =	sfence.sel $0x180000  }
0x5f: {  	[bflag:$0x0] =	sbarrier.arrive $0xFFFF  }
0x60: {  	p0 =	sne.s32 s0, $0x0;
	_ =	strace $0x90000047  }
0x61: {  	s0 =	sadd.s32 @!p0 $0x100000, s1;
	[bflag:$0x2] =	sbarrier.arrive $0xFFFF  }
0x62: {  	[sflag:s0] =	ssyncadd.tile.s32 @!p0 $0x1;
	_ =	shalt  }
.Lfunc_end2:
_tile_overlayer_lowered:
.L_overlay_start_2:
0x63: {  	(tag) =	ssettag $0x2  }
0x64: {  	s0 =	rddreg [dreg:$0x0];
	s2 =	stileid.u32  }
0x65: {  	s1 =	rddreg [dreg:$0x1];
	p0 =	sne.s32 s2, $0x0  }
0x66: {  	s3 =	rddreg [dreg:$0x2];
	[bflag:$0x3] =	sbarrier.arrive $0xFFFF;
	s2 =	simm.s32 @!p0 $0x1C01  }
0x67: {  	[timem:s3], [sflag:s2] =	dma.local @!p0 [hbm:s0], s1  }
0x68: {  	s0 =	simm.s32 @!p0 $0x1  }
0x69: {  	_ =	swait.ge @!p0 [sflag:s0], s1  }
0x6a: {  	s1 =	ssub.s32 @!p0 $0x0, s1;
	[sflag:s0] =	ssyncset.done @!p0 $0x0  }
0x6b: {  	[sflag:s0] =	ssyncadd.s32 @!p0 s1  }
0x6c: {  	[bflag:$0x3] =	sbarrier.arrive $0xFFFF  }
0x6d: {  	_ =	shalt  }

</sc_bundles>
